<compile_context>
chip_gen: v7x
topology: tpu7x:2x2x1
jax: 0.10.2.dev20260603
libtpu: 0.0.44.dev20260713+nightly
codegen_flags: <defaults>
</compile_context>

<pallas_src>
import functools

import jax
import jax.numpy as jnp
from jax import lax
from jax.experimental import pallas as pl
from jax.experimental.pallas import tpu as pltpu
from jax.experimental.pallas import tpu_sc as plsc

N_NODES = 10000
N_EDGES = 320000
D_FEAT = 128
LANES = 16
KS = D_FEAT // LANES

NUM_CORES = 2
NUM_SUBCORES = 16
NUM_WORKERS = NUM_CORES * NUM_SUBCORES
E_PER_W = N_EDGES // NUM_WORKERS
CHUNK = 80
NCHUNKS = E_PER_W // CHUNK
GROUPS = CHUNK // LANES


def _sc_edge_scorer(x_hbm, src_hbm, dst_hbm, w_hbm, b_hbm, out_hbm,
                    si_v, di_v, sr_v, dr_v, o_v, w_v, b_v, sem0, sem1):
    wid = lax.axis_index("s") * NUM_CORES + lax.axis_index("c")
    base = wid * E_PER_W

    pltpu.sync_copy(src_hbm.at[pl.ds(base, E_PER_W)], si_v)
    pltpu.sync_copy(dst_hbm.at[pl.ds(base, E_PER_W)], di_v)
    pltpu.sync_copy(w_hbm, w_v)
    pltpu.sync_copy(b_hbm, b_v)
    bvec = b_v[...]
    ws = [w_v[pl.ds(k * LANES, LANES)] for k in range(KS)]
    lane = lax.iota(jnp.int32, LANES)
    onehots = [(lane == j).astype(jnp.float32) for j in range(LANES)]

    def issue(ci, buf, sem):
        eoff = ci * CHUNK
        boff = buf * CHUNK
        pltpu.async_copy(x_hbm.at[si_v.at[pl.ds(eoff, CHUNK)]],
                         sr_v.at[pl.ds(boff, CHUNK)], sem)
        pltpu.async_copy(x_hbm.at[di_v.at[pl.ds(eoff, CHUNK)]],
                         dr_v.at[pl.ds(boff, CHUNK)], sem)

    def drain(ci, buf, sem):
        eoff = ci * CHUNK
        boff = buf * CHUNK
        pltpu.make_async_copy(x_hbm.at[si_v.at[pl.ds(eoff, CHUNK)]],
                              sr_v.at[pl.ds(boff, CHUNK)], sem).wait()
        pltpu.make_async_copy(x_hbm.at[di_v.at[pl.ds(eoff, CHUNK)]],
                              dr_v.at[pl.ds(boff, CHUNK)], sem).wait()

    issue(0, 0, sem0)

    def chunk_body(ci, carry):
        cur = lax.rem(ci, 2)

        @pl.when(ci + 1 < NCHUNKS)
        def _():
            @pl.when(cur == 0)
            def _():
                issue(ci + 1, 1, sem1)

            @pl.when(cur == 1)
            def _():
                issue(ci + 1, 0, sem0)

        @pl.when(cur == 0)
        def _():
            drain(ci, 0, sem0)

        @pl.when(cur == 1)
        def _():
            drain(ci, 1, sem1)

        coff = cur * CHUNK
        ooff = ci * CHUNK

        @plsc.parallel_loop(0, GROUPS, 1, unroll=5)
        def group_body(g):
            e0 = coff + g * LANES
            parts = []
            for j in range(LANES):
                acc_a = jnp.zeros((LANES,), jnp.float32)
                acc_b = jnp.zeros((LANES,), jnp.float32)
                for k in range(KS // 2):
                    s = sr_v[e0 + j, pl.ds(k * LANES, LANES)]
                    t = dr_v[e0 + j, pl.ds(k * LANES, LANES)]
                    acc_a = acc_a + (s * t) * ws[k]
                for k in range(KS // 2, KS):
                    s = sr_v[e0 + j, pl.ds(k * LANES, LANES)]
                    t = dr_v[e0 + j, pl.ds(k * LANES, LANES)]
                    acc_b = acc_b + (s * t) * ws[k]
                c = plsc.cumsum(acc_a + acc_b)
                parts.append(c[LANES - 1] * onehots[j])
            while len(parts) > 1:
                parts = [a + b for a, b in zip(parts[::2], parts[1::2])]
            z = parts[0] + bvec
            o_v[pl.ds(ooff + g * LANES, LANES)] = 1.0 / (1.0 + jnp.exp(-z))

        return carry

    lax.fori_loop(0, NCHUNKS, chunk_body, 0)
    pltpu.sync_copy(o_v, out_hbm.at[pl.ds(base, E_PER_W)])


def kernel(x, edge_index, W, b):
    src = edge_index[0]
    dst = edge_index[1]
    w_vec = W[0]
    b_vec = jnp.broadcast_to(b, (LANES,)).astype(jnp.float32)

    mesh = plsc.VectorSubcoreMesh(core_axis_name="c", subcore_axis_name="s")
    run = functools.partial(
        pl.kernel,
        out_type=jax.ShapeDtypeStruct((N_EDGES,), jnp.float32),
        mesh=mesh,
        compiler_params=pltpu.CompilerParams(needs_layout_passes=False),
        scratch_types=[
            pltpu.VMEM((E_PER_W,), jnp.int32),
            pltpu.VMEM((E_PER_W,), jnp.int32),
            pltpu.VMEM((2 * CHUNK, D_FEAT), jnp.float32),
            pltpu.VMEM((2 * CHUNK, D_FEAT), jnp.float32),
            pltpu.VMEM((E_PER_W,), jnp.float32),
            pltpu.VMEM((D_FEAT,), jnp.float32),
            pltpu.VMEM((LANES,), jnp.float32),
            pltpu.SemaphoreType.DMA,
            pltpu.SemaphoreType.DMA,
        ],
    )(_sc_edge_scorer)
    score = run(x, src, dst, w_vec, b_vec)
    return score.reshape(N_EDGES, 1)

# --- scband reference (transcript-rebuilt; emitter-appended) ---
"""Pipeline reference for scband-gamma-scorer-7842610283190 (READ-ONLY COPY).

The authoritative reference and input builder live on the scoring server;
editing this copy changes nothing except your own understanding.
"""

import jax, jax.numpy as jnp
import numpy as np

N_NODES = 10000
N_EDGES = 320000
D_FEAT = 128


def setup_inputs(seed: int = 0) -> dict:
    key = jax.random.key(seed)
    k1, k2, k3, k4 = jax.random.split(key, 4)
    x = jax.random.normal(k1, (N_NODES, D_FEAT), dtype=jnp.float32)
    edge_index = jax.random.randint(k2, (2, N_EDGES), 0, N_NODES, dtype=jnp.int32)
    # nn.Linear(in_features, 1) parameters
    W = jax.random.normal(k3, (1, D_FEAT), dtype=jnp.float32) * (1.0 / np.sqrt(D_FEAT))
    b = jax.random.normal(k4, (1,), dtype=jnp.float32) * (1.0 / np.sqrt(D_FEAT))
    return {"x": x, "edge_index": edge_index, "W": W, "b": b}


def reference(x, edge_index, W, b):
    # DGL apply_edges: score = sigmoid(Linear(x[src] * x[dst]))
    src = edge_index[0]
    dst = edge_index[1]
    h = jnp.take(x, src, axis=0) * jnp.take(x, dst, axis=0)  # [E, d]
    score = jax.nn.sigmoid(h @ W.T + b)  # [E, 1]
    return score

if __name__ == "__main__":
    import jax
    _d = setup_inputs()
    print(jax.jit(kernel)(*tuple(_d.values())))

</pallas_src>

<mosaic_0001>
#map = affine_map<(d0, d1) -> (0, 0)>
#map1 = affine_map<(d0, d1) -> (0)>
module attributes {stable_mosaic.version = 14 : i64} {
  func.func @_sc_edge_scorer(%arg0: i32, %arg1: i32, %arg2: memref<10000x128xf32, #tpu.memory_space<hbm>>, %arg3: memref<320000xi32, #tpu.memory_space<hbm>>, %arg4: memref<320000xi32, #tpu.memory_space<hbm>>, %arg5: memref<128xf32, #tpu.memory_space<hbm>>, %arg6: memref<16xf32, #tpu.memory_space<hbm>>, %arg7: memref<320000xf32, #tpu.memory_space<hbm>>, %arg8: memref<10000xi32, #tpu.memory_space<vmem>>, %arg9: memref<10000xi32, #tpu.memory_space<vmem>>, %arg10: memref<160x128xf32, #tpu.memory_space<vmem>>, %arg11: memref<160x128xf32, #tpu.memory_space<vmem>>, %arg12: memref<10000xf32, #tpu.memory_space<vmem>>, %arg13: memref<128xf32, #tpu.memory_space<vmem>>, %arg14: memref<16xf32, #tpu.memory_space<vmem>>, %arg15: memref<!tpu.dma_semaphore, #tpu.memory_space<semaphore_mem>>, %arg16: memref<!tpu.dma_semaphore, #tpu.memory_space<semaphore_mem>>) attributes {dimension_semantics = [#tpu.dimension_semantics<core_parallel>, #tpu.dimension_semantics<subcore_parallel>], iteration_bounds = array<i64: 2, 16>, scalar_prefetch = 0 : i64, scratch_operands = 9 : i64, tpu.core_type = #tpu.core_type<sc_vector_subcore>, window_params = [{transform_indices = #map}, {transform_indices = #map1}, {transform_indices = #map1}, {transform_indices = #map1}, {transform_indices = #map1}, {transform_indices = #map1}]} {
    %mul3A = arith.constant 2 : i32
    %mul3A_0 = arith.muli %arg1, %mul3A : i32
    %add3A = arith.addi %mul3A_0, %arg0 : i32
    %mul3A_1 = arith.constant 10000 : i32
    %mul3A_2 = arith.muli %add3A, %mul3A_1 : i32
    "tpu.region"() ({
      %run_scoped3A = tpu.sem_alloc : memref<!tpu.dma_semaphore, #tpu.memory_space<semaphore_mem>>
      %dma_start3A_118 = tpu.memref_slice %arg3[%mul3A_2] : memref<320000xi32, #tpu.memory_space<hbm>> -> memref<10000xi32, #tpu.memory_space<hbm>>
      %dma_start3A_119 = tpu.memref_slice %arg3[%mul3A_2] : memref<320000xi32, #tpu.memory_space<hbm>> -> memref<10000xi32, #tpu.memory_space<hbm>>
      tpu.enqueue_dma source(%dma_start3A_119 : memref<10000xi32, #tpu.memory_space<hbm>>) target(%arg8 : memref<10000xi32, #tpu.memory_space<vmem>>) target_semaphore(%run_scoped3A : memref<!tpu.dma_semaphore, #tpu.memory_space<semaphore_mem>>)
      %dma_wait3A = tpu.memref_slice %arg3[%mul3A_2] : memref<320000xi32, #tpu.memory_space<hbm>> -> memref<10000xi32, #tpu.memory_space<hbm>>
      %dma_wait3A_120 = tpu.memref_slice %arg3[%mul3A_2] : memref<320000xi32, #tpu.memory_space<hbm>> -> memref<10000xi32, #tpu.memory_space<hbm>>
      tpu.wait_dma2 semaphore(%run_scoped3A : memref<!tpu.dma_semaphore, #tpu.memory_space<semaphore_mem>>) src(%dma_wait3A_120 : memref<10000xi32, #tpu.memory_space<hbm>>) dst(%arg8 : memref<10000xi32, #tpu.memory_space<vmem>>)
      tpu.yield
    }) : () -> ()
    "tpu.region"() ({
      %run_scoped3A = tpu.sem_alloc : memref<!tpu.dma_semaphore, #tpu.memory_space<semaphore_mem>>
      %dma_start3A_118 = tpu.memref_slice %arg4[%mul3A_2] : memref<320000xi32, #tpu.memory_space<hbm>> -> memref<10000xi32, #tpu.memory_space<hbm>>
      %dma_start3A_119 = tpu.memref_slice %arg4[%mul3A_2] : memref<320000xi32, #tpu.memory_space<hbm>> -> memref<10000xi32, #tpu.memory_space<hbm>>
      tpu.enqueue_dma source(%dma_start3A_119 : memref<10000xi32, #tpu.memory_space<hbm>>) target(%arg9 : memref<10000xi32, #tpu.memory_space<vmem>>) target_semaphore(%run_scoped3A : memref<!tpu.dma_semaphore, #tpu.memory_space<semaphore_mem>>)
      %dma_wait3A = tpu.memref_slice %arg4[%mul3A_2] : memref<320000xi32, #tpu.memory_space<hbm>> -> memref<10000xi32, #tpu.memory_space<hbm>>
      %dma_wait3A_120 = tpu.memref_slice %arg4[%mul3A_2] : memref<320000xi32, #tpu.memory_space<hbm>> -> memref<10000xi32, #tpu.memory_space<hbm>>
      tpu.wait_dma2 semaphore(%run_scoped3A : memref<!tpu.dma_semaphore, #tpu.memory_space<semaphore_mem>>) src(%dma_wait3A_120 : memref<10000xi32, #tpu.memory_space<hbm>>) dst(%arg9 : memref<10000xi32, #tpu.memory_space<vmem>>)
      tpu.yield
    }) : () -> ()
    "tpu.region"() ({
      %run_scoped3A = tpu.sem_alloc : memref<!tpu.dma_semaphore, #tpu.memory_space<semaphore_mem>>
      tpu.enqueue_dma source(%arg5 : memref<128xf32, #tpu.memory_space<hbm>>) target(%arg13 : memref<128xf32, #tpu.memory_space<vmem>>) target_semaphore(%run_scoped3A : memref<!tpu.dma_semaphore, #tpu.memory_space<semaphore_mem>>)
      tpu.wait_dma2 semaphore(%run_scoped3A : memref<!tpu.dma_semaphore, #tpu.memory_space<semaphore_mem>>) src(%arg5 : memref<128xf32, #tpu.memory_space<hbm>>) dst(%arg13 : memref<128xf32, #tpu.memory_space<vmem>>)
      tpu.yield
    }) : () -> ()
    "tpu.region"() ({
      %run_scoped3A = tpu.sem_alloc : memref<!tpu.dma_semaphore, #tpu.memory_space<semaphore_mem>>
      tpu.enqueue_dma source(%arg6 : memref<16xf32, #tpu.memory_space<hbm>>) target(%arg14 : memref<16xf32, #tpu.memory_space<vmem>>) target_semaphore(%run_scoped3A : memref<!tpu.dma_semaphore, #tpu.memory_space<semaphore_mem>>)
      tpu.wait_dma2 semaphore(%run_scoped3A : memref<!tpu.dma_semaphore, #tpu.memory_space<semaphore_mem>>) src(%arg6 : memref<16xf32, #tpu.memory_space<hbm>>) dst(%arg14 : memref<16xf32, #tpu.memory_space<vmem>>)
      tpu.yield
    }) : () -> ()
    %get3A = arith.constant 0 : index
    %get3A_3 = tpu.vector_load %arg14[%get3A] {strides = array<i32>} : memref<16xf32, #tpu.memory_space<vmem>>, vector<16xf32>,
    %get3A_4 = arith.constant 0 : index
    %get3A_5 = tpu.vector_load %arg13[%get3A_4] {strides = array<i32>} : memref<128xf32, #tpu.memory_space<vmem>>, vector<16xf32>,
    %get3A_6 = arith.constant 16 : index
    %get3A_7 = tpu.vector_load %arg13[%get3A_6] {strides = array<i32>} : memref<128xf32, #tpu.memory_space<vmem>>, vector<16xf32>,
    %get3A_8 = arith.constant 32 : index
    %get3A_9 = tpu.vector_load %arg13[%get3A_8] {strides = array<i32>} : memref<128xf32, #tpu.memory_space<vmem>>, vector<16xf32>,
    %get3A_10 = arith.constant 48 : index
    %get3A_11 = tpu.vector_load %arg13[%get3A_10] {strides = array<i32>} : memref<128xf32, #tpu.memory_space<vmem>>, vector<16xf32>,
    %get3A_12 = arith.constant 64 : index
    %get3A_13 = tpu.vector_load %arg13[%get3A_12] {strides = array<i32>} : memref<128xf32, #tpu.memory_space<vmem>>, vector<16xf32>,
    %get3A_14 = arith.constant 80 : index
    %get3A_15 = tpu.vector_load %arg13[%get3A_14] {strides = array<i32>} : memref<128xf32, #tpu.memory_space<vmem>>, vector<16xf32>,
    %get3A_16 = arith.constant 96 : index
    %get3A_17 = tpu.vector_load %arg13[%get3A_16] {strides = array<i32>} : memref<128xf32, #tpu.memory_space<vmem>>, vector<16xf32>,
    %get3A_18 = arith.constant 112 : index
    %get3A_19 = tpu.vector_load %arg13[%get3A_18] {strides = array<i32>} : memref<128xf32, #tpu.memory_space<vmem>>, vector<16xf32>,
    %iota3A = tpu.iota {dimensions = array<i32: 0>} : vector<16xi32>
    %eq3A = arith.constant 0 : i32
    %eq3A_20 = vector.broadcast %eq3A : i32 to vector<16xi32>
    %eq3A_21 = arith.cmpi eq, %iota3A, %eq3A_20 : vector<16xi32>
    %convert_element_type3A = arith.extui %eq3A_21 : vector<16xi1> to vector<16xi32>
    %convert_element_type3A_22 = arith.sitofp %convert_element_type3A : vector<16xi32> to vector<16xf32>
    %eq3A_23 = arith.constant 1 : i32
    %eq3A_24 = vector.broadcast %eq3A_23 : i32 to vector<16xi32>
    %eq3A_25 = arith.cmpi eq, %iota3A, %eq3A_24 : vector<16xi32>
    %convert_element_type3A_26 = arith.extui %eq3A_25 : vector<16xi1> to vector<16xi32>
    %convert_element_type3A_27 = arith.sitofp %convert_element_type3A_26 : vector<16xi32> to vector<16xf32>
    %eq3A_28 = arith.constant 2 : i32
    %eq3A_29 = vector.broadcast %eq3A_28 : i32 to vector<16xi32>
    %eq3A_30 = arith.cmpi eq, %iota3A, %eq3A_29 : vector<16xi32>
    %convert_element_type3A_31 = arith.extui %eq3A_30 : vector<16xi1> to vector<16xi32>
    %convert_element_type3A_32 = arith.sitofp %convert_element_type3A_31 : vector<16xi32> to vector<16xf32>
    %eq3A_33 = arith.constant 3 : i32
    %eq3A_34 = vector.broadcast %eq3A_33 : i32 to vector<16xi32>
    %eq3A_35 = arith.cmpi eq, %iota3A, %eq3A_34 : vector<16xi32>
    %convert_element_type3A_36 = arith.extui %eq3A_35 : vector<16xi1> to vector<16xi32>
    %convert_element_type3A_37 = arith.sitofp %convert_element_type3A_36 : vector<16xi32> to vector<16xf32>
    %eq3A_38 = arith.constant 4 : i32
    %eq3A_39 = vector.broadcast %eq3A_38 : i32 to vector<16xi32>
    %eq3A_40 = arith.cmpi eq, %iota3A, %eq3A_39 : vector<16xi32>
    %convert_element_type3A_41 = arith.extui %eq3A_40 : vector<16xi1> to vector<16xi32>
    %convert_element_type3A_42 = arith.sitofp %convert_element_type3A_41 : vector<16xi32> to vector<16xf32>
    %eq3A_43 = arith.constant 5 : i32
    %eq3A_44 = vector.broadcast %eq3A_43 : i32 to vector<16xi32>
    %eq3A_45 = arith.cmpi eq, %iota3A, %eq3A_44 : vector<16xi32>
    %convert_element_type3A_46 = arith.extui %eq3A_45 : vector<16xi1> to vector<16xi32>
    %convert_element_type3A_47 = arith.sitofp %convert_element_type3A_46 : vector<16xi32> to vector<16xf32>
    %eq3A_48 = arith.constant 6 : i32
    %eq3A_49 = vector.broadcast %eq3A_48 : i32 to vector<16xi32>
    %eq3A_50 = arith.cmpi eq, %iota3A, %eq3A_49 : vector<16xi32>
    %convert_element_type3A_51 = arith.extui %eq3A_50 : vector<16xi1> to vector<16xi32>
    %convert_element_type3A_52 = arith.sitofp %convert_element_type3A_51 : vector<16xi32> to vector<16xf32>
    %eq3A_53 = arith.constant 7 : i32
    %eq3A_54 = vector.broadcast %eq3A_53 : i32 to vector<16xi32>
    %eq3A_55 = arith.cmpi eq, %iota3A, %eq3A_54 : vector<16xi32>
    %convert_element_type3A_56 = arith.extui %eq3A_55 : vector<16xi1> to vector<16xi32>
    %convert_element_type3A_57 = arith.sitofp %convert_element_type3A_56 : vector<16xi32> to vector<16xf32>
    %eq3A_58 = arith.constant 8 : i32
    %eq3A_59 = vector.broadcast %eq3A_58 : i32 to vector<16xi32>
    %eq3A_60 = arith.cmpi eq, %iota3A, %eq3A_59 : vector<16xi32>
    %convert_element_type3A_61 = arith.extui %eq3A_60 : vector<16xi1> to vector<16xi32>
    %convert_element_type3A_62 = arith.sitofp %convert_element_type3A_61 : vector<16xi32> to vector<16xf32>
    %eq3A_63 = arith.constant 9 : i32
    %eq3A_64 = vector.broadcast %eq3A_63 : i32 to vector<16xi32>
    %eq3A_65 = arith.cmpi eq, %iota3A, %eq3A_64 : vector<16xi32>
    %convert_element_type3A_66 = arith.extui %eq3A_65 : vector<16xi1> to vector<16xi32>
    %convert_element_type3A_67 = arith.sitofp %convert_element_type3A_66 : vector<16xi32> to vector<16xf32>
    %eq3A_68 = arith.constant 10 : i32
    %eq3A_69 = vector.broadcast %eq3A_68 : i32 to vector<16xi32>
    %eq3A_70 = arith.cmpi eq, %iota3A, %eq3A_69 : vector<16xi32>
    %convert_element_type3A_71 = arith.extui %eq3A_70 : vector<16xi1> to vector<16xi32>
    %convert_element_type3A_72 = arith.sitofp %convert_element_type3A_71 : vector<16xi32> to vector<16xf32>
    %eq3A_73 = arith.constant 11 : i32
    %eq3A_74 = vector.broadcast %eq3A_73 : i32 to vector<16xi32>
    %eq3A_75 = arith.cmpi eq, %iota3A, %eq3A_74 : vector<16xi32>
    %convert_element_type3A_76 = arith.extui %eq3A_75 : vector<16xi1> to vector<16xi32>
    %convert_element_type3A_77 = arith.sitofp %convert_element_type3A_76 : vector<16xi32> to vector<16xf32>
    %eq3A_78 = arith.constant 12 : i32
    %eq3A_79 = vector.broadcast %eq3A_78 : i32 to vector<16xi32>
    %eq3A_80 = arith.cmpi eq, %iota3A, %eq3A_79 : vector<16xi32>
    %convert_element_type3A_81 = arith.extui %eq3A_80 : vector<16xi1> to vector<16xi32>
    %convert_element_type3A_82 = arith.sitofp %convert_element_type3A_81 : vector<16xi32> to vector<16xf32>
    %eq3A_83 = arith.constant 13 : i32
    %eq3A_84 = vector.broadcast %eq3A_83 : i32 to vector<16xi32>
    %eq3A_85 = arith.cmpi eq, %iota3A, %eq3A_84 : vector<16xi32>
    %convert_element_type3A_86 = arith.extui %eq3A_85 : vector<16xi1> to vector<16xi32>
    %convert_element_type3A_87 = arith.sitofp %convert_element_type3A_86 : vector<16xi32> to vector<16xf32>
    %eq3A_88 = arith.constant 14 : i32
    %eq3A_89 = vector.broadcast %eq3A_88 : i32 to vector<16xi32>
    %eq3A_90 = arith.cmpi eq, %iota3A, %eq3A_89 : vector<16xi32>
    %convert_element_type3A_91 = arith.extui %eq3A_90 : vector<16xi1> to vector<16xi32>
    %convert_element_type3A_92 = arith.sitofp %convert_element_type3A_91 : vector<16xi32> to vector<16xf32>
    %eq3A_93 = arith.constant 15 : i32
    %eq3A_94 = vector.broadcast %eq3A_93 : i32 to vector<16xi32>
    %eq3A_95 = arith.cmpi eq, %iota3A, %eq3A_94 : vector<16xi32>
    %convert_element_type3A_96 = arith.extui %eq3A_95 : vector<16xi1> to vector<16xi32>
    %convert_element_type3A_97 = arith.sitofp %convert_element_type3A_96 : vector<16xi32> to vector<16xf32>
    %dma_start3A = arith.constant 0 : i32
    %dma_start3A_98 = arith.constant 0 : i32
    %dma_start3A_99 = tpu.memref_slice %arg10[%dma_start3A, %dma_start3A_98] : memref<160x128xf32, #tpu.memory_space<vmem>> -> memref<80x128xf32, #tpu.memory_space<vmem>>
    %dma_start3A_100 = arith.constant 0 : i32
    %dma_start3A_101 = tpu.memref_slice %arg8[%dma_start3A_100] : memref<10000xi32, #tpu.memory_space<vmem>> -> memref<80xi32, #tpu.memory_space<vmem>>
    %dma_start3A_102 = arith.constant 0 : i32
    %dma_start3A_103 = arith.constant 0 : i32
    %dma_start3A_104 = tpu.memref_slice %arg2[%dma_start3A_102, %dma_start3A_103] : memref<10000x128xf32, #tpu.memory_space<hbm>> -> memref<10000x128xf32, #tpu.memory_space<hbm>>
    tpu.enqueue_indirect_dma source(%dma_start3A_104 : memref<10000x128xf32, #tpu.memory_space<hbm>>) target(%dma_start3A_99 : memref<80x128xf32, #tpu.memory_space<vmem>>) offsets(%dma_start3A_101 : memref<80xi32, #tpu.memory_space<vmem>>) semaphore(%arg15 : memref<!tpu.dma_semaphore, #tpu.memory_space<semaphore_mem>>)
    %dma_start3A_105 = arith.constant 0 : i32
    %dma_start3A_106 = arith.constant 0 : i32
    %dma_start3A_107 = tpu.memref_slice %arg11[%dma_start3A_105, %dma_start3A_106] : memref<160x128xf32, #tpu.memory_space<vmem>> -> memref<80x128xf32, #tpu.memory_space<vmem>>
    %dma_start3A_108 = arith.constant 0 : i32
    %dma_start3A_109 = tpu.memref_slice %arg9[%dma_start3A_108] : memref<10000xi32, #tpu.memory_space<vmem>> -> memref<80xi32, #tpu.memory_space<vmem>>
    %dma_start3A_110 = arith.constant 0 : i32
    %dma_start3A_111 = arith.constant 0 : i32
    %dma_start3A_112 = tpu.memref_slice %arg2[%dma_start3A_110, %dma_start3A_111] : memref<10000x128xf32, #tpu.memory_space<hbm>> -> memref<10000x128xf32, #tpu.memory_space<hbm>>
    tpu.enqueue_indirect_dma source(%dma_start3A_112 : memref<10000x128xf32, #tpu.memory_space<hbm>>) target(%dma_start3A_107 : memref<80x128xf32, #tpu.memory_space<vmem>>) offsets(%dma_start3A_109 : memref<80xi32, #tpu.memory_space<vmem>>) semaphore(%arg15 : memref<!tpu.dma_semaphore, #tpu.memory_space<semaphore_mem>>)
    %scan3A = arith.constant 0 : i32
    %scan3A_113 = arith.constant 0 : i32
    %scan3A_114 = arith.constant 125 : i32
    %scan3A_115 = arith.addi %scan3A_113, %scan3A_114 : i32
    %scan3A_116 = arith.constant 1 : i32
    scf.for %scan3A_118 = %scan3A_113 to %scan3A_115 step %scan3A_116  : i32 {
      %rem3A = arith.constant 2 : i32
      %rem3A_119 = arith.remsi %scan3A_118, %rem3A : i32
      %add3A_120 = arith.constant 1 : i32
      %add3A_121 = arith.addi %scan3A_118, %add3A_120 : i32
      %lt3A = arith.constant 125 : i32
      %lt3A_122 = arith.cmpi slt, %add3A_121, %lt3A : i32
      %convert_element_type3A_123 = arith.extui %lt3A_122 : i1 to i32
      %cond3A = arith.constant 0 : i32
      %cond3A_124 = arith.cmpi ne, %convert_element_type3A_123, %cond3A : i32
      scf.if %cond3A_124 {
        %eq3A_141 = arith.constant 0 : i32
        %eq3A_142 = arith.cmpi eq, %rem3A_119, %eq3A_141 : i32
        %convert_element_type3A_143 = arith.extui %eq3A_142 : i1 to i32
        %cond3A_144 = arith.constant 0 : i32
        %cond3A_145 = arith.cmpi ne, %convert_element_type3A_143, %cond3A_144 : i32
        scf.if %cond3A_145 {
          %add3A_151 = arith.constant 1 : i32
          %add3A_152 = arith.addi %scan3A_118, %add3A_151 : i32
          %mul3A_153 = arith.constant 80 : i32
          %mul3A_154 = arith.muli %add3A_152, %mul3A_153 : i32
          %dma_start3A_155 = arith.constant 80 : i32
          %dma_start3A_156 = arith.constant 0 : i32
          %dma_start3A_157 = tpu.memref_slice %arg10[%dma_start3A_155, %dma_start3A_156] : memref<160x128xf32, #tpu.memory_space<vmem>> -> memref<80x128xf32, #tpu.memory_space<vmem>>
          %dma_start3A_158 = tpu.memref_slice %arg8[%mul3A_154] : memref<10000xi32, #tpu.memory_space<vmem>> -> memref<80xi32, #tpu.memory_space<vmem>>
          %dma_start3A_159 = arith.constant 0 : i32
          %dma_start3A_160 = arith.constant 0 : i32
          %dma_start3A_161 = tpu.memref_slice %arg2[%dma_start3A_159, %dma_start3A_160] : memref<10000x128xf32, #tpu.memory_space<hbm>> -> memref<10000x128xf32, #tpu.memory_space<hbm>>
          tpu.enqueue_indirect_dma source(%dma_start3A_161 : memref<10000x128xf32, #tpu.memory_space<hbm>>) target(%dma_start3A_157 : memref<80x128xf32, #tpu.memory_space<vmem>>) offsets(%dma_start3A_158 : memref<80xi32, #tpu.memory_space<vmem>>) semaphore(%arg16 : memref<!tpu.dma_semaphore, #tpu.memory_space<semaphore_mem>>)
          %dma_start3A_162 = arith.constant 80 : i32
          %dma_start3A_163 = arith.constant 0 : i32
          %dma_start3A_164 = tpu.memref_slice %arg11[%dma_start3A_162, %dma_start3A_163] : memref<160x128xf32, #tpu.memory_space<vmem>> -> memref<80x128xf32, #tpu.memory_space<vmem>>
          %dma_start3A_165 = tpu.memref_slice %arg9[%mul3A_154] : memref<10000xi32, #tpu.memory_space<vmem>> -> memref<80xi32, #tpu.memory_space<vmem>>
          %dma_start3A_166 = arith.constant 0 : i32
          %dma_start3A_167 = arith.constant 0 : i32
          %dma_start3A_168 = tpu.memref_slice %arg2[%dma_start3A_166, %dma_start3A_167] : memref<10000x128xf32, #tpu.memory_space<hbm>> -> memref<10000x128xf32, #tpu.memory_space<hbm>>
          tpu.enqueue_indirect_dma source(%dma_start3A_168 : memref<10000x128xf32, #tpu.memory_space<hbm>>) target(%dma_start3A_164 : memref<80x128xf32, #tpu.memory_space<vmem>>) offsets(%dma_start3A_165 : memref<80xi32, #tpu.memory_space<vmem>>) semaphore(%arg16 : memref<!tpu.dma_semaphore, #tpu.memory_space<semaphore_mem>>)
        } else {
        }
        %eq3A_146 = arith.constant 1 : i32
        %eq3A_147 = arith.cmpi eq, %rem3A_119, %eq3A_146 : i32
        %convert_element_type3A_148 = arith.extui %eq3A_147 : i1 to i32
        %cond3A_149 = arith.constant 0 : i32
        %cond3A_150 = arith.cmpi ne, %convert_element_type3A_148, %cond3A_149 : i32
        scf.if %cond3A_150 {
          %add3A_151 = arith.constant 1 : i32
          %add3A_152 = arith.addi %scan3A_118, %add3A_151 : i32
          %mul3A_153 = arith.constant 80 : i32
          %mul3A_154 = arith.muli %add3A_152, %mul3A_153 : i32
          %dma_start3A_155 = arith.constant 0 : i32
          %dma_start3A_156 = arith.constant 0 : i32
          %dma_start3A_157 = tpu.memref_slice %arg10[%dma_start3A_155, %dma_start3A_156] : memref<160x128xf32, #tpu.memory_space<vmem>> -> memref<80x128xf32, #tpu.memory_space<vmem>>
          %dma_start3A_158 = tpu.memref_slice %arg8[%mul3A_154] : memref<10000xi32, #tpu.memory_space<vmem>> -> memref<80xi32, #tpu.memory_space<vmem>>
          %dma_start3A_159 = arith.constant 0 : i32
          %dma_start3A_160 = arith.constant 0 : i32
          %dma_start3A_161 = tpu.memref_slice %arg2[%dma_start3A_159, %dma_start3A_160] : memref<10000x128xf32, #tpu.memory_space<hbm>> -> memref<10000x128xf32, #tpu.memory_space<hbm>>
          tpu.enqueue_indirect_dma source(%dma_start3A_161 : memref<10000x128xf32, #tpu.memory_space<hbm>>) target(%dma_start3A_157 : memref<80x128xf32, #tpu.memory_space<vmem>>) offsets(%dma_start3A_158 : memref<80xi32, #tpu.memory_space<vmem>>) semaphore(%arg15 : memref<!tpu.dma_semaphore, #tpu.memory_space<semaphore_mem>>)
          %dma_start3A_162 = arith.constant 0 : i32
          %dma_start3A_163 = arith.constant 0 : i32
          %dma_start3A_164 = tpu.memref_slice %arg11[%dma_start3A_162, %dma_start3A_163] : memref<160x128xf32, #tpu.memory_space<vmem>> -> memref<80x128xf32, #tpu.memory_space<vmem>>
          %dma_start3A_165 = tpu.memref_slice %arg9[%mul3A_154] : memref<10000xi32, #tpu.memory_space<vmem>> -> memref<80xi32, #tpu.memory_space<vmem>>
          %dma_start3A_166 = arith.constant 0 : i32
          %dma_start3A_167 = arith.constant 0 : i32
          %dma_start3A_168 = tpu.memref_slice %arg2[%dma_start3A_166, %dma_start3A_167] : memref<10000x128xf32, #tpu.memory_space<hbm>> -> memref<10000x128xf32, #tpu.memory_space<hbm>>
          tpu.enqueue_indirect_dma source(%dma_start3A_168 : memref<10000x128xf32, #tpu.memory_space<hbm>>) target(%dma_start3A_164 : memref<80x128xf32, #tpu.memory_space<vmem>>) offsets(%dma_start3A_165 : memref<80xi32, #tpu.memory_space<vmem>>) semaphore(%arg15 : memref<!tpu.dma_semaphore, #tpu.memory_space<semaphore_mem>>)
        } else {
        }
      } else {
      }
      %eq3A_125 = arith.constant 0 : i32
      %eq3A_126 = arith.cmpi eq, %rem3A_119, %eq3A_125 : i32
      %convert_element_type3A_127 = arith.extui %eq3A_126 : i1 to i32
      %cond3A_128 = arith.constant 0 : i32
      %cond3A_129 = arith.cmpi ne, %convert_element_type3A_127, %cond3A_128 : i32
      scf.if %cond3A_129 {
        %mul3A_141 = arith.constant 80 : i32
        %mul3A_142 = arith.muli %scan3A_118, %mul3A_141 : i32
        %dma_wait3A = arith.constant 0 : i32
        %dma_wait3A_143 = arith.constant 0 : i32
        %dma_wait3A_144 = tpu.memref_slice %arg10[%dma_wait3A, %dma_wait3A_143] : memref<160x128xf32, #tpu.memory_space<vmem>> -> memref<80x128xf32, #tpu.memory_space<vmem>>
        %dma_wait3A_145 = tpu.memref_slice %arg8[%mul3A_142] : memref<10000xi32, #tpu.memory_space<vmem>> -> memref<80xi32, #tpu.memory_space<vmem>>
        %dma_wait3A_146 = arith.constant 0 : i32
        %dma_wait3A_147 = arith.constant 0 : i32
        %dma_wait3A_148 = tpu.memref_slice %arg2[%dma_wait3A_146, %dma_wait3A_147] : memref<10000x128xf32, #tpu.memory_space<hbm>> -> memref<10000x128xf32, #tpu.memory_space<hbm>>
        tpu.wait_indirect_dma semaphore(%arg15 : memref<!tpu.dma_semaphore, #tpu.memory_space<semaphore_mem>>) src(%dma_wait3A_148 : memref<10000x128xf32, #tpu.memory_space<hbm>>) dst(%dma_wait3A_144 : memref<80x128xf32, #tpu.memory_space<vmem>>)
        %dma_wait3A_149 = arith.constant 0 : i32
        %dma_wait3A_150 = arith.constant 0 : i32
        %dma_wait3A_151 = tpu.memref_slice %arg11[%dma_wait3A_149, %dma_wait3A_150] : memref<160x128xf32, #tpu.memory_space<vmem>> -> memref<80x128xf32, #tpu.memory_space<vmem>>
        %dma_wait3A_152 = tpu.memref_slice %arg9[%mul3A_142] : memref<10000xi32, #tpu.memory_space<vmem>> -> memref<80xi32, #tpu.memory_space<vmem>>
        %dma_wait3A_153 = arith.constant 0 : i32
        %dma_wait3A_154 = arith.constant 0 : i32
        %dma_wait3A_155 = tpu.memref_slice %arg2[%dma_wait3A_153, %dma_wait3A_154] : memref<10000x128xf32, #tpu.memory_space<hbm>> -> memref<10000x128xf32, #tpu.memory_space<hbm>>
        tpu.wait_indirect_dma semaphore(%arg15 : memref<!tpu.dma_semaphore, #tpu.memory_space<semaphore_mem>>) src(%dma_wait3A_155 : memref<10000x128xf32, #tpu.memory_space<hbm>>) dst(%dma_wait3A_151 : memref<80x128xf32, #tpu.memory_space<vmem>>)
      } else {
      }
      %eq3A_130 = arith.constant 1 : i32
      %eq3A_131 = arith.cmpi eq, %rem3A_119, %eq3A_130 : i32
      %convert_element_type3A_132 = arith.extui %eq3A_131 : i1 to i32
      %cond3A_133 = arith.constant 0 : i32
      %cond3A_134 = arith.cmpi ne, %convert_element_type3A_132, %cond3A_133 : i32
      scf.if %cond3A_134 {
        %mul3A_141 = arith.constant 80 : i32
        %mul3A_142 = arith.muli %scan3A_118, %mul3A_141 : i32
        %dma_wait3A = arith.constant 80 : i32
        %dma_wait3A_143 = arith.constant 0 : i32
        %dma_wait3A_144 = tpu.memref_slice %arg10[%dma_wait3A, %dma_wait3A_143] : memref<160x128xf32, #tpu.memory_space<vmem>> -> memref<80x128xf32, #tpu.memory_space<vmem>>
        %dma_wait3A_145 = tpu.memref_slice %arg8[%mul3A_142] : memref<10000xi32, #tpu.memory_space<vmem>> -> memref<80xi32, #tpu.memory_space<vmem>>
        %dma_wait3A_146 = arith.constant 0 : i32
        %dma_wait3A_147 = arith.constant 0 : i32
        %dma_wait3A_148 = tpu.memref_slice %arg2[%dma_wait3A_146, %dma_wait3A_147] : memref<10000x128xf32, #tpu.memory_space<hbm>> -> memref<10000x128xf32, #tpu.memory_space<hbm>>
        tpu.wait_indirect_dma semaphore(%arg16 : memref<!tpu.dma_semaphore, #tpu.memory_space<semaphore_mem>>) src(%dma_wait3A_148 : memref<10000x128xf32, #tpu.memory_space<hbm>>) dst(%dma_wait3A_144 : memref<80x128xf32, #tpu.memory_space<vmem>>)
        %dma_wait3A_149 = arith.constant 80 : i32
        %dma_wait3A_150 = arith.constant 0 : i32
        %dma_wait3A_151 = tpu.memref_slice %arg11[%dma_wait3A_149, %dma_wait3A_150] : memref<160x128xf32, #tpu.memory_space<vmem>> -> memref<80x128xf32, #tpu.memory_space<vmem>>
        %dma_wait3A_152 = tpu.memref_slice %arg9[%mul3A_142] : memref<10000xi32, #tpu.memory_space<vmem>> -> memref<80xi32, #tpu.memory_space<vmem>>
        %dma_wait3A_153 = arith.constant 0 : i32
        %dma_wait3A_154 = arith.constant 0 : i32
        %dma_wait3A_155 = tpu.memref_slice %arg2[%dma_wait3A_153, %dma_wait3A_154] : memref<10000x128xf32, #tpu.memory_space<hbm>> -> memref<10000x128xf32, #tpu.memory_space<hbm>>
        tpu.wait_indirect_dma semaphore(%arg16 : memref<!tpu.dma_semaphore, #tpu.memory_space<semaphore_mem>>) src(%dma_wait3A_155 : memref<10000x128xf32, #tpu.memory_space<hbm>>) dst(%dma_wait3A_151 : memref<80x128xf32, #tpu.memory_space<vmem>>)
      } else {
      }
      %mul3A_135 = arith.constant 80 : i32
      %mul3A_136 = arith.muli %rem3A_119, %mul3A_135 : i32
      %mul3A_137 = arith.constant 80 : i32
      %mul3A_138 = arith.muli %scan3A_118, %mul3A_137 : i32
      %parallel_loop3A = arith.constant 0 : i32
      %parallel_loop3A_139 = arith.constant 5 : i32
      %parallel_loop3A_140 = arith.constant 1 : i32
      scf.for %parallel_loop3A_141 = %parallel_loop3A to %parallel_loop3A_139 step %parallel_loop3A_140  : i32 {
        %parallel_loop3A_142 = arith.constant 16 : i32
        %parallel_loop3A_143 = arith.muli %parallel_loop3A_141, %parallel_loop3A_142 : i32
        %parallel_loop3A_144 = arith.addi %mul3A_136, %parallel_loop3A_143 : i32
        %parallel_loop3A_145 = arith.constant 0.000000e+00 : f32
        %parallel_loop3A_146 = vector.broadcast %parallel_loop3A_145 : f32 to vector<16xf32>
        %parallel_loop3A_147 = arith.constant 0.000000e+00 : f32
        %parallel_loop3A_148 = vector.broadcast %parallel_loop3A_147 : f32 to vector<16xf32>
        %parallel_loop3A_149 = arith.constant 0 : i32
        %parallel_loop3A_150 = arith.addi %parallel_loop3A_144, %parallel_loop3A_149 : i32
        %parallel_loop3A_151 = arith.index_cast %parallel_loop3A_150 : i32 to index
        %parallel_loop3A_152 = arith.constant 0 : index
        %parallel_loop3A_153 = tpu.vector_load %arg10[%parallel_loop3A_151, %parallel_loop3A_152] {strides = array<i32>} : memref<160x128xf32, #tpu.memory_space<vmem>>, vector<16xf32>,
        %parallel_loop3A_154 = arith.constant 0 : i32
        %parallel_loop3A_155 = arith.addi %parallel_loop3A_144, %parallel_loop3A_154 : i32
        %parallel_loop3A_156 = arith.index_cast %parallel_loop3A_155 : i32 to index
        %parallel_loop3A_157 = arith.constant 0 : index
        %parallel_loop3A_158 = tpu.vector_load %arg11[%parallel_loop3A_156, %parallel_loop3A_157] {strides = array<i32>} : memref<160x128xf32, #tpu.memory_space<vmem>>, vector<16xf32>,
        %parallel_loop3A_159 = arith.mulf %parallel_loop3A_153, %parallel_loop3A_158 : vector<16xf32>
        %parallel_loop3A_160 = arith.mulf %parallel_loop3A_159, %get3A_5 : vector<16xf32>
        %parallel_loop3A_161 = arith.addf %parallel_loop3A_146, %parallel_loop3A_160 : vector<16xf32>
        %parallel_loop3A_162 = arith.constant 0 : i32
        %parallel_loop3A_163 = arith.addi %parallel_loop3A_144, %parallel_loop3A_162 : i32
        %parallel_loop3A_164 = arith.index_cast %parallel_loop3A_163 : i32 to index
        %parallel_loop3A_165 = arith.constant 16 : index
        %parallel_loop3A_166 = tpu.vector_load %arg10[%parallel_loop3A_164, %parallel_loop3A_165] {strides = array<i32>} : memref<160x128xf32, #tpu.memory_space<vmem>>, vector<16xf32>,
        %parallel_loop3A_167 = arith.constant 0 : i32
        %parallel_loop3A_168 = arith.addi %parallel_loop3A_144, %parallel_loop3A_167 : i32
        %parallel_loop3A_169 = arith.index_cast %parallel_loop3A_168 : i32 to index
        %parallel_loop3A_170 = arith.constant 16 : index
        %parallel_loop3A_171 = tpu.vector_load %arg11[%parallel_loop3A_169, %parallel_loop3A_170] {strides = array<i32>} : memref<160x128xf32, #tpu.memory_space<vmem>>, vector<16xf32>,
        %parallel_loop3A_172 = arith.mulf %parallel_loop3A_166, %parallel_loop3A_171 : vector<16xf32>
        %parallel_loop3A_173 = arith.mulf %parallel_loop3A_172, %get3A_7 : vector<16xf32>
        %parallel_loop3A_174 = arith.addf %parallel_loop3A_161, %parallel_loop3A_173 : vector<16xf32>
        %parallel_loop3A_175 = arith.constant 0 : i32
        %parallel_loop3A_176 = arith.addi %parallel_loop3A_144, %parallel_loop3A_175 : i32
        %parallel_loop3A_177 = arith.index_cast %parallel_loop3A_176 : i32 to index
        %parallel_loop3A_178 = arith.constant 32 : index
        %parallel_loop3A_179 = tpu.vector_load %arg10[%parallel_loop3A_177, %parallel_loop3A_178] {strides = array<i32>} : memref<160x128xf32, #tpu.memory_space<vmem>>, vector<16xf32>,
        %parallel_loop3A_180 = arith.constant 0 : i32
        %parallel_loop3A_181 = arith.addi %parallel_loop3A_144, %parallel_loop3A_180 : i32
        %parallel_loop3A_182 = arith.index_cast %parallel_loop3A_181 : i32 to index
        %parallel_loop3A_183 = arith.constant 32 : index
        %parallel_loop3A_184 = tpu.vector_load %arg11[%parallel_loop3A_182, %parallel_loop3A_183] {strides = array<i32>} : memref<160x128xf32, #tpu.memory_space<vmem>>, vector<16xf32>,
        %parallel_loop3A_185 = arith.mulf %parallel_loop3A_179, %parallel_loop3A_184 : vector<16xf32>
        %parallel_loop3A_186 = arith.mulf %parallel_loop3A_185, %get3A_9 : vector<16xf32>
        %parallel_loop3A_187 = arith.addf %parallel_loop3A_174, %parallel_loop3A_186 : vector<16xf32>
        %parallel_loop3A_188 = arith.constant 0 : i32
        %parallel_loop3A_189 = arith.addi %parallel_loop3A_144, %parallel_loop3A_188 : i32
        %parallel_loop3A_190 = arith.index_cast %parallel_loop3A_189 : i32 to index
        %parallel_loop3A_191 = arith.constant 48 : index
        %parallel_loop3A_192 = tpu.vector_load %arg10[%parallel_loop3A_190, %parallel_loop3A_191] {strides = array<i32>} : memref<160x128xf32, #tpu.memory_space<vmem>>, vector<16xf32>,
        %parallel_loop3A_193 = arith.constant 0 : i32
        %parallel_loop3A_194 = arith.addi %parallel_loop3A_144, %parallel_loop3A_193 : i32
        %parallel_loop3A_195 = arith.index_cast %parallel_loop3A_194 : i32 to index
        %parallel_loop3A_196 = arith.constant 48 : index
        %parallel_loop3A_197 = tpu.vector_load %arg11[%parallel_loop3A_195, %parallel_loop3A_196] {strides = array<i32>} : memref<160x128xf32, #tpu.memory_space<vmem>>, vector<16xf32>,
        %parallel_loop3A_198 = arith.mulf %parallel_loop3A_192, %parallel_loop3A_197 : vector<16xf32>
        %parallel_loop3A_199 = arith.mulf %parallel_loop3A_198, %get3A_11 : vector<16xf32>
        %parallel_loop3A_200 = arith.addf %parallel_loop3A_187, %parallel_loop3A_199 : vector<16xf32>
        %parallel_loop3A_201 = arith.constant 0 : i32
        %parallel_loop3A_202 = arith.addi %parallel_loop3A_144, %parallel_loop3A_201 : i32
        %parallel_loop3A_203 = arith.index_cast %parallel_loop3A_202 : i32 to index
        %parallel_loop3A_204 = arith.constant 64 : index
        %parallel_loop3A_205 = tpu.vector_load %arg10[%parallel_loop3A_203, %parallel_loop3A_204] {strides = array<i32>} : memref<160x128xf32, #tpu.memory_space<vmem>>, vector<16xf32>,
        %parallel_loop3A_206 = arith.constant 0 : i32
        %parallel_loop3A_207 = arith.addi %parallel_loop3A_144, %parallel_loop3A_206 : i32
        %parallel_loop3A_208 = arith.index_cast %parallel_loop3A_207 : i32 to index
        %parallel_loop3A_209 = arith.constant 64 : index
        %parallel_loop3A_210 = tpu.vector_load %arg11[%parallel_loop3A_208, %parallel_loop3A_209] {strides = array<i32>} : memref<160x128xf32, #tpu.memory_space<vmem>>, vector<16xf32>,
        %parallel_loop3A_211 = arith.mulf %parallel_loop3A_205, %parallel_loop3A_210 : vector<16xf32>
        %parallel_loop3A_212 = arith.mulf %parallel_loop3A_211, %get3A_13 : vector<16xf32>
        %parallel_loop3A_213 = arith.addf %parallel_loop3A_148, %parallel_loop3A_212 : vector<16xf32>
        %parallel_loop3A_214 = arith.constant 0 : i32
        %parallel_loop3A_215 = arith.addi %parallel_loop3A_144, %parallel_loop3A_214 : i32
        %parallel_loop3A_216 = arith.index_cast %parallel_loop3A_215 : i32 to index
        %parallel_loop3A_217 = arith.constant 80 : index
        %parallel_loop3A_218 = tpu.vector_load %arg10[%parallel_loop3A_216, %parallel_loop3A_217] {strides = array<i32>} : memref<160x128xf32, #tpu.memory_space<vmem>>, vector<16xf32>,
        %parallel_loop3A_219 = arith.constant 0 : i32
        %parallel_loop3A_220 = arith.addi %parallel_loop3A_144, %parallel_loop3A_219 : i32
        %parallel_loop3A_221 = arith.index_cast %parallel_loop3A_220 : i32 to index
        %parallel_loop3A_222 = arith.constant 80 : index
        %parallel_loop3A_223 = tpu.vector_load %arg11[%parallel_loop3A_221, %parallel_loop3A_222] {strides = array<i32>} : memref<160x128xf32, #tpu.memory_space<vmem>>, vector<16xf32>,
        %parallel_loop3A_224 = arith.mulf %parallel_loop3A_218, %parallel_loop3A_223 : vector<16xf32>
        %parallel_loop3A_225 = arith.mulf %parallel_loop3A_224, %get3A_15 : vector<16xf32>
        %parallel_loop3A_226 = arith.addf %parallel_loop3A_213, %parallel_loop3A_225 : vector<16xf32>
        %parallel_loop3A_227 = arith.constant 0 : i32
        %parallel_loop3A_228 = arith.addi %parallel_loop3A_144, %parallel_loop3A_227 : i32
        %parallel_loop3A_229 = arith.index_cast %parallel_loop3A_228 : i32 to index
        %parallel_loop3A_230 = arith.constant 96 : index
        %parallel_loop3A_231 = tpu.vector_load %arg10[%parallel_loop3A_229, %parallel_loop3A_230] {strides = array<i32>} : memref<160x128xf32, #tpu.memory_space<vmem>>, vector<16xf32>,
        %parallel_loop3A_232 = arith.constant 0 : i32
        %parallel_loop3A_233 = arith.addi %parallel_loop3A_144, %parallel_loop3A_232 : i32
        %parallel_loop3A_234 = arith.index_cast %parallel_loop3A_233 : i32 to index
        %parallel_loop3A_235 = arith.constant 96 : index
        %parallel_loop3A_236 = tpu.vector_load %arg11[%parallel_loop3A_234, %parallel_loop3A_235] {strides = array<i32>} : memref<160x128xf32, #tpu.memory_space<vmem>>, vector<16xf32>,
        %parallel_loop3A_237 = arith.mulf %parallel_loop3A_231, %parallel_loop3A_236 : vector<16xf32>
        %parallel_loop3A_238 = arith.mulf %parallel_loop3A_237, %get3A_17 : vector<16xf32>
        %parallel_loop3A_239 = arith.addf %parallel_loop3A_226, %parallel_loop3A_238 : vector<16xf32>
        %parallel_loop3A_240 = arith.constant 0 : i32
        %parallel_loop3A_241 = arith.addi %parallel_loop3A_144, %parallel_loop3A_240 : i32
        %parallel_loop3A_242 = arith.index_cast %parallel_loop3A_241 : i32 to index
        %parallel_loop3A_243 = arith.constant 112 : index
        %parallel_loop3A_244 = tpu.vector_load %arg10[%parallel_loop3A_242, %parallel_loop3A_243] {strides = array<i32>} : memref<160x128xf32, #tpu.memory_space<vmem>>, vector<16xf32>,
        %parallel_loop3A_245 = arith.constant 0 : i32
        %parallel_loop3A_246 = arith.addi %parallel_loop3A_144, %parallel_loop3A_245 : i32
        %parallel_loop3A_247 = arith.index_cast %parallel_loop3A_246 : i32 to index
        %parallel_loop3A_248 = arith.constant 112 : index
        %parallel_loop3A_249 = tpu.vector_load %arg11[%parallel_loop3A_247, %parallel_loop3A_248] {strides = array<i32>} : memref<160x128xf32, #tpu.memory_space<vmem>>, vector<16xf32>,
        %parallel_loop3A_250 = arith.mulf %parallel_loop3A_244, %parallel_loop3A_249 : vector<16xf32>
        %parallel_loop3A_251 = arith.mulf %parallel_loop3A_250, %get3A_19 : vector<16xf32>
        %parallel_loop3A_252 = arith.addf %parallel_loop3A_239, %parallel_loop3A_251 : vector<16xf32>
        %parallel_loop3A_253 = arith.addf %parallel_loop3A_200, %parallel_loop3A_252 : vector<16xf32>
        %parallel_loop3A_254 = arith.constant true
        %parallel_loop3A_255 = vector.broadcast %parallel_loop3A_254 : i1 to vector<16xi1>
        %parallel_loop3A_256 = tpu.scan <sum>, %parallel_loop3A_253 masked %parallel_loop3A_255 : vector<16xf32>, vector<16xi1> -> vector<16xf32>
        %parallel_loop3A_257 = vector.extract_strided_slice %parallel_loop3A_256 {offsets = [15], sizes = [1], strides = [1]} : vector<16xf32> to vector<1xf32>
        %parallel_loop3A_258 = vector.extract %parallel_loop3A_257[0] : f32 from vector<1xf32>
        %parallel_loop3A_259 = vector.broadcast %parallel_loop3A_258 : f32 to vector<16xf32>
        %parallel_loop3A_260 = arith.mulf %parallel_loop3A_259, %convert_element_type3A_22 : vector<16xf32>
        %parallel_loop3A_261 = arith.constant 0.000000e+00 : f32
        %parallel_loop3A_262 = vector.broadcast %parallel_loop3A_261 : f32 to vector<16xf32>
        %parallel_loop3A_263 = arith.constant 0.000000e+00 : f32
        %parallel_loop3A_264 = vector.broadcast %parallel_loop3A_263 : f32 to vector<16xf32>
        %parallel_loop3A_265 = arith.constant 1 : i32
        %parallel_loop3A_266 = arith.addi %parallel_loop3A_144, %parallel_loop3A_265 : i32
        %parallel_loop3A_267 = arith.index_cast %parallel_loop3A_266 : i32 to index
        %parallel_loop3A_268 = arith.constant 0 : index
        %parallel_loop3A_269 = tpu.vector_load %arg10[%parallel_loop3A_267, %parallel_loop3A_268] {strides = array<i32>} : memref<160x128xf32, #tpu.memory_space<vmem>>, vector<16xf32>,
        %parallel_loop3A_270 = arith.constant 1 : i32
        %parallel_loop3A_271 = arith.addi %parallel_loop3A_144, %parallel_loop3A_270 : i32
        %parallel_loop3A_272 = arith.index_cast %parallel_loop3A_271 : i32 to index
        %parallel_loop3A_273 = arith.constant 0 : index
        %parallel_loop3A_274 = tpu.vector_load %arg11[%parallel_loop3A_272, %parallel_loop3A_273] {strides = array<i32>} : memref<160x128xf32, #tpu.memory_space<vmem>>, vector<16xf32>,
        %parallel_loop3A_275 = arith.mulf %parallel_loop3A_269, %parallel_loop3A_274 : vector<16xf32>
        %parallel_loop3A_276 = arith.mulf %parallel_loop3A_275, %get3A_5 : vector<16xf32>
        %parallel_loop3A_277 = arith.addf %parallel_loop3A_262, %parallel_loop3A_276 : vector<16xf32>
        %parallel_loop3A_278 = arith.constant 1 : i32
        %parallel_loop3A_279 = arith.addi %parallel_loop3A_144, %parallel_loop3A_278 : i32
        %parallel_loop3A_280 = arith.index_cast %parallel_loop3A_279 : i32 to index
        %parallel_loop3A_281 = arith.constant 16 : index
        %parallel_loop3A_282 = tpu.vector_load %arg10[%parallel_loop3A_280, %parallel_loop3A_281] {strides = array<i32>} : memref<160x128xf32, #tpu.memory_space<vmem>>, vector<16xf32>,
        %parallel_loop3A_283 = arith.constant 1 : i32
        %parallel_loop3A_284 = arith.addi %parallel_loop3A_144, %parallel_loop3A_283 : i32
        %parallel_loop3A_285 = arith.index_cast %parallel_loop3A_284 : i32 to index
        %parallel_loop3A_286 = arith.constant 16 : index
        %parallel_loop3A_287 = tpu.vector_load %arg11[%parallel_loop3A_285, %parallel_loop3A_286] {strides = array<i32>} : memref<160x128xf32, #tpu.memory_space<vmem>>, vector<16xf32>,
        %parallel_loop3A_288 = arith.mulf %parallel_loop3A_282, %parallel_loop3A_287 : vector<16xf32>
        %parallel_loop3A_289 = arith.mulf %parallel_loop3A_288, %get3A_7 : vector<16xf32>
        %parallel_loop3A_290 = arith.addf %parallel_loop3A_277, %parallel_loop3A_289 : vector<16xf32>
        %parallel_loop3A_291 = arith.constant 1 : i32
        %parallel_loop3A_292 = arith.addi %parallel_loop3A_144, %parallel_loop3A_291 : i32
        %parallel_loop3A_293 = arith.index_cast %parallel_loop3A_292 : i32 to index
        %parallel_loop3A_294 = arith.constant 32 : index
        %parallel_loop3A_295 = tpu.vector_load %arg10[%parallel_loop3A_293, %parallel_loop3A_294] {strides = array<i32>} : memref<160x128xf32, #tpu.memory_space<vmem>>, vector<16xf32>,
        %parallel_loop3A_296 = arith.constant 1 : i32
        %parallel_loop3A_297 = arith.addi %parallel_loop3A_144, %parallel_loop3A_296 : i32
        %parallel_loop3A_298 = arith.index_cast %parallel_loop3A_297 : i32 to index
        %parallel_loop3A_299 = arith.constant 32 : index
        %parallel_loop3A_300 = tpu.vector_load %arg11[%parallel_loop3A_298, %parallel_loop3A_299] {strides = array<i32>} : memref<160x128xf32, #tpu.memory_space<vmem>>, vector<16xf32>,
        %parallel_loop3A_301 = arith.mulf %parallel_loop3A_295, %parallel_loop3A_300 : vector<16xf32>
        %parallel_loop3A_302 = arith.mulf %parallel_loop3A_301, %get3A_9 : vector<16xf32>
        %parallel_loop3A_303 = arith.addf %parallel_loop3A_290, %parallel_loop3A_302 : vector<16xf32>
        %parallel_loop3A_304 = arith.constant 1 : i32
        %parallel_loop3A_305 = arith.addi %parallel_loop3A_144, %parallel_loop3A_304 : i32
        %parallel_loop3A_306 = arith.index_cast %parallel_loop3A_305 : i32 to index
        %parallel_loop3A_307 = arith.constant 48 : index
        %parallel_loop3A_308 = tpu.vector_load %arg10[%parallel_loop3A_306, %parallel_loop3A_307] {strides = array<i32>} : memref<160x128xf32, #tpu.memory_space<vmem>>, vector<16xf32>,
        %parallel_loop3A_309 = arith.constant 1 : i32
        %parallel_loop3A_310 = arith.addi %parallel_loop3A_144, %parallel_loop3A_309 : i32
        %parallel_loop3A_311 = arith.index_cast %parallel_loop3A_310 : i32 to index
        %parallel_loop3A_312 = arith.constant 48 : index
        %parallel_loop3A_313 = tpu.vector_load %arg11[%parallel_loop3A_311, %parallel_loop3A_312] {strides = array<i32>} : memref<160x128xf32, #tpu.memory_space<vmem>>, vector<16xf32>,
        %parallel_loop3A_314 = arith.mulf %parallel_loop3A_308, %parallel_loop3A_313 : vector<16xf32>
        %parallel_loop3A_315 = arith.mulf %parallel_loop3A_314, %get3A_11 : vector<16xf32>
        %parallel_loop3A_316 = arith.addf %parallel_loop3A_303, %parallel_loop3A_315 : vector<16xf32>
        %parallel_loop3A_317 = arith.constant 1 : i32
        %parallel_loop3A_318 = arith.addi %parallel_loop3A_144, %parallel_loop3A_317 : i32
        %parallel_loop3A_319 = arith.index_cast %parallel_loop3A_318 : i32 to index
        %parallel_loop3A_320 = arith.constant 64 : index
        %parallel_loop3A_321 = tpu.vector_load %arg10[%parallel_loop3A_319, %parallel_loop3A_320] {strides = array<i32>} : memref<160x128xf32, #tpu.memory_space<vmem>>, vector<16xf32>,
        %parallel_loop3A_322 = arith.constant 1 : i32
        %parallel_loop3A_323 = arith.addi %parallel_loop3A_144, %parallel_loop3A_322 : i32
        %parallel_loop3A_324 = arith.index_cast %parallel_loop3A_323 : i32 to index
        %parallel_loop3A_325 = arith.constant 64 : index
        %parallel_loop3A_326 = tpu.vector_load %arg11[%parallel_loop3A_324, %parallel_loop3A_325] {strides = array<i32>} : memref<160x128xf32, #tpu.memory_space<vmem>>, vector<16xf32>,
        %parallel_loop3A_327 = arith.mulf %parallel_loop3A_321, %parallel_loop3A_326 : vector<16xf32>
        %parallel_loop3A_328 = arith.mulf %parallel_loop3A_327, %get3A_13 : vector<16xf32>
        %parallel_loop3A_329 = arith.addf %parallel_loop3A_264, %parallel_loop3A_328 : vector<16xf32>
        %parallel_loop3A_330 = arith.constant 1 : i32
        %parallel_loop3A_331 = arith.addi %parallel_loop3A_144, %parallel_loop3A_330 : i32
        %parallel_loop3A_332 = arith.index_cast %parallel_loop3A_331 : i32 to index
        %parallel_loop3A_333 = arith.constant 80 : index
        %parallel_loop3A_334 = tpu.vector_load %arg10[%parallel_loop3A_332, %parallel_loop3A_333] {strides = array<i32>} : memref<160x128xf32, #tpu.memory_space<vmem>>, vector<16xf32>,
        %parallel_loop3A_335 = arith.constant 1 : i32
        %parallel_loop3A_336 = arith.addi %parallel_loop3A_144, %parallel_loop3A_335 : i32
        %parallel_loop3A_337 = arith.index_cast %parallel_loop3A_336 : i32 to index
        %parallel_loop3A_338 = arith.constant 80 : index
        %parallel_loop3A_339 = tpu.vector_load %arg11[%parallel_loop3A_337, %parallel_loop3A_338] {strides = array<i32>} : memref<160x128xf32, #tpu.memory_space<vmem>>, vector<16xf32>,
        %parallel_loop3A_340 = arith.mulf %parallel_loop3A_334, %parallel_loop3A_339 : vector<16xf32>
        %parallel_loop3A_341 = arith.mulf %parallel_loop3A_340, %get3A_15 : vector<16xf32>
        %parallel_loop3A_342 = arith.addf %parallel_loop3A_329, %parallel_loop3A_341 : vector<16xf32>
        %parallel_loop3A_343 = arith.constant 1 : i32
        %parallel_loop3A_344 = arith.addi %parallel_loop3A_144, %parallel_loop3A_343 : i32
        %parallel_loop3A_345 = arith.index_cast %parallel_loop3A_344 : i32 to index
        %parallel_loop3A_346 = arith.constant 96 : index
        %parallel_loop3A_347 = tpu.vector_load %arg10[%parallel_loop3A_345, %parallel_loop3A_346] {strides = array<i32>} : memref<160x128xf32, #tpu.memory_space<vmem>>, vector<16xf32>,
        %parallel_loop3A_348 = arith.constant 1 : i32
        %parallel_loop3A_349 = arith.addi %parallel_loop3A_144, %parallel_loop3A_348 : i32
        %parallel_loop3A_350 = arith.index_cast %parallel_loop3A_349 : i32 to index
        %parallel_loop3A_351 = arith.constant 96 : index
        %parallel_loop3A_352 = tpu.vector_load %arg11[%parallel_loop3A_350, %parallel_loop3A_351] {strides = array<i32>} : memref<160x128xf32, #tpu.memory_space<vmem>>, vector<16xf32>,
        %parallel_loop3A_353 = arith.mulf %parallel_loop3A_347, %parallel_loop3A_352 : vector<16xf32>
        %parallel_loop3A_354 = arith.mulf %parallel_loop3A_353, %get3A_17 : vector<16xf32>
        %parallel_loop3A_355 = arith.addf %parallel_loop3A_342, %parallel_loop3A_354 : vector<16xf32>
        %parallel_loop3A_356 = arith.constant 1 : i32
        %parallel_loop3A_357 = arith.addi %parallel_loop3A_144, %parallel_loop3A_356 : i32
        %parallel_loop3A_358 = arith.index_cast %parallel_loop3A_357 : i32 to index
        %parallel_loop3A_359 = arith.constant 112 : index
        %parallel_loop3A_360 = tpu.vector_load %arg10[%parallel_loop3A_358, %parallel_loop3A_359] {strides = array<i32>} : memref<160x128xf32, #tpu.memory_space<vmem>>, vector<16xf32>,
        %parallel_loop3A_361 = arith.constant 1 : i32
        %parallel_loop3A_362 = arith.addi %parallel_loop3A_144, %parallel_loop3A_361 : i32
        %parallel_loop3A_363 = arith.index_cast %parallel_loop3A_362 : i32 to index
        %parallel_loop3A_364 = arith.constant 112 : index
        %parallel_loop3A_365 = tpu.vector_load %arg11[%parallel_loop3A_363, %parallel_loop3A_364] {strides = array<i32>} : memref<160x128xf32, #tpu.memory_space<vmem>>, vector<16xf32>,
        %parallel_loop3A_366 = arith.mulf %parallel_loop3A_360, %parallel_loop3A_365 : vector<16xf32>
        %parallel_loop3A_367 = arith.mulf %parallel_loop3A_366, %get3A_19 : vector<16xf32>
        %parallel_loop3A_368 = arith.addf %parallel_loop3A_355, %parallel_loop3A_367 : vector<16xf32>
        %parallel_loop3A_369 = arith.addf %parallel_loop3A_316, %parallel_loop3A_368 : vector<16xf32>
        %parallel_loop3A_370 = arith.constant true
        %parallel_loop3A_371 = vector.broadcast %parallel_loop3A_370 : i1 to vector<16xi1>
        %parallel_loop3A_372 = tpu.scan <sum>, %parallel_loop3A_369 masked %parallel_loop3A_371 : vector<16xf32>, vector<16xi1> -> vector<16xf32>
        %parallel_loop3A_373 = vector.extract_strided_slice %parallel_loop3A_372 {offsets = [15], sizes = [1], strides = [1]} : vector<16xf32> to vector<1xf32>
        %parallel_loop3A_374 = vector.extract %parallel_loop3A_373[0] : f32 from vector<1xf32>
        %parallel_loop3A_375 = vector.broadcast %parallel_loop3A_374 : f32 to vector<16xf32>
        %parallel_loop3A_376 = arith.mulf %parallel_loop3A_375, %convert_element_type3A_27 : vector<16xf32>
        %parallel_loop3A_377 = arith.constant 0.000000e+00 : f32
        %parallel_loop3A_378 = vector.broadcast %parallel_loop3A_377 : f32 to vector<16xf32>
        %parallel_loop3A_379 = arith.constant 0.000000e+00 : f32
        %parallel_loop3A_380 = vector.broadcast %parallel_loop3A_379 : f32 to vector<16xf32>
        %parallel_loop3A_381 = arith.constant 2 : i32
        %parallel_loop3A_382 = arith.addi %parallel_loop3A_144, %parallel_loop3A_381 : i32
        %parallel_loop3A_383 = arith.index_cast %parallel_loop3A_382 : i32 to index
        %parallel_loop3A_384 = arith.constant 0 : index
        %parallel_loop3A_385 = tpu.vector_load %arg10[%parallel_loop3A_383, %parallel_loop3A_384] {strides = array<i32>} : memref<160x128xf32, #tpu.memory_space<vmem>>, vector<16xf32>,
        %parallel_loop3A_386 = arith.constant 2 : i32
        %parallel_loop3A_387 = arith.addi %parallel_loop3A_144, %parallel_loop3A_386 : i32
        %parallel_loop3A_388 = arith.index_cast %parallel_loop3A_387 : i32 to index
        %parallel_loop3A_389 = arith.constant 0 : index
        %parallel_loop3A_390 = tpu.vector_load %arg11[%parallel_loop3A_388, %parallel_loop3A_389] {strides = array<i32>} : memref<160x128xf32, #tpu.memory_space<vmem>>, vector<16xf32>,
        %parallel_loop3A_391 = arith.mulf %parallel_loop3A_385, %parallel_loop3A_390 : vector<16xf32>
        %parallel_loop3A_392 = arith.mulf %parallel_loop3A_391, %get3A_5 : vector<16xf32>
        %parallel_loop3A_393 = arith.addf %parallel_loop3A_378, %parallel_loop3A_392 : vector<16xf32>
        %parallel_loop3A_394 = arith.constant 2 : i32
        %parallel_loop3A_395 = arith.addi %parallel_loop3A_144, %parallel_loop3A_394 : i32
        %parallel_loop3A_396 = arith.index_cast %parallel_loop3A_395 : i32 to index
        %parallel_loop3A_397 = arith.constant 16 : index
        %parallel_loop3A_398 = tpu.vector_load %arg10[%parallel_loop3A_396, %parallel_loop3A_397] {strides = array<i32>} : memref<160x128xf32, #tpu.memory_space<vmem>>, vector<16xf32>,
        %parallel_loop3A_399 = arith.constant 2 : i32
        %parallel_loop3A_400 = arith.addi %parallel_loop3A_144, %parallel_loop3A_399 : i32
        %parallel_loop3A_401 = arith.index_cast %parallel_loop3A_400 : i32 to index
        %parallel_loop3A_402 = arith.constant 16 : index
        %parallel_loop3A_403 = tpu.vector_load %arg11[%parallel_loop3A_401, %parallel_loop3A_402] {strides = array<i32>} : memref<160x128xf32, #tpu.memory_space<vmem>>, vector<16xf32>,
        %parallel_loop3A_404 = arith.mulf %parallel_loop3A_398, %parallel_loop3A_403 : vector<16xf32>
        %parallel_loop3A_405 = arith.mulf %parallel_loop3A_404, %get3A_7 : vector<16xf32>
        %parallel_loop3A_406 = arith.addf %parallel_loop3A_393, %parallel_loop3A_405 : vector<16xf32>
        %parallel_loop3A_407 = arith.constant 2 : i32
        %parallel_loop3A_408 = arith.addi %parallel_loop3A_144, %parallel_loop3A_407 : i32
        %parallel_loop3A_409 = arith.index_cast %parallel_loop3A_408 : i32 to index
        %parallel_loop3A_410 = arith.constant 32 : index
        %parallel_loop3A_411 = tpu.vector_load %arg10[%parallel_loop3A_409, %parallel_loop3A_410] {strides = array<i32>} : memref<160x128xf32, #tpu.memory_space<vmem>>, vector<16xf32>,
        %parallel_loop3A_412 = arith.constant 2 : i32
        %parallel_loop3A_413 = arith.addi %parallel_loop3A_144, %parallel_loop3A_412 : i32
        %parallel_loop3A_414 = arith.index_cast %parallel_loop3A_413 : i32 to index
        %parallel_loop3A_415 = arith.constant 32 : index
        %parallel_loop3A_416 = tpu.vector_load %arg11[%parallel_loop3A_414, %parallel_loop3A_415] {strides = array<i32>} : memref<160x128xf32, #tpu.memory_space<vmem>>, vector<16xf32>,
        %parallel_loop3A_417 = arith.mulf %parallel_loop3A_411, %parallel_loop3A_416 : vector<16xf32>
        %parallel_loop3A_418 = arith.mulf %parallel_loop3A_417, %get3A_9 : vector<16xf32>
        %parallel_loop3A_419 = arith.addf %parallel_loop3A_406, %parallel_loop3A_418 : vector<16xf32>
        %parallel_loop3A_420 = arith.constant 2 : i32
        %parallel_loop3A_421 = arith.addi %parallel_loop3A_144, %parallel_loop3A_420 : i32
        %parallel_loop3A_422 = arith.index_cast %parallel_loop3A_421 : i32 to index
        %parallel_loop3A_423 = arith.constant 48 : index
        %parallel_loop3A_424 = tpu.vector_load %arg10[%parallel_loop3A_422, %parallel_loop3A_423] {strides = array<i32>} : memref<160x128xf32, #tpu.memory_space<vmem>>, vector<16xf32>,
        %parallel_loop3A_425 = arith.constant 2 : i32
        %parallel_loop3A_426 = arith.addi %parallel_loop3A_144, %parallel_loop3A_425 : i32
        %parallel_loop3A_427 = arith.index_cast %parallel_loop3A_426 : i32 to index
        %parallel_loop3A_428 = arith.constant 48 : index
        %parallel_loop3A_429 = tpu.vector_load %arg11[%parallel_loop3A_427, %parallel_loop3A_428] {strides = array<i32>} : memref<160x128xf32, #tpu.memory_space<vmem>>, vector<16xf32>,
        %parallel_loop3A_430 = arith.mulf %parallel_loop3A_424, %parallel_loop3A_429 : vector<16xf32>
        %parallel_loop3A_431 = arith.mulf %parallel_loop3A_430, %get3A_11 : vector<16xf32>
        %parallel_loop3A_432 = arith.addf %parallel_loop3A_419, %parallel_loop3A_431 : vector<16xf32>
        %parallel_loop3A_433 = arith.constant 2 : i32
        %parallel_loop3A_434 = arith.addi %parallel_loop3A_144, %parallel_loop3A_433 : i32
        %parallel_loop3A_435 = arith.index_cast %parallel_loop3A_434 : i32 to index
        %parallel_loop3A_436 = arith.constant 64 : index
        %parallel_loop3A_437 = tpu.vector_load %arg10[%parallel_loop3A_435, %parallel_loop3A_436] {strides = array<i32>} : memref<160x128xf32, #tpu.memory_space<vmem>>, vector<16xf32>,
        %parallel_loop3A_438 = arith.constant 2 : i32
        %parallel_loop3A_439 = arith.addi %parallel_loop3A_144, %parallel_loop3A_438 : i32
        %parallel_loop3A_440 = arith.index_cast %parallel_loop3A_439 : i32 to index
        %parallel_loop3A_441 = arith.constant 64 : index
        %parallel_loop3A_442 = tpu.vector_load %arg11[%parallel_loop3A_440, %parallel_loop3A_441] {strides = array<i32>} : memref<160x128xf32, #tpu.memory_space<vmem>>, vector<16xf32>,
        %parallel_loop3A_443 = arith.mulf %parallel_loop3A_437, %parallel_loop3A_442 : vector<16xf32>
        %parallel_loop3A_444 = arith.mulf %parallel_loop3A_443, %get3A_13 : vector<16xf32>
        %parallel_loop3A_445 = arith.addf %parallel_loop3A_380, %parallel_loop3A_444 : vector<16xf32>
        %parallel_loop3A_446 = arith.constant 2 : i32
        %parallel_loop3A_447 = arith.addi %parallel_loop3A_144, %parallel_loop3A_446 : i32
        %parallel_loop3A_448 = arith.index_cast %parallel_loop3A_447 : i32 to index
        %parallel_loop3A_449 = arith.constant 80 : index
        %parallel_loop3A_450 = tpu.vector_load %arg10[%parallel_loop3A_448, %parallel_loop3A_449] {strides = array<i32>} : memref<160x128xf32, #tpu.memory_space<vmem>>, vector<16xf32>,
        %parallel_loop3A_451 = arith.constant 2 : i32
        %parallel_loop3A_452 = arith.addi %parallel_loop3A_144, %parallel_loop3A_451 : i32
        %parallel_loop3A_453 = arith.index_cast %parallel_loop3A_452 : i32 to index
        %parallel_loop3A_454 = arith.constant 80 : index
        %parallel_loop3A_455 = tpu.vector_load %arg11[%parallel_loop3A_453, %parallel_loop3A_454] {strides = array<i32>} : memref<160x128xf32, #tpu.memory_space<vmem>>, vector<16xf32>,
        %parallel_loop3A_456 = arith.mulf %parallel_loop3A_450, %parallel_loop3A_455 : vector<16xf32>
        %parallel_loop3A_457 = arith.mulf %parallel_loop3A_456, %get3A_15 : vector<16xf32>
        %parallel_loop3A_458 = arith.addf %parallel_loop3A_445, %parallel_loop3A_457 : vector<16xf32>
        %parallel_loop3A_459 = arith.constant 2 : i32
        %parallel_loop3A_460 = arith.addi %parallel_loop3A_144, %parallel_loop3A_459 : i32
        %parallel_loop3A_461 = arith.index_cast %parallel_loop3A_460 : i32 to index
        %parallel_loop3A_462 = arith.constant 96 : index
        %parallel_loop3A_463 = tpu.vector_load %arg10[%parallel_loop3A_461, %parallel_loop3A_462] {strides = array<i32>} : memref<160x128xf32, #tpu.memory_space<vmem>>, vector<16xf32>,
        %parallel_loop3A_464 = arith.constant 2 : i32
        %parallel_loop3A_465 = arith.addi %parallel_loop3A_144, %parallel_loop3A_464 : i32
        %parallel_loop3A_466 = arith.index_cast %parallel_loop3A_465 : i32 to index
        %parallel_loop3A_467 = arith.constant 96 : index
        %parallel_loop3A_468 = tpu.vector_load %arg11[%parallel_loop3A_466, %parallel_loop3A_467] {strides = array<i32>} : memref<160x128xf32, #tpu.memory_space<vmem>>, vector<16xf32>,
        %parallel_loop3A_469 = arith.mulf %parallel_loop3A_463, %parallel_loop3A_468 : vector<16xf32>
        %parallel_loop3A_470 = arith.mulf %parallel_loop3A_469, %get3A_17 : vector<16xf32>
        %parallel_loop3A_471 = arith.addf %parallel_loop3A_458, %parallel_loop3A_470 : vector<16xf32>
        %parallel_loop3A_472 = arith.constant 2 : i32
        %parallel_loop3A_473 = arith.addi %parallel_loop3A_144, %parallel_loop3A_472 : i32
        %parallel_loop3A_474 = arith.index_cast %parallel_loop3A_473 : i32 to index
        %parallel_loop3A_475 = arith.constant 112 : index
        %parallel_loop3A_476 = tpu.vector_load %arg10[%parallel_loop3A_474, %parallel_loop3A_475] {strides = array<i32>} : memref<160x128xf32, #tpu.memory_space<vmem>>, vector<16xf32>,
        %parallel_loop3A_477 = arith.constant 2 : i32
        %parallel_loop3A_478 = arith.addi %parallel_loop3A_144, %parallel_loop3A_477 : i32
        %parallel_loop3A_479 = arith.index_cast %parallel_loop3A_478 : i32 to index
        %parallel_loop3A_480 = arith.constant 112 : index
        %parallel_loop3A_481 = tpu.vector_load %arg11[%parallel_loop3A_479, %parallel_loop3A_480] {strides = array<i32>} : memref<160x128xf32, #tpu.memory_space<vmem>>, vector<16xf32>,
        %parallel_loop3A_482 = arith.mulf %parallel_loop3A_476, %parallel_loop3A_481 : vector<16xf32>
        %parallel_loop3A_483 = arith.mulf %parallel_loop3A_482, %get3A_19 : vector<16xf32>
        %parallel_loop3A_484 = arith.addf %parallel_loop3A_471, %parallel_loop3A_483 : vector<16xf32>
        %parallel_loop3A_485 = arith.addf %parallel_loop3A_432, %parallel_loop3A_484 : vector<16xf32>
        %parallel_loop3A_486 = arith.constant true
        %parallel_loop3A_487 = vector.broadcast %parallel_loop3A_486 : i1 to vector<16xi1>
        %parallel_loop3A_488 = tpu.scan <sum>, %parallel_loop3A_485 masked %parallel_loop3A_487 : vector<16xf32>, vector<16xi1> -> vector<16xf32>
        %parallel_loop3A_489 = vector.extract_strided_slice %parallel_loop3A_488 {offsets = [15], sizes = [1], strides = [1]} : vector<16xf32> to vector<1xf32>
        %parallel_loop3A_490 = vector.extract %parallel_loop3A_489[0] : f32 from vector<1xf32>
        %parallel_loop3A_491 = vector.broadcast %parallel_loop3A_490 : f32 to vector<16xf32>
        %parallel_loop3A_492 = arith.mulf %parallel_loop3A_491, %convert_element_type3A_32 : vector<16xf32>
        %parallel_loop3A_493 = arith.constant 0.000000e+00 : f32
        %parallel_loop3A_494 = vector.broadcast %parallel_loop3A_493 : f32 to vector<16xf32>
        %parallel_loop3A_495 = arith.constant 0.000000e+00 : f32
        %parallel_loop3A_496 = vector.broadcast %parallel_loop3A_495 : f32 to vector<16xf32>
        %parallel_loop3A_497 = arith.constant 3 : i32
        %parallel_loop3A_498 = arith.addi %parallel_loop3A_144, %parallel_loop3A_497 : i32
        %parallel_loop3A_499 = arith.index_cast %parallel_loop3A_498 : i32 to index
        %parallel_loop3A_500 = arith.constant 0 : index
        %parallel_loop3A_501 = tpu.vector_load %arg10[%parallel_loop3A_499, %parallel_loop3A_500] {strides = array<i32>} : memref<160x128xf32, #tpu.memory_space<vmem>>, vector<16xf32>,
        %parallel_loop3A_502 = arith.constant 3 : i32
        %parallel_loop3A_503 = arith.addi %parallel_loop3A_144, %parallel_loop3A_502 : i32
        %parallel_loop3A_504 = arith.index_cast %parallel_loop3A_503 : i32 to index
        %parallel_loop3A_505 = arith.constant 0 : index
        %parallel_loop3A_506 = tpu.vector_load %arg11[%parallel_loop3A_504, %parallel_loop3A_505] {strides = array<i32>} : memref<160x128xf32, #tpu.memory_space<vmem>>, vector<16xf32>,
        %parallel_loop3A_507 = arith.mulf %parallel_loop3A_501, %parallel_loop3A_506 : vector<16xf32>
        %parallel_loop3A_508 = arith.mulf %parallel_loop3A_507, %get3A_5 : vector<16xf32>
        %parallel_loop3A_509 = arith.addf %parallel_loop3A_494, %parallel_loop3A_508 : vector<16xf32>
        %parallel_loop3A_510 = arith.constant 3 : i32
        %parallel_loop3A_511 = arith.addi %parallel_loop3A_144, %parallel_loop3A_510 : i32
        %parallel_loop3A_512 = arith.index_cast %parallel_loop3A_511 : i32 to index
        %parallel_loop3A_513 = arith.constant 16 : index
        %parallel_loop3A_514 = tpu.vector_load %arg10[%parallel_loop3A_512, %parallel_loop3A_513] {strides = array<i32>} : memref<160x128xf32, #tpu.memory_space<vmem>>, vector<16xf32>,
        %parallel_loop3A_515 = arith.constant 3 : i32
        %parallel_loop3A_516 = arith.addi %parallel_loop3A_144, %parallel_loop3A_515 : i32
        %parallel_loop3A_517 = arith.index_cast %parallel_loop3A_516 : i32 to index
        %parallel_loop3A_518 = arith.constant 16 : index
        %parallel_loop3A_519 = tpu.vector_load %arg11[%parallel_loop3A_517, %parallel_loop3A_518] {strides = array<i32>} : memref<160x128xf32, #tpu.memory_space<vmem>>, vector<16xf32>,
        %parallel_loop3A_520 = arith.mulf %parallel_loop3A_514, %parallel_loop3A_519 : vector<16xf32>
        %parallel_loop3A_521 = arith.mulf %parallel_loop3A_520, %get3A_7 : vector<16xf32>
        %parallel_loop3A_522 = arith.addf %parallel_loop3A_509, %parallel_loop3A_521 : vector<16xf32>
        %parallel_loop3A_523 = arith.constant 3 : i32
        %parallel_loop3A_524 = arith.addi %parallel_loop3A_144, %parallel_loop3A_523 : i32
        %parallel_loop3A_525 = arith.index_cast %parallel_loop3A_524 : i32 to index
        %parallel_loop3A_526 = arith.constant 32 : index
        %parallel_loop3A_527 = tpu.vector_load %arg10[%parallel_loop3A_525, %parallel_loop3A_526] {strides = array<i32>} : memref<160x128xf32, #tpu.memory_space<vmem>>, vector<16xf32>,
        %parallel_loop3A_528 = arith.constant 3 : i32
        %parallel_loop3A_529 = arith.addi %parallel_loop3A_144, %parallel_loop3A_528 : i32
        %parallel_loop3A_530 = arith.index_cast %parallel_loop3A_529 : i32 to index
        %parallel_loop3A_531 = arith.constant 32 : index
        %parallel_loop3A_532 = tpu.vector_load %arg11[%parallel_loop3A_530, %parallel_loop3A_531] {strides = array<i32>} : memref<160x128xf32, #tpu.memory_space<vmem>>, vector<16xf32>,
        %parallel_loop3A_533 = arith.mulf %parallel_loop3A_527, %parallel_loop3A_532 : vector<16xf32>
        %parallel_loop3A_534 = arith.mulf %parallel_loop3A_533, %get3A_9 : vector<16xf32>
        %parallel_loop3A_535 = arith.addf %parallel_loop3A_522, %parallel_loop3A_534 : vector<16xf32>
        %parallel_loop3A_536 = arith.constant 3 : i32
        %parallel_loop3A_537 = arith.addi %parallel_loop3A_144, %parallel_loop3A_536 : i32
        %parallel_loop3A_538 = arith.index_cast %parallel_loop3A_537 : i32 to index
        %parallel_loop3A_539 = arith.constant 48 : index
        %parallel_loop3A_540 = tpu.vector_load %arg10[%parallel_loop3A_538, %parallel_loop3A_539] {strides = array<i32>} : memref<160x128xf32, #tpu.memory_space<vmem>>, vector<16xf32>,
        %parallel_loop3A_541 = arith.constant 3 : i32
        %parallel_loop3A_542 = arith.addi %parallel_loop3A_144, %parallel_loop3A_541 : i32
        %parallel_loop3A_543 = arith.index_cast %parallel_loop3A_542 : i32 to index
        %parallel_loop3A_544 = arith.constant 48 : index
        %parallel_loop3A_545 = tpu.vector_load %arg11[%parallel_loop3A_543, %parallel_loop3A_544] {strides = array<i32>} : memref<160x128xf32, #tpu.memory_space<vmem>>, vector<16xf32>,
        %parallel_loop3A_546 = arith.mulf %parallel_loop3A_540, %parallel_loop3A_545 : vector<16xf32>
        %parallel_loop3A_547 = arith.mulf %parallel_loop3A_546, %get3A_11 : vector<16xf32>
        %parallel_loop3A_548 = arith.addf %parallel_loop3A_535, %parallel_loop3A_547 : vector<16xf32>
        %parallel_loop3A_549 = arith.constant 3 : i32
        %parallel_loop3A_550 = arith.addi %parallel_loop3A_144, %parallel_loop3A_549 : i32
        %parallel_loop3A_551 = arith.index_cast %parallel_loop3A_550 : i32 to index
        %parallel_loop3A_552 = arith.constant 64 : index
        %parallel_loop3A_553 = tpu.vector_load %arg10[%parallel_loop3A_551, %parallel_loop3A_552] {strides = array<i32>} : memref<160x128xf32, #tpu.memory_space<vmem>>, vector<16xf32>,
        %parallel_loop3A_554 = arith.constant 3 : i32
        %parallel_loop3A_555 = arith.addi %parallel_loop3A_144, %parallel_loop3A_554 : i32
        %parallel_loop3A_556 = arith.index_cast %parallel_loop3A_555 : i32 to index
        %parallel_loop3A_557 = arith.constant 64 : index
        %parallel_loop3A_558 = tpu.vector_load %arg11[%parallel_loop3A_556, %parallel_loop3A_557] {strides = array<i32>} : memref<160x128xf32, #tpu.memory_space<vmem>>, vector<16xf32>,
        %parallel_loop3A_559 = arith.mulf %parallel_loop3A_553, %parallel_loop3A_558 : vector<16xf32>
        %parallel_loop3A_560 = arith.mulf %parallel_loop3A_559, %get3A_13 : vector<16xf32>
        %parallel_loop3A_561 = arith.addf %parallel_loop3A_496, %parallel_loop3A_560 : vector<16xf32>
        %parallel_loop3A_562 = arith.constant 3 : i32
        %parallel_loop3A_563 = arith.addi %parallel_loop3A_144, %parallel_loop3A_562 : i32
        %parallel_loop3A_564 = arith.index_cast %parallel_loop3A_563 : i32 to index
        %parallel_loop3A_565 = arith.constant 80 : index
        %parallel_loop3A_566 = tpu.vector_load %arg10[%parallel_loop3A_564, %parallel_loop3A_565] {strides = array<i32>} : memref<160x128xf32, #tpu.memory_space<vmem>>, vector<16xf32>,
        %parallel_loop3A_567 = arith.constant 3 : i32
        %parallel_loop3A_568 = arith.addi %parallel_loop3A_144, %parallel_loop3A_567 : i32
        %parallel_loop3A_569 = arith.index_cast %parallel_loop3A_568 : i32 to index
        %parallel_loop3A_570 = arith.constant 80 : index
        %parallel_loop3A_571 = tpu.vector_load %arg11[%parallel_loop3A_569, %parallel_loop3A_570] {strides = array<i32>} : memref<160x128xf32, #tpu.memory_space<vmem>>, vector<16xf32>,
        %parallel_loop3A_572 = arith.mulf %parallel_loop3A_566, %parallel_loop3A_571 : vector<16xf32>
        %parallel_loop3A_573 = arith.mulf %parallel_loop3A_572, %get3A_15 : vector<16xf32>
        %parallel_loop3A_574 = arith.addf %parallel_loop3A_561, %parallel_loop3A_573 : vector<16xf32>
        %parallel_loop3A_575 = arith.constant 3 : i32
        %parallel_loop3A_576 = arith.addi %parallel_loop3A_144, %parallel_loop3A_575 : i32
        %parallel_loop3A_577 = arith.index_cast %parallel_loop3A_576 : i32 to index
        %parallel_loop3A_578 = arith.constant 96 : index
        %parallel_loop3A_579 = tpu.vector_load %arg10[%parallel_loop3A_577, %parallel_loop3A_578] {strides = array<i32>} : memref<160x128xf32, #tpu.memory_space<vmem>>, vector<16xf32>,
        %parallel_loop3A_580 = arith.constant 3 : i32
        %parallel_loop3A_581 = arith.addi %parallel_loop3A_144, %parallel_loop3A_580 : i32
        %parallel_loop3A_582 = arith.index_cast %parallel_loop3A_581 : i32 to index
        %parallel_loop3A_583 = arith.constant 96 : index
        %parallel_loop3A_584 = tpu.vector_load %arg11[%parallel_loop3A_582, %parallel_loop3A_583] {strides = array<i32>} : memref<160x128xf32, #tpu.memory_space<vmem>>, vector<16xf32>,
        %parallel_loop3A_585 = arith.mulf %parallel_loop3A_579, %parallel_loop3A_584 : vector<16xf32>
        %parallel_loop3A_586 = arith.mulf %parallel_loop3A_585, %get3A_17 : vector<16xf32>
        %parallel_loop3A_587 = arith.addf %parallel_loop3A_574, %parallel_loop3A_586 : vector<16xf32>
        %parallel_loop3A_588 = arith.constant 3 : i32
        %parallel_loop3A_589 = arith.addi %parallel_loop3A_144, %parallel_loop3A_588 : i32
        %parallel_loop3A_590 = arith.index_cast %parallel_loop3A_589 : i32 to index
        %parallel_loop3A_591 = arith.constant 112 : index
        %parallel_loop3A_592 = tpu.vector_load %arg10[%parallel_loop3A_590, %parallel_loop3A_591] {strides = array<i32>} : memref<160x128xf32, #tpu.memory_space<vmem>>, vector<16xf32>,
        %parallel_loop3A_593 = arith.constant 3 : i32
        %parallel_loop3A_594 = arith.addi %parallel_loop3A_144, %parallel_loop3A_593 : i32
        %parallel_loop3A_595 = arith.index_cast %parallel_loop3A_594 : i32 to index
        %parallel_loop3A_596 = arith.constant 112 : index
        %parallel_loop3A_597 = tpu.vector_load %arg11[%parallel_loop3A_595, %parallel_loop3A_596] {strides = array<i32>} : memref<160x128xf32, #tpu.memory_space<vmem>>, vector<16xf32>,
        %parallel_loop3A_598 = arith.mulf %parallel_loop3A_592, %parallel_loop3A_597 : vector<16xf32>
        %parallel_loop3A_599 = arith.mulf %parallel_loop3A_598, %get3A_19 : vector<16xf32>
        %parallel_loop3A_600 = arith.addf %parallel_loop3A_587, %parallel_loop3A_599 : vector<16xf32>
        %parallel_loop3A_601 = arith.addf %parallel_loop3A_548, %parallel_loop3A_600 : vector<16xf32>
        %parallel_loop3A_602 = arith.constant true
        %parallel_loop3A_603 = vector.broadcast %parallel_loop3A_602 : i1 to vector<16xi1>
        %parallel_loop3A_604 = tpu.scan <sum>, %parallel_loop3A_601 masked %parallel_loop3A_603 : vector<16xf32>, vector<16xi1> -> vector<16xf32>
        %parallel_loop3A_605 = vector.extract_strided_slice %parallel_loop3A_604 {offsets = [15], sizes = [1], strides = [1]} : vector<16xf32> to vector<1xf32>
        %parallel_loop3A_606 = vector.extract %parallel_loop3A_605[0] : f32 from vector<1xf32>
        %parallel_loop3A_607 = vector.broadcast %parallel_loop3A_606 : f32 to vector<16xf32>
        %parallel_loop3A_608 = arith.mulf %parallel_loop3A_607, %convert_element_type3A_37 : vector<16xf32>
        %parallel_loop3A_609 = arith.constant 0.000000e+00 : f32
        %parallel_loop3A_610 = vector.broadcast %parallel_loop3A_609 : f32 to vector<16xf32>
        %parallel_loop3A_611 = arith.constant 0.000000e+00 : f32
        %parallel_loop3A_612 = vector.broadcast %parallel_loop3A_611 : f32 to vector<16xf32>
        %parallel_loop3A_613 = arith.constant 4 : i32
        %parallel_loop3A_614 = arith.addi %parallel_loop3A_144, %parallel_loop3A_613 : i32
        %parallel_loop3A_615 = arith.index_cast %parallel_loop3A_614 : i32 to index
        %parallel_loop3A_616 = arith.constant 0 : index
        %parallel_loop3A_617 = tpu.vector_load %arg10[%parallel_loop3A_615, %parallel_loop3A_616] {strides = array<i32>} : memref<160x128xf32, #tpu.memory_space<vmem>>, vector<16xf32>,
        %parallel_loop3A_618 = arith.constant 4 : i32
        %parallel_loop3A_619 = arith.addi %parallel_loop3A_144, %parallel_loop3A_618 : i32
        %parallel_loop3A_620 = arith.index_cast %parallel_loop3A_619 : i32 to index
        %parallel_loop3A_621 = arith.constant 0 : index
        %parallel_loop3A_622 = tpu.vector_load %arg11[%parallel_loop3A_620, %parallel_loop3A_621] {strides = array<i32>} : memref<160x128xf32, #tpu.memory_space<vmem>>, vector<16xf32>,
        %parallel_loop3A_623 = arith.mulf %parallel_loop3A_617, %parallel_loop3A_622 : vector<16xf32>
        %parallel_loop3A_624 = arith.mulf %parallel_loop3A_623, %get3A_5 : vector<16xf32>
        %parallel_loop3A_625 = arith.addf %parallel_loop3A_610, %parallel_loop3A_624 : vector<16xf32>
        %parallel_loop3A_626 = arith.constant 4 : i32
        %parallel_loop3A_627 = arith.addi %parallel_loop3A_144, %parallel_loop3A_626 : i32
        %parallel_loop3A_628 = arith.index_cast %parallel_loop3A_627 : i32 to index
        %parallel_loop3A_629 = arith.constant 16 : index
        %parallel_loop3A_630 = tpu.vector_load %arg10[%parallel_loop3A_628, %parallel_loop3A_629] {strides = array<i32>} : memref<160x128xf32, #tpu.memory_space<vmem>>, vector<16xf32>,
        %parallel_loop3A_631 = arith.constant 4 : i32
        %parallel_loop3A_632 = arith.addi %parallel_loop3A_144, %parallel_loop3A_631 : i32
        %parallel_loop3A_633 = arith.index_cast %parallel_loop3A_632 : i32 to index
        %parallel_loop3A_634 = arith.constant 16 : index
        %parallel_loop3A_635 = tpu.vector_load %arg11[%parallel_loop3A_633, %parallel_loop3A_634] {strides = array<i32>} : memref<160x128xf32, #tpu.memory_space<vmem>>, vector<16xf32>,
        %parallel_loop3A_636 = arith.mulf %parallel_loop3A_630, %parallel_loop3A_635 : vector<16xf32>
        %parallel_loop3A_637 = arith.mulf %parallel_loop3A_636, %get3A_7 : vector<16xf32>
        %parallel_loop3A_638 = arith.addf %parallel_loop3A_625, %parallel_loop3A_637 : vector<16xf32>
        %parallel_loop3A_639 = arith.constant 4 : i32
        %parallel_loop3A_640 = arith.addi %parallel_loop3A_144, %parallel_loop3A_639 : i32
        %parallel_loop3A_641 = arith.index_cast %parallel_loop3A_640 : i32 to index
        %parallel_loop3A_642 = arith.constant 32 : index
        %parallel_loop3A_643 = tpu.vector_load %arg10[%parallel_loop3A_641, %parallel_loop3A_642] {strides = array<i32>} : memref<160x128xf32, #tpu.memory_space<vmem>>, vector<16xf32>,
        %parallel_loop3A_644 = arith.constant 4 : i32
        %parallel_loop3A_645 = arith.addi %parallel_loop3A_144, %parallel_loop3A_644 : i32
        %parallel_loop3A_646 = arith.index_cast %parallel_loop3A_645 : i32 to index
        %parallel_loop3A_647 = arith.constant 32 : index
        %parallel_loop3A_648 = tpu.vector_load %arg11[%parallel_loop3A_646, %parallel_loop3A_647] {strides = array<i32>} : memref<160x128xf32, #tpu.memory_space<vmem>>, vector<16xf32>,
        %parallel_loop3A_649 = arith.mulf %parallel_loop3A_643, %parallel_loop3A_648 : vector<16xf32>
        %parallel_loop3A_650 = arith.mulf %parallel_loop3A_649, %get3A_9 : vector<16xf32>
        %parallel_loop3A_651 = arith.addf %parallel_loop3A_638, %parallel_loop3A_650 : vector<16xf32>
        %parallel_loop3A_652 = arith.constant 4 : i32
        %parallel_loop3A_653 = arith.addi %parallel_loop3A_144, %parallel_loop3A_652 : i32
        %parallel_loop3A_654 = arith.index_cast %parallel_loop3A_653 : i32 to index
        %parallel_loop3A_655 = arith.constant 48 : index
        %parallel_loop3A_656 = tpu.vector_load %arg10[%parallel_loop3A_654, %parallel_loop3A_655] {strides = array<i32>} : memref<160x128xf32, #tpu.memory_space<vmem>>, vector<16xf32>,
        %parallel_loop3A_657 = arith.constant 4 : i32
        %parallel_loop3A_658 = arith.addi %parallel_loop3A_144, %parallel_loop3A_657 : i32
        %parallel_loop3A_659 = arith.index_cast %parallel_loop3A_658 : i32 to index
        %parallel_loop3A_660 = arith.constant 48 : index
        %parallel_loop3A_661 = tpu.vector_load %arg11[%parallel_loop3A_659, %parallel_loop3A_660] {strides = array<i32>} : memref<160x128xf32, #tpu.memory_space<vmem>>, vector<16xf32>,
        %parallel_loop3A_662 = arith.mulf %parallel_loop3A_656, %parallel_loop3A_661 : vector<16xf32>
        %parallel_loop3A_663 = arith.mulf %parallel_loop3A_662, %get3A_11 : vector<16xf32>
        %parallel_loop3A_664 = arith.addf %parallel_loop3A_651, %parallel_loop3A_663 : vector<16xf32>
        %parallel_loop3A_665 = arith.constant 4 : i32
        %parallel_loop3A_666 = arith.addi %parallel_loop3A_144, %parallel_loop3A_665 : i32
        %parallel_loop3A_667 = arith.index_cast %parallel_loop3A_666 : i32 to index
        %parallel_loop3A_668 = arith.constant 64 : index
        %parallel_loop3A_669 = tpu.vector_load %arg10[%parallel_loop3A_667, %parallel_loop3A_668] {strides = array<i32>} : memref<160x128xf32, #tpu.memory_space<vmem>>, vector<16xf32>,
        %parallel_loop3A_670 = arith.constant 4 : i32
        %parallel_loop3A_671 = arith.addi %parallel_loop3A_144, %parallel_loop3A_670 : i32
        %parallel_loop3A_672 = arith.index_cast %parallel_loop3A_671 : i32 to index
        %parallel_loop3A_673 = arith.constant 64 : index
        %parallel_loop3A_674 = tpu.vector_load %arg11[%parallel_loop3A_672, %parallel_loop3A_673] {strides = array<i32>} : memref<160x128xf32, #tpu.memory_space<vmem>>, vector<16xf32>,
        %parallel_loop3A_675 = arith.mulf %parallel_loop3A_669, %parallel_loop3A_674 : vector<16xf32>
        %parallel_loop3A_676 = arith.mulf %parallel_loop3A_675, %get3A_13 : vector<16xf32>
        %parallel_loop3A_677 = arith.addf %parallel_loop3A_612, %parallel_loop3A_676 : vector<16xf32>
        %parallel_loop3A_678 = arith.constant 4 : i32
        %parallel_loop3A_679 = arith.addi %parallel_loop3A_144, %parallel_loop3A_678 : i32
        %parallel_loop3A_680 = arith.index_cast %parallel_loop3A_679 : i32 to index
        %parallel_loop3A_681 = arith.constant 80 : index
        %parallel_loop3A_682 = tpu.vector_load %arg10[%parallel_loop3A_680, %parallel_loop3A_681] {strides = array<i32>} : memref<160x128xf32, #tpu.memory_space<vmem>>, vector<16xf32>,
        %parallel_loop3A_683 = arith.constant 4 : i32
        %parallel_loop3A_684 = arith.addi %parallel_loop3A_144, %parallel_loop3A_683 : i32
        %parallel_loop3A_685 = arith.index_cast %parallel_loop3A_684 : i32 to index
        %parallel_loop3A_686 = arith.constant 80 : index
        %parallel_loop3A_687 = tpu.vector_load %arg11[%parallel_loop3A_685, %parallel_loop3A_686] {strides = array<i32>} : memref<160x128xf32, #tpu.memory_space<vmem>>, vector<16xf32>,
        %parallel_loop3A_688 = arith.mulf %parallel_loop3A_682, %parallel_loop3A_687 : vector<16xf32>
        %parallel_loop3A_689 = arith.mulf %parallel_loop3A_688, %get3A_15 : vector<16xf32>
        %parallel_loop3A_690 = arith.addf %parallel_loop3A_677, %parallel_loop3A_689 : vector<16xf32>
        %parallel_loop3A_691 = arith.constant 4 : i32
        %parallel_loop3A_692 = arith.addi %parallel_loop3A_144, %parallel_loop3A_691 : i32
        %parallel_loop3A_693 = arith.index_cast %parallel_loop3A_692 : i32 to index
        %parallel_loop3A_694 = arith.constant 96 : index
        %parallel_loop3A_695 = tpu.vector_load %arg10[%parallel_loop3A_693, %parallel_loop3A_694] {strides = array<i32>} : memref<160x128xf32, #tpu.memory_space<vmem>>, vector<16xf32>,
        %parallel_loop3A_696 = arith.constant 4 : i32
        %parallel_loop3A_697 = arith.addi %parallel_loop3A_144, %parallel_loop3A_696 : i32
        %parallel_loop3A_698 = arith.index_cast %parallel_loop3A_697 : i32 to index
        %parallel_loop3A_699 = arith.constant 96 : index
        %parallel_loop3A_700 = tpu.vector_load %arg11[%parallel_loop3A_698, %parallel_loop3A_699] {strides = array<i32>} : memref<160x128xf32, #tpu.memory_space<vmem>>, vector<16xf32>,
        %parallel_loop3A_701 = arith.mulf %parallel_loop3A_695, %parallel_loop3A_700 : vector<16xf32>
        %parallel_loop3A_702 = arith.mulf %parallel_loop3A_701, %get3A_17 : vector<16xf32>
        %parallel_loop3A_703 = arith.addf %parallel_loop3A_690, %parallel_loop3A_702 : vector<16xf32>
        %parallel_loop3A_704 = arith.constant 4 : i32
        %parallel_loop3A_705 = arith.addi %parallel_loop3A_144, %parallel_loop3A_704 : i32
        %parallel_loop3A_706 = arith.index_cast %parallel_loop3A_705 : i32 to index
        %parallel_loop3A_707 = arith.constant 112 : index
        %parallel_loop3A_708 = tpu.vector_load %arg10[%parallel_loop3A_706, %parallel_loop3A_707] {strides = array<i32>} : memref<160x128xf32, #tpu.memory_space<vmem>>, vector<16xf32>,
        %parallel_loop3A_709 = arith.constant 4 : i32
        %parallel_loop3A_710 = arith.addi %parallel_loop3A_144, %parallel_loop3A_709 : i32
        %parallel_loop3A_711 = arith.index_cast %parallel_loop3A_710 : i32 to index
        %parallel_loop3A_712 = arith.constant 112 : index
        %parallel_loop3A_713 = tpu.vector_load %arg11[%parallel_loop3A_711, %parallel_loop3A_712] {strides = array<i32>} : memref<160x128xf32, #tpu.memory_space<vmem>>, vector<16xf32>,
        %parallel_loop3A_714 = arith.mulf %parallel_loop3A_708, %parallel_loop3A_713 : vector<16xf32>
        %parallel_loop3A_715 = arith.mulf %parallel_loop3A_714, %get3A_19 : vector<16xf32>
        %parallel_loop3A_716 = arith.addf %parallel_loop3A_703, %parallel_loop3A_715 : vector<16xf32>
        %parallel_loop3A_717 = arith.addf %parallel_loop3A_664, %parallel_loop3A_716 : vector<16xf32>
        %parallel_loop3A_718 = arith.constant true
        %parallel_loop3A_719 = vector.broadcast %parallel_loop3A_718 : i1 to vector<16xi1>
        %parallel_loop3A_720 = tpu.scan <sum>, %parallel_loop3A_717 masked %parallel_loop3A_719 : vector<16xf32>, vector<16xi1> -> vector<16xf32>
        %parallel_loop3A_721 = vector.extract_strided_slice %parallel_loop3A_720 {offsets = [15], sizes = [1], strides = [1]} : vector<16xf32> to vector<1xf32>
        %parallel_loop3A_722 = vector.extract %parallel_loop3A_721[0] : f32 from vector<1xf32>
        %parallel_loop3A_723 = vector.broadcast %parallel_loop3A_722 : f32 to vector<16xf32>
        %parallel_loop3A_724 = arith.mulf %parallel_loop3A_723, %convert_element_type3A_42 : vector<16xf32>
        %parallel_loop3A_725 = arith.constant 0.000000e+00 : f32
        %parallel_loop3A_726 = vector.broadcast %parallel_loop3A_725 : f32 to vector<16xf32>
        %parallel_loop3A_727 = arith.constant 0.000000e+00 : f32
        %parallel_loop3A_728 = vector.broadcast %parallel_loop3A_727 : f32 to vector<16xf32>
        %parallel_loop3A_729 = arith.constant 5 : i32
        %parallel_loop3A_730 = arith.addi %parallel_loop3A_144, %parallel_loop3A_729 : i32
        %parallel_loop3A_731 = arith.index_cast %parallel_loop3A_730 : i32 to index
        %parallel_loop3A_732 = arith.constant 0 : index
        %parallel_loop3A_733 = tpu.vector_load %arg10[%parallel_loop3A_731, %parallel_loop3A_732] {strides = array<i32>} : memref<160x128xf32, #tpu.memory_space<vmem>>, vector<16xf32>,
        %parallel_loop3A_734 = arith.constant 5 : i32
        %parallel_loop3A_735 = arith.addi %parallel_loop3A_144, %parallel_loop3A_734 : i32
        %parallel_loop3A_736 = arith.index_cast %parallel_loop3A_735 : i32 to index
        %parallel_loop3A_737 = arith.constant 0 : index
        %parallel_loop3A_738 = tpu.vector_load %arg11[%parallel_loop3A_736, %parallel_loop3A_737] {strides = array<i32>} : memref<160x128xf32, #tpu.memory_space<vmem>>, vector<16xf32>,
        %parallel_loop3A_739 = arith.mulf %parallel_loop3A_733, %parallel_loop3A_738 : vector<16xf32>
        %parallel_loop3A_740 = arith.mulf %parallel_loop3A_739, %get3A_5 : vector<16xf32>
        %parallel_loop3A_741 = arith.addf %parallel_loop3A_726, %parallel_loop3A_740 : vector<16xf32>
        %parallel_loop3A_742 = arith.constant 5 : i32
        %parallel_loop3A_743 = arith.addi %parallel_loop3A_144, %parallel_loop3A_742 : i32
        %parallel_loop3A_744 = arith.index_cast %parallel_loop3A_743 : i32 to index
        %parallel_loop3A_745 = arith.constant 16 : index
        %parallel_loop3A_746 = tpu.vector_load %arg10[%parallel_loop3A_744, %parallel_loop3A_745] {strides = array<i32>} : memref<160x128xf32, #tpu.memory_space<vmem>>, vector<16xf32>,
        %parallel_loop3A_747 = arith.constant 5 : i32
        %parallel_loop3A_748 = arith.addi %parallel_loop3A_144, %parallel_loop3A_747 : i32
        %parallel_loop3A_749 = arith.index_cast %parallel_loop3A_748 : i32 to index
        %parallel_loop3A_750 = arith.constant 16 : index
        %parallel_loop3A_751 = tpu.vector_load %arg11[%parallel_loop3A_749, %parallel_loop3A_750] {strides = array<i32>} : memref<160x128xf32, #tpu.memory_space<vmem>>, vector<16xf32>,
        %parallel_loop3A_752 = arith.mulf %parallel_loop3A_746, %parallel_loop3A_751 : vector<16xf32>
        %parallel_loop3A_753 = arith.mulf %parallel_loop3A_752, %get3A_7 : vector<16xf32>
        %parallel_loop3A_754 = arith.addf %parallel_loop3A_741, %parallel_loop3A_753 : vector<16xf32>
        %parallel_loop3A_755 = arith.constant 5 : i32
        %parallel_loop3A_756 = arith.addi %parallel_loop3A_144, %parallel_loop3A_755 : i32
        %parallel_loop3A_757 = arith.index_cast %parallel_loop3A_756 : i32 to index
        %parallel_loop3A_758 = arith.constant 32 : index
        %parallel_loop3A_759 = tpu.vector_load %arg10[%parallel_loop3A_757, %parallel_loop3A_758] {strides = array<i32>} : memref<160x128xf32, #tpu.memory_space<vmem>>, vector<16xf32>,
        %parallel_loop3A_760 = arith.constant 5 : i32
        %parallel_loop3A_761 = arith.addi %parallel_loop3A_144, %parallel_loop3A_760 : i32
        %parallel_loop3A_762 = arith.index_cast %parallel_loop3A_761 : i32 to index
        %parallel_loop3A_763 = arith.constant 32 : index
        %parallel_loop3A_764 = tpu.vector_load %arg11[%parallel_loop3A_762, %parallel_loop3A_763] {strides = array<i32>} : memref<160x128xf32, #tpu.memory_space<vmem>>, vector<16xf32>,
        %parallel_loop3A_765 = arith.mulf %parallel_loop3A_759, %parallel_loop3A_764 : vector<16xf32>
        %parallel_loop3A_766 = arith.mulf %parallel_loop3A_765, %get3A_9 : vector<16xf32>
        %parallel_loop3A_767 = arith.addf %parallel_loop3A_754, %parallel_loop3A_766 : vector<16xf32>
        %parallel_loop3A_768 = arith.constant 5 : i32
        %parallel_loop3A_769 = arith.addi %parallel_loop3A_144, %parallel_loop3A_768 : i32
        %parallel_loop3A_770 = arith.index_cast %parallel_loop3A_769 : i32 to index
        %parallel_loop3A_771 = arith.constant 48 : index
        %parallel_loop3A_772 = tpu.vector_load %arg10[%parallel_loop3A_770, %parallel_loop3A_771] {strides = array<i32>} : memref<160x128xf32, #tpu.memory_space<vmem>>, vector<16xf32>,
        %parallel_loop3A_773 = arith.constant 5 : i32
        %parallel_loop3A_774 = arith.addi %parallel_loop3A_144, %parallel_loop3A_773 : i32
        %parallel_loop3A_775 = arith.index_cast %parallel_loop3A_774 : i32 to index
        %parallel_loop3A_776 = arith.constant 48 : index
        %parallel_loop3A_777 = tpu.vector_load %arg11[%parallel_loop3A_775, %parallel_loop3A_776] {strides = array<i32>} : memref<160x128xf32, #tpu.memory_space<vmem>>, vector<16xf32>,
        %parallel_loop3A_778 = arith.mulf %parallel_loop3A_772, %parallel_loop3A_777 : vector<16xf32>
        %parallel_loop3A_779 = arith.mulf %parallel_loop3A_778, %get3A_11 : vector<16xf32>
        %parallel_loop3A_780 = arith.addf %parallel_loop3A_767, %parallel_loop3A_779 : vector<16xf32>
        %parallel_loop3A_781 = arith.constant 5 : i32
        %parallel_loop3A_782 = arith.addi %parallel_loop3A_144, %parallel_loop3A_781 : i32
        %parallel_loop3A_783 = arith.index_cast %parallel_loop3A_782 : i32 to index
        %parallel_loop3A_784 = arith.constant 64 : index
        %parallel_loop3A_785 = tpu.vector_load %arg10[%parallel_loop3A_783, %parallel_loop3A_784] {strides = array<i32>} : memref<160x128xf32, #tpu.memory_space<vmem>>, vector<16xf32>,
        %parallel_loop3A_786 = arith.constant 5 : i32
        %parallel_loop3A_787 = arith.addi %parallel_loop3A_144, %parallel_loop3A_786 : i32
        %parallel_loop3A_788 = arith.index_cast %parallel_loop3A_787 : i32 to index
        %parallel_loop3A_789 = arith.constant 64 : index
        %parallel_loop3A_790 = tpu.vector_load %arg11[%parallel_loop3A_788, %parallel_loop3A_789] {strides = array<i32>} : memref<160x128xf32, #tpu.memory_space<vmem>>, vector<16xf32>,
        %parallel_loop3A_791 = arith.mulf %parallel_loop3A_785, %parallel_loop3A_790 : vector<16xf32>
        %parallel_loop3A_792 = arith.mulf %parallel_loop3A_791, %get3A_13 : vector<16xf32>
        %parallel_loop3A_793 = arith.addf %parallel_loop3A_728, %parallel_loop3A_792 : vector<16xf32>
        %parallel_loop3A_794 = arith.constant 5 : i32
        %parallel_loop3A_795 = arith.addi %parallel_loop3A_144, %parallel_loop3A_794 : i32
        %parallel_loop3A_796 = arith.index_cast %parallel_loop3A_795 : i32 to index
        %parallel_loop3A_797 = arith.constant 80 : index
        %parallel_loop3A_798 = tpu.vector_load %arg10[%parallel_loop3A_796, %parallel_loop3A_797] {strides = array<i32>} : memref<160x128xf32, #tpu.memory_space<vmem>>, vector<16xf32>,
        %parallel_loop3A_799 = arith.constant 5 : i32
        %parallel_loop3A_800 = arith.addi %parallel_loop3A_144, %parallel_loop3A_799 : i32
        %parallel_loop3A_801 = arith.index_cast %parallel_loop3A_800 : i32 to index
        %parallel_loop3A_802 = arith.constant 80 : index
        %parallel_loop3A_803 = tpu.vector_load %arg11[%parallel_loop3A_801, %parallel_loop3A_802] {strides = array<i32>} : memref<160x128xf32, #tpu.memory_space<vmem>>, vector<16xf32>,
        %parallel_loop3A_804 = arith.mulf %parallel_loop3A_798, %parallel_loop3A_803 : vector<16xf32>
        %parallel_loop3A_805 = arith.mulf %parallel_loop3A_804, %get3A_15 : vector<16xf32>
        %parallel_loop3A_806 = arith.addf %parallel_loop3A_793, %parallel_loop3A_805 : vector<16xf32>
        %parallel_loop3A_807 = arith.constant 5 : i32
        %parallel_loop3A_808 = arith.addi %parallel_loop3A_144, %parallel_loop3A_807 : i32
        %parallel_loop3A_809 = arith.index_cast %parallel_loop3A_808 : i32 to index
        %parallel_loop3A_810 = arith.constant 96 : index
        %parallel_loop3A_811 = tpu.vector_load %arg10[%parallel_loop3A_809, %parallel_loop3A_810] {strides = array<i32>} : memref<160x128xf32, #tpu.memory_space<vmem>>, vector<16xf32>,
        %parallel_loop3A_812 = arith.constant 5 : i32
        %parallel_loop3A_813 = arith.addi %parallel_loop3A_144, %parallel_loop3A_812 : i32
        %parallel_loop3A_814 = arith.index_cast %parallel_loop3A_813 : i32 to index
        %parallel_loop3A_815 = arith.constant 96 : index
        %parallel_loop3A_816 = tpu.vector_load %arg11[%parallel_loop3A_814, %parallel_loop3A_815] {strides = array<i32>} : memref<160x128xf32, #tpu.memory_space<vmem>>, vector<16xf32>,
        %parallel_loop3A_817 = arith.mulf %parallel_loop3A_811, %parallel_loop3A_816 : vector<16xf32>
        %parallel_loop3A_818 = arith.mulf %parallel_loop3A_817, %get3A_17 : vector<16xf32>
        %parallel_loop3A_819 = arith.addf %parallel_loop3A_806, %parallel_loop3A_818 : vector<16xf32>
        %parallel_loop3A_820 = arith.constant 5 : i32
        %parallel_loop3A_821 = arith.addi %parallel_loop3A_144, %parallel_loop3A_820 : i32
        %parallel_loop3A_822 = arith.index_cast %parallel_loop3A_821 : i32 to index
        %parallel_loop3A_823 = arith.constant 112 : index
        %parallel_loop3A_824 = tpu.vector_load %arg10[%parallel_loop3A_822, %parallel_loop3A_823] {strides = array<i32>} : memref<160x128xf32, #tpu.memory_space<vmem>>, vector<16xf32>,
        %parallel_loop3A_825 = arith.constant 5 : i32
        %parallel_loop3A_826 = arith.addi %parallel_loop3A_144, %parallel_loop3A_825 : i32
        %parallel_loop3A_827 = arith.index_cast %parallel_loop3A_826 : i32 to index
        %parallel_loop3A_828 = arith.constant 112 : index
        %parallel_loop3A_829 = tpu.vector_load %arg11[%parallel_loop3A_827, %parallel_loop3A_828] {strides = array<i32>} : memref<160x128xf32, #tpu.memory_space<vmem>>, vector<16xf32>,
        %parallel_loop3A_830 = arith.mulf %parallel_loop3A_824, %parallel_loop3A_829 : vector<16xf32>
        %parallel_loop3A_831 = arith.mulf %parallel_loop3A_830, %get3A_19 : vector<16xf32>
        %parallel_loop3A_832 = arith.addf %parallel_loop3A_819, %parallel_loop3A_831 : vector<16xf32>
        %parallel_loop3A_833 = arith.addf %parallel_loop3A_780, %parallel_loop3A_832 : vector<16xf32>
        %parallel_loop3A_834 = arith.constant true
        %parallel_loop3A_835 = vector.broadcast %parallel_loop3A_834 : i1 to vector<16xi1>
        %parallel_loop3A_836 = tpu.scan <sum>, %parallel_loop3A_833 masked %parallel_loop3A_835 : vector<16xf32>, vector<16xi1> -> vector<16xf32>
        %parallel_loop3A_837 = vector.extract_strided_slice %parallel_loop3A_836 {offsets = [15], sizes = [1], strides = [1]} : vector<16xf32> to vector<1xf32>
        %parallel_loop3A_838 = vector.extract %parallel_loop3A_837[0] : f32 from vector<1xf32>
        %parallel_loop3A_839 = vector.broadcast %parallel_loop3A_838 : f32 to vector<16xf32>
        %parallel_loop3A_840 = arith.mulf %parallel_loop3A_839, %convert_element_type3A_47 : vector<16xf32>
        %parallel_loop3A_841 = arith.constant 0.000000e+00 : f32
        %parallel_loop3A_842 = vector.broadcast %parallel_loop3A_841 : f32 to vector<16xf32>
        %parallel_loop3A_843 = arith.constant 0.000000e+00 : f32
        %parallel_loop3A_844 = vector.broadcast %parallel_loop3A_843 : f32 to vector<16xf32>
        %parallel_loop3A_845 = arith.constant 6 : i32
        %parallel_loop3A_846 = arith.addi %parallel_loop3A_144, %parallel_loop3A_845 : i32
        %parallel_loop3A_847 = arith.index_cast %parallel_loop3A_846 : i32 to index
        %parallel_loop3A_848 = arith.constant 0 : index
        %parallel_loop3A_849 = tpu.vector_load %arg10[%parallel_loop3A_847, %parallel_loop3A_848] {strides = array<i32>} : memref<160x128xf32, #tpu.memory_space<vmem>>, vector<16xf32>,
        %parallel_loop3A_850 = arith.constant 6 : i32
        %parallel_loop3A_851 = arith.addi %parallel_loop3A_144, %parallel_loop3A_850 : i32
        %parallel_loop3A_852 = arith.index_cast %parallel_loop3A_851 : i32 to index
        %parallel_loop3A_853 = arith.constant 0 : index
        %parallel_loop3A_854 = tpu.vector_load %arg11[%parallel_loop3A_852, %parallel_loop3A_853] {strides = array<i32>} : memref<160x128xf32, #tpu.memory_space<vmem>>, vector<16xf32>,
        %parallel_loop3A_855 = arith.mulf %parallel_loop3A_849, %parallel_loop3A_854 : vector<16xf32>
        %parallel_loop3A_856 = arith.mulf %parallel_loop3A_855, %get3A_5 : vector<16xf32>
        %parallel_loop3A_857 = arith.addf %parallel_loop3A_842, %parallel_loop3A_856 : vector<16xf32>
        %parallel_loop3A_858 = arith.constant 6 : i32
        %parallel_loop3A_859 = arith.addi %parallel_loop3A_144, %parallel_loop3A_858 : i32
        %parallel_loop3A_860 = arith.index_cast %parallel_loop3A_859 : i32 to index
        %parallel_loop3A_861 = arith.constant 16 : index
        %parallel_loop3A_862 = tpu.vector_load %arg10[%parallel_loop3A_860, %parallel_loop3A_861] {strides = array<i32>} : memref<160x128xf32, #tpu.memory_space<vmem>>, vector<16xf32>,
        %parallel_loop3A_863 = arith.constant 6 : i32
        %parallel_loop3A_864 = arith.addi %parallel_loop3A_144, %parallel_loop3A_863 : i32
        %parallel_loop3A_865 = arith.index_cast %parallel_loop3A_864 : i32 to index
        %parallel_loop3A_866 = arith.constant 16 : index
        %parallel_loop3A_867 = tpu.vector_load %arg11[%parallel_loop3A_865, %parallel_loop3A_866] {strides = array<i32>} : memref<160x128xf32, #tpu.memory_space<vmem>>, vector<16xf32>,
        %parallel_loop3A_868 = arith.mulf %parallel_loop3A_862, %parallel_loop3A_867 : vector<16xf32>
        %parallel_loop3A_869 = arith.mulf %parallel_loop3A_868, %get3A_7 : vector<16xf32>
        %parallel_loop3A_870 = arith.addf %parallel_loop3A_857, %parallel_loop3A_869 : vector<16xf32>
        %parallel_loop3A_871 = arith.constant 6 : i32
        %parallel_loop3A_872 = arith.addi %parallel_loop3A_144, %parallel_loop3A_871 : i32
        %parallel_loop3A_873 = arith.index_cast %parallel_loop3A_872 : i32 to index
        %parallel_loop3A_874 = arith.constant 32 : index
        %parallel_loop3A_875 = tpu.vector_load %arg10[%parallel_loop3A_873, %parallel_loop3A_874] {strides = array<i32>} : memref<160x128xf32, #tpu.memory_space<vmem>>, vector<16xf32>,
        %parallel_loop3A_876 = arith.constant 6 : i32
        %parallel_loop3A_877 = arith.addi %parallel_loop3A_144, %parallel_loop3A_876 : i32
        %parallel_loop3A_878 = arith.index_cast %parallel_loop3A_877 : i32 to index
        %parallel_loop3A_879 = arith.constant 32 : index
        %parallel_loop3A_880 = tpu.vector_load %arg11[%parallel_loop3A_878, %parallel_loop3A_879] {strides = array<i32>} : memref<160x128xf32, #tpu.memory_space<vmem>>, vector<16xf32>,
        %parallel_loop3A_881 = arith.mulf %parallel_loop3A_875, %parallel_loop3A_880 : vector<16xf32>
        %parallel_loop3A_882 = arith.mulf %parallel_loop3A_881, %get3A_9 : vector<16xf32>
        %parallel_loop3A_883 = arith.addf %parallel_loop3A_870, %parallel_loop3A_882 : vector<16xf32>
        %parallel_loop3A_884 = arith.constant 6 : i32
        %parallel_loop3A_885 = arith.addi %parallel_loop3A_144, %parallel_loop3A_884 : i32
        %parallel_loop3A_886 = arith.index_cast %parallel_loop3A_885 : i32 to index
        %parallel_loop3A_887 = arith.constant 48 : index
        %parallel_loop3A_888 = tpu.vector_load %arg10[%parallel_loop3A_886, %parallel_loop3A_887] {strides = array<i32>} : memref<160x128xf32, #tpu.memory_space<vmem>>, vector<16xf32>,
        %parallel_loop3A_889 = arith.constant 6 : i32
        %parallel_loop3A_890 = arith.addi %parallel_loop3A_144, %parallel_loop3A_889 : i32
        %parallel_loop3A_891 = arith.index_cast %parallel_loop3A_890 : i32 to index
        %parallel_loop3A_892 = arith.constant 48 : index
        %parallel_loop3A_893 = tpu.vector_load %arg11[%parallel_loop3A_891, %parallel_loop3A_892] {strides = array<i32>} : memref<160x128xf32, #tpu.memory_space<vmem>>, vector<16xf32>,
        %parallel_loop3A_894 = arith.mulf %parallel_loop3A_888, %parallel_loop3A_893 : vector<16xf32>
        %parallel_loop3A_895 = arith.mulf %parallel_loop3A_894, %get3A_11 : vector<16xf32>
        %parallel_loop3A_896 = arith.addf %parallel_loop3A_883, %parallel_loop3A_895 : vector<16xf32>
        %parallel_loop3A_897 = arith.constant 6 : i32
        %parallel_loop3A_898 = arith.addi %parallel_loop3A_144, %parallel_loop3A_897 : i32
        %parallel_loop3A_899 = arith.index_cast %parallel_loop3A_898 : i32 to index
        %parallel_loop3A_900 = arith.constant 64 : index
        %parallel_loop3A_901 = tpu.vector_load %arg10[%parallel_loop3A_899, %parallel_loop3A_900] {strides = array<i32>} : memref<160x128xf32, #tpu.memory_space<vmem>>, vector<16xf32>,
        %parallel_loop3A_902 = arith.constant 6 : i32
        %parallel_loop3A_903 = arith.addi %parallel_loop3A_144, %parallel_loop3A_902 : i32
        %parallel_loop3A_904 = arith.index_cast %parallel_loop3A_903 : i32 to index
        %parallel_loop3A_905 = arith.constant 64 : index
        %parallel_loop3A_906 = tpu.vector_load %arg11[%parallel_loop3A_904, %parallel_loop3A_905] {strides = array<i32>} : memref<160x128xf32, #tpu.memory_space<vmem>>, vector<16xf32>,
        %parallel_loop3A_907 = arith.mulf %parallel_loop3A_901, %parallel_loop3A_906 : vector<16xf32>
        %parallel_loop3A_908 = arith.mulf %parallel_loop3A_907, %get3A_13 : vector<16xf32>
        %parallel_loop3A_909 = arith.addf %parallel_loop3A_844, %parallel_loop3A_908 : vector<16xf32>
        %parallel_loop3A_910 = arith.constant 6 : i32
        %parallel_loop3A_911 = arith.addi %parallel_loop3A_144, %parallel_loop3A_910 : i32
        %parallel_loop3A_912 = arith.index_cast %parallel_loop3A_911 : i32 to index
        %parallel_loop3A_913 = arith.constant 80 : index
        %parallel_loop3A_914 = tpu.vector_load %arg10[%parallel_loop3A_912, %parallel_loop3A_913] {strides = array<i32>} : memref<160x128xf32, #tpu.memory_space<vmem>>, vector<16xf32>,
        %parallel_loop3A_915 = arith.constant 6 : i32
        %parallel_loop3A_916 = arith.addi %parallel_loop3A_144, %parallel_loop3A_915 : i32
        %parallel_loop3A_917 = arith.index_cast %parallel_loop3A_916 : i32 to index
        %parallel_loop3A_918 = arith.constant 80 : index
        %parallel_loop3A_919 = tpu.vector_load %arg11[%parallel_loop3A_917, %parallel_loop3A_918] {strides = array<i32>} : memref<160x128xf32, #tpu.memory_space<vmem>>, vector<16xf32>,
        %parallel_loop3A_920 = arith.mulf %parallel_loop3A_914, %parallel_loop3A_919 : vector<16xf32>
        %parallel_loop3A_921 = arith.mulf %parallel_loop3A_920, %get3A_15 : vector<16xf32>
        %parallel_loop3A_922 = arith.addf %parallel_loop3A_909, %parallel_loop3A_921 : vector<16xf32>
        %parallel_loop3A_923 = arith.constant 6 : i32
        %parallel_loop3A_924 = arith.addi %parallel_loop3A_144, %parallel_loop3A_923 : i32
        %parallel_loop3A_925 = arith.index_cast %parallel_loop3A_924 : i32 to index
        %parallel_loop3A_926 = arith.constant 96 : index
        %parallel_loop3A_927 = tpu.vector_load %arg10[%parallel_loop3A_925, %parallel_loop3A_926] {strides = array<i32>} : memref<160x128xf32, #tpu.memory_space<vmem>>, vector<16xf32>,
        %parallel_loop3A_928 = arith.constant 6 : i32
        %parallel_loop3A_929 = arith.addi %parallel_loop3A_144, %parallel_loop3A_928 : i32
        %parallel_loop3A_930 = arith.index_cast %parallel_loop3A_929 : i32 to index
        %parallel_loop3A_931 = arith.constant 96 : index
        %parallel_loop3A_932 = tpu.vector_load %arg11[%parallel_loop3A_930, %parallel_loop3A_931] {strides = array<i32>} : memref<160x128xf32, #tpu.memory_space<vmem>>, vector<16xf32>,
        %parallel_loop3A_933 = arith.mulf %parallel_loop3A_927, %parallel_loop3A_932 : vector<16xf32>
        %parallel_loop3A_934 = arith.mulf %parallel_loop3A_933, %get3A_17 : vector<16xf32>
        %parallel_loop3A_935 = arith.addf %parallel_loop3A_922, %parallel_loop3A_934 : vector<16xf32>
        %parallel_loop3A_936 = arith.constant 6 : i32
        %parallel_loop3A_937 = arith.addi %parallel_loop3A_144, %parallel_loop3A_936 : i32
        %parallel_loop3A_938 = arith.index_cast %parallel_loop3A_937 : i32 to index
        %parallel_loop3A_939 = arith.constant 112 : index
        %parallel_loop3A_940 = tpu.vector_load %arg10[%parallel_loop3A_938, %parallel_loop3A_939] {strides = array<i32>} : memref<160x128xf32, #tpu.memory_space<vmem>>, vector<16xf32>,
        %parallel_loop3A_941 = arith.constant 6 : i32
        %parallel_loop3A_942 = arith.addi %parallel_loop3A_144, %parallel_loop3A_941 : i32
        %parallel_loop3A_943 = arith.index_cast %parallel_loop3A_942 : i32 to index
        %parallel_loop3A_944 = arith.constant 112 : index
        %parallel_loop3A_945 = tpu.vector_load %arg11[%parallel_loop3A_943, %parallel_loop3A_944] {strides = array<i32>} : memref<160x128xf32, #tpu.memory_space<vmem>>, vector<16xf32>,
        %parallel_loop3A_946 = arith.mulf %parallel_loop3A_940, %parallel_loop3A_945 : vector<16xf32>
        %parallel_loop3A_947 = arith.mulf %parallel_loop3A_946, %get3A_19 : vector<16xf32>
        %parallel_loop3A_948 = arith.addf %parallel_loop3A_935, %parallel_loop3A_947 : vector<16xf32>
        %parallel_loop3A_949 = arith.addf %parallel_loop3A_896, %parallel_loop3A_948 : vector<16xf32>
        %parallel_loop3A_950 = arith.constant true
        %parallel_loop3A_951 = vector.broadcast %parallel_loop3A_950 : i1 to vector<16xi1>
        %parallel_loop3A_952 = tpu.scan <sum>, %parallel_loop3A_949 masked %parallel_loop3A_951 : vector<16xf32>, vector<16xi1> -> vector<16xf32>
        %parallel_loop3A_953 = vector.extract_strided_slice %parallel_loop3A_952 {offsets = [15], sizes = [1], strides = [1]} : vector<16xf32> to vector<1xf32>
        %parallel_loop3A_954 = vector.extract %parallel_loop3A_953[0] : f32 from vector<1xf32>
        %parallel_loop3A_955 = vector.broadcast %parallel_loop3A_954 : f32 to vector<16xf32>
        %parallel_loop3A_956 = arith.mulf %parallel_loop3A_955, %convert_element_type3A_52 : vector<16xf32>
        %parallel_loop3A_957 = arith.constant 0.000000e+00 : f32
        %parallel_loop3A_958 = vector.broadcast %parallel_loop3A_957 : f32 to vector<16xf32>
        %parallel_loop3A_959 = arith.constant 0.000000e+00 : f32
        %parallel_loop3A_960 = vector.broadcast %parallel_loop3A_959 : f32 to vector<16xf32>
        %parallel_loop3A_961 = arith.constant 7 : i32
        %parallel_loop3A_962 = arith.addi %parallel_loop3A_144, %parallel_loop3A_961 : i32
        %parallel_loop3A_963 = arith.index_cast %parallel_loop3A_962 : i32 to index
        %parallel_loop3A_964 = arith.constant 0 : index
        %parallel_loop3A_965 = tpu.vector_load %arg10[%parallel_loop3A_963, %parallel_loop3A_964] {strides = array<i32>} : memref<160x128xf32, #tpu.memory_space<vmem>>, vector<16xf32>,
        %parallel_loop3A_966 = arith.constant 7 : i32
        %parallel_loop3A_967 = arith.addi %parallel_loop3A_144, %parallel_loop3A_966 : i32
        %parallel_loop3A_968 = arith.index_cast %parallel_loop3A_967 : i32 to index
        %parallel_loop3A_969 = arith.constant 0 : index
        %parallel_loop3A_970 = tpu.vector_load %arg11[%parallel_loop3A_968, %parallel_loop3A_969] {strides = array<i32>} : memref<160x128xf32, #tpu.memory_space<vmem>>, vector<16xf32>,
        %parallel_loop3A_971 = arith.mulf %parallel_loop3A_965, %parallel_loop3A_970 : vector<16xf32>
        %parallel_loop3A_972 = arith.mulf %parallel_loop3A_971, %get3A_5 : vector<16xf32>
        %parallel_loop3A_973 = arith.addf %parallel_loop3A_958, %parallel_loop3A_972 : vector<16xf32>
        %parallel_loop3A_974 = arith.constant 7 : i32
        %parallel_loop3A_975 = arith.addi %parallel_loop3A_144, %parallel_loop3A_974 : i32
        %parallel_loop3A_976 = arith.index_cast %parallel_loop3A_975 : i32 to index
        %parallel_loop3A_977 = arith.constant 16 : index
        %parallel_loop3A_978 = tpu.vector_load %arg10[%parallel_loop3A_976, %parallel_loop3A_977] {strides = array<i32>} : memref<160x128xf32, #tpu.memory_space<vmem>>, vector<16xf32>,
        %parallel_loop3A_979 = arith.constant 7 : i32
        %parallel_loop3A_980 = arith.addi %parallel_loop3A_144, %parallel_loop3A_979 : i32
        %parallel_loop3A_981 = arith.index_cast %parallel_loop3A_980 : i32 to index
        %parallel_loop3A_982 = arith.constant 16 : index
        %parallel_loop3A_983 = tpu.vector_load %arg11[%parallel_loop3A_981, %parallel_loop3A_982] {strides = array<i32>} : memref<160x128xf32, #tpu.memory_space<vmem>>, vector<16xf32>,
        %parallel_loop3A_984 = arith.mulf %parallel_loop3A_978, %parallel_loop3A_983 : vector<16xf32>
        %parallel_loop3A_985 = arith.mulf %parallel_loop3A_984, %get3A_7 : vector<16xf32>
        %parallel_loop3A_986 = arith.addf %parallel_loop3A_973, %parallel_loop3A_985 : vector<16xf32>
        %parallel_loop3A_987 = arith.constant 7 : i32
        %parallel_loop3A_988 = arith.addi %parallel_loop3A_144, %parallel_loop3A_987 : i32
        %parallel_loop3A_989 = arith.index_cast %parallel_loop3A_988 : i32 to index
        %parallel_loop3A_990 = arith.constant 32 : index
        %parallel_loop3A_991 = tpu.vector_load %arg10[%parallel_loop3A_989, %parallel_loop3A_990] {strides = array<i32>} : memref<160x128xf32, #tpu.memory_space<vmem>>, vector<16xf32>,
        %parallel_loop3A_992 = arith.constant 7 : i32
        %parallel_loop3A_993 = arith.addi %parallel_loop3A_144, %parallel_loop3A_992 : i32
        %parallel_loop3A_994 = arith.index_cast %parallel_loop3A_993 : i32 to index
        %parallel_loop3A_995 = arith.constant 32 : index
        %parallel_loop3A_996 = tpu.vector_load %arg11[%parallel_loop3A_994, %parallel_loop3A_995] {strides = array<i32>} : memref<160x128xf32, #tpu.memory_space<vmem>>, vector<16xf32>,
        %parallel_loop3A_997 = arith.mulf %parallel_loop3A_991, %parallel_loop3A_996 : vector<16xf32>
        %parallel_loop3A_998 = arith.mulf %parallel_loop3A_997, %get3A_9 : vector<16xf32>
        %parallel_loop3A_999 = arith.addf %parallel_loop3A_986, %parallel_loop3A_998 : vector<16xf32>
        %parallel_loop3A_1000 = arith.constant 7 : i32
        %parallel_loop3A_1001 = arith.addi %parallel_loop3A_144, %parallel_loop3A_1000 : i32
        %parallel_loop3A_1002 = arith.index_cast %parallel_loop3A_1001 : i32 to index
        %parallel_loop3A_1003 = arith.constant 48 : index
        %parallel_loop3A_1004 = tpu.vector_load %arg10[%parallel_loop3A_1002, %parallel_loop3A_1003] {strides = array<i32>} : memref<160x128xf32, #tpu.memory_space<vmem>>, vector<16xf32>,
        %parallel_loop3A_1005 = arith.constant 7 : i32
        %parallel_loop3A_1006 = arith.addi %parallel_loop3A_144, %parallel_loop3A_1005 : i32
        %parallel_loop3A_1007 = arith.index_cast %parallel_loop3A_1006 : i32 to index
        %parallel_loop3A_1008 = arith.constant 48 : index
        %parallel_loop3A_1009 = tpu.vector_load %arg11[%parallel_loop3A_1007, %parallel_loop3A_1008] {strides = array<i32>} : memref<160x128xf32, #tpu.memory_space<vmem>>, vector<16xf32>,
        %parallel_loop3A_1010 = arith.mulf %parallel_loop3A_1004, %parallel_loop3A_1009 : vector<16xf32>
        %parallel_loop3A_1011 = arith.mulf %parallel_loop3A_1010, %get3A_11 : vector<16xf32>
        %parallel_loop3A_1012 = arith.addf %parallel_loop3A_999, %parallel_loop3A_1011 : vector<16xf32>
        %parallel_loop3A_1013 = arith.constant 7 : i32
        %parallel_loop3A_1014 = arith.addi %parallel_loop3A_144, %parallel_loop3A_1013 : i32
        %parallel_loop3A_1015 = arith.index_cast %parallel_loop3A_1014 : i32 to index
        %parallel_loop3A_1016 = arith.constant 64 : index
        %parallel_loop3A_1017 = tpu.vector_load %arg10[%parallel_loop3A_1015, %parallel_loop3A_1016] {strides = array<i32>} : memref<160x128xf32, #tpu.memory_space<vmem>>, vector<16xf32>,
        %parallel_loop3A_1018 = arith.constant 7 : i32
        %parallel_loop3A_1019 = arith.addi %parallel_loop3A_144, %parallel_loop3A_1018 : i32
        %parallel_loop3A_1020 = arith.index_cast %parallel_loop3A_1019 : i32 to index
        %parallel_loop3A_1021 = arith.constant 64 : index
        %parallel_loop3A_1022 = tpu.vector_load %arg11[%parallel_loop3A_1020, %parallel_loop3A_1021] {strides = array<i32>} : memref<160x128xf32, #tpu.memory_space<vmem>>, vector<16xf32>,
        %parallel_loop3A_1023 = arith.mulf %parallel_loop3A_1017, %parallel_loop3A_1022 : vector<16xf32>
        %parallel_loop3A_1024 = arith.mulf %parallel_loop3A_1023, %get3A_13 : vector<16xf32>
        %parallel_loop3A_1025 = arith.addf %parallel_loop3A_960, %parallel_loop3A_1024 : vector<16xf32>
        %parallel_loop3A_1026 = arith.constant 7 : i32
        %parallel_loop3A_1027 = arith.addi %parallel_loop3A_144, %parallel_loop3A_1026 : i32
        %parallel_loop3A_1028 = arith.index_cast %parallel_loop3A_1027 : i32 to index
        %parallel_loop3A_1029 = arith.constant 80 : index
        %parallel_loop3A_1030 = tpu.vector_load %arg10[%parallel_loop3A_1028, %parallel_loop3A_1029] {strides = array<i32>} : memref<160x128xf32, #tpu.memory_space<vmem>>, vector<16xf32>,
        %parallel_loop3A_1031 = arith.constant 7 : i32
        %parallel_loop3A_1032 = arith.addi %parallel_loop3A_144, %parallel_loop3A_1031 : i32
        %parallel_loop3A_1033 = arith.index_cast %parallel_loop3A_1032 : i32 to index
        %parallel_loop3A_1034 = arith.constant 80 : index
        %parallel_loop3A_1035 = tpu.vector_load %arg11[%parallel_loop3A_1033, %parallel_loop3A_1034] {strides = array<i32>} : memref<160x128xf32, #tpu.memory_space<vmem>>, vector<16xf32>,
        %parallel_loop3A_1036 = arith.mulf %parallel_loop3A_1030, %parallel_loop3A_1035 : vector<16xf32>
        %parallel_loop3A_1037 = arith.mulf %parallel_loop3A_1036, %get3A_15 : vector<16xf32>
        %parallel_loop3A_1038 = arith.addf %parallel_loop3A_1025, %parallel_loop3A_1037 : vector<16xf32>
        %parallel_loop3A_1039 = arith.constant 7 : i32
        %parallel_loop3A_1040 = arith.addi %parallel_loop3A_144, %parallel_loop3A_1039 : i32
        %parallel_loop3A_1041 = arith.index_cast %parallel_loop3A_1040 : i32 to index
        %parallel_loop3A_1042 = arith.constant 96 : index
        %parallel_loop3A_1043 = tpu.vector_load %arg10[%parallel_loop3A_1041, %parallel_loop3A_1042] {strides = array<i32>} : memref<160x128xf32, #tpu.memory_space<vmem>>, vector<16xf32>,
        %parallel_loop3A_1044 = arith.constant 7 : i32
        %parallel_loop3A_1045 = arith.addi %parallel_loop3A_144, %parallel_loop3A_1044 : i32
        %parallel_loop3A_1046 = arith.index_cast %parallel_loop3A_1045 : i32 to index
        %parallel_loop3A_1047 = arith.constant 96 : index
        %parallel_loop3A_1048 = tpu.vector_load %arg11[%parallel_loop3A_1046, %parallel_loop3A_1047] {strides = array<i32>} : memref<160x128xf32, #tpu.memory_space<vmem>>, vector<16xf32>,
        %parallel_loop3A_1049 = arith.mulf %parallel_loop3A_1043, %parallel_loop3A_1048 : vector<16xf32>
        %parallel_loop3A_1050 = arith.mulf %parallel_loop3A_1049, %get3A_17 : vector<16xf32>
        %parallel_loop3A_1051 = arith.addf %parallel_loop3A_1038, %parallel_loop3A_1050 : vector<16xf32>
        %parallel_loop3A_1052 = arith.constant 7 : i32
        %parallel_loop3A_1053 = arith.addi %parallel_loop3A_144, %parallel_loop3A_1052 : i32
        %parallel_loop3A_1054 = arith.index_cast %parallel_loop3A_1053 : i32 to index
        %parallel_loop3A_1055 = arith.constant 112 : index
        %parallel_loop3A_1056 = tpu.vector_load %arg10[%parallel_loop3A_1054, %parallel_loop3A_1055] {strides = array<i32>} : memref<160x128xf32, #tpu.memory_space<vmem>>, vector<16xf32>,
        %parallel_loop3A_1057 = arith.constant 7 : i32
        %parallel_loop3A_1058 = arith.addi %parallel_loop3A_144, %parallel_loop3A_1057 : i32
        %parallel_loop3A_1059 = arith.index_cast %parallel_loop3A_1058 : i32 to index
        %parallel_loop3A_1060 = arith.constant 112 : index
        %parallel_loop3A_1061 = tpu.vector_load %arg11[%parallel_loop3A_1059, %parallel_loop3A_1060] {strides = array<i32>} : memref<160x128xf32, #tpu.memory_space<vmem>>, vector<16xf32>,
        %parallel_loop3A_1062 = arith.mulf %parallel_loop3A_1056, %parallel_loop3A_1061 : vector<16xf32>
        %parallel_loop3A_1063 = arith.mulf %parallel_loop3A_1062, %get3A_19 : vector<16xf32>
        %parallel_loop3A_1064 = arith.addf %parallel_loop3A_1051, %parallel_loop3A_1063 : vector<16xf32>
        %parallel_loop3A_1065 = arith.addf %parallel_loop3A_1012, %parallel_loop3A_1064 : vector<16xf32>
        %parallel_loop3A_1066 = arith.constant true
        %parallel_loop3A_1067 = vector.broadcast %parallel_loop3A_1066 : i1 to vector<16xi1>
        %parallel_loop3A_1068 = tpu.scan <sum>, %parallel_loop3A_1065 masked %parallel_loop3A_1067 : vector<16xf32>, vector<16xi1> -> vector<16xf32>
        %parallel_loop3A_1069 = vector.extract_strided_slice %parallel_loop3A_1068 {offsets = [15], sizes = [1], strides = [1]} : vector<16xf32> to vector<1xf32>
        %parallel_loop3A_1070 = vector.extract %parallel_loop3A_1069[0] : f32 from vector<1xf32>
        %parallel_loop3A_1071 = vector.broadcast %parallel_loop3A_1070 : f32 to vector<16xf32>
        %parallel_loop3A_1072 = arith.mulf %parallel_loop3A_1071, %convert_element_type3A_57 : vector<16xf32>
        %parallel_loop3A_1073 = arith.constant 0.000000e+00 : f32
        %parallel_loop3A_1074 = vector.broadcast %parallel_loop3A_1073 : f32 to vector<16xf32>
        %parallel_loop3A_1075 = arith.constant 0.000000e+00 : f32
        %parallel_loop3A_1076 = vector.broadcast %parallel_loop3A_1075 : f32 to vector<16xf32>
        %parallel_loop3A_1077 = arith.constant 8 : i32
        %parallel_loop3A_1078 = arith.addi %parallel_loop3A_144, %parallel_loop3A_1077 : i32
        %parallel_loop3A_1079 = arith.index_cast %parallel_loop3A_1078 : i32 to index
        %parallel_loop3A_1080 = arith.constant 0 : index
        %parallel_loop3A_1081 = tpu.vector_load %arg10[%parallel_loop3A_1079, %parallel_loop3A_1080] {strides = array<i32>} : memref<160x128xf32, #tpu.memory_space<vmem>>, vector<16xf32>,
        %parallel_loop3A_1082 = arith.constant 8 : i32
        %parallel_loop3A_1083 = arith.addi %parallel_loop3A_144, %parallel_loop3A_1082 : i32
        %parallel_loop3A_1084 = arith.index_cast %parallel_loop3A_1083 : i32 to index
        %parallel_loop3A_1085 = arith.constant 0 : index
        %parallel_loop3A_1086 = tpu.vector_load %arg11[%parallel_loop3A_1084, %parallel_loop3A_1085] {strides = array<i32>} : memref<160x128xf32, #tpu.memory_space<vmem>>, vector<16xf32>,
        %parallel_loop3A_1087 = arith.mulf %parallel_loop3A_1081, %parallel_loop3A_1086 : vector<16xf32>
        %parallel_loop3A_1088 = arith.mulf %parallel_loop3A_1087, %get3A_5 : vector<16xf32>
        %parallel_loop3A_1089 = arith.addf %parallel_loop3A_1074, %parallel_loop3A_1088 : vector<16xf32>
        %parallel_loop3A_1090 = arith.constant 8 : i32
        %parallel_loop3A_1091 = arith.addi %parallel_loop3A_144, %parallel_loop3A_1090 : i32
        %parallel_loop3A_1092 = arith.index_cast %parallel_loop3A_1091 : i32 to index
        %parallel_loop3A_1093 = arith.constant 16 : index
        %parallel_loop3A_1094 = tpu.vector_load %arg10[%parallel_loop3A_1092, %parallel_loop3A_1093] {strides = array<i32>} : memref<160x128xf32, #tpu.memory_space<vmem>>, vector<16xf32>,
        %parallel_loop3A_1095 = arith.constant 8 : i32
        %parallel_loop3A_1096 = arith.addi %parallel_loop3A_144, %parallel_loop3A_1095 : i32
        %parallel_loop3A_1097 = arith.index_cast %parallel_loop3A_1096 : i32 to index
        %parallel_loop3A_1098 = arith.constant 16 : index
        %parallel_loop3A_1099 = tpu.vector_load %arg11[%parallel_loop3A_1097, %parallel_loop3A_1098] {strides = array<i32>} : memref<160x128xf32, #tpu.memory_space<vmem>>, vector<16xf32>,
        %parallel_loop3A_1100 = arith.mulf %parallel_loop3A_1094, %parallel_loop3A_1099 : vector<16xf32>
        %parallel_loop3A_1101 = arith.mulf %parallel_loop3A_1100, %get3A_7 : vector<16xf32>
        %parallel_loop3A_1102 = arith.addf %parallel_loop3A_1089, %parallel_loop3A_1101 : vector<16xf32>
        %parallel_loop3A_1103 = arith.constant 8 : i32
        %parallel_loop3A_1104 = arith.addi %parallel_loop3A_144, %parallel_loop3A_1103 : i32
        %parallel_loop3A_1105 = arith.index_cast %parallel_loop3A_1104 : i32 to index
        %parallel_loop3A_1106 = arith.constant 32 : index
        %parallel_loop3A_1107 = tpu.vector_load %arg10[%parallel_loop3A_1105, %parallel_loop3A_1106] {strides = array<i32>} : memref<160x128xf32, #tpu.memory_space<vmem>>, vector<16xf32>,
        %parallel_loop3A_1108 = arith.constant 8 : i32
        %parallel_loop3A_1109 = arith.addi %parallel_loop3A_144, %parallel_loop3A_1108 : i32
        %parallel_loop3A_1110 = arith.index_cast %parallel_loop3A_1109 : i32 to index
        %parallel_loop3A_1111 = arith.constant 32 : index
        %parallel_loop3A_1112 = tpu.vector_load %arg11[%parallel_loop3A_1110, %parallel_loop3A_1111] {strides = array<i32>} : memref<160x128xf32, #tpu.memory_space<vmem>>, vector<16xf32>,
        %parallel_loop3A_1113 = arith.mulf %parallel_loop3A_1107, %parallel_loop3A_1112 : vector<16xf32>
        %parallel_loop3A_1114 = arith.mulf %parallel_loop3A_1113, %get3A_9 : vector<16xf32>
        %parallel_loop3A_1115 = arith.addf %parallel_loop3A_1102, %parallel_loop3A_1114 : vector<16xf32>
        %parallel_loop3A_1116 = arith.constant 8 : i32
        %parallel_loop3A_1117 = arith.addi %parallel_loop3A_144, %parallel_loop3A_1116 : i32
        %parallel_loop3A_1118 = arith.index_cast %parallel_loop3A_1117 : i32 to index
        %parallel_loop3A_1119 = arith.constant 48 : index
        %parallel_loop3A_1120 = tpu.vector_load %arg10[%parallel_loop3A_1118, %parallel_loop3A_1119] {strides = array<i32>} : memref<160x128xf32, #tpu.memory_space<vmem>>, vector<16xf32>,
        %parallel_loop3A_1121 = arith.constant 8 : i32
        %parallel_loop3A_1122 = arith.addi %parallel_loop3A_144, %parallel_loop3A_1121 : i32
        %parallel_loop3A_1123 = arith.index_cast %parallel_loop3A_1122 : i32 to index
        %parallel_loop3A_1124 = arith.constant 48 : index
        %parallel_loop3A_1125 = tpu.vector_load %arg11[%parallel_loop3A_1123, %parallel_loop3A_1124] {strides = array<i32>} : memref<160x128xf32, #tpu.memory_space<vmem>>, vector<16xf32>,
        %parallel_loop3A_1126 = arith.mulf %parallel_loop3A_1120, %parallel_loop3A_1125 : vector<16xf32>
        %parallel_loop3A_1127 = arith.mulf %parallel_loop3A_1126, %get3A_11 : vector<16xf32>
        %parallel_loop3A_1128 = arith.addf %parallel_loop3A_1115, %parallel_loop3A_1127 : vector<16xf32>
        %parallel_loop3A_1129 = arith.constant 8 : i32
        %parallel_loop3A_1130 = arith.addi %parallel_loop3A_144, %parallel_loop3A_1129 : i32
        %parallel_loop3A_1131 = arith.index_cast %parallel_loop3A_1130 : i32 to index
        %parallel_loop3A_1132 = arith.constant 64 : index
        %parallel_loop3A_1133 = tpu.vector_load %arg10[%parallel_loop3A_1131, %parallel_loop3A_1132] {strides = array<i32>} : memref<160x128xf32, #tpu.memory_space<vmem>>, vector<16xf32>,
        %parallel_loop3A_1134 = arith.constant 8 : i32
        %parallel_loop3A_1135 = arith.addi %parallel_loop3A_144, %parallel_loop3A_1134 : i32
        %parallel_loop3A_1136 = arith.index_cast %parallel_loop3A_1135 : i32 to index
        %parallel_loop3A_1137 = arith.constant 64 : index
        %parallel_loop3A_1138 = tpu.vector_load %arg11[%parallel_loop3A_1136, %parallel_loop3A_1137] {strides = array<i32>} : memref<160x128xf32, #tpu.memory_space<vmem>>, vector<16xf32>,
        %parallel_loop3A_1139 = arith.mulf %parallel_loop3A_1133, %parallel_loop3A_1138 : vector<16xf32>
        %parallel_loop3A_1140 = arith.mulf %parallel_loop3A_1139, %get3A_13 : vector<16xf32>
        %parallel_loop3A_1141 = arith.addf %parallel_loop3A_1076, %parallel_loop3A_1140 : vector<16xf32>
        %parallel_loop3A_1142 = arith.constant 8 : i32
        %parallel_loop3A_1143 = arith.addi %parallel_loop3A_144, %parallel_loop3A_1142 : i32
        %parallel_loop3A_1144 = arith.index_cast %parallel_loop3A_1143 : i32 to index
        %parallel_loop3A_1145 = arith.constant 80 : index
        %parallel_loop3A_1146 = tpu.vector_load %arg10[%parallel_loop3A_1144, %parallel_loop3A_1145] {strides = array<i32>} : memref<160x128xf32, #tpu.memory_space<vmem>>, vector<16xf32>,
        %parallel_loop3A_1147 = arith.constant 8 : i32
        %parallel_loop3A_1148 = arith.addi %parallel_loop3A_144, %parallel_loop3A_1147 : i32
        %parallel_loop3A_1149 = arith.index_cast %parallel_loop3A_1148 : i32 to index
        %parallel_loop3A_1150 = arith.constant 80 : index
        %parallel_loop3A_1151 = tpu.vector_load %arg11[%parallel_loop3A_1149, %parallel_loop3A_1150] {strides = array<i32>} : memref<160x128xf32, #tpu.memory_space<vmem>>, vector<16xf32>,
        %parallel_loop3A_1152 = arith.mulf %parallel_loop3A_1146, %parallel_loop3A_1151 : vector<16xf32>
        %parallel_loop3A_1153 = arith.mulf %parallel_loop3A_1152, %get3A_15 : vector<16xf32>
        %parallel_loop3A_1154 = arith.addf %parallel_loop3A_1141, %parallel_loop3A_1153 : vector<16xf32>
        %parallel_loop3A_1155 = arith.constant 8 : i32
        %parallel_loop3A_1156 = arith.addi %parallel_loop3A_144, %parallel_loop3A_1155 : i32
        %parallel_loop3A_1157 = arith.index_cast %parallel_loop3A_1156 : i32 to index
        %parallel_loop3A_1158 = arith.constant 96 : index
        %parallel_loop3A_1159 = tpu.vector_load %arg10[%parallel_loop3A_1157, %parallel_loop3A_1158] {strides = array<i32>} : memref<160x128xf32, #tpu.memory_space<vmem>>, vector<16xf32>,
        %parallel_loop3A_1160 = arith.constant 8 : i32
        %parallel_loop3A_1161 = arith.addi %parallel_loop3A_144, %parallel_loop3A_1160 : i32
        %parallel_loop3A_1162 = arith.index_cast %parallel_loop3A_1161 : i32 to index
        %parallel_loop3A_1163 = arith.constant 96 : index
        %parallel_loop3A_1164 = tpu.vector_load %arg11[%parallel_loop3A_1162, %parallel_loop3A_1163] {strides = array<i32>} : memref<160x128xf32, #tpu.memory_space<vmem>>, vector<16xf32>,
        %parallel_loop3A_1165 = arith.mulf %parallel_loop3A_1159, %parallel_loop3A_1164 : vector<16xf32>
        %parallel_loop3A_1166 = arith.mulf %parallel_loop3A_1165, %get3A_17 : vector<16xf32>
        %parallel_loop3A_1167 = arith.addf %parallel_loop3A_1154, %parallel_loop3A_1166 : vector<16xf32>
        %parallel_loop3A_1168 = arith.constant 8 : i32
        %parallel_loop3A_1169 = arith.addi %parallel_loop3A_144, %parallel_loop3A_1168 : i32
        %parallel_loop3A_1170 = arith.index_cast %parallel_loop3A_1169 : i32 to index
        %parallel_loop3A_1171 = arith.constant 112 : index
        %parallel_loop3A_1172 = tpu.vector_load %arg10[%parallel_loop3A_1170, %parallel_loop3A_1171] {strides = array<i32>} : memref<160x128xf32, #tpu.memory_space<vmem>>, vector<16xf32>,
        %parallel_loop3A_1173 = arith.constant 8 : i32
        %parallel_loop3A_1174 = arith.addi %parallel_loop3A_144, %parallel_loop3A_1173 : i32
        %parallel_loop3A_1175 = arith.index_cast %parallel_loop3A_1174 : i32 to index
        %parallel_loop3A_1176 = arith.constant 112 : index
        %parallel_loop3A_1177 = tpu.vector_load %arg11[%parallel_loop3A_1175, %parallel_loop3A_1176] {strides = array<i32>} : memref<160x128xf32, #tpu.memory_space<vmem>>, vector<16xf32>,
        %parallel_loop3A_1178 = arith.mulf %parallel_loop3A_1172, %parallel_loop3A_1177 : vector<16xf32>
        %parallel_loop3A_1179 = arith.mulf %parallel_loop3A_1178, %get3A_19 : vector<16xf32>
        %parallel_loop3A_1180 = arith.addf %parallel_loop3A_1167, %parallel_loop3A_1179 : vector<16xf32>
        %parallel_loop3A_1181 = arith.addf %parallel_loop3A_1128, %parallel_loop3A_1180 : vector<16xf32>
        %parallel_loop3A_1182 = arith.constant true
        %parallel_loop3A_1183 = vector.broadcast %parallel_loop3A_1182 : i1 to vector<16xi1>
        %parallel_loop3A_1184 = tpu.scan <sum>, %parallel_loop3A_1181 masked %parallel_loop3A_1183 : vector<16xf32>, vector<16xi1> -> vector<16xf32>
        %parallel_loop3A_1185 = vector.extract_strided_slice %parallel_loop3A_1184 {offsets = [15], sizes = [1], strides = [1]} : vector<16xf32> to vector<1xf32>
        %parallel_loop3A_1186 = vector.extract %parallel_loop3A_1185[0] : f32 from vector<1xf32>
        %parallel_loop3A_1187 = vector.broadcast %parallel_loop3A_1186 : f32 to vector<16xf32>
        %parallel_loop3A_1188 = arith.mulf %parallel_loop3A_1187, %convert_element_type3A_62 : vector<16xf32>
        %parallel_loop3A_1189 = arith.constant 0.000000e+00 : f32
        %parallel_loop3A_1190 = vector.broadcast %parallel_loop3A_1189 : f32 to vector<16xf32>
        %parallel_loop3A_1191 = arith.constant 0.000000e+00 : f32
        %parallel_loop3A_1192 = vector.broadcast %parallel_loop3A_1191 : f32 to vector<16xf32>
        %parallel_loop3A_1193 = arith.constant 9 : i32
        %parallel_loop3A_1194 = arith.addi %parallel_loop3A_144, %parallel_loop3A_1193 : i32
        %parallel_loop3A_1195 = arith.index_cast %parallel_loop3A_1194 : i32 to index
        %parallel_loop3A_1196 = arith.constant 0 : index
        %parallel_loop3A_1197 = tpu.vector_load %arg10[%parallel_loop3A_1195, %parallel_loop3A_1196] {strides = array<i32>} : memref<160x128xf32, #tpu.memory_space<vmem>>, vector<16xf32>,
        %parallel_loop3A_1198 = arith.constant 9 : i32
        %parallel_loop3A_1199 = arith.addi %parallel_loop3A_144, %parallel_loop3A_1198 : i32
        %parallel_loop3A_1200 = arith.index_cast %parallel_loop3A_1199 : i32 to index
        %parallel_loop3A_1201 = arith.constant 0 : index
        %parallel_loop3A_1202 = tpu.vector_load %arg11[%parallel_loop3A_1200, %parallel_loop3A_1201] {strides = array<i32>} : memref<160x128xf32, #tpu.memory_space<vmem>>, vector<16xf32>,
        %parallel_loop3A_1203 = arith.mulf %parallel_loop3A_1197, %parallel_loop3A_1202 : vector<16xf32>
        %parallel_loop3A_1204 = arith.mulf %parallel_loop3A_1203, %get3A_5 : vector<16xf32>
        %parallel_loop3A_1205 = arith.addf %parallel_loop3A_1190, %parallel_loop3A_1204 : vector<16xf32>
        %parallel_loop3A_1206 = arith.constant 9 : i32
        %parallel_loop3A_1207 = arith.addi %parallel_loop3A_144, %parallel_loop3A_1206 : i32
        %parallel_loop3A_1208 = arith.index_cast %parallel_loop3A_1207 : i32 to index
        %parallel_loop3A_1209 = arith.constant 16 : index
        %parallel_loop3A_1210 = tpu.vector_load %arg10[%parallel_loop3A_1208, %parallel_loop3A_1209] {strides = array<i32>} : memref<160x128xf32, #tpu.memory_space<vmem>>, vector<16xf32>,
        %parallel_loop3A_1211 = arith.constant 9 : i32
        %parallel_loop3A_1212 = arith.addi %parallel_loop3A_144, %parallel_loop3A_1211 : i32
        %parallel_loop3A_1213 = arith.index_cast %parallel_loop3A_1212 : i32 to index
        %parallel_loop3A_1214 = arith.constant 16 : index
        %parallel_loop3A_1215 = tpu.vector_load %arg11[%parallel_loop3A_1213, %parallel_loop3A_1214] {strides = array<i32>} : memref<160x128xf32, #tpu.memory_space<vmem>>, vector<16xf32>,
        %parallel_loop3A_1216 = arith.mulf %parallel_loop3A_1210, %parallel_loop3A_1215 : vector<16xf32>
        %parallel_loop3A_1217 = arith.mulf %parallel_loop3A_1216, %get3A_7 : vector<16xf32>
        %parallel_loop3A_1218 = arith.addf %parallel_loop3A_1205, %parallel_loop3A_1217 : vector<16xf32>
        %parallel_loop3A_1219 = arith.constant 9 : i32
        %parallel_loop3A_1220 = arith.addi %parallel_loop3A_144, %parallel_loop3A_1219 : i32
        %parallel_loop3A_1221 = arith.index_cast %parallel_loop3A_1220 : i32 to index
        %parallel_loop3A_1222 = arith.constant 32 : index
        %parallel_loop3A_1223 = tpu.vector_load %arg10[%parallel_loop3A_1221, %parallel_loop3A_1222] {strides = array<i32>} : memref<160x128xf32, #tpu.memory_space<vmem>>, vector<16xf32>,
        %parallel_loop3A_1224 = arith.constant 9 : i32
        %parallel_loop3A_1225 = arith.addi %parallel_loop3A_144, %parallel_loop3A_1224 : i32
        %parallel_loop3A_1226 = arith.index_cast %parallel_loop3A_1225 : i32 to index
        %parallel_loop3A_1227 = arith.constant 32 : index
        %parallel_loop3A_1228 = tpu.vector_load %arg11[%parallel_loop3A_1226, %parallel_loop3A_1227] {strides = array<i32>} : memref<160x128xf32, #tpu.memory_space<vmem>>, vector<16xf32>,
        %parallel_loop3A_1229 = arith.mulf %parallel_loop3A_1223, %parallel_loop3A_1228 : vector<16xf32>
        %parallel_loop3A_1230 = arith.mulf %parallel_loop3A_1229, %get3A_9 : vector<16xf32>
        %parallel_loop3A_1231 = arith.addf %parallel_loop3A_1218, %parallel_loop3A_1230 : vector<16xf32>
        %parallel_loop3A_1232 = arith.constant 9 : i32
        %parallel_loop3A_1233 = arith.addi %parallel_loop3A_144, %parallel_loop3A_1232 : i32
        %parallel_loop3A_1234 = arith.index_cast %parallel_loop3A_1233 : i32 to index
        %parallel_loop3A_1235 = arith.constant 48 : index
        %parallel_loop3A_1236 = tpu.vector_load %arg10[%parallel_loop3A_1234, %parallel_loop3A_1235] {strides = array<i32>} : memref<160x128xf32, #tpu.memory_space<vmem>>, vector<16xf32>,
        %parallel_loop3A_1237 = arith.constant 9 : i32
        %parallel_loop3A_1238 = arith.addi %parallel_loop3A_144, %parallel_loop3A_1237 : i32
        %parallel_loop3A_1239 = arith.index_cast %parallel_loop3A_1238 : i32 to index
        %parallel_loop3A_1240 = arith.constant 48 : index
        %parallel_loop3A_1241 = tpu.vector_load %arg11[%parallel_loop3A_1239, %parallel_loop3A_1240] {strides = array<i32>} : memref<160x128xf32, #tpu.memory_space<vmem>>, vector<16xf32>,
        %parallel_loop3A_1242 = arith.mulf %parallel_loop3A_1236, %parallel_loop3A_1241 : vector<16xf32>
        %parallel_loop3A_1243 = arith.mulf %parallel_loop3A_1242, %get3A_11 : vector<16xf32>
        %parallel_loop3A_1244 = arith.addf %parallel_loop3A_1231, %parallel_loop3A_1243 : vector<16xf32>
        %parallel_loop3A_1245 = arith.constant 9 : i32
        %parallel_loop3A_1246 = arith.addi %parallel_loop3A_144, %parallel_loop3A_1245 : i32
        %parallel_loop3A_1247 = arith.index_cast %parallel_loop3A_1246 : i32 to index
        %parallel_loop3A_1248 = arith.constant 64 : index
        %parallel_loop3A_1249 = tpu.vector_load %arg10[%parallel_loop3A_1247, %parallel_loop3A_1248] {strides = array<i32>} : memref<160x128xf32, #tpu.memory_space<vmem>>, vector<16xf32>,
        %parallel_loop3A_1250 = arith.constant 9 : i32
        %parallel_loop3A_1251 = arith.addi %parallel_loop3A_144, %parallel_loop3A_1250 : i32
        %parallel_loop3A_1252 = arith.index_cast %parallel_loop3A_1251 : i32 to index
        %parallel_loop3A_1253 = arith.constant 64 : index
        %parallel_loop3A_1254 = tpu.vector_load %arg11[%parallel_loop3A_1252, %parallel_loop3A_1253] {strides = array<i32>} : memref<160x128xf32, #tpu.memory_space<vmem>>, vector<16xf32>,
        %parallel_loop3A_1255 = arith.mulf %parallel_loop3A_1249, %parallel_loop3A_1254 : vector<16xf32>
        %parallel_loop3A_1256 = arith.mulf %parallel_loop3A_1255, %get3A_13 : vector<16xf32>
        %parallel_loop3A_1257 = arith.addf %parallel_loop3A_1192, %parallel_loop3A_1256 : vector<16xf32>
        %parallel_loop3A_1258 = arith.constant 9 : i32
        %parallel_loop3A_1259 = arith.addi %parallel_loop3A_144, %parallel_loop3A_1258 : i32
        %parallel_loop3A_1260 = arith.index_cast %parallel_loop3A_1259 : i32 to index
        %parallel_loop3A_1261 = arith.constant 80 : index
        %parallel_loop3A_1262 = tpu.vector_load %arg10[%parallel_loop3A_1260, %parallel_loop3A_1261] {strides = array<i32>} : memref<160x128xf32, #tpu.memory_space<vmem>>, vector<16xf32>,
        %parallel_loop3A_1263 = arith.constant 9 : i32
        %parallel_loop3A_1264 = arith.addi %parallel_loop3A_144, %parallel_loop3A_1263 : i32
        %parallel_loop3A_1265 = arith.index_cast %parallel_loop3A_1264 : i32 to index
        %parallel_loop3A_1266 = arith.constant 80 : index
        %parallel_loop3A_1267 = tpu.vector_load %arg11[%parallel_loop3A_1265, %parallel_loop3A_1266] {strides = array<i32>} : memref<160x128xf32, #tpu.memory_space<vmem>>, vector<16xf32>,
        %parallel_loop3A_1268 = arith.mulf %parallel_loop3A_1262, %parallel_loop3A_1267 : vector<16xf32>
        %parallel_loop3A_1269 = arith.mulf %parallel_loop3A_1268, %get3A_15 : vector<16xf32>
        %parallel_loop3A_1270 = arith.addf %parallel_loop3A_1257, %parallel_loop3A_1269 : vector<16xf32>
        %parallel_loop3A_1271 = arith.constant 9 : i32
        %parallel_loop3A_1272 = arith.addi %parallel_loop3A_144, %parallel_loop3A_1271 : i32
        %parallel_loop3A_1273 = arith.index_cast %parallel_loop3A_1272 : i32 to index
        %parallel_loop3A_1274 = arith.constant 96 : index
        %parallel_loop3A_1275 = tpu.vector_load %arg10[%parallel_loop3A_1273, %parallel_loop3A_1274] {strides = array<i32>} : memref<160x128xf32, #tpu.memory_space<vmem>>, vector<16xf32>,
        %parallel_loop3A_1276 = arith.constant 9 : i32
        %parallel_loop3A_1277 = arith.addi %parallel_loop3A_144, %parallel_loop3A_1276 : i32
        %parallel_loop3A_1278 = arith.index_cast %parallel_loop3A_1277 : i32 to index
        %parallel_loop3A_1279 = arith.constant 96 : index
        %parallel_loop3A_1280 = tpu.vector_load %arg11[%parallel_loop3A_1278, %parallel_loop3A_1279] {strides = array<i32>} : memref<160x128xf32, #tpu.memory_space<vmem>>, vector<16xf32>,
        %parallel_loop3A_1281 = arith.mulf %parallel_loop3A_1275, %parallel_loop3A_1280 : vector<16xf32>
        %parallel_loop3A_1282 = arith.mulf %parallel_loop3A_1281, %get3A_17 : vector<16xf32>
        %parallel_loop3A_1283 = arith.addf %parallel_loop3A_1270, %parallel_loop3A_1282 : vector<16xf32>
        %parallel_loop3A_1284 = arith.constant 9 : i32
        %parallel_loop3A_1285 = arith.addi %parallel_loop3A_144, %parallel_loop3A_1284 : i32
        %parallel_loop3A_1286 = arith.index_cast %parallel_loop3A_1285 : i32 to index
        %parallel_loop3A_1287 = arith.constant 112 : index
        %parallel_loop3A_1288 = tpu.vector_load %arg10[%parallel_loop3A_1286, %parallel_loop3A_1287] {strides = array<i32>} : memref<160x128xf32, #tpu.memory_space<vmem>>, vector<16xf32>,
        %parallel_loop3A_1289 = arith.constant 9 : i32
        %parallel_loop3A_1290 = arith.addi %parallel_loop3A_144, %parallel_loop3A_1289 : i32
        %parallel_loop3A_1291 = arith.index_cast %parallel_loop3A_1290 : i32 to index
        %parallel_loop3A_1292 = arith.constant 112 : index
        %parallel_loop3A_1293 = tpu.vector_load %arg11[%parallel_loop3A_1291, %parallel_loop3A_1292] {strides = array<i32>} : memref<160x128xf32, #tpu.memory_space<vmem>>, vector<16xf32>,
        %parallel_loop3A_1294 = arith.mulf %parallel_loop3A_1288, %parallel_loop3A_1293 : vector<16xf32>
        %parallel_loop3A_1295 = arith.mulf %parallel_loop3A_1294, %get3A_19 : vector<16xf32>
        %parallel_loop3A_1296 = arith.addf %parallel_loop3A_1283, %parallel_loop3A_1295 : vector<16xf32>
        %parallel_loop3A_1297 = arith.addf %parallel_loop3A_1244, %parallel_loop3A_1296 : vector<16xf32>
        %parallel_loop3A_1298 = arith.constant true
        %parallel_loop3A_1299 = vector.broadcast %parallel_loop3A_1298 : i1 to vector<16xi1>
        %parallel_loop3A_1300 = tpu.scan <sum>, %parallel_loop3A_1297 masked %parallel_loop3A_1299 : vector<16xf32>, vector<16xi1> -> vector<16xf32>
        %parallel_loop3A_1301 = vector.extract_strided_slice %parallel_loop3A_1300 {offsets = [15], sizes = [1], strides = [1]} : vector<16xf32> to vector<1xf32>
        %parallel_loop3A_1302 = vector.extract %parallel_loop3A_1301[0] : f32 from vector<1xf32>
        %parallel_loop3A_1303 = vector.broadcast %parallel_loop3A_1302 : f32 to vector<16xf32>
        %parallel_loop3A_1304 = arith.mulf %parallel_loop3A_1303, %convert_element_type3A_67 : vector<16xf32>
        %parallel_loop3A_1305 = arith.constant 0.000000e+00 : f32
        %parallel_loop3A_1306 = vector.broadcast %parallel_loop3A_1305 : f32 to vector<16xf32>
        %parallel_loop3A_1307 = arith.constant 0.000000e+00 : f32
        %parallel_loop3A_1308 = vector.broadcast %parallel_loop3A_1307 : f32 to vector<16xf32>
        %parallel_loop3A_1309 = arith.constant 10 : i32
        %parallel_loop3A_1310 = arith.addi %parallel_loop3A_144, %parallel_loop3A_1309 : i32
        %parallel_loop3A_1311 = arith.index_cast %parallel_loop3A_1310 : i32 to index
        %parallel_loop3A_1312 = arith.constant 0 : index
        %parallel_loop3A_1313 = tpu.vector_load %arg10[%parallel_loop3A_1311, %parallel_loop3A_1312] {strides = array<i32>} : memref<160x128xf32, #tpu.memory_space<vmem>>, vector<16xf32>,
        %parallel_loop3A_1314 = arith.constant 10 : i32
        %parallel_loop3A_1315 = arith.addi %parallel_loop3A_144, %parallel_loop3A_1314 : i32
        %parallel_loop3A_1316 = arith.index_cast %parallel_loop3A_1315 : i32 to index
        %parallel_loop3A_1317 = arith.constant 0 : index
        %parallel_loop3A_1318 = tpu.vector_load %arg11[%parallel_loop3A_1316, %parallel_loop3A_1317] {strides = array<i32>} : memref<160x128xf32, #tpu.memory_space<vmem>>, vector<16xf32>,
        %parallel_loop3A_1319 = arith.mulf %parallel_loop3A_1313, %parallel_loop3A_1318 : vector<16xf32>
        %parallel_loop3A_1320 = arith.mulf %parallel_loop3A_1319, %get3A_5 : vector<16xf32>
        %parallel_loop3A_1321 = arith.addf %parallel_loop3A_1306, %parallel_loop3A_1320 : vector<16xf32>
        %parallel_loop3A_1322 = arith.constant 10 : i32
        %parallel_loop3A_1323 = arith.addi %parallel_loop3A_144, %parallel_loop3A_1322 : i32
        %parallel_loop3A_1324 = arith.index_cast %parallel_loop3A_1323 : i32 to index
        %parallel_loop3A_1325 = arith.constant 16 : index
        %parallel_loop3A_1326 = tpu.vector_load %arg10[%parallel_loop3A_1324, %parallel_loop3A_1325] {strides = array<i32>} : memref<160x128xf32, #tpu.memory_space<vmem>>, vector<16xf32>,
        %parallel_loop3A_1327 = arith.constant 10 : i32
        %parallel_loop3A_1328 = arith.addi %parallel_loop3A_144, %parallel_loop3A_1327 : i32
        %parallel_loop3A_1329 = arith.index_cast %parallel_loop3A_1328 : i32 to index
        %parallel_loop3A_1330 = arith.constant 16 : index
        %parallel_loop3A_1331 = tpu.vector_load %arg11[%parallel_loop3A_1329, %parallel_loop3A_1330] {strides = array<i32>} : memref<160x128xf32, #tpu.memory_space<vmem>>, vector<16xf32>,
        %parallel_loop3A_1332 = arith.mulf %parallel_loop3A_1326, %parallel_loop3A_1331 : vector<16xf32>
        %parallel_loop3A_1333 = arith.mulf %parallel_loop3A_1332, %get3A_7 : vector<16xf32>
        %parallel_loop3A_1334 = arith.addf %parallel_loop3A_1321, %parallel_loop3A_1333 : vector<16xf32>
        %parallel_loop3A_1335 = arith.constant 10 : i32
        %parallel_loop3A_1336 = arith.addi %parallel_loop3A_144, %parallel_loop3A_1335 : i32
        %parallel_loop3A_1337 = arith.index_cast %parallel_loop3A_1336 : i32 to index
        %parallel_loop3A_1338 = arith.constant 32 : index
        %parallel_loop3A_1339 = tpu.vector_load %arg10[%parallel_loop3A_1337, %parallel_loop3A_1338] {strides = array<i32>} : memref<160x128xf32, #tpu.memory_space<vmem>>, vector<16xf32>,
        %parallel_loop3A_1340 = arith.constant 10 : i32
        %parallel_loop3A_1341 = arith.addi %parallel_loop3A_144, %parallel_loop3A_1340 : i32
        %parallel_loop3A_1342 = arith.index_cast %parallel_loop3A_1341 : i32 to index
        %parallel_loop3A_1343 = arith.constant 32 : index
        %parallel_loop3A_1344 = tpu.vector_load %arg11[%parallel_loop3A_1342, %parallel_loop3A_1343] {strides = array<i32>} : memref<160x128xf32, #tpu.memory_space<vmem>>, vector<16xf32>,
        %parallel_loop3A_1345 = arith.mulf %parallel_loop3A_1339, %parallel_loop3A_1344 : vector<16xf32>
        %parallel_loop3A_1346 = arith.mulf %parallel_loop3A_1345, %get3A_9 : vector<16xf32>
        %parallel_loop3A_1347 = arith.addf %parallel_loop3A_1334, %parallel_loop3A_1346 : vector<16xf32>
        %parallel_loop3A_1348 = arith.constant 10 : i32
        %parallel_loop3A_1349 = arith.addi %parallel_loop3A_144, %parallel_loop3A_1348 : i32
        %parallel_loop3A_1350 = arith.index_cast %parallel_loop3A_1349 : i32 to index
        %parallel_loop3A_1351 = arith.constant 48 : index
        %parallel_loop3A_1352 = tpu.vector_load %arg10[%parallel_loop3A_1350, %parallel_loop3A_1351] {strides = array<i32>} : memref<160x128xf32, #tpu.memory_space<vmem>>, vector<16xf32>,
        %parallel_loop3A_1353 = arith.constant 10 : i32
        %parallel_loop3A_1354 = arith.addi %parallel_loop3A_144, %parallel_loop3A_1353 : i32
        %parallel_loop3A_1355 = arith.index_cast %parallel_loop3A_1354 : i32 to index
        %parallel_loop3A_1356 = arith.constant 48 : index
        %parallel_loop3A_1357 = tpu.vector_load %arg11[%parallel_loop3A_1355, %parallel_loop3A_1356] {strides = array<i32>} : memref<160x128xf32, #tpu.memory_space<vmem>>, vector<16xf32>,
        %parallel_loop3A_1358 = arith.mulf %parallel_loop3A_1352, %parallel_loop3A_1357 : vector<16xf32>
        %parallel_loop3A_1359 = arith.mulf %parallel_loop3A_1358, %get3A_11 : vector<16xf32>
        %parallel_loop3A_1360 = arith.addf %parallel_loop3A_1347, %parallel_loop3A_1359 : vector<16xf32>
        %parallel_loop3A_1361 = arith.constant 10 : i32
        %parallel_loop3A_1362 = arith.addi %parallel_loop3A_144, %parallel_loop3A_1361 : i32
        %parallel_loop3A_1363 = arith.index_cast %parallel_loop3A_1362 : i32 to index
        %parallel_loop3A_1364 = arith.constant 64 : index
        %parallel_loop3A_1365 = tpu.vector_load %arg10[%parallel_loop3A_1363, %parallel_loop3A_1364] {strides = array<i32>} : memref<160x128xf32, #tpu.memory_space<vmem>>, vector<16xf32>,
        %parallel_loop3A_1366 = arith.constant 10 : i32
        %parallel_loop3A_1367 = arith.addi %parallel_loop3A_144, %parallel_loop3A_1366 : i32
        %parallel_loop3A_1368 = arith.index_cast %parallel_loop3A_1367 : i32 to index
        %parallel_loop3A_1369 = arith.constant 64 : index
        %parallel_loop3A_1370 = tpu.vector_load %arg11[%parallel_loop3A_1368, %parallel_loop3A_1369] {strides = array<i32>} : memref<160x128xf32, #tpu.memory_space<vmem>>, vector<16xf32>,
        %parallel_loop3A_1371 = arith.mulf %parallel_loop3A_1365, %parallel_loop3A_1370 : vector<16xf32>
        %parallel_loop3A_1372 = arith.mulf %parallel_loop3A_1371, %get3A_13 : vector<16xf32>
        %parallel_loop3A_1373 = arith.addf %parallel_loop3A_1308, %parallel_loop3A_1372 : vector<16xf32>
        %parallel_loop3A_1374 = arith.constant 10 : i32
        %parallel_loop3A_1375 = arith.addi %parallel_loop3A_144, %parallel_loop3A_1374 : i32
        %parallel_loop3A_1376 = arith.index_cast %parallel_loop3A_1375 : i32 to index
        %parallel_loop3A_1377 = arith.constant 80 : index
        %parallel_loop3A_1378 = tpu.vector_load %arg10[%parallel_loop3A_1376, %parallel_loop3A_1377] {strides = array<i32>} : memref<160x128xf32, #tpu.memory_space<vmem>>, vector<16xf32>,
        %parallel_loop3A_1379 = arith.constant 10 : i32
        %parallel_loop3A_1380 = arith.addi %parallel_loop3A_144, %parallel_loop3A_1379 : i32
        %parallel_loop3A_1381 = arith.index_cast %parallel_loop3A_1380 : i32 to index
        %parallel_loop3A_1382 = arith.constant 80 : index
        %parallel_loop3A_1383 = tpu.vector_load %arg11[%parallel_loop3A_1381, %parallel_loop3A_1382] {strides = array<i32>} : memref<160x128xf32, #tpu.memory_space<vmem>>, vector<16xf32>,
        %parallel_loop3A_1384 = arith.mulf %parallel_loop3A_1378, %parallel_loop3A_1383 : vector<16xf32>
        %parallel_loop3A_1385 = arith.mulf %parallel_loop3A_1384, %get3A_15 : vector<16xf32>
        %parallel_loop3A_1386 = arith.addf %parallel_loop3A_1373, %parallel_loop3A_1385 : vector<16xf32>
        %parallel_loop3A_1387 = arith.constant 10 : i32
        %parallel_loop3A_1388 = arith.addi %parallel_loop3A_144, %parallel_loop3A_1387 : i32
        %parallel_loop3A_1389 = arith.index_cast %parallel_loop3A_1388 : i32 to index
        %parallel_loop3A_1390 = arith.constant 96 : index
        %parallel_loop3A_1391 = tpu.vector_load %arg10[%parallel_loop3A_1389, %parallel_loop3A_1390] {strides = array<i32>} : memref<160x128xf32, #tpu.memory_space<vmem>>, vector<16xf32>,
        %parallel_loop3A_1392 = arith.constant 10 : i32
        %parallel_loop3A_1393 = arith.addi %parallel_loop3A_144, %parallel_loop3A_1392 : i32
        %parallel_loop3A_1394 = arith.index_cast %parallel_loop3A_1393 : i32 to index
        %parallel_loop3A_1395 = arith.constant 96 : index
        %parallel_loop3A_1396 = tpu.vector_load %arg11[%parallel_loop3A_1394, %parallel_loop3A_1395] {strides = array<i32>} : memref<160x128xf32, #tpu.memory_space<vmem>>, vector<16xf32>,
        %parallel_loop3A_1397 = arith.mulf %parallel_loop3A_1391, %parallel_loop3A_1396 : vector<16xf32>
        %parallel_loop3A_1398 = arith.mulf %parallel_loop3A_1397, %get3A_17 : vector<16xf32>
        %parallel_loop3A_1399 = arith.addf %parallel_loop3A_1386, %parallel_loop3A_1398 : vector<16xf32>
        %parallel_loop3A_1400 = arith.constant 10 : i32
        %parallel_loop3A_1401 = arith.addi %parallel_loop3A_144, %parallel_loop3A_1400 : i32
        %parallel_loop3A_1402 = arith.index_cast %parallel_loop3A_1401 : i32 to index
        %parallel_loop3A_1403 = arith.constant 112 : index
        %parallel_loop3A_1404 = tpu.vector_load %arg10[%parallel_loop3A_1402, %parallel_loop3A_1403] {strides = array<i32>} : memref<160x128xf32, #tpu.memory_space<vmem>>, vector<16xf32>,
        %parallel_loop3A_1405 = arith.constant 10 : i32
        %parallel_loop3A_1406 = arith.addi %parallel_loop3A_144, %parallel_loop3A_1405 : i32
        %parallel_loop3A_1407 = arith.index_cast %parallel_loop3A_1406 : i32 to index
        %parallel_loop3A_1408 = arith.constant 112 : index
        %parallel_loop3A_1409 = tpu.vector_load %arg11[%parallel_loop3A_1407, %parallel_loop3A_1408] {strides = array<i32>} : memref<160x128xf32, #tpu.memory_space<vmem>>, vector<16xf32>,
        %parallel_loop3A_1410 = arith.mulf %parallel_loop3A_1404, %parallel_loop3A_1409 : vector<16xf32>
        %parallel_loop3A_1411 = arith.mulf %parallel_loop3A_1410, %get3A_19 : vector<16xf32>
        %parallel_loop3A_1412 = arith.addf %parallel_loop3A_1399, %parallel_loop3A_1411 : vector<16xf32>
        %parallel_loop3A_1413 = arith.addf %parallel_loop3A_1360, %parallel_loop3A_1412 : vector<16xf32>
        %parallel_loop3A_1414 = arith.constant true
        %parallel_loop3A_1415 = vector.broadcast %parallel_loop3A_1414 : i1 to vector<16xi1>
        %parallel_loop3A_1416 = tpu.scan <sum>, %parallel_loop3A_1413 masked %parallel_loop3A_1415 : vector<16xf32>, vector<16xi1> -> vector<16xf32>
        %parallel_loop3A_1417 = vector.extract_strided_slice %parallel_loop3A_1416 {offsets = [15], sizes = [1], strides = [1]} : vector<16xf32> to vector<1xf32>
        %parallel_loop3A_1418 = vector.extract %parallel_loop3A_1417[0] : f32 from vector<1xf32>
        %parallel_loop3A_1419 = vector.broadcast %parallel_loop3A_1418 : f32 to vector<16xf32>
        %parallel_loop3A_1420 = arith.mulf %parallel_loop3A_1419, %convert_element_type3A_72 : vector<16xf32>
        %parallel_loop3A_1421 = arith.constant 0.000000e+00 : f32
        %parallel_loop3A_1422 = vector.broadcast %parallel_loop3A_1421 : f32 to vector<16xf32>
        %parallel_loop3A_1423 = arith.constant 0.000000e+00 : f32
        %parallel_loop3A_1424 = vector.broadcast %parallel_loop3A_1423 : f32 to vector<16xf32>
        %parallel_loop3A_1425 = arith.constant 11 : i32
        %parallel_loop3A_1426 = arith.addi %parallel_loop3A_144, %parallel_loop3A_1425 : i32
        %parallel_loop3A_1427 = arith.index_cast %parallel_loop3A_1426 : i32 to index
        %parallel_loop3A_1428 = arith.constant 0 : index
        %parallel_loop3A_1429 = tpu.vector_load %arg10[%parallel_loop3A_1427, %parallel_loop3A_1428] {strides = array<i32>} : memref<160x128xf32, #tpu.memory_space<vmem>>, vector<16xf32>,
        %parallel_loop3A_1430 = arith.constant 11 : i32
        %parallel_loop3A_1431 = arith.addi %parallel_loop3A_144, %parallel_loop3A_1430 : i32
        %parallel_loop3A_1432 = arith.index_cast %parallel_loop3A_1431 : i32 to index
        %parallel_loop3A_1433 = arith.constant 0 : index
        %parallel_loop3A_1434 = tpu.vector_load %arg11[%parallel_loop3A_1432, %parallel_loop3A_1433] {strides = array<i32>} : memref<160x128xf32, #tpu.memory_space<vmem>>, vector<16xf32>,
        %parallel_loop3A_1435 = arith.mulf %parallel_loop3A_1429, %parallel_loop3A_1434 : vector<16xf32>
        %parallel_loop3A_1436 = arith.mulf %parallel_loop3A_1435, %get3A_5 : vector<16xf32>
        %parallel_loop3A_1437 = arith.addf %parallel_loop3A_1422, %parallel_loop3A_1436 : vector<16xf32>
        %parallel_loop3A_1438 = arith.constant 11 : i32
        %parallel_loop3A_1439 = arith.addi %parallel_loop3A_144, %parallel_loop3A_1438 : i32
        %parallel_loop3A_1440 = arith.index_cast %parallel_loop3A_1439 : i32 to index
        %parallel_loop3A_1441 = arith.constant 16 : index
        %parallel_loop3A_1442 = tpu.vector_load %arg10[%parallel_loop3A_1440, %parallel_loop3A_1441] {strides = array<i32>} : memref<160x128xf32, #tpu.memory_space<vmem>>, vector<16xf32>,
        %parallel_loop3A_1443 = arith.constant 11 : i32
        %parallel_loop3A_1444 = arith.addi %parallel_loop3A_144, %parallel_loop3A_1443 : i32
        %parallel_loop3A_1445 = arith.index_cast %parallel_loop3A_1444 : i32 to index
        %parallel_loop3A_1446 = arith.constant 16 : index
        %parallel_loop3A_1447 = tpu.vector_load %arg11[%parallel_loop3A_1445, %parallel_loop3A_1446] {strides = array<i32>} : memref<160x128xf32, #tpu.memory_space<vmem>>, vector<16xf32>,
        %parallel_loop3A_1448 = arith.mulf %parallel_loop3A_1442, %parallel_loop3A_1447 : vector<16xf32>
        %parallel_loop3A_1449 = arith.mulf %parallel_loop3A_1448, %get3A_7 : vector<16xf32>
        %parallel_loop3A_1450 = arith.addf %parallel_loop3A_1437, %parallel_loop3A_1449 : vector<16xf32>
        %parallel_loop3A_1451 = arith.constant 11 : i32
        %parallel_loop3A_1452 = arith.addi %parallel_loop3A_144, %parallel_loop3A_1451 : i32
        %parallel_loop3A_1453 = arith.index_cast %parallel_loop3A_1452 : i32 to index
        %parallel_loop3A_1454 = arith.constant 32 : index
        %parallel_loop3A_1455 = tpu.vector_load %arg10[%parallel_loop3A_1453, %parallel_loop3A_1454] {strides = array<i32>} : memref<160x128xf32, #tpu.memory_space<vmem>>, vector<16xf32>,
        %parallel_loop3A_1456 = arith.constant 11 : i32
        %parallel_loop3A_1457 = arith.addi %parallel_loop3A_144, %parallel_loop3A_1456 : i32
        %parallel_loop3A_1458 = arith.index_cast %parallel_loop3A_1457 : i32 to index
        %parallel_loop3A_1459 = arith.constant 32 : index
        %parallel_loop3A_1460 = tpu.vector_load %arg11[%parallel_loop3A_1458, %parallel_loop3A_1459] {strides = array<i32>} : memref<160x128xf32, #tpu.memory_space<vmem>>, vector<16xf32>,
        %parallel_loop3A_1461 = arith.mulf %parallel_loop3A_1455, %parallel_loop3A_1460 : vector<16xf32>
        %parallel_loop3A_1462 = arith.mulf %parallel_loop3A_1461, %get3A_9 : vector<16xf32>
        %parallel_loop3A_1463 = arith.addf %parallel_loop3A_1450, %parallel_loop3A_1462 : vector<16xf32>
        %parallel_loop3A_1464 = arith.constant 11 : i32
        %parallel_loop3A_1465 = arith.addi %parallel_loop3A_144, %parallel_loop3A_1464 : i32
        %parallel_loop3A_1466 = arith.index_cast %parallel_loop3A_1465 : i32 to index
        %parallel_loop3A_1467 = arith.constant 48 : index
        %parallel_loop3A_1468 = tpu.vector_load %arg10[%parallel_loop3A_1466, %parallel_loop3A_1467] {strides = array<i32>} : memref<160x128xf32, #tpu.memory_space<vmem>>, vector<16xf32>,
        %parallel_loop3A_1469 = arith.constant 11 : i32
        %parallel_loop3A_1470 = arith.addi %parallel_loop3A_144, %parallel_loop3A_1469 : i32
        %parallel_loop3A_1471 = arith.index_cast %parallel_loop3A_1470 : i32 to index
        %parallel_loop3A_1472 = arith.constant 48 : index
        %parallel_loop3A_1473 = tpu.vector_load %arg11[%parallel_loop3A_1471, %parallel_loop3A_1472] {strides = array<i32>} : memref<160x128xf32, #tpu.memory_space<vmem>>, vector<16xf32>,
        %parallel_loop3A_1474 = arith.mulf %parallel_loop3A_1468, %parallel_loop3A_1473 : vector<16xf32>
        %parallel_loop3A_1475 = arith.mulf %parallel_loop3A_1474, %get3A_11 : vector<16xf32>
        %parallel_loop3A_1476 = arith.addf %parallel_loop3A_1463, %parallel_loop3A_1475 : vector<16xf32>
        %parallel_loop3A_1477 = arith.constant 11 : i32
        %parallel_loop3A_1478 = arith.addi %parallel_loop3A_144, %parallel_loop3A_1477 : i32
        %parallel_loop3A_1479 = arith.index_cast %parallel_loop3A_1478 : i32 to index
        %parallel_loop3A_1480 = arith.constant 64 : index
        %parallel_loop3A_1481 = tpu.vector_load %arg10[%parallel_loop3A_1479, %parallel_loop3A_1480] {strides = array<i32>} : memref<160x128xf32, #tpu.memory_space<vmem>>, vector<16xf32>,
        %parallel_loop3A_1482 = arith.constant 11 : i32
        %parallel_loop3A_1483 = arith.addi %parallel_loop3A_144, %parallel_loop3A_1482 : i32
        %parallel_loop3A_1484 = arith.index_cast %parallel_loop3A_1483 : i32 to index
        %parallel_loop3A_1485 = arith.constant 64 : index
        %parallel_loop3A_1486 = tpu.vector_load %arg11[%parallel_loop3A_1484, %parallel_loop3A_1485] {strides = array<i32>} : memref<160x128xf32, #tpu.memory_space<vmem>>, vector<16xf32>,
        %parallel_loop3A_1487 = arith.mulf %parallel_loop3A_1481, %parallel_loop3A_1486 : vector<16xf32>
        %parallel_loop3A_1488 = arith.mulf %parallel_loop3A_1487, %get3A_13 : vector<16xf32>
        %parallel_loop3A_1489 = arith.addf %parallel_loop3A_1424, %parallel_loop3A_1488 : vector<16xf32>
        %parallel_loop3A_1490 = arith.constant 11 : i32
        %parallel_loop3A_1491 = arith.addi %parallel_loop3A_144, %parallel_loop3A_1490 : i32
        %parallel_loop3A_1492 = arith.index_cast %parallel_loop3A_1491 : i32 to index
        %parallel_loop3A_1493 = arith.constant 80 : index
        %parallel_loop3A_1494 = tpu.vector_load %arg10[%parallel_loop3A_1492, %parallel_loop3A_1493] {strides = array<i32>} : memref<160x128xf32, #tpu.memory_space<vmem>>, vector<16xf32>,
        %parallel_loop3A_1495 = arith.constant 11 : i32
        %parallel_loop3A_1496 = arith.addi %parallel_loop3A_144, %parallel_loop3A_1495 : i32
        %parallel_loop3A_1497 = arith.index_cast %parallel_loop3A_1496 : i32 to index
        %parallel_loop3A_1498 = arith.constant 80 : index
        %parallel_loop3A_1499 = tpu.vector_load %arg11[%parallel_loop3A_1497, %parallel_loop3A_1498] {strides = array<i32>} : memref<160x128xf32, #tpu.memory_space<vmem>>, vector<16xf32>,
        %parallel_loop3A_1500 = arith.mulf %parallel_loop3A_1494, %parallel_loop3A_1499 : vector<16xf32>
        %parallel_loop3A_1501 = arith.mulf %parallel_loop3A_1500, %get3A_15 : vector<16xf32>
        %parallel_loop3A_1502 = arith.addf %parallel_loop3A_1489, %parallel_loop3A_1501 : vector<16xf32>
        %parallel_loop3A_1503 = arith.constant 11 : i32
        %parallel_loop3A_1504 = arith.addi %parallel_loop3A_144, %parallel_loop3A_1503 : i32
        %parallel_loop3A_1505 = arith.index_cast %parallel_loop3A_1504 : i32 to index
        %parallel_loop3A_1506 = arith.constant 96 : index
        %parallel_loop3A_1507 = tpu.vector_load %arg10[%parallel_loop3A_1505, %parallel_loop3A_1506] {strides = array<i32>} : memref<160x128xf32, #tpu.memory_space<vmem>>, vector<16xf32>,
        %parallel_loop3A_1508 = arith.constant 11 : i32
        %parallel_loop3A_1509 = arith.addi %parallel_loop3A_144, %parallel_loop3A_1508 : i32
        %parallel_loop3A_1510 = arith.index_cast %parallel_loop3A_1509 : i32 to index
        %parallel_loop3A_1511 = arith.constant 96 : index
        %parallel_loop3A_1512 = tpu.vector_load %arg11[%parallel_loop3A_1510, %parallel_loop3A_1511] {strides = array<i32>} : memref<160x128xf32, #tpu.memory_space<vmem>>, vector<16xf32>,
        %parallel_loop3A_1513 = arith.mulf %parallel_loop3A_1507, %parallel_loop3A_1512 : vector<16xf32>
        %parallel_loop3A_1514 = arith.mulf %parallel_loop3A_1513, %get3A_17 : vector<16xf32>
        %parallel_loop3A_1515 = arith.addf %parallel_loop3A_1502, %parallel_loop3A_1514 : vector<16xf32>
        %parallel_loop3A_1516 = arith.constant 11 : i32
        %parallel_loop3A_1517 = arith.addi %parallel_loop3A_144, %parallel_loop3A_1516 : i32
        %parallel_loop3A_1518 = arith.index_cast %parallel_loop3A_1517 : i32 to index
        %parallel_loop3A_1519 = arith.constant 112 : index
        %parallel_loop3A_1520 = tpu.vector_load %arg10[%parallel_loop3A_1518, %parallel_loop3A_1519] {strides = array<i32>} : memref<160x128xf32, #tpu.memory_space<vmem>>, vector<16xf32>,
        %parallel_loop3A_1521 = arith.constant 11 : i32
        %parallel_loop3A_1522 = arith.addi %parallel_loop3A_144, %parallel_loop3A_1521 : i32
        %parallel_loop3A_1523 = arith.index_cast %parallel_loop3A_1522 : i32 to index
        %parallel_loop3A_1524 = arith.constant 112 : index
        %parallel_loop3A_1525 = tpu.vector_load %arg11[%parallel_loop3A_1523, %parallel_loop3A_1524] {strides = array<i32>} : memref<160x128xf32, #tpu.memory_space<vmem>>, vector<16xf32>,
        %parallel_loop3A_1526 = arith.mulf %parallel_loop3A_1520, %parallel_loop3A_1525 : vector<16xf32>
        %parallel_loop3A_1527 = arith.mulf %parallel_loop3A_1526, %get3A_19 : vector<16xf32>
        %parallel_loop3A_1528 = arith.addf %parallel_loop3A_1515, %parallel_loop3A_1527 : vector<16xf32>
        %parallel_loop3A_1529 = arith.addf %parallel_loop3A_1476, %parallel_loop3A_1528 : vector<16xf32>
        %parallel_loop3A_1530 = arith.constant true
        %parallel_loop3A_1531 = vector.broadcast %parallel_loop3A_1530 : i1 to vector<16xi1>
        %parallel_loop3A_1532 = tpu.scan <sum>, %parallel_loop3A_1529 masked %parallel_loop3A_1531 : vector<16xf32>, vector<16xi1> -> vector<16xf32>
        %parallel_loop3A_1533 = vector.extract_strided_slice %parallel_loop3A_1532 {offsets = [15], sizes = [1], strides = [1]} : vector<16xf32> to vector<1xf32>
        %parallel_loop3A_1534 = vector.extract %parallel_loop3A_1533[0] : f32 from vector<1xf32>
        %parallel_loop3A_1535 = vector.broadcast %parallel_loop3A_1534 : f32 to vector<16xf32>
        %parallel_loop3A_1536 = arith.mulf %parallel_loop3A_1535, %convert_element_type3A_77 : vector<16xf32>
        %parallel_loop3A_1537 = arith.constant 0.000000e+00 : f32
        %parallel_loop3A_1538 = vector.broadcast %parallel_loop3A_1537 : f32 to vector<16xf32>
        %parallel_loop3A_1539 = arith.constant 0.000000e+00 : f32
        %parallel_loop3A_1540 = vector.broadcast %parallel_loop3A_1539 : f32 to vector<16xf32>
        %parallel_loop3A_1541 = arith.constant 12 : i32
        %parallel_loop3A_1542 = arith.addi %parallel_loop3A_144, %parallel_loop3A_1541 : i32
        %parallel_loop3A_1543 = arith.index_cast %parallel_loop3A_1542 : i32 to index
        %parallel_loop3A_1544 = arith.constant 0 : index
        %parallel_loop3A_1545 = tpu.vector_load %arg10[%parallel_loop3A_1543, %parallel_loop3A_1544] {strides = array<i32>} : memref<160x128xf32, #tpu.memory_space<vmem>>, vector<16xf32>,
        %parallel_loop3A_1546 = arith.constant 12 : i32
        %parallel_loop3A_1547 = arith.addi %parallel_loop3A_144, %parallel_loop3A_1546 : i32
        %parallel_loop3A_1548 = arith.index_cast %parallel_loop3A_1547 : i32 to index
        %parallel_loop3A_1549 = arith.constant 0 : index
        %parallel_loop3A_1550 = tpu.vector_load %arg11[%parallel_loop3A_1548, %parallel_loop3A_1549] {strides = array<i32>} : memref<160x128xf32, #tpu.memory_space<vmem>>, vector<16xf32>,
        %parallel_loop3A_1551 = arith.mulf %parallel_loop3A_1545, %parallel_loop3A_1550 : vector<16xf32>
        %parallel_loop3A_1552 = arith.mulf %parallel_loop3A_1551, %get3A_5 : vector<16xf32>
        %parallel_loop3A_1553 = arith.addf %parallel_loop3A_1538, %parallel_loop3A_1552 : vector<16xf32>
        %parallel_loop3A_1554 = arith.constant 12 : i32
        %parallel_loop3A_1555 = arith.addi %parallel_loop3A_144, %parallel_loop3A_1554 : i32
        %parallel_loop3A_1556 = arith.index_cast %parallel_loop3A_1555 : i32 to index
        %parallel_loop3A_1557 = arith.constant 16 : index
        %parallel_loop3A_1558 = tpu.vector_load %arg10[%parallel_loop3A_1556, %parallel_loop3A_1557] {strides = array<i32>} : memref<160x128xf32, #tpu.memory_space<vmem>>, vector<16xf32>,
        %parallel_loop3A_1559 = arith.constant 12 : i32
        %parallel_loop3A_1560 = arith.addi %parallel_loop3A_144, %parallel_loop3A_1559 : i32
        %parallel_loop3A_1561 = arith.index_cast %parallel_loop3A_1560 : i32 to index
        %parallel_loop3A_1562 = arith.constant 16 : index
        %parallel_loop3A_1563 = tpu.vector_load %arg11[%parallel_loop3A_1561, %parallel_loop3A_1562] {strides = array<i32>} : memref<160x128xf32, #tpu.memory_space<vmem>>, vector<16xf32>,
        %parallel_loop3A_1564 = arith.mulf %parallel_loop3A_1558, %parallel_loop3A_1563 : vector<16xf32>
        %parallel_loop3A_1565 = arith.mulf %parallel_loop3A_1564, %get3A_7 : vector<16xf32>
        %parallel_loop3A_1566 = arith.addf %parallel_loop3A_1553, %parallel_loop3A_1565 : vector<16xf32>
        %parallel_loop3A_1567 = arith.constant 12 : i32
        %parallel_loop3A_1568 = arith.addi %parallel_loop3A_144, %parallel_loop3A_1567 : i32
        %parallel_loop3A_1569 = arith.index_cast %parallel_loop3A_1568 : i32 to index
        %parallel_loop3A_1570 = arith.constant 32 : index
        %parallel_loop3A_1571 = tpu.vector_load %arg10[%parallel_loop3A_1569, %parallel_loop3A_1570] {strides = array<i32>} : memref<160x128xf32, #tpu.memory_space<vmem>>, vector<16xf32>,
        %parallel_loop3A_1572 = arith.constant 12 : i32
        %parallel_loop3A_1573 = arith.addi %parallel_loop3A_144, %parallel_loop3A_1572 : i32
        %parallel_loop3A_1574 = arith.index_cast %parallel_loop3A_1573 : i32 to index
        %parallel_loop3A_1575 = arith.constant 32 : index
        %parallel_loop3A_1576 = tpu.vector_load %arg11[%parallel_loop3A_1574, %parallel_loop3A_1575] {strides = array<i32>} : memref<160x128xf32, #tpu.memory_space<vmem>>, vector<16xf32>,
        %parallel_loop3A_1577 = arith.mulf %parallel_loop3A_1571, %parallel_loop3A_1576 : vector<16xf32>
        %parallel_loop3A_1578 = arith.mulf %parallel_loop3A_1577, %get3A_9 : vector<16xf32>
        %parallel_loop3A_1579 = arith.addf %parallel_loop3A_1566, %parallel_loop3A_1578 : vector<16xf32>
        %parallel_loop3A_1580 = arith.constant 12 : i32
        %parallel_loop3A_1581 = arith.addi %parallel_loop3A_144, %parallel_loop3A_1580 : i32
        %parallel_loop3A_1582 = arith.index_cast %parallel_loop3A_1581 : i32 to index
        %parallel_loop3A_1583 = arith.constant 48 : index
        %parallel_loop3A_1584 = tpu.vector_load %arg10[%parallel_loop3A_1582, %parallel_loop3A_1583] {strides = array<i32>} : memref<160x128xf32, #tpu.memory_space<vmem>>, vector<16xf32>,
        %parallel_loop3A_1585 = arith.constant 12 : i32
        %parallel_loop3A_1586 = arith.addi %parallel_loop3A_144, %parallel_loop3A_1585 : i32
        %parallel_loop3A_1587 = arith.index_cast %parallel_loop3A_1586 : i32 to index
        %parallel_loop3A_1588 = arith.constant 48 : index
        %parallel_loop3A_1589 = tpu.vector_load %arg11[%parallel_loop3A_1587, %parallel_loop3A_1588] {strides = array<i32>} : memref<160x128xf32, #tpu.memory_space<vmem>>, vector<16xf32>,
        %parallel_loop3A_1590 = arith.mulf %parallel_loop3A_1584, %parallel_loop3A_1589 : vector<16xf32>
        %parallel_loop3A_1591 = arith.mulf %parallel_loop3A_1590, %get3A_11 : vector<16xf32>
        %parallel_loop3A_1592 = arith.addf %parallel_loop3A_1579, %parallel_loop3A_1591 : vector<16xf32>
        %parallel_loop3A_1593 = arith.constant 12 : i32
        %parallel_loop3A_1594 = arith.addi %parallel_loop3A_144, %parallel_loop3A_1593 : i32
        %parallel_loop3A_1595 = arith.index_cast %parallel_loop3A_1594 : i32 to index
        %parallel_loop3A_1596 = arith.constant 64 : index
        %parallel_loop3A_1597 = tpu.vector_load %arg10[%parallel_loop3A_1595, %parallel_loop3A_1596] {strides = array<i32>} : memref<160x128xf32, #tpu.memory_space<vmem>>, vector<16xf32>,
        %parallel_loop3A_1598 = arith.constant 12 : i32
        %parallel_loop3A_1599 = arith.addi %parallel_loop3A_144, %parallel_loop3A_1598 : i32
        %parallel_loop3A_1600 = arith.index_cast %parallel_loop3A_1599 : i32 to index
        %parallel_loop3A_1601 = arith.constant 64 : index
        %parallel_loop3A_1602 = tpu.vector_load %arg11[%parallel_loop3A_1600, %parallel_loop3A_1601] {strides = array<i32>} : memref<160x128xf32, #tpu.memory_space<vmem>>, vector<16xf32>,
        %parallel_loop3A_1603 = arith.mulf %parallel_loop3A_1597, %parallel_loop3A_1602 : vector<16xf32>
        %parallel_loop3A_1604 = arith.mulf %parallel_loop3A_1603, %get3A_13 : vector<16xf32>
        %parallel_loop3A_1605 = arith.addf %parallel_loop3A_1540, %parallel_loop3A_1604 : vector<16xf32>
        %parallel_loop3A_1606 = arith.constant 12 : i32
        %parallel_loop3A_1607 = arith.addi %parallel_loop3A_144, %parallel_loop3A_1606 : i32
        %parallel_loop3A_1608 = arith.index_cast %parallel_loop3A_1607 : i32 to index
        %parallel_loop3A_1609 = arith.constant 80 : index
        %parallel_loop3A_1610 = tpu.vector_load %arg10[%parallel_loop3A_1608, %parallel_loop3A_1609] {strides = array<i32>} : memref<160x128xf32, #tpu.memory_space<vmem>>, vector<16xf32>,
        %parallel_loop3A_1611 = arith.constant 12 : i32
        %parallel_loop3A_1612 = arith.addi %parallel_loop3A_144, %parallel_loop3A_1611 : i32
        %parallel_loop3A_1613 = arith.index_cast %parallel_loop3A_1612 : i32 to index
        %parallel_loop3A_1614 = arith.constant 80 : index
        %parallel_loop3A_1615 = tpu.vector_load %arg11[%parallel_loop3A_1613, %parallel_loop3A_1614] {strides = array<i32>} : memref<160x128xf32, #tpu.memory_space<vmem>>, vector<16xf32>,
        %parallel_loop3A_1616 = arith.mulf %parallel_loop3A_1610, %parallel_loop3A_1615 : vector<16xf32>
        %parallel_loop3A_1617 = arith.mulf %parallel_loop3A_1616, %get3A_15 : vector<16xf32>
        %parallel_loop3A_1618 = arith.addf %parallel_loop3A_1605, %parallel_loop3A_1617 : vector<16xf32>
        %parallel_loop3A_1619 = arith.constant 12 : i32
        %parallel_loop3A_1620 = arith.addi %parallel_loop3A_144, %parallel_loop3A_1619 : i32
        %parallel_loop3A_1621 = arith.index_cast %parallel_loop3A_1620 : i32 to index
        %parallel_loop3A_1622 = arith.constant 96 : index
        %parallel_loop3A_1623 = tpu.vector_load %arg10[%parallel_loop3A_1621, %parallel_loop3A_1622] {strides = array<i32>} : memref<160x128xf32, #tpu.memory_space<vmem>>, vector<16xf32>,
        %parallel_loop3A_1624 = arith.constant 12 : i32
        %parallel_loop3A_1625 = arith.addi %parallel_loop3A_144, %parallel_loop3A_1624 : i32
        %parallel_loop3A_1626 = arith.index_cast %parallel_loop3A_1625 : i32 to index
        %parallel_loop3A_1627 = arith.constant 96 : index
        %parallel_loop3A_1628 = tpu.vector_load %arg11[%parallel_loop3A_1626, %parallel_loop3A_1627] {strides = array<i32>} : memref<160x128xf32, #tpu.memory_space<vmem>>, vector<16xf32>,
        %parallel_loop3A_1629 = arith.mulf %parallel_loop3A_1623, %parallel_loop3A_1628 : vector<16xf32>
        %parallel_loop3A_1630 = arith.mulf %parallel_loop3A_1629, %get3A_17 : vector<16xf32>
        %parallel_loop3A_1631 = arith.addf %parallel_loop3A_1618, %parallel_loop3A_1630 : vector<16xf32>
        %parallel_loop3A_1632 = arith.constant 12 : i32
        %parallel_loop3A_1633 = arith.addi %parallel_loop3A_144, %parallel_loop3A_1632 : i32
        %parallel_loop3A_1634 = arith.index_cast %parallel_loop3A_1633 : i32 to index
        %parallel_loop3A_1635 = arith.constant 112 : index
        %parallel_loop3A_1636 = tpu.vector_load %arg10[%parallel_loop3A_1634, %parallel_loop3A_1635] {strides = array<i32>} : memref<160x128xf32, #tpu.memory_space<vmem>>, vector<16xf32>,
        %parallel_loop3A_1637 = arith.constant 12 : i32
        %parallel_loop3A_1638 = arith.addi %parallel_loop3A_144, %parallel_loop3A_1637 : i32
        %parallel_loop3A_1639 = arith.index_cast %parallel_loop3A_1638 : i32 to index
        %parallel_loop3A_1640 = arith.constant 112 : index
        %parallel_loop3A_1641 = tpu.vector_load %arg11[%parallel_loop3A_1639, %parallel_loop3A_1640] {strides = array<i32>} : memref<160x128xf32, #tpu.memory_space<vmem>>, vector<16xf32>,
        %parallel_loop3A_1642 = arith.mulf %parallel_loop3A_1636, %parallel_loop3A_1641 : vector<16xf32>
        %parallel_loop3A_1643 = arith.mulf %parallel_loop3A_1642, %get3A_19 : vector<16xf32>
        %parallel_loop3A_1644 = arith.addf %parallel_loop3A_1631, %parallel_loop3A_1643 : vector<16xf32>
        %parallel_loop3A_1645 = arith.addf %parallel_loop3A_1592, %parallel_loop3A_1644 : vector<16xf32>
        %parallel_loop3A_1646 = arith.constant true
        %parallel_loop3A_1647 = vector.broadcast %parallel_loop3A_1646 : i1 to vector<16xi1>
        %parallel_loop3A_1648 = tpu.scan <sum>, %parallel_loop3A_1645 masked %parallel_loop3A_1647 : vector<16xf32>, vector<16xi1> -> vector<16xf32>
        %parallel_loop3A_1649 = vector.extract_strided_slice %parallel_loop3A_1648 {offsets = [15], sizes = [1], strides = [1]} : vector<16xf32> to vector<1xf32>
        %parallel_loop3A_1650 = vector.extract %parallel_loop3A_1649[0] : f32 from vector<1xf32>
        %parallel_loop3A_1651 = vector.broadcast %parallel_loop3A_1650 : f32 to vector<16xf32>
        %parallel_loop3A_1652 = arith.mulf %parallel_loop3A_1651, %convert_element_type3A_82 : vector<16xf32>
        %parallel_loop3A_1653 = arith.constant 0.000000e+00 : f32
        %parallel_loop3A_1654 = vector.broadcast %parallel_loop3A_1653 : f32 to vector<16xf32>
        %parallel_loop3A_1655 = arith.constant 0.000000e+00 : f32
        %parallel_loop3A_1656 = vector.broadcast %parallel_loop3A_1655 : f32 to vector<16xf32>
        %parallel_loop3A_1657 = arith.constant 13 : i32
        %parallel_loop3A_1658 = arith.addi %parallel_loop3A_144, %parallel_loop3A_1657 : i32
        %parallel_loop3A_1659 = arith.index_cast %parallel_loop3A_1658 : i32 to index
        %parallel_loop3A_1660 = arith.constant 0 : index
        %parallel_loop3A_1661 = tpu.vector_load %arg10[%parallel_loop3A_1659, %parallel_loop3A_1660] {strides = array<i32>} : memref<160x128xf32, #tpu.memory_space<vmem>>, vector<16xf32>,
        %parallel_loop3A_1662 = arith.constant 13 : i32
        %parallel_loop3A_1663 = arith.addi %parallel_loop3A_144, %parallel_loop3A_1662 : i32
        %parallel_loop3A_1664 = arith.index_cast %parallel_loop3A_1663 : i32 to index
        %parallel_loop3A_1665 = arith.constant 0 : index
        %parallel_loop3A_1666 = tpu.vector_load %arg11[%parallel_loop3A_1664, %parallel_loop3A_1665] {strides = array<i32>} : memref<160x128xf32, #tpu.memory_space<vmem>>, vector<16xf32>,
        %parallel_loop3A_1667 = arith.mulf %parallel_loop3A_1661, %parallel_loop3A_1666 : vector<16xf32>
        %parallel_loop3A_1668 = arith.mulf %parallel_loop3A_1667, %get3A_5 : vector<16xf32>
        %parallel_loop3A_1669 = arith.addf %parallel_loop3A_1654, %parallel_loop3A_1668 : vector<16xf32>
        %parallel_loop3A_1670 = arith.constant 13 : i32
        %parallel_loop3A_1671 = arith.addi %parallel_loop3A_144, %parallel_loop3A_1670 : i32
        %parallel_loop3A_1672 = arith.index_cast %parallel_loop3A_1671 : i32 to index
        %parallel_loop3A_1673 = arith.constant 16 : index
        %parallel_loop3A_1674 = tpu.vector_load %arg10[%parallel_loop3A_1672, %parallel_loop3A_1673] {strides = array<i32>} : memref<160x128xf32, #tpu.memory_space<vmem>>, vector<16xf32>,
        %parallel_loop3A_1675 = arith.constant 13 : i32
        %parallel_loop3A_1676 = arith.addi %parallel_loop3A_144, %parallel_loop3A_1675 : i32
        %parallel_loop3A_1677 = arith.index_cast %parallel_loop3A_1676 : i32 to index
        %parallel_loop3A_1678 = arith.constant 16 : index
        %parallel_loop3A_1679 = tpu.vector_load %arg11[%parallel_loop3A_1677, %parallel_loop3A_1678] {strides = array<i32>} : memref<160x128xf32, #tpu.memory_space<vmem>>, vector<16xf32>,
        %parallel_loop3A_1680 = arith.mulf %parallel_loop3A_1674, %parallel_loop3A_1679 : vector<16xf32>
        %parallel_loop3A_1681 = arith.mulf %parallel_loop3A_1680, %get3A_7 : vector<16xf32>
        %parallel_loop3A_1682 = arith.addf %parallel_loop3A_1669, %parallel_loop3A_1681 : vector<16xf32>
        %parallel_loop3A_1683 = arith.constant 13 : i32
        %parallel_loop3A_1684 = arith.addi %parallel_loop3A_144, %parallel_loop3A_1683 : i32
        %parallel_loop3A_1685 = arith.index_cast %parallel_loop3A_1684 : i32 to index
        %parallel_loop3A_1686 = arith.constant 32 : index
        %parallel_loop3A_1687 = tpu.vector_load %arg10[%parallel_loop3A_1685, %parallel_loop3A_1686] {strides = array<i32>} : memref<160x128xf32, #tpu.memory_space<vmem>>, vector<16xf32>,
        %parallel_loop3A_1688 = arith.constant 13 : i32
        %parallel_loop3A_1689 = arith.addi %parallel_loop3A_144, %parallel_loop3A_1688 : i32
        %parallel_loop3A_1690 = arith.index_cast %parallel_loop3A_1689 : i32 to index
        %parallel_loop3A_1691 = arith.constant 32 : index
        %parallel_loop3A_1692 = tpu.vector_load %arg11[%parallel_loop3A_1690, %parallel_loop3A_1691] {strides = array<i32>} : memref<160x128xf32, #tpu.memory_space<vmem>>, vector<16xf32>,
        %parallel_loop3A_1693 = arith.mulf %parallel_loop3A_1687, %parallel_loop3A_1692 : vector<16xf32>
        %parallel_loop3A_1694 = arith.mulf %parallel_loop3A_1693, %get3A_9 : vector<16xf32>
        %parallel_loop3A_1695 = arith.addf %parallel_loop3A_1682, %parallel_loop3A_1694 : vector<16xf32>
        %parallel_loop3A_1696 = arith.constant 13 : i32
        %parallel_loop3A_1697 = arith.addi %parallel_loop3A_144, %parallel_loop3A_1696 : i32
        %parallel_loop3A_1698 = arith.index_cast %parallel_loop3A_1697 : i32 to index
        %parallel_loop3A_1699 = arith.constant 48 : index
        %parallel_loop3A_1700 = tpu.vector_load %arg10[%parallel_loop3A_1698, %parallel_loop3A_1699] {strides = array<i32>} : memref<160x128xf32, #tpu.memory_space<vmem>>, vector<16xf32>,
        %parallel_loop3A_1701 = arith.constant 13 : i32
        %parallel_loop3A_1702 = arith.addi %parallel_loop3A_144, %parallel_loop3A_1701 : i32
        %parallel_loop3A_1703 = arith.index_cast %parallel_loop3A_1702 : i32 to index
        %parallel_loop3A_1704 = arith.constant 48 : index
        %parallel_loop3A_1705 = tpu.vector_load %arg11[%parallel_loop3A_1703, %parallel_loop3A_1704] {strides = array<i32>} : memref<160x128xf32, #tpu.memory_space<vmem>>, vector<16xf32>,
        %parallel_loop3A_1706 = arith.mulf %parallel_loop3A_1700, %parallel_loop3A_1705 : vector<16xf32>
        %parallel_loop3A_1707 = arith.mulf %parallel_loop3A_1706, %get3A_11 : vector<16xf32>
        %parallel_loop3A_1708 = arith.addf %parallel_loop3A_1695, %parallel_loop3A_1707 : vector<16xf32>
        %parallel_loop3A_1709 = arith.constant 13 : i32
        %parallel_loop3A_1710 = arith.addi %parallel_loop3A_144, %parallel_loop3A_1709 : i32
        %parallel_loop3A_1711 = arith.index_cast %parallel_loop3A_1710 : i32 to index
        %parallel_loop3A_1712 = arith.constant 64 : index
        %parallel_loop3A_1713 = tpu.vector_load %arg10[%parallel_loop3A_1711, %parallel_loop3A_1712] {strides = array<i32>} : memref<160x128xf32, #tpu.memory_space<vmem>>, vector<16xf32>,
        %parallel_loop3A_1714 = arith.constant 13 : i32
        %parallel_loop3A_1715 = arith.addi %parallel_loop3A_144, %parallel_loop3A_1714 : i32
        %parallel_loop3A_1716 = arith.index_cast %parallel_loop3A_1715 : i32 to index
        %parallel_loop3A_1717 = arith.constant 64 : index
        %parallel_loop3A_1718 = tpu.vector_load %arg11[%parallel_loop3A_1716, %parallel_loop3A_1717] {strides = array<i32>} : memref<160x128xf32, #tpu.memory_space<vmem>>, vector<16xf32>,
        %parallel_loop3A_1719 = arith.mulf %parallel_loop3A_1713, %parallel_loop3A_1718 : vector<16xf32>
        %parallel_loop3A_1720 = arith.mulf %parallel_loop3A_1719, %get3A_13 : vector<16xf32>
        %parallel_loop3A_1721 = arith.addf %parallel_loop3A_1656, %parallel_loop3A_1720 : vector<16xf32>
        %parallel_loop3A_1722 = arith.constant 13 : i32
        %parallel_loop3A_1723 = arith.addi %parallel_loop3A_144, %parallel_loop3A_1722 : i32
        %parallel_loop3A_1724 = arith.index_cast %parallel_loop3A_1723 : i32 to index
        %parallel_loop3A_1725 = arith.constant 80 : index
        %parallel_loop3A_1726 = tpu.vector_load %arg10[%parallel_loop3A_1724, %parallel_loop3A_1725] {strides = array<i32>} : memref<160x128xf32, #tpu.memory_space<vmem>>, vector<16xf32>,
        %parallel_loop3A_1727 = arith.constant 13 : i32
        %parallel_loop3A_1728 = arith.addi %parallel_loop3A_144, %parallel_loop3A_1727 : i32
        %parallel_loop3A_1729 = arith.index_cast %parallel_loop3A_1728 : i32 to index
        %parallel_loop3A_1730 = arith.constant 80 : index
        %parallel_loop3A_1731 = tpu.vector_load %arg11[%parallel_loop3A_1729, %parallel_loop3A_1730] {strides = array<i32>} : memref<160x128xf32, #tpu.memory_space<vmem>>, vector<16xf32>,
        %parallel_loop3A_1732 = arith.mulf %parallel_loop3A_1726, %parallel_loop3A_1731 : vector<16xf32>
        %parallel_loop3A_1733 = arith.mulf %parallel_loop3A_1732, %get3A_15 : vector<16xf32>
        %parallel_loop3A_1734 = arith.addf %parallel_loop3A_1721, %parallel_loop3A_1733 : vector<16xf32>
        %parallel_loop3A_1735 = arith.constant 13 : i32
        %parallel_loop3A_1736 = arith.addi %parallel_loop3A_144, %parallel_loop3A_1735 : i32
        %parallel_loop3A_1737 = arith.index_cast %parallel_loop3A_1736 : i32 to index
        %parallel_loop3A_1738 = arith.constant 96 : index
        %parallel_loop3A_1739 = tpu.vector_load %arg10[%parallel_loop3A_1737, %parallel_loop3A_1738] {strides = array<i32>} : memref<160x128xf32, #tpu.memory_space<vmem>>, vector<16xf32>,
        %parallel_loop3A_1740 = arith.constant 13 : i32
        %parallel_loop3A_1741 = arith.addi %parallel_loop3A_144, %parallel_loop3A_1740 : i32
        %parallel_loop3A_1742 = arith.index_cast %parallel_loop3A_1741 : i32 to index
        %parallel_loop3A_1743 = arith.constant 96 : index
        %parallel_loop3A_1744 = tpu.vector_load %arg11[%parallel_loop3A_1742, %parallel_loop3A_1743] {strides = array<i32>} : memref<160x128xf32, #tpu.memory_space<vmem>>, vector<16xf32>,
        %parallel_loop3A_1745 = arith.mulf %parallel_loop3A_1739, %parallel_loop3A_1744 : vector<16xf32>
        %parallel_loop3A_1746 = arith.mulf %parallel_loop3A_1745, %get3A_17 : vector<16xf32>
        %parallel_loop3A_1747 = arith.addf %parallel_loop3A_1734, %parallel_loop3A_1746 : vector<16xf32>
        %parallel_loop3A_1748 = arith.constant 13 : i32
        %parallel_loop3A_1749 = arith.addi %parallel_loop3A_144, %parallel_loop3A_1748 : i32
        %parallel_loop3A_1750 = arith.index_cast %parallel_loop3A_1749 : i32 to index
        %parallel_loop3A_1751 = arith.constant 112 : index
        %parallel_loop3A_1752 = tpu.vector_load %arg10[%parallel_loop3A_1750, %parallel_loop3A_1751] {strides = array<i32>} : memref<160x128xf32, #tpu.memory_space<vmem>>, vector<16xf32>,
        %parallel_loop3A_1753 = arith.constant 13 : i32
        %parallel_loop3A_1754 = arith.addi %parallel_loop3A_144, %parallel_loop3A_1753 : i32
        %parallel_loop3A_1755 = arith.index_cast %parallel_loop3A_1754 : i32 to index
        %parallel_loop3A_1756 = arith.constant 112 : index
        %parallel_loop3A_1757 = tpu.vector_load %arg11[%parallel_loop3A_1755, %parallel_loop3A_1756] {strides = array<i32>} : memref<160x128xf32, #tpu.memory_space<vmem>>, vector<16xf32>,
        %parallel_loop3A_1758 = arith.mulf %parallel_loop3A_1752, %parallel_loop3A_1757 : vector<16xf32>
        %parallel_loop3A_1759 = arith.mulf %parallel_loop3A_1758, %get3A_19 : vector<16xf32>
        %parallel_loop3A_1760 = arith.addf %parallel_loop3A_1747, %parallel_loop3A_1759 : vector<16xf32>
        %parallel_loop3A_1761 = arith.addf %parallel_loop3A_1708, %parallel_loop3A_1760 : vector<16xf32>
        %parallel_loop3A_1762 = arith.constant true
        %parallel_loop3A_1763 = vector.broadcast %parallel_loop3A_1762 : i1 to vector<16xi1>
        %parallel_loop3A_1764 = tpu.scan <sum>, %parallel_loop3A_1761 masked %parallel_loop3A_1763 : vector<16xf32>, vector<16xi1> -> vector<16xf32>
        %parallel_loop3A_1765 = vector.extract_strided_slice %parallel_loop3A_1764 {offsets = [15], sizes = [1], strides = [1]} : vector<16xf32> to vector<1xf32>
        %parallel_loop3A_1766 = vector.extract %parallel_loop3A_1765[0] : f32 from vector<1xf32>
        %parallel_loop3A_1767 = vector.broadcast %parallel_loop3A_1766 : f32 to vector<16xf32>
        %parallel_loop3A_1768 = arith.mulf %parallel_loop3A_1767, %convert_element_type3A_87 : vector<16xf32>
        %parallel_loop3A_1769 = arith.constant 0.000000e+00 : f32
        %parallel_loop3A_1770 = vector.broadcast %parallel_loop3A_1769 : f32 to vector<16xf32>
        %parallel_loop3A_1771 = arith.constant 0.000000e+00 : f32
        %parallel_loop3A_1772 = vector.broadcast %parallel_loop3A_1771 : f32 to vector<16xf32>
        %parallel_loop3A_1773 = arith.constant 14 : i32
        %parallel_loop3A_1774 = arith.addi %parallel_loop3A_144, %parallel_loop3A_1773 : i32
        %parallel_loop3A_1775 = arith.index_cast %parallel_loop3A_1774 : i32 to index
        %parallel_loop3A_1776 = arith.constant 0 : index
        %parallel_loop3A_1777 = tpu.vector_load %arg10[%parallel_loop3A_1775, %parallel_loop3A_1776] {strides = array<i32>} : memref<160x128xf32, #tpu.memory_space<vmem>>, vector<16xf32>,
        %parallel_loop3A_1778 = arith.constant 14 : i32
        %parallel_loop3A_1779 = arith.addi %parallel_loop3A_144, %parallel_loop3A_1778 : i32
        %parallel_loop3A_1780 = arith.index_cast %parallel_loop3A_1779 : i32 to index
        %parallel_loop3A_1781 = arith.constant 0 : index
        %parallel_loop3A_1782 = tpu.vector_load %arg11[%parallel_loop3A_1780, %parallel_loop3A_1781] {strides = array<i32>} : memref<160x128xf32, #tpu.memory_space<vmem>>, vector<16xf32>,
        %parallel_loop3A_1783 = arith.mulf %parallel_loop3A_1777, %parallel_loop3A_1782 : vector<16xf32>
        %parallel_loop3A_1784 = arith.mulf %parallel_loop3A_1783, %get3A_5 : vector<16xf32>
        %parallel_loop3A_1785 = arith.addf %parallel_loop3A_1770, %parallel_loop3A_1784 : vector<16xf32>
        %parallel_loop3A_1786 = arith.constant 14 : i32
        %parallel_loop3A_1787 = arith.addi %parallel_loop3A_144, %parallel_loop3A_1786 : i32
        %parallel_loop3A_1788 = arith.index_cast %parallel_loop3A_1787 : i32 to index
        %parallel_loop3A_1789 = arith.constant 16 : index
        %parallel_loop3A_1790 = tpu.vector_load %arg10[%parallel_loop3A_1788, %parallel_loop3A_1789] {strides = array<i32>} : memref<160x128xf32, #tpu.memory_space<vmem>>, vector<16xf32>,
        %parallel_loop3A_1791 = arith.constant 14 : i32
        %parallel_loop3A_1792 = arith.addi %parallel_loop3A_144, %parallel_loop3A_1791 : i32
        %parallel_loop3A_1793 = arith.index_cast %parallel_loop3A_1792 : i32 to index
        %parallel_loop3A_1794 = arith.constant 16 : index
        %parallel_loop3A_1795 = tpu.vector_load %arg11[%parallel_loop3A_1793, %parallel_loop3A_1794] {strides = array<i32>} : memref<160x128xf32, #tpu.memory_space<vmem>>, vector<16xf32>,
        %parallel_loop3A_1796 = arith.mulf %parallel_loop3A_1790, %parallel_loop3A_1795 : vector<16xf32>
        %parallel_loop3A_1797 = arith.mulf %parallel_loop3A_1796, %get3A_7 : vector<16xf32>
        %parallel_loop3A_1798 = arith.addf %parallel_loop3A_1785, %parallel_loop3A_1797 : vector<16xf32>
        %parallel_loop3A_1799 = arith.constant 14 : i32
        %parallel_loop3A_1800 = arith.addi %parallel_loop3A_144, %parallel_loop3A_1799 : i32
        %parallel_loop3A_1801 = arith.index_cast %parallel_loop3A_1800 : i32 to index
        %parallel_loop3A_1802 = arith.constant 32 : index
        %parallel_loop3A_1803 = tpu.vector_load %arg10[%parallel_loop3A_1801, %parallel_loop3A_1802] {strides = array<i32>} : memref<160x128xf32, #tpu.memory_space<vmem>>, vector<16xf32>,
        %parallel_loop3A_1804 = arith.constant 14 : i32
        %parallel_loop3A_1805 = arith.addi %parallel_loop3A_144, %parallel_loop3A_1804 : i32
        %parallel_loop3A_1806 = arith.index_cast %parallel_loop3A_1805 : i32 to index
        %parallel_loop3A_1807 = arith.constant 32 : index
        %parallel_loop3A_1808 = tpu.vector_load %arg11[%parallel_loop3A_1806, %parallel_loop3A_1807] {strides = array<i32>} : memref<160x128xf32, #tpu.memory_space<vmem>>, vector<16xf32>,
        %parallel_loop3A_1809 = arith.mulf %parallel_loop3A_1803, %parallel_loop3A_1808 : vector<16xf32>
        %parallel_loop3A_1810 = arith.mulf %parallel_loop3A_1809, %get3A_9 : vector<16xf32>
        %parallel_loop3A_1811 = arith.addf %parallel_loop3A_1798, %parallel_loop3A_1810 : vector<16xf32>
        %parallel_loop3A_1812 = arith.constant 14 : i32
        %parallel_loop3A_1813 = arith.addi %parallel_loop3A_144, %parallel_loop3A_1812 : i32
        %parallel_loop3A_1814 = arith.index_cast %parallel_loop3A_1813 : i32 to index
        %parallel_loop3A_1815 = arith.constant 48 : index
        %parallel_loop3A_1816 = tpu.vector_load %arg10[%parallel_loop3A_1814, %parallel_loop3A_1815] {strides = array<i32>} : memref<160x128xf32, #tpu.memory_space<vmem>>, vector<16xf32>,
        %parallel_loop3A_1817 = arith.constant 14 : i32
        %parallel_loop3A_1818 = arith.addi %parallel_loop3A_144, %parallel_loop3A_1817 : i32
        %parallel_loop3A_1819 = arith.index_cast %parallel_loop3A_1818 : i32 to index
        %parallel_loop3A_1820 = arith.constant 48 : index
        %parallel_loop3A_1821 = tpu.vector_load %arg11[%parallel_loop3A_1819, %parallel_loop3A_1820] {strides = array<i32>} : memref<160x128xf32, #tpu.memory_space<vmem>>, vector<16xf32>,
        %parallel_loop3A_1822 = arith.mulf %parallel_loop3A_1816, %parallel_loop3A_1821 : vector<16xf32>
        %parallel_loop3A_1823 = arith.mulf %parallel_loop3A_1822, %get3A_11 : vector<16xf32>
        %parallel_loop3A_1824 = arith.addf %parallel_loop3A_1811, %parallel_loop3A_1823 : vector<16xf32>
        %parallel_loop3A_1825 = arith.constant 14 : i32
        %parallel_loop3A_1826 = arith.addi %parallel_loop3A_144, %parallel_loop3A_1825 : i32
        %parallel_loop3A_1827 = arith.index_cast %parallel_loop3A_1826 : i32 to index
        %parallel_loop3A_1828 = arith.constant 64 : index
        %parallel_loop3A_1829 = tpu.vector_load %arg10[%parallel_loop3A_1827, %parallel_loop3A_1828] {strides = array<i32>} : memref<160x128xf32, #tpu.memory_space<vmem>>, vector<16xf32>,
        %parallel_loop3A_1830 = arith.constant 14 : i32
        %parallel_loop3A_1831 = arith.addi %parallel_loop3A_144, %parallel_loop3A_1830 : i32
        %parallel_loop3A_1832 = arith.index_cast %parallel_loop3A_1831 : i32 to index
        %parallel_loop3A_1833 = arith.constant 64 : index
        %parallel_loop3A_1834 = tpu.vector_load %arg11[%parallel_loop3A_1832, %parallel_loop3A_1833] {strides = array<i32>} : memref<160x128xf32, #tpu.memory_space<vmem>>, vector<16xf32>,
        %parallel_loop3A_1835 = arith.mulf %parallel_loop3A_1829, %parallel_loop3A_1834 : vector<16xf32>
        %parallel_loop3A_1836 = arith.mulf %parallel_loop3A_1835, %get3A_13 : vector<16xf32>
        %parallel_loop3A_1837 = arith.addf %parallel_loop3A_1772, %parallel_loop3A_1836 : vector<16xf32>
        %parallel_loop3A_1838 = arith.constant 14 : i32
        %parallel_loop3A_1839 = arith.addi %parallel_loop3A_144, %parallel_loop3A_1838 : i32
        %parallel_loop3A_1840 = arith.index_cast %parallel_loop3A_1839 : i32 to index
        %parallel_loop3A_1841 = arith.constant 80 : index
        %parallel_loop3A_1842 = tpu.vector_load %arg10[%parallel_loop3A_1840, %parallel_loop3A_1841] {strides = array<i32>} : memref<160x128xf32, #tpu.memory_space<vmem>>, vector<16xf32>,
        %parallel_loop3A_1843 = arith.constant 14 : i32
        %parallel_loop3A_1844 = arith.addi %parallel_loop3A_144, %parallel_loop3A_1843 : i32
        %parallel_loop3A_1845 = arith.index_cast %parallel_loop3A_1844 : i32 to index
        %parallel_loop3A_1846 = arith.constant 80 : index
        %parallel_loop3A_1847 = tpu.vector_load %arg11[%parallel_loop3A_1845, %parallel_loop3A_1846] {strides = array<i32>} : memref<160x128xf32, #tpu.memory_space<vmem>>, vector<16xf32>,
        %parallel_loop3A_1848 = arith.mulf %parallel_loop3A_1842, %parallel_loop3A_1847 : vector<16xf32>
        %parallel_loop3A_1849 = arith.mulf %parallel_loop3A_1848, %get3A_15 : vector<16xf32>
        %parallel_loop3A_1850 = arith.addf %parallel_loop3A_1837, %parallel_loop3A_1849 : vector<16xf32>
        %parallel_loop3A_1851 = arith.constant 14 : i32
        %parallel_loop3A_1852 = arith.addi %parallel_loop3A_144, %parallel_loop3A_1851 : i32
        %parallel_loop3A_1853 = arith.index_cast %parallel_loop3A_1852 : i32 to index
        %parallel_loop3A_1854 = arith.constant 96 : index
        %parallel_loop3A_1855 = tpu.vector_load %arg10[%parallel_loop3A_1853, %parallel_loop3A_1854] {strides = array<i32>} : memref<160x128xf32, #tpu.memory_space<vmem>>, vector<16xf32>,
        %parallel_loop3A_1856 = arith.constant 14 : i32
        %parallel_loop3A_1857 = arith.addi %parallel_loop3A_144, %parallel_loop3A_1856 : i32
        %parallel_loop3A_1858 = arith.index_cast %parallel_loop3A_1857 : i32 to index
        %parallel_loop3A_1859 = arith.constant 96 : index
        %parallel_loop3A_1860 = tpu.vector_load %arg11[%parallel_loop3A_1858, %parallel_loop3A_1859] {strides = array<i32>} : memref<160x128xf32, #tpu.memory_space<vmem>>, vector<16xf32>,
        %parallel_loop3A_1861 = arith.mulf %parallel_loop3A_1855, %parallel_loop3A_1860 : vector<16xf32>
        %parallel_loop3A_1862 = arith.mulf %parallel_loop3A_1861, %get3A_17 : vector<16xf32>
        %parallel_loop3A_1863 = arith.addf %parallel_loop3A_1850, %parallel_loop3A_1862 : vector<16xf32>
        %parallel_loop3A_1864 = arith.constant 14 : i32
        %parallel_loop3A_1865 = arith.addi %parallel_loop3A_144, %parallel_loop3A_1864 : i32
        %parallel_loop3A_1866 = arith.index_cast %parallel_loop3A_1865 : i32 to index
        %parallel_loop3A_1867 = arith.constant 112 : index
        %parallel_loop3A_1868 = tpu.vector_load %arg10[%parallel_loop3A_1866, %parallel_loop3A_1867] {strides = array<i32>} : memref<160x128xf32, #tpu.memory_space<vmem>>, vector<16xf32>,
        %parallel_loop3A_1869 = arith.constant 14 : i32
        %parallel_loop3A_1870 = arith.addi %parallel_loop3A_144, %parallel_loop3A_1869 : i32
        %parallel_loop3A_1871 = arith.index_cast %parallel_loop3A_1870 : i32 to index
        %parallel_loop3A_1872 = arith.constant 112 : index
        %parallel_loop3A_1873 = tpu.vector_load %arg11[%parallel_loop3A_1871, %parallel_loop3A_1872] {strides = array<i32>} : memref<160x128xf32, #tpu.memory_space<vmem>>, vector<16xf32>,
        %parallel_loop3A_1874 = arith.mulf %parallel_loop3A_1868, %parallel_loop3A_1873 : vector<16xf32>
        %parallel_loop3A_1875 = arith.mulf %parallel_loop3A_1874, %get3A_19 : vector<16xf32>
        %parallel_loop3A_1876 = arith.addf %parallel_loop3A_1863, %parallel_loop3A_1875 : vector<16xf32>
        %parallel_loop3A_1877 = arith.addf %parallel_loop3A_1824, %parallel_loop3A_1876 : vector<16xf32>
        %parallel_loop3A_1878 = arith.constant true
        %parallel_loop3A_1879 = vector.broadcast %parallel_loop3A_1878 : i1 to vector<16xi1>
        %parallel_loop3A_1880 = tpu.scan <sum>, %parallel_loop3A_1877 masked %parallel_loop3A_1879 : vector<16xf32>, vector<16xi1> -> vector<16xf32>
        %parallel_loop3A_1881 = vector.extract_strided_slice %parallel_loop3A_1880 {offsets = [15], sizes = [1], strides = [1]} : vector<16xf32> to vector<1xf32>
        %parallel_loop3A_1882 = vector.extract %parallel_loop3A_1881[0] : f32 from vector<1xf32>
        %parallel_loop3A_1883 = vector.broadcast %parallel_loop3A_1882 : f32 to vector<16xf32>
        %parallel_loop3A_1884 = arith.mulf %parallel_loop3A_1883, %convert_element_type3A_92 : vector<16xf32>
        %parallel_loop3A_1885 = arith.constant 0.000000e+00 : f32
        %parallel_loop3A_1886 = vector.broadcast %parallel_loop3A_1885 : f32 to vector<16xf32>
        %parallel_loop3A_1887 = arith.constant 0.000000e+00 : f32
        %parallel_loop3A_1888 = vector.broadcast %parallel_loop3A_1887 : f32 to vector<16xf32>
        %parallel_loop3A_1889 = arith.constant 15 : i32
        %parallel_loop3A_1890 = arith.addi %parallel_loop3A_144, %parallel_loop3A_1889 : i32
        %parallel_loop3A_1891 = arith.index_cast %parallel_loop3A_1890 : i32 to index
        %parallel_loop3A_1892 = arith.constant 0 : index
        %parallel_loop3A_1893 = tpu.vector_load %arg10[%parallel_loop3A_1891, %parallel_loop3A_1892] {strides = array<i32>} : memref<160x128xf32, #tpu.memory_space<vmem>>, vector<16xf32>,
        %parallel_loop3A_1894 = arith.constant 15 : i32
        %parallel_loop3A_1895 = arith.addi %parallel_loop3A_144, %parallel_loop3A_1894 : i32
        %parallel_loop3A_1896 = arith.index_cast %parallel_loop3A_1895 : i32 to index
        %parallel_loop3A_1897 = arith.constant 0 : index
        %parallel_loop3A_1898 = tpu.vector_load %arg11[%parallel_loop3A_1896, %parallel_loop3A_1897] {strides = array<i32>} : memref<160x128xf32, #tpu.memory_space<vmem>>, vector<16xf32>,
        %parallel_loop3A_1899 = arith.mulf %parallel_loop3A_1893, %parallel_loop3A_1898 : vector<16xf32>
        %parallel_loop3A_1900 = arith.mulf %parallel_loop3A_1899, %get3A_5 : vector<16xf32>
        %parallel_loop3A_1901 = arith.addf %parallel_loop3A_1886, %parallel_loop3A_1900 : vector<16xf32>
        %parallel_loop3A_1902 = arith.constant 15 : i32
        %parallel_loop3A_1903 = arith.addi %parallel_loop3A_144, %parallel_loop3A_1902 : i32
        %parallel_loop3A_1904 = arith.index_cast %parallel_loop3A_1903 : i32 to index
        %parallel_loop3A_1905 = arith.constant 16 : index
        %parallel_loop3A_1906 = tpu.vector_load %arg10[%parallel_loop3A_1904, %parallel_loop3A_1905] {strides = array<i32>} : memref<160x128xf32, #tpu.memory_space<vmem>>, vector<16xf32>,
        %parallel_loop3A_1907 = arith.constant 15 : i32
        %parallel_loop3A_1908 = arith.addi %parallel_loop3A_144, %parallel_loop3A_1907 : i32
        %parallel_loop3A_1909 = arith.index_cast %parallel_loop3A_1908 : i32 to index
        %parallel_loop3A_1910 = arith.constant 16 : index
        %parallel_loop3A_1911 = tpu.vector_load %arg11[%parallel_loop3A_1909, %parallel_loop3A_1910] {strides = array<i32>} : memref<160x128xf32, #tpu.memory_space<vmem>>, vector<16xf32>,
        %parallel_loop3A_1912 = arith.mulf %parallel_loop3A_1906, %parallel_loop3A_1911 : vector<16xf32>
        %parallel_loop3A_1913 = arith.mulf %parallel_loop3A_1912, %get3A_7 : vector<16xf32>
        %parallel_loop3A_1914 = arith.addf %parallel_loop3A_1901, %parallel_loop3A_1913 : vector<16xf32>
        %parallel_loop3A_1915 = arith.constant 15 : i32
        %parallel_loop3A_1916 = arith.addi %parallel_loop3A_144, %parallel_loop3A_1915 : i32
        %parallel_loop3A_1917 = arith.index_cast %parallel_loop3A_1916 : i32 to index
        %parallel_loop3A_1918 = arith.constant 32 : index
        %parallel_loop3A_1919 = tpu.vector_load %arg10[%parallel_loop3A_1917, %parallel_loop3A_1918] {strides = array<i32>} : memref<160x128xf32, #tpu.memory_space<vmem>>, vector<16xf32>,
        %parallel_loop3A_1920 = arith.constant 15 : i32
        %parallel_loop3A_1921 = arith.addi %parallel_loop3A_144, %parallel_loop3A_1920 : i32
        %parallel_loop3A_1922 = arith.index_cast %parallel_loop3A_1921 : i32 to index
        %parallel_loop3A_1923 = arith.constant 32 : index
        %parallel_loop3A_1924 = tpu.vector_load %arg11[%parallel_loop3A_1922, %parallel_loop3A_1923] {strides = array<i32>} : memref<160x128xf32, #tpu.memory_space<vmem>>, vector<16xf32>,
        %parallel_loop3A_1925 = arith.mulf %parallel_loop3A_1919, %parallel_loop3A_1924 : vector<16xf32>
        %parallel_loop3A_1926 = arith.mulf %parallel_loop3A_1925, %get3A_9 : vector<16xf32>
        %parallel_loop3A_1927 = arith.addf %parallel_loop3A_1914, %parallel_loop3A_1926 : vector<16xf32>
        %parallel_loop3A_1928 = arith.constant 15 : i32
        %parallel_loop3A_1929 = arith.addi %parallel_loop3A_144, %parallel_loop3A_1928 : i32
        %parallel_loop3A_1930 = arith.index_cast %parallel_loop3A_1929 : i32 to index
        %parallel_loop3A_1931 = arith.constant 48 : index
        %parallel_loop3A_1932 = tpu.vector_load %arg10[%parallel_loop3A_1930, %parallel_loop3A_1931] {strides = array<i32>} : memref<160x128xf32, #tpu.memory_space<vmem>>, vector<16xf32>,
        %parallel_loop3A_1933 = arith.constant 15 : i32
        %parallel_loop3A_1934 = arith.addi %parallel_loop3A_144, %parallel_loop3A_1933 : i32
        %parallel_loop3A_1935 = arith.index_cast %parallel_loop3A_1934 : i32 to index
        %parallel_loop3A_1936 = arith.constant 48 : index
        %parallel_loop3A_1937 = tpu.vector_load %arg11[%parallel_loop3A_1935, %parallel_loop3A_1936] {strides = array<i32>} : memref<160x128xf32, #tpu.memory_space<vmem>>, vector<16xf32>,
        %parallel_loop3A_1938 = arith.mulf %parallel_loop3A_1932, %parallel_loop3A_1937 : vector<16xf32>
        %parallel_loop3A_1939 = arith.mulf %parallel_loop3A_1938, %get3A_11 : vector<16xf32>
        %parallel_loop3A_1940 = arith.addf %parallel_loop3A_1927, %parallel_loop3A_1939 : vector<16xf32>
        %parallel_loop3A_1941 = arith.constant 15 : i32
        %parallel_loop3A_1942 = arith.addi %parallel_loop3A_144, %parallel_loop3A_1941 : i32
        %parallel_loop3A_1943 = arith.index_cast %parallel_loop3A_1942 : i32 to index
        %parallel_loop3A_1944 = arith.constant 64 : index
        %parallel_loop3A_1945 = tpu.vector_load %arg10[%parallel_loop3A_1943, %parallel_loop3A_1944] {strides = array<i32>} : memref<160x128xf32, #tpu.memory_space<vmem>>, vector<16xf32>,
        %parallel_loop3A_1946 = arith.constant 15 : i32
        %parallel_loop3A_1947 = arith.addi %parallel_loop3A_144, %parallel_loop3A_1946 : i32
        %parallel_loop3A_1948 = arith.index_cast %parallel_loop3A_1947 : i32 to index
        %parallel_loop3A_1949 = arith.constant 64 : index
        %parallel_loop3A_1950 = tpu.vector_load %arg11[%parallel_loop3A_1948, %parallel_loop3A_1949] {strides = array<i32>} : memref<160x128xf32, #tpu.memory_space<vmem>>, vector<16xf32>,
        %parallel_loop3A_1951 = arith.mulf %parallel_loop3A_1945, %parallel_loop3A_1950 : vector<16xf32>
        %parallel_loop3A_1952 = arith.mulf %parallel_loop3A_1951, %get3A_13 : vector<16xf32>
        %parallel_loop3A_1953 = arith.addf %parallel_loop3A_1888, %parallel_loop3A_1952 : vector<16xf32>
        %parallel_loop3A_1954 = arith.constant 15 : i32
        %parallel_loop3A_1955 = arith.addi %parallel_loop3A_144, %parallel_loop3A_1954 : i32
        %parallel_loop3A_1956 = arith.index_cast %parallel_loop3A_1955 : i32 to index
        %parallel_loop3A_1957 = arith.constant 80 : index
        %parallel_loop3A_1958 = tpu.vector_load %arg10[%parallel_loop3A_1956, %parallel_loop3A_1957] {strides = array<i32>} : memref<160x128xf32, #tpu.memory_space<vmem>>, vector<16xf32>,
        %parallel_loop3A_1959 = arith.constant 15 : i32
        %parallel_loop3A_1960 = arith.addi %parallel_loop3A_144, %parallel_loop3A_1959 : i32
        %parallel_loop3A_1961 = arith.index_cast %parallel_loop3A_1960 : i32 to index
        %parallel_loop3A_1962 = arith.constant 80 : index
        %parallel_loop3A_1963 = tpu.vector_load %arg11[%parallel_loop3A_1961, %parallel_loop3A_1962] {strides = array<i32>} : memref<160x128xf32, #tpu.memory_space<vmem>>, vector<16xf32>,
        %parallel_loop3A_1964 = arith.mulf %parallel_loop3A_1958, %parallel_loop3A_1963 : vector<16xf32>
        %parallel_loop3A_1965 = arith.mulf %parallel_loop3A_1964, %get3A_15 : vector<16xf32>
        %parallel_loop3A_1966 = arith.addf %parallel_loop3A_1953, %parallel_loop3A_1965 : vector<16xf32>
        %parallel_loop3A_1967 = arith.constant 15 : i32
        %parallel_loop3A_1968 = arith.addi %parallel_loop3A_144, %parallel_loop3A_1967 : i32
        %parallel_loop3A_1969 = arith.index_cast %parallel_loop3A_1968 : i32 to index
        %parallel_loop3A_1970 = arith.constant 96 : index
        %parallel_loop3A_1971 = tpu.vector_load %arg10[%parallel_loop3A_1969, %parallel_loop3A_1970] {strides = array<i32>} : memref<160x128xf32, #tpu.memory_space<vmem>>, vector<16xf32>,
        %parallel_loop3A_1972 = arith.constant 15 : i32
        %parallel_loop3A_1973 = arith.addi %parallel_loop3A_144, %parallel_loop3A_1972 : i32
        %parallel_loop3A_1974 = arith.index_cast %parallel_loop3A_1973 : i32 to index
        %parallel_loop3A_1975 = arith.constant 96 : index
        %parallel_loop3A_1976 = tpu.vector_load %arg11[%parallel_loop3A_1974, %parallel_loop3A_1975] {strides = array<i32>} : memref<160x128xf32, #tpu.memory_space<vmem>>, vector<16xf32>,
        %parallel_loop3A_1977 = arith.mulf %parallel_loop3A_1971, %parallel_loop3A_1976 : vector<16xf32>
        %parallel_loop3A_1978 = arith.mulf %parallel_loop3A_1977, %get3A_17 : vector<16xf32>
        %parallel_loop3A_1979 = arith.addf %parallel_loop3A_1966, %parallel_loop3A_1978 : vector<16xf32>
        %parallel_loop3A_1980 = arith.constant 15 : i32
        %parallel_loop3A_1981 = arith.addi %parallel_loop3A_144, %parallel_loop3A_1980 : i32
        %parallel_loop3A_1982 = arith.index_cast %parallel_loop3A_1981 : i32 to index
        %parallel_loop3A_1983 = arith.constant 112 : index
        %parallel_loop3A_1984 = tpu.vector_load %arg10[%parallel_loop3A_1982, %parallel_loop3A_1983] {strides = array<i32>} : memref<160x128xf32, #tpu.memory_space<vmem>>, vector<16xf32>,
        %parallel_loop3A_1985 = arith.constant 15 : i32
        %parallel_loop3A_1986 = arith.addi %parallel_loop3A_144, %parallel_loop3A_1985 : i32
        %parallel_loop3A_1987 = arith.index_cast %parallel_loop3A_1986 : i32 to index
        %parallel_loop3A_1988 = arith.constant 112 : index
        %parallel_loop3A_1989 = tpu.vector_load %arg11[%parallel_loop3A_1987, %parallel_loop3A_1988] {strides = array<i32>} : memref<160x128xf32, #tpu.memory_space<vmem>>, vector<16xf32>,
        %parallel_loop3A_1990 = arith.mulf %parallel_loop3A_1984, %parallel_loop3A_1989 : vector<16xf32>
        %parallel_loop3A_1991 = arith.mulf %parallel_loop3A_1990, %get3A_19 : vector<16xf32>
        %parallel_loop3A_1992 = arith.addf %parallel_loop3A_1979, %parallel_loop3A_1991 : vector<16xf32>
        %parallel_loop3A_1993 = arith.addf %parallel_loop3A_1940, %parallel_loop3A_1992 : vector<16xf32>
        %parallel_loop3A_1994 = arith.constant true
        %parallel_loop3A_1995 = vector.broadcast %parallel_loop3A_1994 : i1 to vector<16xi1>
        %parallel_loop3A_1996 = tpu.scan <sum>, %parallel_loop3A_1993 masked %parallel_loop3A_1995 : vector<16xf32>, vector<16xi1> -> vector<16xf32>
        %parallel_loop3A_1997 = vector.extract_strided_slice %parallel_loop3A_1996 {offsets = [15], sizes = [1], strides = [1]} : vector<16xf32> to vector<1xf32>
        %parallel_loop3A_1998 = vector.extract %parallel_loop3A_1997[0] : f32 from vector<1xf32>
        %parallel_loop3A_1999 = vector.broadcast %parallel_loop3A_1998 : f32 to vector<16xf32>
        %parallel_loop3A_2000 = arith.mulf %parallel_loop3A_1999, %convert_element_type3A_97 : vector<16xf32>
        %parallel_loop3A_2001 = arith.addf %parallel_loop3A_260, %parallel_loop3A_376 : vector<16xf32>
        %parallel_loop3A_2002 = arith.addf %parallel_loop3A_492, %parallel_loop3A_608 : vector<16xf32>
        %parallel_loop3A_2003 = arith.addf %parallel_loop3A_724, %parallel_loop3A_840 : vector<16xf32>
        %parallel_loop3A_2004 = arith.addf %parallel_loop3A_956, %parallel_loop3A_1072 : vector<16xf32>
        %parallel_loop3A_2005 = arith.addf %parallel_loop3A_1188, %parallel_loop3A_1304 : vector<16xf32>
        %parallel_loop3A_2006 = arith.addf %parallel_loop3A_1420, %parallel_loop3A_1536 : vector<16xf32>
        %parallel_loop3A_2007 = arith.addf %parallel_loop3A_1652, %parallel_loop3A_1768 : vector<16xf32>
        %parallel_loop3A_2008 = arith.addf %parallel_loop3A_1884, %parallel_loop3A_2000 : vector<16xf32>
        %parallel_loop3A_2009 = arith.addf %parallel_loop3A_2001, %parallel_loop3A_2002 : vector<16xf32>
        %parallel_loop3A_2010 = arith.addf %parallel_loop3A_2003, %parallel_loop3A_2004 : vector<16xf32>
        %parallel_loop3A_2011 = arith.addf %parallel_loop3A_2005, %parallel_loop3A_2006 : vector<16xf32>
        %parallel_loop3A_2012 = arith.addf %parallel_loop3A_2007, %parallel_loop3A_2008 : vector<16xf32>
        %parallel_loop3A_2013 = arith.addf %parallel_loop3A_2009, %parallel_loop3A_2010 : vector<16xf32>
        %parallel_loop3A_2014 = arith.addf %parallel_loop3A_2011, %parallel_loop3A_2012 : vector<16xf32>
        %parallel_loop3A_2015 = arith.addf %parallel_loop3A_2013, %parallel_loop3A_2014 : vector<16xf32>
        %parallel_loop3A_2016 = arith.addf %parallel_loop3A_2015, %get3A_3 : vector<16xf32>
        %parallel_loop3A_2017 = arith.constant 0.000000e+00 : f32
        %parallel_loop3A_2018 = vector.broadcast %parallel_loop3A_2017 : f32 to vector<16xf32>
        %parallel_loop3A_2019 = arith.subf %parallel_loop3A_2018, %parallel_loop3A_2016 : vector<16xf32>
        %parallel_loop3A_2020 = math.exp %parallel_loop3A_2019 : vector<16xf32>
        %parallel_loop3A_2021 = arith.constant 1.000000e+00 : f32
        %parallel_loop3A_2022 = vector.broadcast %parallel_loop3A_2021 : f32 to vector<16xf32>
        %parallel_loop3A_2023 = arith.addf %parallel_loop3A_2022, %parallel_loop3A_2020 : vector<16xf32>
        %parallel_loop3A_2024 = arith.constant 1.000000e+00 : f32
        %parallel_loop3A_2025 = vector.broadcast %parallel_loop3A_2024 : f32 to vector<16xf32>
        %parallel_loop3A_2026 = arith.divf %parallel_loop3A_2025, %parallel_loop3A_2023 : vector<16xf32>
        %parallel_loop3A_2027 = arith.constant 16 : i32
        %parallel_loop3A_2028 = arith.muli %parallel_loop3A_141, %parallel_loop3A_2027 : i32
        %parallel_loop3A_2029 = arith.addi %mul3A_138, %parallel_loop3A_2028 : i32
        %parallel_loop3A_2030 = arith.index_cast %parallel_loop3A_2029 : i32 to index
        %parallel_loop3A_2031 = tpu.vector_load %arg12[%parallel_loop3A_2030] {strides = array<i32>} : memref<10000xf32, #tpu.memory_space<vmem>>, vector<16xf32>,
        tpu.vector_store %arg12[%parallel_loop3A_2030], %parallel_loop3A_2026 {strides = array<i32>} : memref<10000xf32, #tpu.memory_space<vmem>>, vector<16xf32>,
      } {sc.loop_unroll_factor = 5 : i64, sc.parallel_access}
    }
    %scan3A_117 = arith.constant 125 : i32
    "tpu.region"() ({
      %run_scoped3A = tpu.sem_alloc : memref<!tpu.dma_semaphore, #tpu.memory_space<semaphore_mem>>
      %dma_start3A_118 = tpu.memref_slice %arg7[%mul3A_2] : memref<320000xf32, #tpu.memory_space<hbm>> -> memref<10000xf32, #tpu.memory_space<hbm>>
      %dma_start3A_119 = tpu.memref_slice %arg7[%mul3A_2] : memref<320000xf32, #tpu.memory_space<hbm>> -> memref<10000xf32, #tpu.memory_space<hbm>>
      tpu.enqueue_dma source(%arg12 : memref<10000xf32, #tpu.memory_space<vmem>>) target(%dma_start3A_119 : memref<10000xf32, #tpu.memory_space<hbm>>) target_semaphore(%run_scoped3A : memref<!tpu.dma_semaphore, #tpu.memory_space<semaphore_mem>>)
      %dma_wait3A = tpu.memref_slice %arg7[%mul3A_2] : memref<320000xf32, #tpu.memory_space<hbm>> -> memref<10000xf32, #tpu.memory_space<hbm>>
      %dma_wait3A_120 = tpu.memref_slice %arg7[%mul3A_2] : memref<320000xf32, #tpu.memory_space<hbm>> -> memref<10000xf32, #tpu.memory_space<hbm>>
      tpu.wait_dma2 semaphore(%run_scoped3A : memref<!tpu.dma_semaphore, #tpu.memory_space<semaphore_mem>>) src(%arg12 : memref<10000xf32, #tpu.memory_space<vmem>>) dst(%dma_wait3A_120 : memref<10000xf32, #tpu.memory_space<hbm>>)
      tpu.yield
    }) : () -> ()
    return
  }
}

</mosaic_0001>

<sc_bundles>
// kernel: kernel.3.cloned.1.call-start
scs
__scs_entry_jumppad:
0x0: {  	(pc) =	sbr.rel $0x88, $3  }
0x1: {  	(tag) =	ssettag $0x0;
	lr =	simm.s32 $0x1  }
0x2: {  	[smem:$0x3F9D] =	sst lr;
	_ =	strace $0xD0000000  }
0x3: {  	_ = 	snop  }
0x4: {  	_ = 	snop  }
0x5: {  	_ = 	snop  }
0x6: {  	_ = 	snop  }
0x7: {  	_ = 	snop  }
__scs_overlays_trampoline_lowered:
0x8: {  	[smem:$0x3FAC] =	sst s0  }
0x9: {  	[smem:$0x3FAD] =	sst s1  }
0xa: {  	[smem:$0x3FAE] =	sst s2  }
0xb: {  	[smem:$0x3FAF] =	sst s3  }
0xc: {  	[smem:$0x3FB0] =	sst s4  }
0xd: {  	[smem:$0x3FB1] =	sst s5  }
0xe: {  	[smem:$0x3FB2] =	sst s6  }
0xf: {  	[smem:$0x3FB3] =	sst s7  }
0x10: {  	[smem:$0x3FB4] =	sst s8  }
0x11: {  	[smem:$0x3FB5] =	sst s9;
	s0 =	simm.s32 @!p0 $0x0  }
0x12: {  	s1 =	sld [smem:$0x3F9B];
	s0 =	simm.s32 @p0 $0x1  }
0x13: {  	[smem:$0x3FB6] =	sst s0;
	s0 =	simm.s32 @!p1 $0x0  }
0x14: {  	s2 =	sld [smem:$0x3F9A];
	s0 =	simm.s32 @p1 $0x1  }
0x15: {  	[smem:$0x3FB7] =	sst s0;
	s0 =	simm.s32 @!p2 $0x0  }
0x16: {  	s3 =	sld [smem:$0x3FDB];
	s0 =	simm.s32 @p2 $0x1  }
0x17: {  	s4 =	simm.s32 $0x1BF5;
	[smem:$0x3FB9] =	sst s0  }
0x18: {  	s0 =	sld [smem:$0x3F9C];
	_ =	swait.ge [sflag:s4], $0x0  }
0x19: {  	s7 =	sld [smem:$0x3F9D]  }
0x1a: {  	s8 =	sadd.s32 $0xFFFFE003, lr  }
0x1b: {  	s9 =	sadd.s32 $0xFFFFFEF7, lr;
	s5 =	simm.s32 $0xFFFFFFFF;
	p2 =	slt.u32 s8, $0xFFFFF086  }
0x1c: {  	p1 =	slt.u32 s9, $0xF7A;
	s5 =	simm.s32 @!p2 $0x0  }
0x1d: {  	s5 =	simm.s32 @p1 $0x1;
	p0 =	seq.s32 s7, s2  }
0x1e: {  	s7 =	smul.u32 @!p0 $0xF7A, s2;
	p2 =	seq.s32 @!p0 s5, $0x0  }
0x1f: {  	s9 =	smul.u32 $0xF7A, s1;
	s8 =	simm.s32 @!p0 $0x1BF5;
	p2 =	por !p2, p0  }
0x20: {  	[sflag:s8] =	ssyncset.s32 @!p0 $0xFFFFF086;
	s6 =	sadd.s32 @!p0 s3, s7;
	s7 =	simm.s32 @!p0 $0x108  }
0x21: {  	s3 =	sadd.s32 s3, s9;
	s6 =	sadd.s32 @!p0 $0x88, s6;
	s7 =	simm.s32 @p2 $0x1082  }
0x22: {  	[simem:s7], [sflag:s8] =	dma.local @!p0 [hbm:s6], $0xF7A  }
0x23: {  	s9 =	sor.u32 $0xD0000000, s2;
	s6 =	simm.s32 $0x108;
	_ =	swait.ge @!p0 [sflag:s8], $0x0  }
0x24: {  	s3 =	sadd.s32 $0x88, s3;
	s6 =	simm.s32 @!p1 $0x1082;
	[sflag:s4] =	ssyncset.s32 $0xFFFFF086  }
0x25: {  	[simem:s6], [sflag:s4] =	dma.local [hbm:s3], $0xF7A  }
0x26: {  	[smem:$0x3F9D] =	sst s1;
	(tag) =	ssettag s2;
	_ =	strace s9  }
0x27: {  	s1 =	sld [smem:$0x3FAD]  }
0x28: {  	s2 =	sld [smem:$0x3FAE]  }
0x29: {  	s4 =	sld [smem:$0x3FB0]  }
0x2a: {  	p0 =	seq.s32 s5, $0x0;
	s5 =	sld [smem:$0x3FB1]  }
0x2b: {  	s6 =	sld [smem:$0x3FB2]  }
0x2c: {  	s7 =	sld [smem:$0x3FB3]  }
0x2d: {  	s3 =	simm.s32 $0x108;
	s8 =	sld [smem:$0x3FB4]  }
0x2e: {  	s3 =	simm.s32 @!p0 $0x1082;
	s9 =	sld [smem:$0x3FB5]  }
0x2f: {  	lr =	sadd.s32 s0, s3;
	s0 =	sld [smem:$0x3FAC]  }
0x30: {  	s3 =	sld [smem:$0x3FAF]  }
0x31: {  	[smem:$0x3FB8] =	sst s10  }
0x32: {  	s10 =	sld [smem:$0x3FB6];
	_ =	sdelay $0x3  }
0x33: {  	p0 =	seq.s32 s10, $0x1;
	s10 =	sld [smem:$0x3FB8];
	_ =	sdelay $0x3  }
0x34: {  	[smem:$0x3FB8] =	sst s10  }
0x35: {  	s10 =	sld [smem:$0x3FB7];
	_ =	sdelay $0x3  }
0x36: {  	p1 =	seq.s32 s10, $0x1;
	s10 =	sld [smem:$0x3FB8];
	_ =	sdelay $0x3  }
0x37: {  	[smem:$0x3FB8] =	sst s10  }
0x38: {  	s10 =	sld [smem:$0x3FB9]  }
0x39: {  	_ = 	snop;
	(pc) =	sbr.ind lr, $3  }
0x3a: {  	_ = 	snop  }
0x3b: {  	_ = 	snop  }
0x3c: {  	p2 =	seq.s32 s10, $0x1;
	s10 =	sld [smem:$0x3FB8]  }
0x3d: {  	_ =	shalt  }
0x3e: {  	_ =	shalt  }
0x3f: {  	_ =	shalt  }
0x40: {  	_ =	shalt  }
0x41: {  	_ =	shalt  }
0x42: {  	_ =	shalt  }
0x43: {  	_ =	shalt  }
0x44: {  	_ =	shalt  }
0x45: {  	_ =	shalt  }
0x46: {  	_ =	shalt  }
0x47: {  	_ =	shalt  }
0x48: {  	_ =	shalt  }
0x49: {  	_ =	shalt  }
0x4a: {  	_ =	shalt  }
0x4b: {  	_ =	shalt  }
0x4c: {  	_ =	shalt  }
0x4d: {  	_ =	shalt  }
0x4e: {  	_ =	shalt  }
0x4f: {  	_ =	shalt  }
0x50: {  	_ =	shalt  }
0x51: {  	_ =	shalt  }
0x52: {  	_ =	shalt  }
0x53: {  	_ =	shalt  }
0x54: {  	_ =	shalt  }
0x55: {  	_ =	shalt  }
0x56: {  	_ =	shalt  }
0x57: {  	_ =	shalt  }
0x58: {  	_ =	shalt  }
0x59: {  	_ =	shalt  }
0x5a: {  	_ =	shalt  }
0x5b: {  	_ =	shalt  }
0x5c: {  	_ =	shalt  }
0x5d: {  	_ =	shalt  }
0x5e: {  	_ =	shalt  }
0x5f: {  	_ =	shalt  }
0x60: {  	_ =	shalt  }
0x61: {  	_ =	shalt  }
0x62: {  	_ =	shalt  }
0x63: {  	_ =	shalt  }
0x64: {  	_ =	shalt  }
0x65: {  	_ =	shalt  }
0x66: {  	_ =	shalt  }
0x67: {  	_ =	shalt  }
0x68: {  	_ =	shalt  }
0x69: {  	_ =	shalt  }
0x6a: {  	_ =	shalt  }
0x6b: {  	_ =	shalt  }
0x6c: {  	_ =	shalt  }
0x6d: {  	_ =	shalt  }
0x6e: {  	_ =	shalt  }
0x6f: {  	_ =	shalt  }
0x70: {  	_ =	shalt  }
0x71: {  	_ =	shalt  }
0x72: {  	_ =	shalt  }
0x73: {  	_ =	shalt  }
0x74: {  	_ =	shalt  }
0x75: {  	_ =	shalt  }
0x76: {  	_ =	shalt  }
0x77: {  	_ =	shalt  }
0x78: {  	_ =	shalt  }
0x79: {  	_ =	shalt  }
0x7a: {  	_ =	shalt  }
0x7b: {  	_ =	shalt  }
0x7c: {  	_ =	shalt  }
0x7d: {  	_ =	shalt  }
0x7e: {  	_ =	shalt  }
0x7f: {  	_ =	shalt  }
0x80: {  	_ =	shalt  }
0x81: {  	_ =	shalt  }
0x82: {  	_ =	shalt  }
0x83: {  	_ =	shalt  }
0x84: {  	_ =	shalt  }
0x85: {  	_ =	shalt  }
0x86: {  	_ =	shalt  }
0x87: {  	_ =	shalt  }
.Lfunc_end0:
.L_simem_size_0:
called_computation_lowered:
.L_overlay_start_0:
0x88: {  	s2 =	sld [smem:$0x3FD9]  }
0x89: {  	s3 =	sld [smem:$0x3FFE];
	_ =	sdelay $0x1  }
0x8a: {  	s1 =	srdreg.scid  }
0x8b: {  	s0 =	sand.u32 $0x1, s1  }
0x8c: {  	s17 =	sshll.u32 s0, $0xA;
	s2 =	sadd.s32 s3, s2  }
0x8d: {  	s2 =	sadd.s32 s2, s17  }
0x8e: {  	[smem:$0x3FC4] =	sst s2  }
0x8f: {  	_ = 	snop  }
0x90: {  	s2 =	sld [smem:$0x3FC9]  }
0x91: {  	s18 =	sld [smem:$0x3FC7];
	(tm) =	ssettm $0x1  }
0x92: {  	s4 =	sld [smem:$0x3FFB];
	_ =	sdelay $0x3  }
0x93: {  	_ =	strace s4  }
0x94: {  	s4 =	sld [smem:$0x3FFC];
	_ =	sdelay $0x3  }
0x95: {  	_ =	strace s4  }
0x96: {  	s4 =	sld [smem:$0x3FFD];
	_ =	sdelay $0x3  }
0x97: {  	_ =	strace s4  }
0x98: {  	_ =	strace $0x8FFFFFFF  }
0x99: {  	s19 =	sld [smem:$0x3FDB];
	_ =	sdelay $0x1  }
0x9a: {  	s5 =	simm.s32 $_scs_section_size  }
0x9b: {  	s6 =	simm.s32 $_size__tile_overlayer_lowered;
	s7 =	simm.s32 $_tile_overlayer_lowered  }
0x9c: {  	s22 =	simm.s32 $0x1BFF;
	s21 =	sshll.u32 s7, $0x1;
	s4 =	sadd.s32 s5, s19  }
0x9d: {  	s8 =	simm.s32 $0x0;
	s20 =	sshll.u32 s6, $0x1;
	s6 =	sadd.s32 s21, s4  }
0x9e: {  	[timem:s8], [sflag:s22] =	dma.local [hbm:s6], s20  }
0x9f: {  	_ =	swait.ge [sflag:s22], s20  }
0xa0: {  	s5 =	ssub.s32 $0x0, s20;
	[sflag:s22] =	ssyncset.done $0x0  }
0xa1: {  	[sflag:s22] =	ssyncadd.s32 s5;
	_ =	sdelay $0x1  }
0xa2: {  	s23 =	simm.s32 $0x1B8B  }
0xa3: {  	_ =	swait.ge [sflag:s23], $0x1  }
0xa4: {  	[sflag:s23] =	ssyncset.done $0x0  }
0xa5: {  	s25 =	simm.s32 $0x1B8E;
	s24 =	sld [smem:$0x3FFE];
	[sflag:s23] =	ssyncadd.s32 $0xFFFFFFFF  }
0xa6: {  	s26 =	simm.s32 $execute0_lowered;
	[smem:$0x3FD2] =	sst s25  }
0xa7: {  	s6 =	sshll.u32 s26, $0x1;
	_ =	strace $0x80000046;
	[dreg:$0x1] =	wrdreg $0xFFFFFFFF  }
0xa8: {  	s28 =	simm.s32 $_size_execute0_lowered;
	s4 =	sadd.s32 s4, s6;
	[dreg:$0x0] =	wrdreg $0x0  }
0xa9: {  	s6 =	sshll.u32 s28, $0x1;
	[dreg:$0x2] =	wrdreg s4  }
0xaa: {  	[dreg:$0x3] =	wrdreg s6  }
0xab: {  	[dreg:$0x4] =	wrdreg $0xC0  }
0xac: {  	_ =	task [dreg:s8], $0x5FFFF  }
0xad: {  	[dreg:$0x1] =	wrdreg $0xFFFFFFFF  }
0xae: {  	[dreg:$0x0] =	wrdreg $0x60  }
0xaf: {  	[dreg:$0x2] =	wrdreg s2  }
0xb0: {  	[dreg:$0x3] =	wrdreg s24  }
0xb1: {  	[dreg:$0x4] =	wrdreg s18  }
0xb2: {  	[dreg:$0x5] =	wrdreg $0x9  }
0xb3: {  	_ =	task.clear_ibuf [dreg:s8], $0x6FFFF;
	_ =	strace $0x90000046  }
0xb4: {  	s29 =	simm.s32 $0x9;
	_ =	strace $0x80000048  }
0xb5: {  	_ =	swait.ge [sflag:s29], $0x1  }
0xb6: {  	[sflag:s29] =	ssyncadd.s32 $0xFFFFFFFF  }
0xb7: {  	_ =	strace $0x90000048  }
0xb8: {  	_ =	sfence  }
0xb9: {  	s30 =	sld [smem:$0x0];
	_ =	sdelay $0x2  }
0xba: {  	s31 =	sshll.u32 s1, $0xD;
	s1 =	sshrl.u32 s1, $0x2  }
0xbb: {  	s3 =	sand.u32 $0x4000, s31;
	s1 =	sadd.s32 s1, s30  }
0xbc: {  	s0 =	sor.u32 s3, s0;
	s1 =	sshll.u32 s1, $0x11  }
0xbd: {  	s0 =	sor.u32 s1, s0  }
0xbe: {  	s0 =	sadd.s32 $0x8F2B, s0  }
0xbf: {  	[sflag:s0] =	ssyncadd.remote.s32 $0x1  }
0xc0: {  	_ =	sfence.sel $0xFFFF  }
0xc1: {  	[dreg:$0x0] =	wrdreg $0xFFFFFFFF;
	(pc) =	sbr.abs _section_cstart, $3  }
0xc2: {  	[dreg:$0x1] =	wrdreg $0xFFFFFFFF  }
0xc3: {  	_ =	task.clear_ibuf [dreg:s8], $0x2FFFF;
	_ =	strace $0x9FFFFFFF  }
0xc4: {  	(tm) =	ssettm $0x7FFFFFFF  }
0xc5: {  	_ =	shalt  }
tec
execute0_lowered:
.L_overlay_start_1:
0x0: {  	(tag) =	ssettag $0x1  }
0x1: {  	vm0 =	vcmask $0x300;
	v0 =	vimm.f32 $0.0e+00  }
0x2: {  	vm15 =	vcmask $0x704;
	v1 =	vsel vm0, $0x3F800000, v0  }
0x3: {  	vm4 =	vcmask $0xB08;
	v50 =	vsel vm15, $0x3F800000, v0;
	[tilespmem:$0x1FF00] =	vst v1  }
0x4: {  	s1 =	rddreg [dreg:$0x0];
	vm1 =	vcmask $0xF0C;
	v51 =	vsel vm4, $0x3F800000, v0;
	[tilespmem:$0x1FF10] =	vst v50  }
0x5: {  	s6 =	rddreg [dreg:$0x1];
	vm5 =	vcmask $0x1310;
	v52 =	vsel vm1, $0x3F800000, v0;
	[tilespmem:$0x1FF20] =	vst v51  }
0x6: {  	s3 =	rddreg [dreg:$0x2];
	s4 =	simm.s32 $0x0;
	vm6 =	vcmask $0x1714;
	v53 =	vsel vm5, $0x3F800000, v0;
	[tilespmem:$0x1FF30] =	vst v52  }
0x7: {  	s2 =	srdreg.scid;
	vm7 =	vcmask $0x1B18;
	[smem:$0x7FF] =	sst s4;
	v54 =	vsel vm6, $0x3F800000, v0;
	[tilespmem:$0x1FF40] =	vst v53  }
0x8: {  	vm8 =	vcmask $0x1F1C;
	s5 =	sand.u32 $0x1, s2;
	s2 =	rddreg [dreg:$0x3];
	v55 =	vsel vm7, $0x3F800000, v0;
	_ =	strace $0x80000047;
	[tilespmem:$0x1FF50] =	vst v54  }
0x9: {  	vm9 =	vcmask $0x2320;
	v56 =	vsel vm8, $0x3F800000, v0;
	[tilespmem:$0x1FF60] =	vst v55  }
0xa: {  	s0 =	stileid.u32;
	vm10 =	vcmask $0x2724;
	s10 =	simm.s32 $0x3;
	v57 =	vsel vm9, $0x3F800000, v0;
	[tilespmem:$0x1FF70] =	vst v56  }
0xb: {  	vm11 =	vcmask $0x2B28;
	s11 =	simm.s32 $0x2780;
	s12 =	simm.s32 $0x11680;
	s13 =	simm.s32 $0x11700;
	v58 =	vsel vm10, $0x3F800000, v0;
	[tilespmem:$0x1FF80] =	vst v57  }
0xc: {  	vm12 =	vcmask $0x2F2C;
	s14 =	simm.s32 $0x4F00;
	s15 =	simm.s32 $0x9F00;
	s16 =	simm.s32 $0x1;
	v59 =	vsel vm11, $0x3F800000, v0;
	[tilespmem:$0x1FF90] =	vst v58  }
0xd: {  	vm13 =	vcmask $0x3330;
	s17 =	simm.s32 $0xEF00;
	s18 =	simm.s32 $0x2;
	s31 =	sshll.u32 s0, $0x1;
	v60 =	vsel vm12, $0x3F800000, v0;
	[tilespmem:$0x1FFA0] =	vst v59  }
.Ltmp0:
0xe: {  	vm14 =	vcmask $0x3734;
	s19 =	simm.s32 $0x50;
	v61 =	vsel vm13, $0x3F800000, v0;
	s7 =	sor.u32 s5, s31;
	[tilespmem:$0x1FFB0] =	vst v60;
	(pc) =	sbr.rel .LBB2_1-.Ltmp0, $4  }
0xf: {  	s20 =	simm.s32 $0x7700;
	vm15 =	vcmask $0x3B38;
	v2 =	vsel vm14, $0x3F800000, v0;
	s8 =	ssub.s32 $0x2, s5;
	s7 =	smul.u32 $0x4E2, s7;
	[tilespmem:$0x1FFC0] =	vst v61  }
0x10: {  	vm2 =	vcmask $0x3B00;
	v62 =	vimm.f32 $1.000000000e+00;
	s21 =	simm.s32 $0xC700;
	s22 =	simm.s32 $0x0;
	v0 =	vsel vm15, $0x3F800000, v0;
	s9 =	sshrl.u32 s8, $0x1;
	[tilespmem:$0x1FFD0] =	vst v2  }
0x11: {  	v63 =	vsel vm2, $0x0, v62;
	[tilespmem:$0x1FFE0] =	vst v0;
	s9 =	ssub.s32 s8, s9;
	s5 =	sadd.s32 s6, s7;
	s6 =	sadd.s32 $0x13C00, s6  }
0x12: {  	[tilespmem:$0x1FFF0] =	vst v63;
	s9 =	smax.u32 s9, $0x1;
	s7 =	sadd.s32 $0x9E00, s5;
	s8 =	sadd.s32 $0x13E00, s5  }
.LBB2_8:
0x13: {  	s22 =	sadd.s32 $0x1, s22  }
0x14: {  	p0 =	sne.s32 s22, s9  }
.Ltmp1:
0x15: {  	_ = 	snop;
	(pc) =	sbr.rel @!p0 .LBB2_9-.Ltmp1, $4  }
0x16: {  	[hbm4b:s8+s4] =	stream.linear.scatter [tilespmem:s17], [sflag:$0x3], $0x2710, $0x38;
	[tilespmem:$0x11780] =	vst v63  }
0x17: {  	_ =	swait.ge [sflag:s10], $0x2710  }
0x18: {  	[sflag:s10] =	ssyncset.done $0x0  }
0x19: {  	[sflag:s10] =	ssyncadd.s32 $0xFFFFD8F0  }
.LBB2_1:
0x1a: {  	[tilespmem:s4], [sflag:$0x3] =	stream.linear.gather [hbm4b:s7+s4], $0x2710, $0x38;
	[tilespmem:$0x11780] =	vst v63  }
0x1b: {  	_ =	swait.ge [sflag:s10], $0x2710  }
0x1c: {  	[sflag:s10] =	ssyncset.done $0x0  }
0x1d: {  	[sflag:s10] =	ssyncadd.s32 $0xFFFFD8F0  }
0x1e: {  	[tilespmem:s11], [sflag:$0x3] =	stream.linear.gather [hbm4b:s5+s4], $0x2710, $0x38;
	[tilespmem:$0x11780] =	vst v63  }
0x1f: {  	_ =	swait.ge [sflag:s10], $0x2710  }
0x20: {  	[sflag:s10] =	ssyncset.done $0x0  }
0x21: {  	[sflag:s10] =	ssyncadd.s32 $0xFFFFD8F0  }
0x22: {  	[tilespmem:s12], [sflag:$0x3] =	stream.linear.gather [hbm4b:s3+s4], $0x80, $0x38;
	[tilespmem:$0x11780] =	vst v63  }
0x23: {  	_ =	swait.ge [sflag:s10], $0x80  }
0x24: {  	[sflag:s10] =	ssyncset.done $0x0  }
0x25: {  	[sflag:s10] =	ssyncadd.s32 $0xFFFFFF80  }
0x26: {  	[tilespmem:s13], [sflag:$0x3] =	stream.linear.gather [hbm4b:s6+s4], $0x80, $0x38;
	[tilespmem:$0x11780] =	vst v63  }
0x27: {  	_ =	swait.ge [sflag:s10], $0x80  }
0x28: {  	[sflag:s10] =	ssyncset.done $0x0  }
0x29: {  	[sflag:s10] =	ssyncadd.s32 $0xFFFFFF80  }
0x2a: {  	v0 =	vld [tilespmem:$0x11700]  }
0x2b: {  	v56 =	vld [tilespmem:$0x11680]  }
0x2c: {  	v57 =	vld [tilespmem:$0x11690]  }
0x2d: {  	v58 =	vld [tilespmem:$0x116A0]  }
0x2e: {  	v59 =	vld [tilespmem:$0x116B0]  }
0x2f: {  	v60 =	vld [tilespmem:$0x116C0]  }
0x30: {  	v61 =	vld [tilespmem:$0x116D0]  }
0x31: {  	v62 =	vld [tilespmem:$0x116E0]  }
0x32: {  	v63 =	vld [tilespmem:$0x116F0];
	[tilespmem:s14], [sflag:$0x1] =	stream.indirect.gather [hbm4b:s1+s19], $0x80, s4, s19, $0xb8  }
0x33: {  	_ = 	snop  }
0x34: {  	[tilespmem:s15], [sflag:$0x1] =	stream.indirect.gather [hbm4b:s1+s19], $0x80, s11, s19, $0xb8;
	[tilespmem:$0x11780] =	vst v63  }
0x35: {  	[tilespmem:$0x1FE70] =	vst v0  }
0x36: {  	[tilespmem:$0x1FE80] =	vst v56  }
0x37: {  	[tilespmem:$0x1FE90] =	vst v57  }
0x38: {  	[tilespmem:$0x1FEA0] =	vst v58  }
.Ltmp2:
0x39: {  	[tilespmem:$0x1FEB0] =	vst v59;
	(pc) =	sbr.rel .LBB2_2-.Ltmp2, $4  }
0x3a: {  	[tilespmem:$0x1FEC0] =	vst v60  }
0x3b: {  	[tilespmem:$0x1FED0] =	vst v61  }
0x3c: {  	s23 =	simm.s32 $0x27D0;
	[tilespmem:$0x1FEE0] =	vst v62  }
0x3d: {  	s24 =	simm.s32 $0xEF20;
	s25 =	simm.s32 $0x50;
	s26 =	simm.s32 $0x0;
	[tilespmem:$0x1FEF0] =	vst v63  }
.LBB2_10:
0x3e: {  	[tilespmem:s14], [sflag:$0x1] =	stream.indirect.gather [hbm4b:s1+s19], $0x80, s25, s19, $0xb8;
	[tilespmem:$0x11780] =	vst v63  }
0x3f: {  	_ = 	snop  }
0x40: {  	[tilespmem:s15], [sflag:$0x1] =	stream.indirect.gather [hbm4b:s1+s19], $0x80, s23, s19, $0xb8;
	[tilespmem:$0x11780] =	vst v63  }
.LBB2_6:
0x41: {  	_ =	swait.ge [sflag:s18], $0x2800  }
0x42: {  	[sflag:s18] =	ssyncset.done $0x0  }
0x43: {  	[sflag:s18] =	ssyncadd.s32 $0xFFFFD800  }
0x44: {  	_ =	swait.ge [sflag:s18], $0x2800  }
0x45: {  	[sflag:s18] =	ssyncset.done $0x0  }
0x46: {  	[sflag:s18] =	ssyncadd.s32 $0xFFFFD800  }
.LBB2_7:
0x47: {  	s28 =	smul.u32 $0x2800, s28  }
0x48: {  	v20 =	vld [tilespmem:$0x1FEA0]  }
0x49: {  	v26 =	vld [tilespmem:s28+$0x4F00]  }
0x4a: {  	v16 =	vld [tilespmem:s28+$0x9F00]  }
0x4b: {  	v13 =	vld [tilespmem:s28+$0x4F10]  }
0x4c: {  	v12 =	vld [tilespmem:s28+$0x9F10]  }
0x4d: {  	v14 =	vld [tilespmem:s28+$0x4F20]  }
0x4e: {  	v7 =	vld [tilespmem:s28+$0x9F20]  }
0x4f: {  	v8 =	vld [tilespmem:s28+$0x4F30]  }
0x50: {  	v5 =	vld [tilespmem:s28+$0x9F30]  }
0x51: {  	v9 =	vld [tilespmem:s28+$0x4F40]  }
0x52: {  	v6 =	vld [tilespmem:s28+$0x9F40]  }
0x53: {  	v2 =	vld [tilespmem:s28+$0x4F50]  }
0x54: {  	v0 =	vld [tilespmem:s28+$0x9F50]  }
0x55: {  	v3 =	vld [tilespmem:s28+$0x4F60]  }
0x56: {  	v1 =	vld [tilespmem:s28+$0x9F60]  }
0x57: {  	v10 =	vld [tilespmem:s28+$0x4F70]  }
0x58: {  	v4 =	vld [tilespmem:s28+$0x9F70]  }
0x59: {  	v15 =	vld [tilespmem:s28+$0x4F80]  }
0x5a: {  	v11 =	vld [tilespmem:s28+$0x9F80]  }
0x5b: {  	v27 =	vld [tilespmem:s28+$0x4F90]  }
0x5c: {  	v25 =	vld [tilespmem:s28+$0x9F90]  }
0x5d: {  	v30 =	vld [tilespmem:s28+$0x4FA0]  }
0x5e: {  	v28 =	vld [tilespmem:s28+$0x9FA0]  }
0x5f: {  	v35 =	vld [tilespmem:s28+$0x4FB0]  }
0x60: {  	v32 =	vld [tilespmem:s28+$0x9FB0]  }
0x61: {  	v31 =	vld [tilespmem:s28+$0x4FC0]  }
0x62: {  	v29 =	vld [tilespmem:s28+$0x9FC0]  }
0x63: {  	v36 =	vld [tilespmem:s28+$0x4FD0]  }
0x64: {  	v33 =	vld [tilespmem:s28+$0x9FD0]  }
0x65: {  	v42 =	vld [tilespmem:s28+$0x4FE0]  }
0x66: {  	v34 =	vld [tilespmem:s28+$0x9FE0]  }
0x67: {  	v17 =	vld [tilespmem:s28+$0x4FF0]  }
0x68: {  	v37 =	vld [tilespmem:s28+$0x9FF0]  }
0x69: {  	v57 =	vld [tilespmem:s28+$0x5000]  }
0x6a: {  	v44 =	vld [tilespmem:s28+$0xA000]  }
0x6b: {  	v19 =	vld [tilespmem:s28+$0x5010]  }
0x6c: {  	v41 =	vld [tilespmem:s28+$0xA010]  }
0x6d: {  	v47 =	vld [tilespmem:s28+$0x5020]  }
0x6e: {  	v38 =	vld [tilespmem:s28+$0xA020]  }
0x6f: {  	v50 =	vld [tilespmem:s28+$0x5030]  }
0x70: {  	v46 =	vld [tilespmem:s28+$0xA030]  }
0x71: {  	v40 =	vld [tilespmem:s28+$0x5040]  }
0x72: {  	v39 =	vld [tilespmem:s28+$0xA040]  }
0x73: {  	v51 =	vld [tilespmem:s28+$0x5050]  }
0x74: {  	v49 =	vld [tilespmem:s28+$0xA050]  }
0x75: {  	v53 =	vld [tilespmem:s28+$0x5060]  }
0x76: {  	v52 =	vld [tilespmem:s28+$0xA060]  }
0x77: {  	v43 =	vld [tilespmem:s28+$0x5070]  }
0x78: {  	v62 =	vld [tilespmem:s28+$0xA070]  }
0x79: {  	v60 =	vld [tilespmem:s28+$0x5080]  }
0x7a: {  	v55 =	vld [tilespmem:s28+$0xA080]  }
0x7b: {  	v48 =	vld [tilespmem:s28+$0x5090]  }
0x7c: {  	v59 =	vld [tilespmem:s28+$0xA090]  }
0x7d: {  	v18 =	vld [tilespmem:s28+$0x50A0]  }
0x7e: {  	v61 =	vld [tilespmem:s28+$0xA0A0]  }
0x7f: {  	v63 =	vld [tilespmem:s28+$0x50B0]  }
0x80: {  	v21 =	vld [tilespmem:s28+$0xA0B0]  }
0x81: {  	v54 =	vld [tilespmem:s28+$0x50C0]  }
0x82: {  	v58 =	vld [tilespmem:s28+$0x50D0]  }
0x83: {  	v22 =	vld [tilespmem:s28+$0x50E0]  }
0x84: {  	v23 =	vld [tilespmem:s28+$0xA0E0]  }
0x85: {  	v24 =	vld [tilespmem:s28+$0x50F0]  }
0x86: {  	v45 =	vld [tilespmem:s28+$0xA0F0]  }
0x87: {  	v56 =	vld [tilespmem:s28+$0x5100]  }
0x88: {  	[tilespmem:$0x1D430] =	vst v63;
	v63 =	vld [tilespmem:s28+$0xA0C0]  }
0x89: {  	[tilespmem:$0x1D400] =	vst v61;
	v61 =	vld [tilespmem:s28+$0xA0D0]  }
0x8a: {  	[tilespmem:$0x1D440] =	vst v21;
	v21 =	vld [tilespmem:s28+$0xA100]  }
0x8b: {  	[tilespmem:$0x1D410] =	vst v22;
	v22 =	vld [tilespmem:s28+$0x5110]  }
0x8c: {  	[tilespmem:$0x1D420] =	vst v23;
	v23 =	vld [tilespmem:s28+$0xA110]  }
0x8d: {  	[tilespmem:$0x1D450] =	vst v24;
	v24 =	vld [tilespmem:s28+$0x5120]  }
0x8e: {  	[tilespmem:$0x1D460] =	vst v45;
	v45 =	vld [tilespmem:s28+$0xA120]  }
0x8f: {  	[tilespmem:$0x1D470] =	vst v56;
	v56 =	vld [tilespmem:s28+$0x5130]  }
0x90: {  	v5 =	vmul.f32 v5, v8;
	v8 =	vld [tilespmem:s28+$0xA3D0]  }
0x91: {  	v12 =	vmul.f32 v12, v13;
	v13 =	vld [tilespmem:s28+$0x53E0]  }
0x92: {  	v16 =	vmul.f32 v16, v26;
	v26 =	vld [tilespmem:s28+$0x53F0]  }
0x93: {  	v32 =	vmul.f32 v32, v35;
	v35 =	vmul.f32 v37, v17;
	v37 =	vld [tilespmem:s28+$0xA420]  }
0x94: {  	v17 =	vld [tilespmem:s28+$0xA430]  }
0x95: {  	v44 =	vmul.f32 v44, v57;
	v57 =	vmul.f32 v41, v19;
	v41 =	vld [tilespmem:s28+$0x5450]  }
0x96: {  	[tilespmem:$0x1D3F0] =	vst v18;
	v19 =	vmul.f32 v49, v51;
	v51 =	vld [tilespmem:s28+$0x54A0]  }
0x97: {  	v49 =	vld [tilespmem:$0x1D3F0]  }
0x98: {  	[tilespmem:$0x1D480] =	vst v21;
	v21 =	vld [tilespmem:s28+$0xA130]  }
0x99: {  	[tilespmem:$0x1D4B0] =	vst v22;
	v22 =	vld [tilespmem:s28+$0x5140]  }
0x9a: {  	[tilespmem:$0x1D4C0] =	vst v23;
	v23 =	vld [tilespmem:s28+$0xA140]  }
0x9b: {  	[tilespmem:$0x1D4F0] =	vst v24;
	v24 =	vld [tilespmem:s28+$0x5150]  }
0x9c: {  	[tilespmem:$0x1D500] =	vst v45;
	v45 =	vld [tilespmem:s28+$0xA150]  }
0x9d: {  	v30 =	vmul.f32 v28, v30;
	[tilespmem:$0x1D530] =	vst v56;
	v56 =	vld [tilespmem:s28+$0x5160]  }
0x9e: {  	[tilespmem:$0x1DA10] =	vst v13;
	v13 =	vld [tilespmem:s28+$0x5410]  }
0x9f: {  	[tilespmem:$0x1D9E0] =	vst v8;
	v8 =	vmul.f32 v30, v20;
	v30 =	vld [tilespmem:s28+$0x5440]  }
0xa0: {  	v33 =	vmul.f32 v33, v36;
	v36 =	vmul.f32 v63, v54;
	v54 =	vld [tilespmem:s28+$0xA4A0]  }
0xa1: {  	v63 =	vld [tilespmem:$0x1D470]  }
0xa2: {  	[tilespmem:$0x1D540] =	vst v21;
	v21 =	vld [tilespmem:s28+$0xA160]  }
0xa3: {  	[tilespmem:$0x1D490] =	vst v22;
	v22 =	vld [tilespmem:s28+$0x5170]  }
0xa4: {  	[tilespmem:$0x1D4A0] =	vst v23;
	v23 =	vld [tilespmem:s28+$0xA170]  }
0xa5: {  	[tilespmem:$0x1D4D0] =	vst v24;
	v24 =	vld [tilespmem:s28+$0x5180]  }
0xa6: {  	[tilespmem:$0x1D4E0] =	vst v45;
	v45 =	vld [tilespmem:s28+$0xA180]  }
0xa7: {  	[tilespmem:$0x1D510] =	vst v56;
	v56 =	vld [tilespmem:s28+$0x5190]  }
0xa8: {  	[tilespmem:$0x1DAB0] =	vst v54;
	v54 =	vld [tilespmem:$0x1D530]  }
0xa9: {  	[tilespmem:$0x1DAA0] =	vst v51;
	v51 =	vld [tilespmem:$0x1D510]  }
0xaa: {  	[tilespmem:$0x1D520] =	vst v21;
	v21 =	vld [tilespmem:s28+$0xA190]  }
0xab: {  	[tilespmem:$0x1D550] =	vst v22;
	v22 =	vld [tilespmem:s28+$0x51A0]  }
0xac: {  	[tilespmem:$0x1D560] =	vst v23;
	v23 =	vld [tilespmem:s28+$0xA1A0]  }
0xad: {  	[tilespmem:$0x1D570] =	vst v24;
	v24 =	vld [tilespmem:s28+$0x51B0]  }
0xae: {  	[tilespmem:$0x1D580] =	vst v45;
	v45 =	vld [tilespmem:s28+$0xA1B0]  }
0xaf: {  	[tilespmem:$0x1D5B0] =	vst v56;
	v56 =	vld [tilespmem:s28+$0x51C0]  }
0xb0: {  	[tilespmem:$0x1D5C0] =	vst v21;
	v21 =	vld [tilespmem:s28+$0xA1C0]  }
0xb1: {  	[tilespmem:$0x1D5F0] =	vst v22;
	v22 =	vld [tilespmem:s28+$0x51D0]  }
0xb2: {  	[tilespmem:$0x1D600] =	vst v23;
	v23 =	vld [tilespmem:s28+$0xA1D0]  }
0xb3: {  	[tilespmem:$0x1D630] =	vst v24;
	v24 =	vld [tilespmem:s28+$0x51E0]  }
0xb4: {  	[tilespmem:$0x1D640] =	vst v45;
	v45 =	vld [tilespmem:s28+$0xA1E0]  }
0xb5: {  	[tilespmem:$0x1D590] =	vst v56;
	v56 =	vld [tilespmem:s28+$0x51F0]  }
0xb6: {  	[tilespmem:$0x1D5A0] =	vst v21;
	v21 =	vld [tilespmem:s28+$0xA1F0]  }
0xb7: {  	[tilespmem:$0x1D5D0] =	vst v22;
	v22 =	vld [tilespmem:s28+$0x5200]  }
0xb8: {  	[tilespmem:$0x1D5E0] =	vst v23;
	v23 =	vld [tilespmem:s28+$0xA200]  }
0xb9: {  	[tilespmem:$0x1D610] =	vst v24;
	v24 =	vld [tilespmem:s28+$0x5210]  }
0xba: {  	[tilespmem:$0x1D620] =	vst v45;
	v45 =	vld [tilespmem:s28+$0xA210]  }
0xbb: {  	[tilespmem:$0x1D650] =	vst v56;
	v56 =	vld [tilespmem:s28+$0x5220]  }
0xbc: {  	[tilespmem:$0x1D660] =	vst v21;
	v21 =	vld [tilespmem:s28+$0xA220]  }
0xbd: {  	[tilespmem:$0x1D670] =	vst v22;
	v22 =	vld [tilespmem:s28+$0x5230]  }
0xbe: {  	[tilespmem:$0x1D680] =	vst v23;
	v23 =	vld [tilespmem:s28+$0xA230]  }
0xbf: {  	[tilespmem:$0x1D690] =	vst v24;
	v24 =	vld [tilespmem:s28+$0x5240]  }
0xc0: {  	[tilespmem:$0x1D6A0] =	vst v45;
	v45 =	vld [tilespmem:s28+$0xA240]  }
0xc1: {  	[tilespmem:$0x1D6B0] =	vst v56;
	v56 =	vld [tilespmem:s28+$0x5250]  }
0xc2: {  	[tilespmem:$0x1D6C0] =	vst v21;
	v21 =	vld [tilespmem:s28+$0xA250]  }
0xc3: {  	[tilespmem:$0x1D6D0] =	vst v22;
	v22 =	vld [tilespmem:s28+$0x5260]  }
0xc4: {  	[tilespmem:$0x1D6E0] =	vst v23;
	v23 =	vld [tilespmem:s28+$0xA260]  }
0xc5: {  	[tilespmem:$0x1D6F0] =	vst v24;
	v24 =	vld [tilespmem:s28+$0x5270]  }
0xc6: {  	[tilespmem:$0x1D700] =	vst v45;
	v45 =	vld [tilespmem:s28+$0xA270]  }
0xc7: {  	[tilespmem:$0x1D710] =	vst v56;
	v56 =	vld [tilespmem:s28+$0x5280]  }
0xc8: {  	[tilespmem:$0x1D720] =	vst v21;
	v21 =	vld [tilespmem:s28+$0xA280]  }
0xc9: {  	[tilespmem:$0x1D730] =	vst v22;
	v22 =	vld [tilespmem:s28+$0x5290]  }
0xca: {  	[tilespmem:$0x1D740] =	vst v23;
	v23 =	vld [tilespmem:s28+$0xA290]  }
0xcb: {  	[tilespmem:$0x1D750] =	vst v24;
	v24 =	vld [tilespmem:s28+$0x52A0]  }
0xcc: {  	[tilespmem:$0x1D760] =	vst v45;
	v45 =	vld [tilespmem:s28+$0xA2A0]  }
0xcd: {  	[tilespmem:$0x1D770] =	vst v56;
	v56 =	vld [tilespmem:s28+$0x52B0]  }
0xce: {  	[tilespmem:$0x1D780] =	vst v21;
	v21 =	vld [tilespmem:s28+$0xA2B0]  }
0xcf: {  	[tilespmem:$0x1D790] =	vst v22;
	v22 =	vld [tilespmem:s28+$0x52C0]  }
0xd0: {  	[tilespmem:$0x1D7A0] =	vst v23;
	v23 =	vld [tilespmem:s28+$0xA2C0]  }
0xd1: {  	[tilespmem:$0x1D7B0] =	vst v24;
	v24 =	vld [tilespmem:s28+$0x52D0]  }
0xd2: {  	[tilespmem:$0x1D7C0] =	vst v45;
	v45 =	vld [tilespmem:s28+$0xA2D0]  }
0xd3: {  	[tilespmem:$0x1D7F0] =	vst v56;
	v56 =	vld [tilespmem:s28+$0x52E0]  }
0xd4: {  	[tilespmem:$0x1D800] =	vst v21;
	v21 =	vld [tilespmem:s28+$0xA2E0]  }
0xd5: {  	[tilespmem:$0x1D7D0] =	vst v22;
	v22 =	vld [tilespmem:s28+$0x52F0]  }
0xd6: {  	[tilespmem:$0x1D7E0] =	vst v23;
	v23 =	vld [tilespmem:s28+$0xA2F0]  }
0xd7: {  	[tilespmem:$0x1D810] =	vst v24;
	v24 =	vld [tilespmem:s28+$0x5300]  }
0xd8: {  	[tilespmem:$0x1D820] =	vst v45;
	v45 =	vld [tilespmem:s28+$0xA300]  }
0xd9: {  	[tilespmem:$0x1D830] =	vst v56;
	v56 =	vld [tilespmem:s28+$0x5310]  }
0xda: {  	[tilespmem:$0x1D840] =	vst v21;
	v21 =	vld [tilespmem:s28+$0xA310]  }
0xdb: {  	[tilespmem:$0x1D850] =	vst v22;
	v22 =	vld [tilespmem:s28+$0x5320]  }
0xdc: {  	[tilespmem:$0x1D860] =	vst v23;
	v23 =	vld [tilespmem:s28+$0xA320]  }
0xdd: {  	[tilespmem:$0x1D870] =	vst v24;
	v24 =	vld [tilespmem:s28+$0x5330]  }
0xde: {  	[tilespmem:$0x1D880] =	vst v45;
	v45 =	vld [tilespmem:s28+$0xA330]  }
0xdf: {  	[tilespmem:$0x1D890] =	vst v56;
	v56 =	vld [tilespmem:s28+$0x5340]  }
0xe0: {  	[tilespmem:$0x1D8A0] =	vst v21;
	v21 =	vld [tilespmem:s28+$0xA340]  }
0xe1: {  	[tilespmem:$0x1D8B0] =	vst v22;
	v22 =	vld [tilespmem:s28+$0x5350]  }
0xe2: {  	[tilespmem:$0x1D8C0] =	vst v23;
	v23 =	vld [tilespmem:s28+$0xA350]  }
0xe3: {  	[tilespmem:$0x1D8F0] =	vst v24;
	v24 =	vld [tilespmem:s28+$0x5360]  }
0xe4: {  	[tilespmem:$0x1D900] =	vst v45;
	v45 =	vld [tilespmem:s28+$0xA360]  }
0xe5: {  	[tilespmem:$0x1D8D0] =	vst v56;
	v56 =	vld [tilespmem:s28+$0x5370]  }
0xe6: {  	[tilespmem:$0x1D8E0] =	vst v21;
	v21 =	vld [tilespmem:s28+$0xA370]  }
0xe7: {  	[tilespmem:$0x1D910] =	vst v22;
	v22 =	vld [tilespmem:s28+$0x5380]  }
0xe8: {  	[tilespmem:$0x1D920] =	vst v23;
	v23 =	vld [tilespmem:s28+$0xA380]  }
0xe9: {  	[tilespmem:$0x1D930] =	vst v24;
	v24 =	vld [tilespmem:s28+$0x5390]  }
0xea: {  	[tilespmem:$0x1D940] =	vst v45;
	v45 =	vld [tilespmem:s28+$0xA390]  }
0xeb: {  	[tilespmem:$0x1D950] =	vst v56;
	v56 =	vld [tilespmem:s28+$0x53A0]  }
0xec: {  	[tilespmem:$0x1D960] =	vst v21;
	v21 =	vld [tilespmem:s28+$0xA3A0]  }
0xed: {  	[tilespmem:$0x1D980] =	vst v23;
	v23 =	vld [tilespmem:s28+$0xA3B0]  }
0xee: {  	[tilespmem:$0x1D970] =	vst v22;
	v22 =	vld [tilespmem:s28+$0x53B0]  }
0xef: {  	[tilespmem:$0x1D9C0] =	vst v45;
	v45 =	vld [tilespmem:s28+$0xA3C0]  }
0xf0: {  	[tilespmem:$0x1D9B0] =	vst v24;
	v24 =	vld [tilespmem:s28+$0x53C0]  }
0xf1: {  	[tilespmem:$0x1D9F0] =	vst v56;
	v56 =	vld [tilespmem:s28+$0x53D0]  }
0xf2: {  	[tilespmem:$0x1DA40] =	vst v23;
	v23 =	vld [tilespmem:$0x1FE80]  }
0xf3: {  	[tilespmem:$0x1DA30] =	vst v22;
	v22 =	vld [tilespmem:$0x1FEC0]  }
0xf4: {  	[tilespmem:$0x1D9A0] =	vst v45;
	v45 =	vld [tilespmem:$0x1FE90]  }
0xf5: {  	[tilespmem:$0x1DA00] =	vst v21;
	v21 =	vld [tilespmem:$0x1FED0]  }
0xf6: {  	[tilespmem:$0x1D9D0] =	vst v56;
	v56 =	vmul.f32 v25, v27;
	v25 =	vld [tilespmem:s28+$0xA3F0]  }
0xf7: {  	[tilespmem:$0x1D990] =	vst v24;
	v24 =	vld [tilespmem:$0x1FEB0]  }
0xf8: {  	v7 =	vmul.f32 v7, v14;
	v6 =	vmul.f32 v6, v9;
	v27 =	vld [tilespmem:s28+$0xA410]  }
0xf9: {  	v0 =	vmul.f32 v0, v2;
	v9 =	vmul.f32 v16, v23;
	v16 =	vld [tilespmem:s28+$0xA3E0]  }
0xfa: {  	v1 =	vmul.f32 v1, v3;
	v18 =	vmul.f32 v12, v45;
	v12 =	vld [tilespmem:s28+$0x5400]  }
0xfb: {  	v14 =	vmul.f32 v6, v22;
	v6 =	vmul.f32 v11, v15;
	v15 =	vld [tilespmem:s28+$0x5430]  }
0xfc: {  	v3 =	vmul.f32 v4, v10;
	v10 =	vmul.f32 v32, v24;
	v32 =	vld [tilespmem:s28+$0xA440]  }
0xfd: {  	v11 =	vmul.f32 v44, v23;
	v44 =	vmul.f32 v59, v48;
	v48 =	vld [tilespmem:s28+$0xA490]  }
0xfe: {  	v31 =	vmul.f32 v29, v31;
	v59 =	vld [tilespmem:$0x1D450]  }
0xff: {  	v0 =	vmul.f32 v0, v21;
	v2 =	vadd.f32 $0.0e+00, v9;
	v4 =	vadd.f32 $0.0e+00, v14;
	v14 =	vld [tilespmem:s28+$0x5420]  }
0x100: {  	v6 =	vmul.f32 v6, v23;
	v9 =	vmul.f32 v56, v45;
	v56 =	vld [tilespmem:$0x1FEF0]  }
0x101: {  	v2 =	vadd.f32 v18, v2;
	v0 =	vadd.f32 v0, v4;
	v18 =	vld [tilespmem:$0x1FEE0]  }
0x102: {  	v4 =	vmul.f32 v31, v22;
	v6 =	vadd.f32 $0.0e+00, v6;
	v31 =	vmul.f32 v52, v53;
	v52 =	vld [tilespmem:$0x1D410]  }
0x103: {  	v53 =	vld [tilespmem:$0x1D420]  }
0x104: {  	[tilespmem:$0x1DA20] =	vst v16;
	v16 =	vld [tilespmem:s28+$0xA400];
	v6 =	vadd.f32 v9, v6  }
0x105: {  	v34 =	vmul.f32 v34, v42;
	[tilespmem:$0x1DA90] =	vst v48;
	v48 =	vld [tilespmem:s28+$0xA4C0]  }
0x106: {  	v9 =	vadd.f32 v8, v6;
	v6 =	vmul.f32 v57, v45;
	v57 =	vld [tilespmem:$0x1D440]  }
0x107: {  	v42 =	vmul.f32 v34, v18;
	v34 =	vmul.f32 v55, v60;
	v55 =	vld [tilespmem:$0x1D430]  }
0x108: {  	v60 =	vld [tilespmem:$0x1D460]  }
0x109: {  	v29 =	vmul.f32 v35, v56;
	v35 =	vadd.f32 v10, v9;
	v10 =	vmul.f32 v39, v40;
	v40 =	vld [tilespmem:s28+$0xA450]  }
0x10a: {  	v39 =	vld [tilespmem:s28+$0x5460]  }
0x10b: {  	v9 =	vmul.f32 v38, v47;
	v38 =	vld [tilespmem:s28+$0x5470]  }
0x10c: {  	v1 =	vmul.f32 v1, v18;
	v47 =	vmul.f32 v61, v58;
	v58 =	vld [tilespmem:s28+$0x54B0]  }
0x10d: {  	v61 =	vld [tilespmem:s28+$0xA4B0]  }
0x10e: {  	v0 =	vadd.f32 v1, v0;
	v1 =	vmul.f32 v33, v21;
	v33 =	vmul.f32 v62, v43;
	v43 =	vld [tilespmem:s28+$0xA480]  }
0x10f: {  	v7 =	vmul.f32 v7, v20;
	v5 =	vmul.f32 v5, v24;
	v62 =	vld [tilespmem:s28+$0x54C0]  }
0x110: {  	v3 =	vmul.f32 v3, v56;
	v28 =	vmul.f32 v10, v22;
	v10 =	vld [tilespmem:s28+$0x54D0]  }
0x111: {  	v2 =	vadd.f32 v7, v2;
	v4 =	vadd.f32 $0.0e+00, v4;
	v7 =	vmul.f32 v33, v56;
	v33 =	vld [tilespmem:s28+$0x54E0]  }
0x112: {  	v0 =	vadd.f32 v3, v0;
	v3 =	vmul.f32 v9, v20;
	v9 =	vmul.f32 v53, v52;
	v52 =	vld [tilespmem:$0x1D520]  }
0x113: {  	v1 =	vadd.f32 v1, v4;
	v53 =	vld [tilespmem:s28+$0xA4F0]  }
0x114: {  	v2 =	vadd.f32 v5, v2;
	v4 =	vadd.f32 $0.0e+00, v28;
	v28 =	vld [tilespmem:$0x1D4B0]  }
0x115: {  	v1 =	vadd.f32 v42, v1;
	v42 =	vld [tilespmem:s28+$0xA470]  }
0x116: {  	v0 =	vadd.f32 v0, v2;
	v2 =	vadd.f32 $0.0e+00, v11;
	v11 =	vld [tilespmem:$0x1D490]  }
0x117: {  	[tilespmem:$0x1DAC0] =	vst v58;
	v58 =	vld [tilespmem:$0x1D550]  }
0x118: {  	[tilespmem:$0x1DAD0] =	vst v61;
	v61 =	vld [tilespmem:$0x1D570]  }
0x119: {  	[tilespmem:$0x1DAE0] =	vst v62;
	v62 =	vld [tilespmem:$0x1D580]  }
0x11a: {  	v1 =	vadd.f32 v29, v1;
	v29 =	vld [tilespmem:s28+$0xA460]  }
0x11b: {  	[tilespmem:$0x1DCA0] =	vst v0;
	v0 =	vmul.f32 v46, v50;
	v46 =	vld [tilespmem:s28+$0x5490]  }
0x11c: {  	v50 =	vld [tilespmem:$0x1D400]  }
0x11d: {  	[tilespmem:$0x1DAF0] =	vst v10;
	v10 =	vld [tilespmem:$0x1D5A0]  }
0x11e: {  	[tilespmem:$0x1DB00] =	vst v33;
	v33 =	vld [tilespmem:$0x1D5E0]  }
0x11f: {  	v2 =	vadd.f32 v6, v2;
	v6 =	vmul.f32 v34, v23;
	[tilespmem:$0x1DB30] =	vst v53;
	v53 =	vld [tilespmem:$0x1D650]  }
0x120: {  	v1 =	vadd.f32 v1, v35;
	v35 =	vld [tilespmem:s28+$0x5480]  }
0x121: {  	v2 =	vadd.f32 v3, v2;
	v6 =	vadd.f32 $0.0e+00, v6;
	v3 =	vmul.f32 v44, v45;
	v44 =	vld [tilespmem:s28+$0xA4D0]  }
0x122: {  	[tilespmem:$0x1DCB0] =	vst v1;
	v1 =	vmul.f32 v19, v21;
	v19 =	vld [tilespmem:$0x1D4A0]  }
0x123: {  	v3 =	vadd.f32 v3, v6;
	v6 =	vmul.f32 v57, v55;
	v55 =	vld [tilespmem:$0x1D540]  }
0x124: {  	v57 =	vld [tilespmem:s28+$0x5500]  }
0x125: {  	[tilespmem:$0x1DA50] =	vst v29;
	v29 =	vld [tilespmem:$0x1D4C0]  }
0x126: {  	[tilespmem:$0x1DA80] =	vst v46;
	v46 =	vld [tilespmem:s28+$0xA4E0]  }
0x127: {  	v8 =	vmul.f32 v50, v49;
	v49 =	vld [tilespmem:$0x1D500]  }
0x128: {  	v50 =	vld [tilespmem:s28+$0x54F0]  }
0x129: {  	v5 =	vmul.f32 v31, v18;
	v1 =	vadd.f32 v1, v4;
	v4 =	vmul.f32 v36, v22;
	v36 =	vld [tilespmem:$0x1D4E0]  }
0x12a: {  	[tilespmem:$0x1DA60] =	vst v35;
	v35 =	vld [tilespmem:$0x1D4D0]  }
0x12b: {  	v1 =	vadd.f32 v5, v1;
	v4 =	vadd.f32 $0.0e+00, v4;
	v5 =	vmul.f32 v47, v21;
	v47 =	vld [tilespmem:$0x1D4F0]  }
0x12c: {  	[tilespmem:$0x1DB40] =	vst v57;
	v57 =	vld [tilespmem:$0x1D670]  }
0x12d: {  	v0 =	vmul.f32 v0, v24;
	v4 =	vadd.f32 v5, v4;
	v5 =	vmul.f32 v60, v59;
	v59 =	vld [tilespmem:$0x1D560]  }
0x12e: {  	v9 =	vmul.f32 v9, v18;
	v60 =	vld [tilespmem:s28+$0xA500]  }
0x12f: {  	v0 =	vadd.f32 v0, v2;
	[tilespmem:$0x1DB10] =	vst v46;
	v46 =	vld [tilespmem:$0x1D610]  }
0x130: {  	v1 =	vadd.f32 v7, v1;
	[tilespmem:$0x1DB20] =	vst v50;
	v50 =	vld [tilespmem:$0x1D630];
	v4 =	vadd.f32 v9, v4;
	v5 =	vmul.f32 v5, v56  }
0x131: {  	v8 =	vmul.f32 v8, v20;
	v9 =	vld [tilespmem:$0x1D480]  }
0x132: {  	v0 =	vadd.f32 v1, v0;
	v4 =	vadd.f32 v5, v4;
	v5 =	vmul.f32 v19, v11;
	v11 =	vld [tilespmem:s28+$0xA510]  }
0x133: {  	v6 =	vmul.f32 v6, v24;
	v3 =	vadd.f32 v8, v3;
	v19 =	vld [tilespmem:$0x1D5B0]  }
0x134: {  	[tilespmem:$0x1DCC0] =	vst v0;
	v0 =	vmul.f32 v29, v28;
	v28 =	vld [tilespmem:$0x1D5C0]  }
0x135: {  	v3 =	vadd.f32 v6, v3;
	v29 =	vld [tilespmem:s28+$0x5520]  }
0x136: {  	[tilespmem:$0x1DB50] =	vst v60;
	v60 =	vld [tilespmem:$0x1D690]  }
0x137: {  	v34 =	vadd.f32 v4, v3;
	v4 =	vmul.f32 v49, v47;
	v47 =	vld [tilespmem:$0x1D620]  }
0x138: {  	v49 =	vld [tilespmem:s28+$0xA530]  }
0x139: {  	[tilespmem:$0x1DA70] =	vst v43;
	v43 =	vmul.f32 v5, v22;
	v5 =	vmul.f32 v52, v51;
	v51 =	vld [tilespmem:$0x1D640]  }
0x13a: {  	v52 =	vld [tilespmem:s28+$0x5540]  }
0x13b: {  	v2 =	vmul.f32 v9, v63;
	v63 =	vld [tilespmem:s28+$0x5510]  }
0x13c: {  	v9 =	vld [tilespmem:$0x1D590]  }
0x13d: {  	[tilespmem:$0x1DCD0] =	vst v34;
	v34 =	vld [tilespmem:s28+$0xA520]  }
0x13e: {  	v3 =	vadd.f32 $0.0e+00, v43;
	v43 =	vld [tilespmem:s28+$0x5530]  }
0x13f: {  	v31 =	vmul.f32 v2, v23;
	v2 =	vmul.f32 v36, v35;
	v35 =	vld [tilespmem:$0x1D5F0]  }
0x140: {  	v36 =	vld [tilespmem:$0x1D600]  }
0x141: {  	[tilespmem:$0x1DBA0] =	vst v29;
	v29 =	vld [tilespmem:$0x1D6E0]  }
0x142: {  	v0 =	vmul.f32 v0, v45;
	v1 =	vadd.f32 $0.0e+00, v31;
	v31 =	vld [tilespmem:$0x1D5D0]  }
0x143: {  	v2 =	vmul.f32 v2, v21;
	v7 =	vmul.f32 v47, v46;
	v46 =	vld [tilespmem:$0x1D730]  }
0x144: {  	v4 =	vmul.f32 v4, v20;
	v47 =	vld [tilespmem:$0x1D740];
	v0 =	vadd.f32 v0, v1;
	v1 =	vmul.f32 v55, v54  }
0x145: {  	v5 =	vmul.f32 v5, v18;
	[tilespmem:$0x1DB60] =	vst v63;
	v63 =	vld [tilespmem:$0x1D6B0];
	v2 =	vadd.f32 v2, v3;
	v3 =	vmul.f32 v59, v58  }
0x146: {  	v54 =	vld [tilespmem:$0x1D660];
	v0 =	vadd.f32 v4, v0;
	v4 =	vmul.f32 v62, v61;
	v1 =	vmul.f32 v1, v24  }
0x147: {  	v55 =	vld [tilespmem:s28+$0xA540];
	v2 =	vadd.f32 v5, v2;
	v5 =	vmul.f32 v10, v9;
	v3 =	vmul.f32 v3, v56  }
0x148: {  	v58 =	vld [tilespmem:$0x1D680];
	v0 =	vadd.f32 v1, v0;
	v1 =	vmul.f32 v28, v19;
	v4 =	vmul.f32 v4, v23  }
0x149: {  	[tilespmem:$0x1DB70] =	vst v11;
	v59 =	vld [tilespmem:s28+$0x5550];
	v2 =	vadd.f32 v3, v2;
	v3 =	vmul.f32 v33, v31;
	v5 =	vmul.f32 v5, v22  }
0x14a: {  	[tilespmem:$0x1DBB0] =	vst v34;
	v34 =	vld [tilespmem:$0x1D700];
	v6 =	vmul.f32 v36, v35;
	v4 =	vadd.f32 $0.0e+00, v4;
	v1 =	vmul.f32 v1, v45  }
0x14b: {  	[tilespmem:$0x1DBE0] =	vst v43;
	v43 =	vld [tilespmem:s28+$0xA560];
	v5 =	vadd.f32 $0.0e+00, v5;
	v3 =	vmul.f32 v3, v21  }
0x14c: {  	[tilespmem:$0x1DBF0] =	vst v49;
	v7 =	vmul.f32 v7, v18;
	v62 =	vld [tilespmem:s28+$0xA550];
	v6 =	vmul.f32 v6, v20;
	v1 =	vadd.f32 v1, v4  }
0x14d: {  	[tilespmem:$0x1DB80] =	vst v52;
	v35 =	vld [tilespmem:$0x1D710];
	v4 =	vmul.f32 v51, v50;
	v3 =	vadd.f32 v3, v5;
	v5 =	vmul.f32 v54, v53  }
0x14e: {  	v31 =	vld [tilespmem:s28+$0x5560];
	[tilespmem:$0x1DB90] =	vst v55;
	v1 =	vadd.f32 v6, v1  }
0x14f: {  	[tilespmem:$0x1DBC0] =	vst v59;
	v50 =	vld [tilespmem:s28+$0x5570];
	v4 =	vmul.f32 v4, v24;
	v3 =	vadd.f32 v7, v3;
	v5 =	vmul.f32 v5, v56  }
0x150: {  	v36 =	vld [tilespmem:$0x1D720];
	[tilespmem:$0x1DC10] =	vst v43;
	v0 =	vadd.f32 v2, v0  }
0x151: {  	v61 =	vld [tilespmem:$0x1D6A0];
	[tilespmem:$0x1DBD0] =	vst v62;
	v1 =	vadd.f32 v4, v1;
	v3 =	vadd.f32 v5, v3  }
0x152: {  	v19 =	vld [tilespmem:$0x1D6C0];
	[tilespmem:$0x1DCE0] =	vst v0  }
0x153: {  	v28 =	vld [tilespmem:$0x1D6D0];
	[tilespmem:$0x1DC00] =	vst v31;
	v1 =	vadd.f32 v3, v1  }
0x154: {  	v33 =	vld [tilespmem:$0x1D6F0];
	[tilespmem:$0x1DC20] =	vst v50  }
0x155: {  	v51 =	vld [tilespmem:$0x1D750];
	[tilespmem:$0x1DCF0] =	vst v1  }
0x156: {  	v52 =	vld [tilespmem:$0x1D760]  }
0x157: {  	v54 =	vld [tilespmem:s28+$0xA570]  }
0x158: {  	v55 =	vld [tilespmem:$0x1D770]  }
0x159: {  	v6 =	vmul.f32 v58, v57;
	v57 =	vld [tilespmem:$0x1D780]  }
0x15a: {  	v59 =	vld [tilespmem:s28+$0x5580]  }
0x15b: {  	v7 =	vmul.f32 v61, v60;
	v60 =	vld [tilespmem:$0x1D790]  }
0x15c: {  	v61 =	vld [tilespmem:$0x1D7A0]  }
0x15d: {  	v62 =	vld [tilespmem:s28+$0xA580]  }
0x15e: {  	v4 =	vmul.f32 v19, v63;
	v63 =	vld [tilespmem:$0x1D7B0]  }
0x15f: {  	v19 =	vld [tilespmem:$0x1D7C0]  }
0x160: {  	v8 =	vmul.f32 v29, v28;
	v28 =	vld [tilespmem:s28+$0x5590]  }
0x161: {  	v29 =	vld [tilespmem:$0x1D7D0]  }
0x162: {  	v31 =	vld [tilespmem:$0x1D7E0]  }
0x163: {  	v5 =	vmul.f32 v34, v33;
	v33 =	vld [tilespmem:s28+$0xA590]  }
0x164: {  	v34 =	vld [tilespmem:$0x1D7F0]  }
0x165: {  	v9 =	vmul.f32 v36, v35;
	v49 =	vmul.f32 v6, v23;
	v35 =	vld [tilespmem:$0x1D800]  }
0x166: {  	v36 =	vld [tilespmem:s28+$0x55A0]  }
0x167: {  	v58 =	vmul.f32 v7, v45;
	v2 =	vadd.f32 $0.0e+00, v49;
	v43 =	vld [tilespmem:$0x1D810]  }
0x168: {  	v0 =	vmul.f32 v47, v46;
	v53 =	vmul.f32 v5, v22;
	v46 =	vld [tilespmem:$0x1D820]  }
0x169: {  	v4 =	vmul.f32 v4, v20;
	v2 =	vadd.f32 v58, v2;
	v47 =	vld [tilespmem:s28+$0xA5A0]  }
0x16a: {  	v9 =	vmul.f32 v9, v21;
	v3 =	vadd.f32 $0.0e+00, v53;
	v49 =	vld [tilespmem:$0x1D830]  }
0x16b: {  	v53 =	vmul.f32 v8, v24;
	v50 =	vld [tilespmem:$0x1D840];
	v2 =	vadd.f32 v4, v2  }
0x16c: {  	v0 =	vmul.f32 v0, v18;
	v58 =	vld [tilespmem:$0x1D930];
	v3 =	vadd.f32 v9, v3  }
0x16d: {  	v2 =	vadd.f32 v53, v2;
	v53 =	vld [tilespmem:$0x1D910]  }
0x16e: {  	v0 =	vadd.f32 v0, v3;
	v3 =	vmul.f32 v46, v43;
	v43 =	vld [tilespmem:s28+$0x55B0]  }
0x16f: {  	v1 =	vmul.f32 v52, v51;
	v51 =	vld [tilespmem:$0x1D850]  }
0x170: {  	v52 =	vld [tilespmem:$0x1D860]  }
0x171: {  	v4 =	vmul.f32 v35, v34;
	v35 =	vld [tilespmem:s28+$0xA5B0]  }
0x172: {  	v34 =	vld [tilespmem:s28+$0x55C0]  }
0x173: {  	[tilespmem:$0x1DC70] =	vst v33;
	v33 =	vld [tilespmem:s28+$0xA5C0]  }
0x174: {  	v6 =	vmul.f32 v19, v63;
	v19 =	vld [tilespmem:s28+$0x55D0]  }
0x175: {  	v46 =	vld [tilespmem:s28+$0xA5D0]  }
0x176: {  	v7 =	vmul.f32 v61, v60;
	v61 =	vld [tilespmem:$0x1D870]  }
0x177: {  	[tilespmem:$0x1DC50] =	vst v62;
	v62 =	vld [tilespmem:$0x1D880]  }
0x178: {  	v63 =	vld [tilespmem:$0x1D890]  }
0x179: {  	v5 =	vmul.f32 v57, v55;
	v57 =	vld [tilespmem:s28+$0x55E0]  }
0x17a: {  	[tilespmem:$0x1DC60] =	vst v28;
	v28 =	vld [tilespmem:$0x1D8D0]  }
0x17b: {  	v9 =	vmul.f32 v31, v29;
	v29 =	vld [tilespmem:$0x1D8E0]  }
0x17c: {  	v10 =	vmul.f32 v50, v49;
	v50 =	vld [tilespmem:s28+$0xA5E0]  }
0x17d: {  	v31 =	vld [tilespmem:$0x1D8F0]  }
0x17e: {  	[tilespmem:$0x1DC80] =	vst v36;
	v36 =	vld [tilespmem:$0x1D900]  }
0x17f: {  	[tilespmem:$0x1DC40] =	vst v59;
	v59 =	vld [tilespmem:$0x1D940]  }
0x180: {  	v49 =	vld [tilespmem:s28+$0x5600]  }
0x181: {  	[tilespmem:$0x1DC30] =	vst v54;
	v54 =	vmul.f32 v10, v18;
	v10 =	vld [tilespmem:$0x1D8B0]  }
0x182: {  	v5 =	vmul.f32 v5, v23;
	v11 =	vmul.f32 v52, v51;
	v51 =	vld [tilespmem:s28+$0x55F0]  }
0x183: {  	v9 =	vmul.f32 v9, v22;
	v7 =	vmul.f32 v7, v45;
	v52 =	vld [tilespmem:s28+$0xA600]  }
0x184: {  	v33 =	vmul.f32 v33, v34;
	v34 =	vmul.f32 v46, v19;
	v46 =	vld [tilespmem:s28+$0x5740]  }
0x185: {  	v3 =	vmul.f32 v3, v21;
	v9 =	vadd.f32 $0.0e+00, v9;
	v35 =	vmul.f32 v35, v43;
	v43 =	vld [tilespmem:s28+$0xA740]  }
0x186: {  	v1 =	vmul.f32 v1, v56;
	v5 =	vadd.f32 $0.0e+00, v5;
	v19 =	vmul.f32 v50, v57;
	v57 =	vld [tilespmem:s28+$0x5750]  }
0x187: {  	v3 =	vadd.f32 v3, v9;
	v9 =	vld [tilespmem:$0x1D8A0]  }
0x188: {  	v0 =	vadd.f32 v1, v0;
	v5 =	vadd.f32 v7, v5;
	v7 =	vmul.f32 v29, v28;
	v28 =	vld [tilespmem:$0x1D980]  }
0x189: {  	v29 =	vld [tilespmem:$0x1D990]  }
0x18a: {  	v0 =	vadd.f32 v0, v2;
	v60 =	vmul.f32 v11, v56;
	v11 =	vld [tilespmem:$0x1D8C0]  }
0x18b: {  	v6 =	vmul.f32 v6, v20;
	v55 =	vadd.f32 v54, v3;
	v54 =	vld [tilespmem:$0x1D920]  }
0x18c: {  	[tilespmem:$0x1DD00] =	vst v0;
	v0 =	vmul.f32 v36, v31;
	v31 =	vld [tilespmem:$0x1D9A0]  }
0x18d: {  	v4 =	vmul.f32 v4, v24;
	v5 =	vadd.f32 v6, v5;
	v36 =	vld [tilespmem:$0x1D9B0]  }
0x18e: {  	v1 =	vadd.f32 v60, v55;
	v60 =	vld [tilespmem:$0x1D950]  }
0x18f: {  	v4 =	vadd.f32 v4, v5;
	v5 =	vmul.f32 v62, v61;
	v61 =	vld [tilespmem:$0x1D960]  }
0x190: {  	v62 =	vld [tilespmem:$0x1D970]  }
0x191: {  	v55 =	vmul.f32 v7, v22;
	v52 =	vmul.f32 v52, v49;
	v49 =	vld [tilespmem:s28+$0x5780]  }
0x192: {  	v6 =	vmul.f32 v9, v63;
	v63 =	vld [tilespmem:s28+$0xA5F0]  }
0x193: {  	v1 =	vadd.f32 v1, v4;
	v4 =	vadd.f32 $0.0e+00, v55;
	v55 =	vld [tilespmem:$0x1D9D0]  }
0x194: {  	[tilespmem:$0x1DC90] =	vst v47;
	v47 =	vmul.f32 v5, v23;
	v5 =	vmul.f32 v59, v58;
	v58 =	vld [tilespmem:$0x1D9E0]  }
0x195: {  	v3 =	vmul.f32 v11, v10;
	v59 =	vld [tilespmem:$0x1D9F0]  }
0x196: {  	v11 =	vmul.f32 v16, v12;
	v12 =	vmul.f32 v32, v30;
	v32 =	vld [tilespmem:s28+$0x5670]  }
0x197: {  	v30 =	vld [tilespmem:s28+$0xA670]  }
0x198: {  	[tilespmem:$0x1DD10] =	vst v1;
	v1 =	vmul.f32 v54, v53;
	v53 =	vld [tilespmem:s28+$0x5610]  }
0x199: {  	v54 =	vld [tilespmem:s28+$0xA610]  }
0x19a: {  	v2 =	vadd.f32 $0.0e+00, v47;
	v47 =	vld [tilespmem:$0x1D9C0]  }
0x19b: {  	v13 =	vmul.f32 v27, v13;
	v27 =	vmul.f32 v11, v23;
	v11 =	vld [tilespmem:s28+$0xA680]  }
0x19c: {  	v16 =	vmul.f32 v12, v22;
	v12 =	vld [tilespmem:s28+$0xA690]  }
0x19d: {  	v7 =	vmul.f32 v61, v60;
	v60 =	vld [tilespmem:s28+$0xA620]  }
0x19e: {  	v6 =	vmul.f32 v6, v45;
	v61 =	vld [tilespmem:$0x1DA00]  }
0x19f: {  	[tilespmem:$0x1DDC0] =	vst v49;
	v49 =	vld [tilespmem:$0x1DCF0]  }
0x1a0: {  	v2 =	vadd.f32 v6, v2;
	v6 =	vmul.f32 v28, v62;
	v62 =	vld [tilespmem:s28+$0x5620]  }
0x1a1: {  	v1 =	vmul.f32 v1, v21;
	v28 =	vld [tilespmem:$0x1DA10]  }
0x1a2: {  	v41 =	vmul.f32 v40, v41;
	v0 =	vmul.f32 v0, v24;
	v40 =	vadd.f32 $0.0e+00, v16;
	v16 =	vld [tilespmem:s28+$0x5690]  }
0x1a3: {  	v3 =	vmul.f32 v3, v20;
	v1 =	vadd.f32 v1, v4;
	v4 =	vmul.f32 v31, v29;
	v29 =	vld [tilespmem:$0x1DA20]  }
0x1a4: {  	v5 =	vmul.f32 v5, v18;
	v7 =	vmul.f32 v7, v56;
	v31 =	vld [tilespmem:$0x1DA30]  }
0x1a5: {  	v2 =	vadd.f32 v3, v2;
	v6 =	vmul.f32 v6, v23;
	v3 =	vmul.f32 v47, v36;
	v36 =	vld [tilespmem:$0x1DA40]  }
0x1a6: {  	v47 =	vmul.f32 v25, v26;
	v25 =	vld [tilespmem:s28+$0xA660];
	v26 =	vmul.f32 v37, v14  }
0x1a7: {  	v14 =	vld [tilespmem:s28+$0x5680];
	v54 =	vmul.f32 v54, v53;
	v1 =	vadd.f32 v5, v1;
	v5 =	vmul.f32 v58, v55  }
0x1a8: {  	v37 =	vld [tilespmem:$0x1DA50];
	v4 =	vmul.f32 v4, v22;
	v8 =	vmul.f32 v61, v59  }
0x1a9: {  	v53 =	vld [tilespmem:s28+$0x5790];
	v6 =	vadd.f32 $0.0e+00, v6;
	v0 =	vadd.f32 v0, v2;
	v3 =	vmul.f32 v3, v45  }
0x1aa: {  	v55 =	vld [tilespmem:s28+$0x5630];
	v4 =	vadd.f32 $0.0e+00, v4;
	v5 =	vmul.f32 v5, v21;
	v1 =	vadd.f32 v7, v1  }
0x1ab: {  	v61 =	vld [tilespmem:s28+$0xA630];
	v8 =	vmul.f32 v8, v20;
	v9 =	vmul.f32 v29, v28;
	v3 =	vadd.f32 v3, v6  }
0x1ac: {  	v6 =	vmul.f32 v36, v31;
	v36 =	vadd.f32 v1, v0;
	v0 =	vmul.f32 v42, v38;
	v42 =	vld [tilespmem:$0x1DA60]  }
0x1ad: {  	v4 =	vadd.f32 v5, v4;
	v9 =	vmul.f32 v9, v18;
	v3 =	vadd.f32 v8, v3;
	v8 =	vld [tilespmem:$0x1DA70]  }
0x1ae: {  	v58 =	vld [tilespmem:s28+$0x5640]  }
0x1af: {  	v59 =	vld [tilespmem:s28+$0xA640];
	v5 =	vmul.f32 v47, v56;
	v6 =	vmul.f32 v6, v24;
	v4 =	vadd.f32 v9, v4  }
0x1b0: {  	v2 =	vld [tilespmem:s28+$0xA6C0]  }
0x1b1: {  	v60 =	vmul.f32 v60, v62;
	v62 =	vld [tilespmem:s28+$0x5770];
	v3 =	vadd.f32 v6, v3;
	v4 =	vadd.f32 v5, v4  }
0x1b2: {  	v1 =	vadd.f32 $0.0e+00, v27;
	v27 =	vmul.f32 v13, v45;
	v38 =	vld [tilespmem:$0x1DA80];
	v9 =	vmul.f32 v8, v42  }
0x1b3: {  	v39 =	vmul.f32 v37, v39;
	v37 =	vld [tilespmem:$0x1DAF0];
	v47 =	vadd.f32 v4, v3;
	v3 =	vmul.f32 v41, v21  }
0x1b4: {  	v41 =	vmul.f32 v17, v15;
	v6 =	vmul.f32 v9, v23;
	v9 =	vld [tilespmem:$0x1DAE0]  }
0x1b5: {  	v7 =	vadd.f32 v27, v1;
	v5 =	vmul.f32 v26, v20;
	v42 =	vld [tilespmem:$0x1DAB0]  }
0x1b6: {  	v10 =	vmul.f32 v41, v24;
	v41 =	vld [tilespmem:$0x1DAA0]  }
0x1b7: {  	v17 =	vmul.f32 v39, v18;
	v5 =	vadd.f32 v5, v7;
	v3 =	vadd.f32 v3, v40;
	v40 =	vld [tilespmem:$0x1DA90]  }
0x1b8: {  	v12 =	vmul.f32 v12, v16;
	v16 =	vld [tilespmem:s28+$0x57F0];
	v0 =	vmul.f32 v0, v56  }
0x1b9: {  	v28 =	vld [tilespmem:s28+$0xA650];
	v17 =	vadd.f32 v17, v3;
	v39 =	vadd.f32 v10, v5;
	v10 =	vmul.f32 v48, v9  }
0x1ba: {  	v44 =	vmul.f32 v44, v37;
	v48 =	vld [tilespmem:$0x1DB30]  }
0x1bb: {  	v17 =	vadd.f32 v0, v17;
	v5 =	vmul.f32 v42, v41;
	v42 =	vld [tilespmem:$0x1DB20];
	v41 =	vmul.f32 v10, v22  }
0x1bc: {  	v1 =	vmul.f32 v40, v38;
	v38 =	vld [tilespmem:$0x1DB00]  }
0x1bd: {  	v44 =	vmul.f32 v44, v21;
	v17 =	vadd.f32 v17, v39;
	v39 =	vld [tilespmem:$0x1DB10];
	v41 =	vadd.f32 $0.0e+00, v41  }
0x1be: {  	v37 =	vld [tilespmem:$0x1DB60];
	v40 =	vadd.f32 $0.0e+00, v6;
	v1 =	vmul.f32 v1, v45  }
0x1bf: {  	v41 =	vadd.f32 v44, v41;
	v44 =	vld [tilespmem:$0x1DB80]  }
0x1c0: {  	v1 =	vadd.f32 v1, v40;
	v40 =	vmul.f32 v48, v42;
	v48 =	vld [tilespmem:$0x1DB90]  }
0x1c1: {  	v8 =	vld [tilespmem:$0x1DAD0]  }
0x1c2: {  	v39 =	vmul.f32 v39, v38;
	v38 =	vld [tilespmem:$0x1DB70]  }
0x1c3: {  	v7 =	vld [tilespmem:$0x1DAC0]  }
0x1c4: {  	v9 =	vld [tilespmem:$0x1DB40];
	v39 =	vmul.f32 v39, v18  }
0x1c5: {  	v5 =	vmul.f32 v5, v20;
	v44 =	vmul.f32 v48, v44;
	v48 =	vld [tilespmem:$0x1DBC0]  }
0x1c6: {  	v39 =	vadd.f32 v39, v41;
	v41 =	vld [tilespmem:$0x1DBD0]  }
0x1c7: {  	v1 =	vadd.f32 v5, v1;
	v5 =	vmul.f32 v38, v37;
	v37 =	vld [tilespmem:$0x1DBA0]  }
0x1c8: {  	v38 =	vld [tilespmem:$0x1DBB0]  }
0x1c9: {  	v0 =	vmul.f32 v8, v7;
	v10 =	vld [tilespmem:$0x1DB50]  }
0x1ca: {  	v29 =	vld [tilespmem:s28+$0x5660]  }
0x1cb: {  	v31 =	vld [tilespmem:s28+$0x5650];
	v0 =	vmul.f32 v0, v24  }
0x1cc: {  	v41 =	vmul.f32 v41, v48;
	v48 =	vld [tilespmem:$0x1DBF0]  }
0x1cd: {  	v0 =	vadd.f32 v0, v1;
	v1 =	vmul.f32 v38, v37;
	v37 =	vld [tilespmem:$0x1DBE0]  }
0x1ce: {  	v13 =	vld [tilespmem:s28+$0xA6A0];
	v42 =	vmul.f32 v10, v9  }
0x1cf: {  	v27 =	vld [tilespmem:s28+$0x56B0]  }
0x1d0: {  	[tilespmem:$0x1DDA0] =	vst v62;
	v62 =	vmul.f32 v30, v32;
	v30 =	vld [tilespmem:$0x1DCC0];
	v42 =	vmul.f32 v42, v23  }
0x1d1: {  	[tilespmem:$0x1DEA0] =	vst v16;
	v16 =	vld [tilespmem:$0x1FF60];
	v44 =	vmul.f32 v44, v22  }
0x1d2: {  	v42 =	vadd.f32 $0.0e+00, v42;
	v5 =	vmul.f32 v5, v45;
	v37 =	vmul.f32 v48, v37;
	v48 =	vld [tilespmem:s28+$0x5700]  }
0x1d3: {  	v26 =	vld [tilespmem:s28+$0x56A0];
	v44 =	vadd.f32 $0.0e+00, v44;
	v41 =	vmul.f32 v41, v21  }
0x1d4: {  	v5 =	vadd.f32 v5, v42;
	v42 =	vld [tilespmem:$0x1DC20]  }
0x1d5: {  	v41 =	vadd.f32 v41, v44;
	v44 =	vld [tilespmem:$0x1DC30]  }
0x1d6: {  	v38 =	vld [tilespmem:$0x1DC00]  }
0x1d7: {  	v40 =	vmul.f32 v40, v56;
	[tilespmem:$0x1DD20] =	vst v48;
	v48 =	vld [tilespmem:$0x1DC10]  }
0x1d8: {  	v15 =	vld [tilespmem:s28+$0xA6B0]  }
0x1d9: {  	v39 =	vadd.f32 v40, v39;
	v40 =	vld [tilespmem:s28+$0x5720]  }
0x1da: {  	v42 =	vmul.f32 v44, v42;
	v44 =	vld [tilespmem:s28+$0xA710]  }
0x1db: {  	v4 =	vld [tilespmem:s28+$0x56C0]  }
0x1dc: {  	v3 =	vld [tilespmem:s28+$0xA6D0];
	v38 =	vmul.f32 v48, v38  }
0x1dd: {  	v7 =	vld [tilespmem:s28+$0x56D0];
	v1 =	vmul.f32 v1, v20  }
0x1de: {  	[tilespmem:$0x1DD50] =	vst v40;
	v40 =	vmul.f32 v42, v56;
	v42 =	vld [tilespmem:$0x1DC90];
	v38 =	vmul.f32 v38, v18  }
0x1df: {  	[tilespmem:$0x1DD40] =	vst v44;
	v44 =	vld [tilespmem:$0x1DC50]  }
0x1e0: {  	v1 =	vadd.f32 v1, v5;
	v5 =	vmul.f32 v37, v24;
	v37 =	vadd.f32 v38, v41;
	v38 =	vld [tilespmem:$0x1DC40]  }
0x1e1: {  	v41 =	vld [tilespmem:$0x1DC80]  }
0x1e2: {  	v8 =	vld [tilespmem:s28+$0xA6F0]  }
0x1e3: {  	v6 =	vld [tilespmem:s28+$0xA6E0]  }
0x1e4: {  	v9 =	vld [tilespmem:s28+$0x56E0]  }
0x1e5: {  	v38 =	vmul.f32 v44, v38;
	v44 =	vld [tilespmem:s28+$0xA720]  }
0x1e6: {  	v41 =	vmul.f32 v42, v41;
	v42 =	vld [tilespmem:s28+$0x5730]  }
0x1e7: {  	v48 =	vld [tilespmem:s28+$0xA700]  }
0x1e8: {  	v10 =	vld [tilespmem:s28+$0x56F0]  }
0x1e9: {  	[tilespmem:$0x1DDE0] =	vst v53;
	v1 =	vadd.f32 v5, v1;
	v5 =	vld [tilespmem:$0x1DC60]  }
0x1ea: {  	[tilespmem:$0x1DD60] =	vst v44;
	v44 =	vld [tilespmem:$0x1DC70]  }
0x1eb: {  	v33 =	vmul.f32 v33, v22;
	v53 =	vmul.f32 v15, v27;
	[tilespmem:$0x1DD70] =	vst v42;
	v42 =	vld [tilespmem:s28+$0xA770]  }
0x1ec: {  	v34 =	vmul.f32 v34, v21;
	[tilespmem:$0x1DD30] =	vst v48;
	v48 =	vld [tilespmem:s28+$0x5710];
	v37 =	vadd.f32 v40, v37  }
0x1ed: {  	v33 =	vadd.f32 $0.0e+00, v33;
	v40 =	vmul.f32 v12, v45;
	v12 =	vmul.f32 v53, v24;
	v53 =	vld [tilespmem:$0x1FF30]  }
0x1ee: {  	v1 =	vadd.f32 v37, v1;
	v37 =	vmul.f32 v19, v18;
	v19 =	vld [tilespmem:s28+$0xA760]  }
0x1ef: {  	v33 =	vadd.f32 v34, v33;
	v38 =	vmul.f32 v38, v23;
	v5 =	vmul.f32 v44, v5;
	v44 =	vld [tilespmem:s28+$0xA730]  }
0x1f0: {  	[tilespmem:$0x1DDB0] =	vst v42;
	v42 =	vmul.f32 v13, v26;
	v26 =	vld [tilespmem:s28+$0xA7F0]  }
0x1f1: {  	v33 =	vadd.f32 v37, v33;
	v37 =	vld [tilespmem:s28+$0xA7B0];
	v38 =	vadd.f32 $0.0e+00, v38;
	v5 =	vmul.f32 v5, v45  }
0x1f2: {  	v50 =	vmul.f32 v41, v20;
	v41 =	vld [tilespmem:s28+$0xA750]  }
0x1f3: {  	v5 =	vadd.f32 v5, v38;
	v38 =	vld [tilespmem:$0x1DCE0]  }
0x1f4: {  	[tilespmem:$0x1DD80] =	vst v44;
	v44 =	vmul.f32 v63, v51;
	v51 =	vld [tilespmem:s28+$0x5760]  }
0x1f5: {  	v34 =	vmul.f32 v52, v23;
	[tilespmem:$0x1DEB0] =	vst v26;
	v26 =	vld [tilespmem:s28+$0xA830]  }
0x1f6: {  	v5 =	vadd.f32 v50, v5;
	v50 =	vmul.f32 v59, v58;
	v58 =	vld [tilespmem:$0x1DCA0]  }
0x1f7: {  	v35 =	vmul.f32 v35, v24;
	v52 =	vadd.f32 $0.0e+00, v34;
	v63 =	vmul.f32 v54, v45;
	v59 =	vld [tilespmem:s28+$0x57A0]  }
0x1f8: {  	v0 =	vadd.f32 v39, v0;
	v39 =	vmul.f32 v44, v56;
	v44 =	vmul.f32 v61, v55;
	v55 =	vld [tilespmem:s28+$0xA790]  }
0x1f9: {  	v28 =	vmul.f32 v28, v31;
	v31 =	vadd.f32 v63, v52;
	v63 =	vld [tilespmem:s28+$0xA7A0]  }
0x1fa: {  	v5 =	vadd.f32 v35, v5;
	v35 =	vmul.f32 v60, v20;
	v60 =	vld [tilespmem:$0x1DCB0]  }
0x1fb: {  	v54 =	vmul.f32 v50, v22;
	v50 =	vld [tilespmem:s28+$0xA7C0]  }
0x1fc: {  	v34 =	vmul.f32 v44, v24;
	v44 =	vld [tilespmem:s28+$0x57C0]  }
0x1fd: {  	v11 =	vmul.f32 v11, v14;
	[tilespmem:$0x1DD90] =	vst v51;
	v51 =	vld [tilespmem:s28+$0xA780]  }
0x1fe: {  	v32 =	vadd.f32 v35, v31;
	v35 =	vld [tilespmem:$0x1DCD0]  }
0x1ff: {  	v11 =	vmul.f32 v11, v23;
	v61 =	vadd.f32 $0.0e+00, v54;
	v54 =	vld [tilespmem:s28+$0x57D0]  }
0x200: {  	v2 =	vmul.f32 v2, v4;
	v33 =	vadd.f32 v39, v33;
	v31 =	vld [tilespmem:$0x1FF00]  }
0x201: {  	v39 =	vadd.f32 $0.0e+00, v11;
	[tilespmem:$0x1DF00] =	vst v26;
	v26 =	vld [tilespmem:s28+$0xA8D0]  }
0x202: {  	v2 =	vmul.f32 v2, v22;
	v3 =	vmul.f32 v3, v7;
	v5 =	vadd.f32 v33, v5;
	v33 =	vld [tilespmem:s28+$0x57B0]  }
0x203: {  	v7 =	vadd.f32 v40, v39;
	v39 =	vld [tilespmem:$0x1FF20]  }
0x204: {  	v2 =	vadd.f32 $0.0e+00, v2;
	v3 =	vmul.f32 v3, v21;
	v6 =	vmul.f32 v6, v9;
	[tilespmem:$0x1DDF0] =	vst v55;
	v55 =	vld [tilespmem:$0x1DD10]  }
0x205: {  	v25 =	vmul.f32 v25, v29;
	v28 =	vmul.f32 v28, v21;
	[tilespmem:$0x1DE10] =	vst v63;
	v63 =	vld [tilespmem:s28+$0x57E0]  }
0x206: {  	v2 =	vadd.f32 v3, v2;
	(xrf2) =	vadd.scan.msk.f32 $0xffff, v58;
	v58 =	vmul.f32 v6, v18;
	v4 =	vadd.f32 v34, v32;
	v34 =	vld [tilespmem:s28+$0xA800]  }
0x207: {  	v25 =	vmul.f32 v25, v18;
	v14 =	vadd.f32 v28, v61;
	(xrf2) =	vadd.scan.msk.f32 $0xffff, v60;
	v60 =	vld [tilespmem:s28+$0xA7D0]  }
0x208: {  	v2 =	vadd.f32 v58, v2;
	v58 =	vld [tilespmem:$0x1FF40]  }
0x209: {  	v61 =	vadd.f32 v25, v14;
	v14 =	vld [tilespmem:s28+$0xA7E0]  }
0x20a: {  	v52 =	vmul.f32 v42, v20;
	(xrf2) =	vadd.scan.msk.f32 $0xffff, v30;
	v30 =	vld [tilespmem:s28+$0x5800]  }
0x20b: {  	[tilespmem:$0x1DE40] =	vst v44;
	v44 =	vld [tilespmem:s28+$0xA810]  }
0x20c: {  	v7 =	vadd.f32 v52, v7;
	[tilespmem:$0x1DDD0] =	vst v51;
	v51 =	vld [tilespmem:$0x1DD00]  }
0x20d: {  	(xrf2) =	vadd.scan.msk.f32 $0xffff, v35;
	v35 =	vld [tilespmem:$0x1FF10]  }
0x20e: {  	v25 =	vadd.f32 v12, v7;
	v12 =	vld [tilespmem:$0x1FF50]  }
0x20f: {  	v62 =	vmul.f32 v62, v56;
	v7 =	vld [tilespmem:s28+$0xA930]  }
0x210: {  	(xrf2) =	vadd.scan.msk.f32 $0xffff, v38;
	v38 =	vld [tilespmem:s28+$0x5810]  }
0x211: {  	[tilespmem:$0x1DE00] =	vst v59;
	v59 =	vmul.f32 v8, v10;
	v8 =	vadd.f32 v62, v61;
	v62 =	vld [tilespmem:s28+$0xA820]  }
0x212: {  	(xrf2) =	vadd.scan.msk.f32 $0xffff, v49;
	v49 =	vld [tilespmem:s28+$0x5820]  }
0x213: {  	[tilespmem:$0x1DE80] =	vst v63;
	v63 =	vld [tilespmem:$0x1FFF0];
	(xrf2) =	vadd.scan.msk.f32 $0xffff, v51  }
0x214: {  	[tilespmem:$0x1DE70] =	vst v60;
	v60 =	vld [tilespmem:$0x1FFE0];
	(xrf2) =	vadd.scan.msk.f32 $0xffff, v55  }
0x215: {  	[tilespmem:$0x1DEC0] =	vst v30;
	v30 =	vld [tilespmem:$0x1FF80];
	(xrf2) =	vadd.scan.msk.f32 $0xffff, v36  }
0x216: {  	[tilespmem:$0x1DF40] =	vst v7;
	v7 =	vld [tilespmem:$0x1DD80];
	v15, _, _ =	vpop (xrf2);
	(xrf2) =	vadd.scan.msk.f32 $0xffff, v47  }
0x217: {  	[tilespmem:$0x1DEE0] =	vst v38;
	v38 =	vld [tilespmem:s28+$0xA880];
	(xrf2) =	vadd.scan.msk.f32 $0xffff, v17;
	v17, _, _ =	vpop (xrf2)  }
0x218: {  	v6 =	vbroadcast v15, $0xF;
	v15 =	vld [tilespmem:s28+$0x5830];
	v27 =	vbroadcast v17, $0xF  }
0x219: {  	v47 =	vld [tilespmem:$0x1FFB0];
	v28, _, _ =	vpop (xrf2)  }
0x21a: {  	v32 =	vbroadcast v28, $0xF;
	v3 =	vmul.f32 v35, v27;
	v27 =	vld [tilespmem:$0x1FF70]  }
0x21b: {  	(xrf2) =	vadd.scan.msk.f32 $0xffff, v0;
	v35 =	vld [tilespmem:s28+$0x5840]  }
0x21c: {  	[tilespmem:$0x1DE20] =	vst v33;
	(xrf2) =	vadd.scan.msk.f32 $0xffff, v1;
	v33, _, _ =	vpop (xrf2);
	v1 =	vmul.f32 v39, v32;
	v32 =	vld [tilespmem:$0x1FF90]  }
0x21d: {  	[tilespmem:$0x1DE30] =	vst v37;
	v13 =	vmul.f32 v59, v56;
	v36 =	vbroadcast v33, $0xF;
	v37, _, _ =	vpop (xrf2);
	v39 =	vld [tilespmem:$0x1FFA0]  }
0x21e: {  	v6 =	vmul.f32 v31, v6;
	v40 =	vbroadcast v37, $0xF;
	v37 =	vld [tilespmem:s28+$0x5870]  }
0x21f: {  	v2 =	vadd.f32 v13, v2;
	v29 =	vadd.f32 v8, v4;
	v52, _, _ =	vpop (xrf2);
	v8 =	vmul.f32 v53, v36;
	v36 =	vld [tilespmem:s28+$0x5850]  }
0x220: {  	[tilespmem:$0x1DE60] =	vst v54;
	v54 =	vbroadcast v52, $0xF;
	v3 =	vadd.f32 v3, v6;
	v6 =	vld [tilespmem:s28+$0x5930];
	v55, _, _ =	vpop (xrf2)  }
0x221: {  	v0 =	vadd.f32 v2, v25;
	v53 =	vld [tilespmem:$0x1FFC0];
	v2 =	vbroadcast v55, $0xF  }
0x222: {  	v9 =	vmul.f32 v58, v40;
	v58 =	vld [tilespmem:$0x1FFD0];
	v59, _, _ =	vpop (xrf2);
	v10 =	vmul.f32 v12, v54  }
0x223: {  	[tilespmem:$0x1DE90] =	vst v14;
	(xrf2) =	vadd.scan.msk.f32 $0xffff, v5;
	v14, _, _ =	vpop (xrf2);
	v11 =	vmul.f32 v16, v2;
	v16 =	vld [tilespmem:s28+$0xA860]  }
0x224: {  	v13 =	vbroadcast v59, $0xF;
	v17 =	vbroadcast v14, $0xF;
	v9 =	vadd.f32 v10, v9;
	v10 =	vld [tilespmem:s28+$0xA8F0]  }
0x225: {  	(xrf2) =	vadd.scan.msk.f32 $0xffff, v29;
	[tilespmem:$0x1DF30] =	vst v6;
	v6 =	vld [tilespmem:$0x1DD70]  }
0x226: {  	v25, _, _ =	vpop (xrf2);
	v12 =	vmul.f32 v27, v13;
	v13 =	vmul.f32 v30, v17;
	v17 =	vld [tilespmem:s28+$0xA840]  }
0x227: {  	v29, _, _ =	vpop (xrf2);
	v30 =	vld [tilespmem:s28+$0xA850]  }
0x228: {  	(xrf2) =	vadd.scan.msk.f32 $0xffff, v0;
	v4 =	vbroadcast v29, $0xF;
	v31, _, _ =	vpop (xrf2);
	v29 =	vld [tilespmem:s28+$0xA870]  }
0x229: {  	v33 =	vbroadcast v31, $0xF;
	v31 =	vld [tilespmem:s28+$0x5860]  }
0x22a: {  	v5 =	vadd.f32 v12, v11;
	v11 =	vld [tilespmem:s28+$0x58C0]  }
0x22b: {  	[tilespmem:$0x1DED0] =	vst v34;
	v12 =	vld [tilespmem:s28+$0xA900]  }
0x22c: {  	[tilespmem:$0x1DEF0] =	vst v15;
	v34, _, _ =	vpop (xrf2);
	v15 =	vmul.f32 v39, v4;
	v39 =	vld [tilespmem:s28+$0xA890]  }
0x22d: {  	v40 =	vbroadcast v34, $0xF;
	v42, _, _ =	vpop (xrf2);
	v34 =	vld [tilespmem:s28+$0x58E0]  }
0x22e: {  	v51 =	vbroadcast v42, $0xF;
	v42 =	vadd.f32 v5, v9;
	v9 =	vld [tilespmem:s28+$0xA8C0]  }
0x22f: {  	v28 =	vbroadcast v25, $0xF;
	v52, _, _ =	vpop (xrf2);
	v25 =	vmul.f32 v53, v40;
	v53 =	vld [tilespmem:s28+$0x5910]  }
0x230: {  	v54 =	vbroadcast v52, $0xF;
	v52 =	vld [tilespmem:s28+$0xA920]  }
0x231: {  	v1 =	vadd.f32 v8, v1;
	v40 =	vld [tilespmem:s28+$0x5960]  }
0x232: {  	v55, _, _ =	vpop (xrf2);
	v27 =	vmul.f32 v58, v51;
	v58 =	vld [tilespmem:s28+$0x5880]  }
0x233: {  	v1 =	vadd.f32 v1, v3;
	v59 =	vbroadcast v55, $0xF;
	v55 =	vld [tilespmem:s28+$0x5890]  }
0x234: {  	[tilespmem:$0x1DE50] =	vst v50;
	v50 =	vmul.f32 v47, v33;
	v51 =	vld [tilespmem:s28+$0x58A0]  }
0x235: {  	v1 =	vadd.f32 v42, v1;
	v42 =	vld [tilespmem:s28+$0x5920]  }
0x236: {  	v14 =	vmul.f32 v32, v28;
	v32 =	vadd.f32 v50, v15;
	v50 =	vld [tilespmem:s28+$0x5940]  }
0x237: {  	v15 =	vld [tilespmem:s28+$0x5950]  }
0x238: {  	v17 =	vmul.f32 v17, v35;
	v35 =	vld [tilespmem:s28+$0x59E0]  }
0x239: {  	v61 =	vmul.f32 v60, v54;
	v60 =	vld [tilespmem:s28+$0xA8B0]  }
0x23a: {  	v16 =	vmul.f32 v16, v31;
	v31 =	vld [tilespmem:s28+$0xA9F0]  }
0x23b: {  	v28 =	vadd.f32 v14, v13;
	v4 =	vmul.f32 v63, v59;
	v63 =	vld [tilespmem:s28+$0xA8A0]  }
0x23c: {  	v59 =	vld [tilespmem:s28+$0x58B0]  }
0x23d: {  	v47 =	vadd.f32 v32, v28;
	v28 =	vld [tilespmem:s28+$0x58D0]  }
0x23e: {  	v32 =	vld [tilespmem:s28+$0xA8E0]  }
0x23f: {  	v33 =	vadd.f32 v27, v25;
	v25 =	vld [tilespmem:s28+$0xA950]  }
0x240: {  	v27 =	vld [tilespmem:$0x1DD20];
	v8 =	vadd.f32 v4, v61  }
0x241: {  	v9 =	vmul.f32 v9, v11;
	v11 =	vld [tilespmem:s28+$0x5A30]  }
0x242: {  	v61 =	vld [tilespmem:$0x1FE70];
	v8 =	vadd.f32 v8, v33  }
0x243: {  	[tilespmem:$0x1DF70] =	vst v40;
	v40 =	vld [tilespmem:s28+$0xA970]  }
0x244: {  	[tilespmem:$0x1DF20] =	vst v60;
	v60 =	vld [tilespmem:s28+$0xA910];
	v54 =	vadd.f32 v8, v47  }
0x245: {  	v33 =	vld [tilespmem:$0x1DD30]  }
0x246: {  	[tilespmem:$0x1DF10] =	vst v59;
	v59 =	vld [tilespmem:s28+$0x58F0];
	v1 =	vadd.f32 v54, v1  }
0x247: {  	[tilespmem:$0x1DF60] =	vst v25;
	v25 =	vmul.f32 v7, v6;
	v7 =	vld [tilespmem:$0x1DDC0]  }
0x248: {  	v39 =	vmul.f32 v39, v55;
	v55 =	vmul.f32 v26, v28;
	v28 =	vld [tilespmem:s28+$0xAA40];
	v3 =	vadd.f32 v1, v61  }
0x249: {  	v47 =	vld [tilespmem:$0x1DD40]  }
0x24a: {  	v32 =	vmul.f32 v32, v34;
	v34 =	vld [tilespmem:s28+$0x5A50];
	v4 =	vsub.f32 $0.0e+00, v3  }
0x24b: {  	v54 =	vld [tilespmem:s28+$0xA940]  }
0x24c: {  	v61 =	vld [tilespmem:s28+$0x5900];
	v5 =	vmul.f32 $1.442695020e+00, v4  }
0x24d: {  	v10 =	vmul.f32 v10, v59;
	v59 =	vmul.f32 v60, v53;
	v53 =	vld [tilespmem:$0x1DF40]  }
0x24e: {  	v14 =	vmul.f32 v47, v48;
	v47 =	vld [tilespmem:s28+$0xA960];
	(erf) = vpow2.f32 v5  }
0x24f: {  	v48 =	vld [tilespmem:$0x1DD90]  }
0x250: {  	v6 =	vmul.f32 v14, v45;
	v14 =	vld [tilespmem:s28+$0xA980]  }
0x251: {  	v4 =	vld [tilespmem:$0x1DD50]  }
0x252: {  	v5 =	vld [tilespmem:$0x1DD60]  }
0x253: {  	v12 =	vmul.f32 v12, v61;
	v61 =	vmul.f32 v52, v42;
	v52 =	vld [tilespmem:$0x1DF30]  }
0x254: {  	v42 =	vld [tilespmem:s28+$0x5A90]  }
0x255: {  	v0 =	vmul.f32 v19, v48;
	v48 =	vld [tilespmem:$0x1DE00]  }
0x256: {  	v60 =	vmul.f32 v12, v23;
	v12 =	vmul.f32 v61, v20;
	v61 =	vld [tilespmem:$0x1DF70]  }
0x257: {  	[tilespmem:$0x1DF50] =	vst v15;
	v15 =	vmul.f32 v5, v4;
	v4 =	vld [tilespmem:$0x1DDA0];
	v8 =	vpop (erf)  }
0x258: {  	v5 =	vld [tilespmem:$0x1DDB0];
	v13 =	vadd.f32 $1.000000000e+00, v8  }
0x259: {  	v8 =	vmul.f32 v43, v46;
	v43 =	vld [tilespmem:s28+$0x5970]  }
0x25a: {  	v46 =	vmul.f32 v41, v57;
	v57 =	vld [tilespmem:s28+$0x5980];
	(erf) = vrcp.f32 v13  }
0x25b: {  	v41 =	vld [tilespmem:$0x1DDE0];
	v13 =	vmul.f32 v33, v27;
	v27 =	vmul.f32 v8, v22  }
0x25c: {  	v8 =	vld [tilespmem:$0x1DDD0]  }
0x25d: {  	v33 =	vmul.f32 v46, v21;
	v46 =	vld [tilespmem:$0x1DDF0];
	v19 =	vadd.f32 $0.0e+00, v27  }
0x25e: {  	v27 =	vld [tilespmem:s28+$0x5990]  }
0x25f: {  	[tilespmem:$0x1DF90] =	vst v57;
	v57 =	vadd.f32 v33, v19;
	v33 =	vld [tilespmem:s28+$0x59A0]  }
0x260: {  	v13 =	vmul.f32 v13, v23;
	v19 =	vld [tilespmem:$0x1DE20]  }
0x261: {  	v2 =	vmul.f32 v8, v7;
	v8 =	vld [tilespmem:$0x1DE10]  }
0x262: {  	v13 =	vadd.f32 $0.0e+00, v13;
	v3 =	vmul.f32 v46, v41;
	v41 =	vld [tilespmem:$0x1DE30]  }
0x263: {  	v46 =	vld [tilespmem:$0x1DE40]  }
0x264: {  	v15 =	vmul.f32 v15, v20;
	[tilespmem:$0x1DF80] =	vst v43;
	v7 =	vld [tilespmem:$0x1DEC0];
	v43 =	vadd.f32 v6, v13  }
0x265: {  	v13 =	vld [tilespmem:s28+$0xA990]  }
0x266: {  	v25 =	vmul.f32 v25, v24;
	v1 =	vmul.f32 v5, v4;
	v43 =	vadd.f32 v15, v43;
	v15 =	vld [tilespmem:s28+$0xA9A0]  }
0x267: {  	v2 =	vmul.f32 v2, v23;
	v4 =	vmul.f32 v8, v48;
	v48 =	vld [tilespmem:$0x1DE50]  }
0x268: {  	v5 =	vmul.f32 v41, v19;
	v41 =	vld [tilespmem:s28+$0x59B0]  }
0x269: {  	v3 =	vmul.f32 v3, v45;
	v2 =	vadd.f32 $0.0e+00, v2;
	v43 =	vadd.f32 v25, v43;
	v25 =	vld [tilespmem:$0x1DE60]  }
0x26a: {  	v8 =	vld [tilespmem:s28+$0x59C0]  }
0x26b: {  	v0 =	vmul.f32 v0, v18;
	v2 =	vadd.f32 v3, v2;
	v3 =	vmul.f32 v62, v49;
	v49 =	vld [tilespmem:s28+$0xA9D0]  }
0x26c: {  	v62 =	vmul.f32 v30, v36;
	v30 =	vld [tilespmem:s28+$0x59F0]  }
0x26d: {  	v57 =	vadd.f32 v0, v57;
	v19 =	vmul.f32 v1, v56;
	v13 =	vmul.f32 v13, v27;
	v27 =	vld [tilespmem:s28+$0x5AC0]  }
0x26e: {  	v0 =	vmul.f32 v48, v46;
	v48 =	vld [tilespmem:$0x1DE70]  }
0x26f: {  	v4 =	vmul.f32 v4, v20;
	v46 =	vadd.f32 v19, v57;
	v57 =	vld [tilespmem:$0x1DE80]  }
0x270: {  	v19 =	vld [tilespmem:$0x1DE90]  }
0x271: {  	v15 =	vmul.f32 v15, v33;
	v33 =	vld [tilespmem:s28+$0xAAC0];
	v2 =	vadd.f32 v4, v2;
	v4 =	vmul.f32 v5, v24  }
0x272: {  	v43 =	vadd.f32 v46, v43;
	v46 =	vld [tilespmem:$0x1DEE0]  }
0x273: {  	v2 =	vadd.f32 v4, v2;
	v4 =	vmul.f32 v39, v45;
	v39 =	vld [tilespmem:$0x1DF10]  }
0x274: {  	v0 =	vmul.f32 v0, v22;
	v1 =	vmul.f32 v48, v25;
	v48 =	vld [tilespmem:$0x1DEA0]  }
0x275: {  	v57 =	vmul.f32 v19, v57;
	v19 =	vld [tilespmem:$0x1DEB0]  }
0x276: {  	v30 =	vmul.f32 v31, v30;
	v31 =	vld [tilespmem:s28+$0x5AE0];
	v0 =	vadd.f32 $0.0e+00, v0;
	v1 =	vmul.f32 v1, v21  }
0x277: {  	v25 =	vld [tilespmem:s28+$0xA9B0];
	v44 =	vmul.f32 v44, v46  }
0x278: {  	v46 =	vld [tilespmem:s28+$0x59D0];
	v0 =	vadd.f32 v1, v0;
	v1 =	vmul.f32 v17, v22  }
0x279: {  	v36 =	vmul.f32 v44, v45;
	v17 =	vmul.f32 v62, v21;
	v62 =	vld [tilespmem:s28+$0x5A00]  }
0x27a: {  	v44 =	vmul.f32 v57, v18;
	v6 =	vmul.f32 v19, v48;
	v48 =	vld [tilespmem:$0x1DED0]  }
0x27b: {  	v57 =	vld [tilespmem:$0x1DF00];
	v1 =	vadd.f32 $0.0e+00, v1  }
0x27c: {  	v19 =	vld [tilespmem:$0x1DEF0];
	v0 =	vadd.f32 v44, v0  }
0x27d: {  	v6 =	vmul.f32 v6, v56;
	v1 =	vadd.f32 v17, v1;
	v17 =	vmul.f32 v29, v37;
	v29 =	vld [tilespmem:s28+$0x5A10]  }
0x27e: {  	v16 =	vmul.f32 v16, v18;
	v37 =	vld [tilespmem:s28+$0xAA10]  }
0x27f: {  	v0 =	vadd.f32 v6, v0;
	v6 =	vld [tilespmem:s28+$0xAA20];
	v48 =	vmul.f32 v48, v7  }
0x280: {  	v7 =	vld [tilespmem:s28+$0xA9C0];
	v1 =	vadd.f32 v16, v1;
	v44 =	vmul.f32 v17, v56  }
0x281: {  	v5 =	vmul.f32 v48, v23;
	v48 =	vld [tilespmem:s28+$0xA9E0]  }
0x282: {  	v1 =	vadd.f32 v44, v1;
	v44 =	vmul.f32 v9, v22;
	v9 =	vld [tilespmem:s28+$0x5A40]  }
0x283: {  	v17 =	vld [tilespmem:s28+$0x5A20];
	v5 =	vadd.f32 $0.0e+00, v5  }
0x284: {  	v3 =	vmul.f32 v3, v20;
	v16 =	vld [tilespmem:s28+$0xAA30]  }
0x285: {  	v7 =	vmul.f32 v7, v8;
	v8 =	vld [tilespmem:s28+$0x5AB0];
	v5 =	vadd.f32 v36, v5;
	v36 =	vmul.f32 v57, v19  }
0x286: {  	v47 =	vmul.f32 v47, v61;
	v57 =	vld [tilespmem:s28+$0xAA00];
	v35 =	vmul.f32 v48, v35  }
0x287: {  	v19 =	vmovc v18;
	v18 =	vld [tilespmem:s28+$0xAAA0];
	v9 =	vmul.f32 v28, v9;
	v3 =	vadd.f32 v3, v5;
	v5 =	vmul.f32 v36, v24  }
0x288: {  	v28 =	vld [tilespmem:s28+$0x5B20];
	v36 =	vmul.f32 v38, v58;
	v58 =	vmul.f32 v63, v51  }
0x289: {  	v51 =	vmul.f32 v32, v19;
	v32 =	vld [tilespmem:s28+$0x5A60];
	v61 =	vmul.f32 v35, v19  }
0x28a: {  	v35 =	vld [tilespmem:s28+$0xAAE0];
	v5 =	vadd.f32 v5, v3;
	v38 =	vmul.f32 v36, v23;
	v63 =	vmul.f32 v58, v20  }
0x28b: {  	v3 =	vadd.f32 v0, v2;
	v36 =	vld [tilespmem:s28+$0xAA50];
	v58 =	vmul.f32 v10, v56;
	v10 =	vmul.f32 v59, v45  }
0x28c: {  	v59 =	vld [tilespmem:$0x1DF60];
	v2 =	vadd.f32 v1, v5;
	v1 =	vadd.f32 $0.0e+00, v44;
	v5 =	vmul.f32 v55, v21  }
0x28d: {  	(xrf2) =	vadd.scan.msk.f32 $0xffff, v43;
	v0 =	vadd.f32 $0.0e+00, v38;
	v44 =	vld [tilespmem:$0x1DF20]  }
0x28e: {  	v38 =	vld [tilespmem:s28+$0x5A70];
	(xrf2) =	vadd.scan.msk.f32 $0xffff, v3;
	v1 =	vadd.f32 v5, v1  }
0x28f: {  	v0 =	vadd.f32 v4, v0;
	(xrf2) =	vadd.scan.msk.f32 $0xffff, v2;
	v2 =	vld [tilespmem:s28+$0x5BC0]  }
0x290: {  	v1 =	vadd.f32 v51, v1;
	v51 =	vld [tilespmem:s28+$0xAA80]  }
0x291: {  	v0 =	vadd.f32 v63, v0;
	v63 =	vmul.f32 v54, v50;
	v50 =	vld [tilespmem:s28+$0xAA90]  }
0x292: {  	v4 =	vadd.f32 $0.0e+00, v60;
	v54 =	vmul.f32 v53, v52;
	v52 =	vld [tilespmem:s28+$0x5AA0]  }
0x293: {  	v53 =	vld [tilespmem:$0x1DF90]  }
0x294: {  	v4 =	vadd.f32 v10, v4;
	v26 =	vmul.f32 v44, v39;
	v39 =	vld [tilespmem:s28+$0xAA70]  }
0x295: {  	v44 =	vld [tilespmem:s28+$0x5A80]  }
0x296: {  	v1 =	vadd.f32 v58, v1;
	v58 =	vld [tilespmem:$0x1DF50];
	v60 =	vmul.f32 v54, v24;
	v4 =	vadd.f32 v12, v4  }
0x297: {  	v55 =	vmul.f32 v26, v24;
	v26 =	vld [tilespmem:s28+$0xAA60]  }
0x298: {  	v4 =	vadd.f32 v60, v4;
	v60 =	vmul.f32 v25, v41;
	v25 =	vld [tilespmem:s28+$0xAAD0]  }
0x299: {  	v41 =	vmul.f32 v57, v62;
	v57 =	vmul.f32 v36, v34;
	v34 =	vld [tilespmem:s28+$0x5B30]  }
0x29a: {  	v0 =	vadd.f32 v55, v0;
	v55 =	vmul.f32 v63, v22;
	v63 =	vld [tilespmem:$0x1DF80]  }
0x29b: {  	v14 =	vmul.f32 v14, v53;
	v62 =	vmul.f32 v50, v42;
	v42 =	vld [tilespmem:s28+$0xAB30]  }
0x29c: {  	v53 =	vmul.f32 v6, v17;
	v17 =	vld [tilespmem:s28+$0x5C70];
	v48 =	vmul.f32 v41, v23  }
0x29d: {  	v41 =	vmul.f32 v18, v52;
	v52 =	vmul.f32 v35, v31;
	v31 =	vld [tilespmem:s28+$0xAC30]  }
0x29e: {  	v29 =	vmul.f32 v37, v29;
	v18 =	vld [tilespmem:s28+$0xACC0];
	v5 =	vadd.f32 v1, v0  }
0x29f: {  	v1 =	vmul.f32 v59, v58;
	v0 =	vadd.f32 $0.0e+00, v55;
	v55 =	vmul.f32 v14, v23;
	v14 =	vld [tilespmem:s28+$0xAAB0]  }
0x2a0: {  	v58 =	vmul.f32 v49, v46;
	v46 =	vmul.f32 v30, v56;
	v30 =	vld [tilespmem:s28+$0x5AF0]  }
0x2a1: {  	v59 =	vmul.f32 v15, v20;
	v15 =	vld [tilespmem:s28+$0x5B00]  }
0x2a2: {  	v7 =	vmul.f32 v7, v22;
	v49 =	vmul.f32 v29, v45;
	v29 =	vld [tilespmem:s28+$0xAB20]  }
0x2a3: {  	v12 =	vmul.f32 v58, v21;
	v58 =	vmul.f32 v26, v32;
	v26 =	vld [tilespmem:s28+$0xAB10]  }
0x2a4: {  	v10 =	vadd.f32 $0.0e+00, v55;
	v55 =	vmul.f32 v9, v22;
	v9 =	vmul.f32 v57, v21;
	v57 =	vld [tilespmem:s28+$0x5B60]  }
0x2a5: {  	v13 =	vmul.f32 v13, v45;
	v1 =	vmul.f32 v1, v21;
	(xrf2) =	vadd.scan.msk.f32 $0xffff, v5;
	v5 =	vld [tilespmem:s28+$0x5BE0]  }
0x2a6: {  	v47 =	vmul.f32 v47, v19;
	v7 =	vadd.f32 $0.0e+00, v7;
	v36 =	vmul.f32 v42, v34;
	v34 =	vld [tilespmem:s28+$0xAC60]  }
0x2a7: {  	v40 =	vmul.f32 v40, v63;
	v0 =	vadd.f32 v1, v0;
	v10 =	vadd.f32 v13, v10;
	v13 =	vld [tilespmem:s28+$0xAAF0]  }
0x2a8: {  	v7 =	vadd.f32 v12, v7;
	v12 =	vld [tilespmem:s28+$0x5B80]  }
0x2a9: {  	v54 =	vmul.f32 v40, v56;
	v40 =	vld [tilespmem:s28+$0x5AD0];
	v0 =	vadd.f32 v47, v0  }
0x2aa: {  	v7 =	vadd.f32 v61, v7;
	v61 =	vmul.f32 v51, v44;
	v51 =	vld [tilespmem:s28+$0x5B50]  }
0x2ab: {  	v0 =	vadd.f32 v54, v0;
	v54 =	vmul.f32 v16, v11;
	v11 =	vld [tilespmem:s28+$0xAB00]  }
0x2ac: {  	v63 =	vmul.f32 v60, v24;
	v10 =	vadd.f32 v59, v10;
	v16 =	vld [tilespmem:s28+$0x5B10]  }
0x2ad: {  	v60 =	vmul.f32 v39, v38;
	v7 =	vadd.f32 v46, v7;
	v46 =	vld [tilespmem:s28+$0x5B40]  }
0x2ae: {  	v47 =	vadd.f32 v63, v10;
	v10 =	vadd.f32 $0.0e+00, v48;
	v48 =	vld [tilespmem:s28+$0xAB40]  }
0x2af: {  	v63 =	vmul.f32 v60, v56;
	v60 =	vld [tilespmem:s28+$0x5B70]  }
0x2b0: {  	v0 =	vadd.f32 v0, v4;
	v4 =	vmul.f32 v53, v20;
	v53 =	vld [tilespmem:s28+$0xAB50]  }
0x2b1: {  	v10 =	vadd.f32 v49, v10;
	v49 =	vmul.f32 v33, v27;
	v33 =	vmul.f32 v29, v28;
	v29 =	vld [tilespmem:s28+$0x5C00]  }
0x2b2: {  	v27 =	vld [tilespmem:s28+$0x5C10]  }
0x2b3: {  	v50 =	vmul.f32 v25, v40;
	v25 =	vld [tilespmem:s28+$0xAC10]  }
0x2b4: {  	v13 =	vmul.f32 v13, v30;
	v28 =	vld [tilespmem:s28+$0xAC20]  }
0x2b5: {  	v1 =	vadd.f32 v7, v47;
	v47 =	vmul.f32 v41, v20;
	v41 =	vmul.f32 v36, v24;
	v36 =	vld [tilespmem:s28+$0x5C50]  }
0x2b6: {  	v40 =	vmul.f32 v13, v56;
	v13 =	vld [tilespmem:s28+$0x5BA0]  }
0x2b7: {  	v7 =	vadd.f32 $0.0e+00, v55;
	v35 =	vmul.f32 v33, v20;
	v33 =	vld [tilespmem:s28+$0x5BB0]  }
0x2b8: {  	v44 =	vmul.f32 v62, v45;
	(xrf2) =	vadd.scan.msk.f32 $0xffff, v0;
	v62 =	vmul.f32 v26, v16;
	v16 =	vld [tilespmem:s28+$0xABB0]  }
0x2b9: {  	v8 =	vmul.f32 v14, v8;
	v59 =	vmul.f32 v58, v19;
	v7 =	vadd.f32 v9, v7;
	(xrf2) =	vadd.scan.msk.f32 $0xffff, v1;
	v1 =	vld [tilespmem:s28+$0xABD0]  }
0x2ba: {  	v6 =	vmul.f32 v54, v24;
	v9 =	vmul.f32 v61, v23;
	v26 =	vld [tilespmem:s28+$0xAC00]  }
0x2bb: {  	v54 =	vmul.f32 v49, v22;
	v14 =	vmul.f32 v48, v46;
	v7 =	vadd.f32 v59, v7;
	v59 =	vld [tilespmem:s28+$0xAB60];
	v49, _, _ =	vpop (xrf2)  }
0x2bc: {  	v4 =	vadd.f32 v4, v10;
	v55 =	vmul.f32 v50, v21;
	[tilespmem:$0x1E3F0] =	vst v49;
	v49 =	vld [tilespmem:s28+$0xACD0]  }
0x2bd: {  	v9 =	vadd.f32 $0.0e+00, v9;
	v30 =	vmul.f32 v14, v22;
	v50, _, _ =	vpop (xrf2);
	v7 =	vadd.f32 v63, v7;
	v63 =	vld [tilespmem:s28+$0xAB70]  }
0x2be: {  	v11 =	vmul.f32 v11, v15;
	v4 =	vadd.f32 v6, v4;
	v32 =	vmul.f32 v53, v51;
	[tilespmem:$0x1E400] =	vst v50;
	v50 =	vld [tilespmem:s28+$0x5CB0]  }
0x2bf: {  	v9 =	vadd.f32 v44, v9;
	v10 =	vadd.f32 $0.0e+00, v30;
	v30 =	vld [tilespmem:s28+$0x5C20]  }
0x2c0: {  	v61 =	vmul.f32 v11, v23;
	v51, _, _ =	vpop (xrf2);
	v14 =	vmul.f32 v32, v21;
	v32 =	vld [tilespmem:s28+$0xAC50];
	v4 =	vadd.f32 v7, v4  }
0x2c1: {  	v8 =	vmul.f32 v8, v24;
	[tilespmem:$0x1E410] =	vst v51;
	v51 =	vld [tilespmem:s28+$0x5CD0];
	v7 =	vadd.f32 $0.0e+00, v54;
	v6 =	vadd.f32 v47, v9  }
0x2c2: {  	v11 =	vmul.f32 v62, v45;
	v9 =	vadd.f32 $0.0e+00, v61;
	v10 =	vadd.f32 v14, v10;
	v14 =	vld [tilespmem:s28+$0xAC40]  }
0x2c3: {  	v15 =	vmul.f32 v59, v57;
	v43 =	vadd.f32 v8, v6;
	v6 =	vld [tilespmem:s28+$0xAB80]  }
0x2c4: {  	v58 =	vmul.f32 v52, v19;
	v7 =	vadd.f32 v55, v7;
	v9 =	vadd.f32 v11, v9;
	v11 =	vld [tilespmem:s28+$0xABA0]  }
0x2c5: {  	(xrf2) =	vadd.scan.msk.f32 $0xffff, v4;
	v4 =	vld [tilespmem:s28+$0xABE0];
	v37 =	vmul.f32 v15, v19;
	v38 =	vmul.f32 v63, v60  }
0x2c6: {  	v8 =	vld [tilespmem:s28+$0xABF0];
	v39 =	vadd.f32 v58, v7  }
0x2c7: {  	v15 =	vld [tilespmem:s28+$0x5C40];
	v9 =	vadd.f32 v35, v9;
	v10 =	vadd.f32 v37, v10;
	v42 =	vmul.f32 v38, v56  }
0x2c8: {  	v63 =	vld [tilespmem:s28+$0x5CE0];
	v3 =	vadd.f32 v40, v39  }
0x2c9: {  	v7 =	vld [tilespmem:s28+$0xAB90];
	v44 =	vadd.f32 v41, v9;
	v46 =	vadd.f32 v42, v10  }
0x2ca: {  	v35 =	vld [tilespmem:s28+$0x5C30];
	v47 =	vadd.f32 v3, v43  }
0x2cb: {  	v37 =	vld [tilespmem:s28+$0xAC70];
	v0 =	vadd.f32 v46, v44  }
0x2cc: {  	v38 =	vld [tilespmem:s28+$0x5C90];
	(xrf2) =	vadd.scan.msk.f32 $0xffff, v47  }
0x2cd: {  	v9 =	vld [tilespmem:s28+$0x5BF0];
	(xrf2) =	vadd.scan.msk.f32 $0xffff, v0  }
0x2ce: {  	v40 =	vld [tilespmem:s28+$0x5C80]  }
0x2cf: {  	v39 =	vld [tilespmem:s28+$0xAC80]  }
0x2d0: {  	v41 =	vld [tilespmem:s28+$0xAC90]  }
0x2d1: {  	v48 =	vpop (erf);
	v10 =	vld [tilespmem:s28+$0x5B90]  }
0x2d2: {  	[tilespmem:s24+$0xFFFFFFE0] =	vst v48;
	v52, _, _ =	vpop (xrf2);
	v42 =	vld [tilespmem:s28+$0x5C60]  }
0x2d3: {  	[tilespmem:$0x1E420] =	vst v52;
	v53, _, _ =	vpop (xrf2);
	v3 =	vld [tilespmem:s28+$0x5BD0]  }
0x2d4: {  	[tilespmem:$0x1E430] =	vst v53;
	v54, _, _ =	vpop (xrf2);
	v44 =	vld [tilespmem:s28+$0xACA0]  }
0x2d5: {  	[tilespmem:$0x1E440] =	vst v54;
	v46 =	vld [tilespmem:s28+$0xACB0];
	v55, _, _ =	vpop (xrf2)  }
0x2d6: {  	v47 =	vld [tilespmem:s28+$0x5CC0];
	[tilespmem:$0x1E450] =	vst v55;
	v57, _, _ =	vpop (xrf2)  }
0x2d7: {  	v0 =	vld [tilespmem:s28+$0xABC0];
	[tilespmem:$0x1E460] =	vst v57;
	v58, _, _ =	vpop (xrf2)  }
0x2d8: {  	v57 =	vld [tilespmem:s28+$0x5CA0];
	[tilespmem:$0x1E470] =	vst v58  }
0x2d9: {  	v52 =	vld [tilespmem:s28+$0xACE0]  }
0x2da: {  	v48 =	vld [tilespmem:s28+$0x5D40];
	_ =	sdelay $0x4  }
0x2db: {  	[tilespmem:$0x1DFB0] =	vst v48;
	v48 =	vld [tilespmem:s28+$0xAD40];
	_ =	sdelay $0x4  }
0x2dc: {  	[tilespmem:$0x1DFC0] =	vst v48;
	v48 =	vld [tilespmem:s28+$0x5D50];
	_ =	sdelay $0x4  }
0x2dd: {  	[tilespmem:$0x1DFD0] =	vst v48;
	v48 =	vld [tilespmem:s28+$0xAD50];
	_ =	sdelay $0x4  }
0x2de: {  	[tilespmem:$0x1DFE0] =	vst v48;
	v48 =	vld [tilespmem:s28+$0x5D60];
	_ =	sdelay $0x4  }
0x2df: {  	[tilespmem:$0x1DFF0] =	vst v48;
	v48 =	vld [tilespmem:s28+$0xAD60];
	_ =	sdelay $0x4  }
0x2e0: {  	[tilespmem:$0x1E000] =	vst v48;
	v48 =	vld [tilespmem:s28+$0x5D70];
	_ =	sdelay $0x4  }
0x2e1: {  	[tilespmem:$0x1E010] =	vst v48;
	v48 =	vld [tilespmem:s28+$0xAD70];
	_ =	sdelay $0x4  }
0x2e2: {  	[tilespmem:$0x1E020] =	vst v48;
	v48 =	vld [tilespmem:s28+$0x5D80];
	_ =	sdelay $0x4  }
0x2e3: {  	[tilespmem:$0x1E030] =	vst v48;
	v48 =	vld [tilespmem:s28+$0xAD80];
	_ =	sdelay $0x4  }
0x2e4: {  	[tilespmem:$0x1E040] =	vst v48;
	v48 =	vld [tilespmem:s28+$0x5D90];
	_ =	sdelay $0x4  }
0x2e5: {  	[tilespmem:$0x1E050] =	vst v48;
	v48 =	vld [tilespmem:s28+$0xAD90];
	_ =	sdelay $0x4  }
0x2e6: {  	[tilespmem:$0x1E060] =	vst v48;
	v48 =	vld [tilespmem:s28+$0x5DA0];
	_ =	sdelay $0x4  }
0x2e7: {  	[tilespmem:$0x1E070] =	vst v48;
	v48 =	vld [tilespmem:s28+$0xADA0];
	_ =	sdelay $0x4  }
0x2e8: {  	[tilespmem:$0x1E080] =	vst v48;
	v48 =	vld [tilespmem:s28+$0x5DB0];
	_ =	sdelay $0x4  }
0x2e9: {  	[tilespmem:$0x1E090] =	vst v48;
	v48 =	vld [tilespmem:s28+$0xADB0];
	_ =	sdelay $0x4  }
0x2ea: {  	[tilespmem:$0x1E0A0] =	vst v48;
	v48 =	vld [tilespmem:s28+$0x5DC0];
	_ =	sdelay $0x4  }
0x2eb: {  	[tilespmem:$0x1E0B0] =	vst v48;
	v48 =	vld [tilespmem:s28+$0xADC0];
	_ =	sdelay $0x4  }
0x2ec: {  	[tilespmem:$0x1E0C0] =	vst v48;
	v48 =	vld [tilespmem:s28+$0x5DD0];
	_ =	sdelay $0x4  }
0x2ed: {  	[tilespmem:$0x1E0D0] =	vst v48;
	v48 =	vld [tilespmem:s28+$0xADD0];
	_ =	sdelay $0x4  }
0x2ee: {  	[tilespmem:$0x1E0E0] =	vst v48;
	v48 =	vld [tilespmem:s28+$0x5DE0];
	_ =	sdelay $0x4  }
0x2ef: {  	[tilespmem:$0x1E0F0] =	vst v48;
	v48 =	vld [tilespmem:s28+$0xADE0];
	_ =	sdelay $0x4  }
0x2f0: {  	[tilespmem:$0x1E100] =	vst v48;
	v48 =	vld [tilespmem:s28+$0x5DF0];
	_ =	sdelay $0x4  }
0x2f1: {  	[tilespmem:$0x1E110] =	vst v48;
	v48 =	vld [tilespmem:s28+$0xADF0];
	_ =	sdelay $0x4  }
0x2f2: {  	[tilespmem:$0x1E120] =	vst v48;
	v48 =	vld [tilespmem:s28+$0x5E00];
	_ =	sdelay $0x4  }
0x2f3: {  	[tilespmem:$0x1E130] =	vst v48;
	v48 =	vld [tilespmem:s28+$0xAE00];
	_ =	sdelay $0x4  }
0x2f4: {  	[tilespmem:$0x1E140] =	vst v48;
	v48 =	vld [tilespmem:s28+$0x5E10];
	_ =	sdelay $0x4  }
0x2f5: {  	[tilespmem:$0x1E150] =	vst v48;
	v48 =	vld [tilespmem:s28+$0xAE10];
	_ =	sdelay $0x4  }
0x2f6: {  	[tilespmem:$0x1E160] =	vst v48;
	v48 =	vld [tilespmem:s28+$0x5E20];
	_ =	sdelay $0x4  }
0x2f7: {  	[tilespmem:$0x1E170] =	vst v48;
	v48 =	vld [tilespmem:s28+$0xAE20];
	_ =	sdelay $0x4  }
0x2f8: {  	[tilespmem:$0x1E180] =	vst v48;
	v48 =	vld [tilespmem:s28+$0x5E30];
	_ =	sdelay $0x4  }
0x2f9: {  	[tilespmem:$0x1E190] =	vst v48;
	v48 =	vld [tilespmem:s28+$0xAE30];
	_ =	sdelay $0x4  }
0x2fa: {  	[tilespmem:$0x1E1A0] =	vst v48;
	v48 =	vld [tilespmem:s28+$0x5E40];
	_ =	sdelay $0x4  }
0x2fb: {  	[tilespmem:$0x1E1B0] =	vst v48;
	v48 =	vld [tilespmem:s28+$0xAE40];
	_ =	sdelay $0x4  }
0x2fc: {  	[tilespmem:$0x1E1C0] =	vst v48;
	v48 =	vld [tilespmem:s28+$0x5E50];
	_ =	sdelay $0x4  }
0x2fd: {  	[tilespmem:$0x1E1D0] =	vst v48;
	v48 =	vld [tilespmem:s28+$0xAE50];
	_ =	sdelay $0x4  }
0x2fe: {  	[tilespmem:$0x1E1E0] =	vst v48;
	v48 =	vld [tilespmem:s28+$0x5E60];
	_ =	sdelay $0x4  }
0x2ff: {  	[tilespmem:$0x1E1F0] =	vst v48;
	v48 =	vld [tilespmem:s28+$0xAE60];
	_ =	sdelay $0x4  }
0x300: {  	[tilespmem:$0x1E200] =	vst v48;
	v48 =	vld [tilespmem:s28+$0x5E70];
	_ =	sdelay $0x4  }
0x301: {  	[tilespmem:$0x1E210] =	vst v48;
	v48 =	vld [tilespmem:s28+$0xAE70];
	_ =	sdelay $0x4  }
0x302: {  	[tilespmem:$0x1E220] =	vst v48;
	v48 =	vld [tilespmem:s28+$0x5E80];
	_ =	sdelay $0x4  }
0x303: {  	[tilespmem:$0x1E230] =	vst v48;
	v48 =	vld [tilespmem:s28+$0xAE80];
	_ =	sdelay $0x4  }
0x304: {  	[tilespmem:$0x1E240] =	vst v48;
	v48 =	vld [tilespmem:s28+$0x5E90];
	_ =	sdelay $0x4  }
0x305: {  	[tilespmem:$0x1E250] =	vst v48;
	v48 =	vld [tilespmem:s28+$0xAE90];
	_ =	sdelay $0x4  }
0x306: {  	[tilespmem:$0x1E260] =	vst v48;
	v48 =	vld [tilespmem:s28+$0x5EA0];
	_ =	sdelay $0x4  }
0x307: {  	[tilespmem:$0x1E270] =	vst v48;
	v48 =	vld [tilespmem:s28+$0xAEA0];
	_ =	sdelay $0x4  }
0x308: {  	[tilespmem:$0x1E280] =	vst v48;
	v48 =	vld [tilespmem:s28+$0x5EB0];
	_ =	sdelay $0x4  }
0x309: {  	[tilespmem:$0x1E290] =	vst v48;
	v48 =	vld [tilespmem:s28+$0xAEB0];
	_ =	sdelay $0x4  }
0x30a: {  	[tilespmem:$0x1E2A0] =	vst v48;
	v48 =	vld [tilespmem:s28+$0x5EC0];
	_ =	sdelay $0x4  }
0x30b: {  	[tilespmem:$0x1E2B0] =	vst v48;
	v48 =	vld [tilespmem:s28+$0xAEC0];
	_ =	sdelay $0x4  }
0x30c: {  	[tilespmem:$0x1E2C0] =	vst v48;
	v48 =	vld [tilespmem:s28+$0x5ED0];
	_ =	sdelay $0x4  }
0x30d: {  	[tilespmem:$0x1E2D0] =	vst v48;
	v48 =	vld [tilespmem:s28+$0xAED0];
	_ =	sdelay $0x4  }
0x30e: {  	[tilespmem:$0x1E2E0] =	vst v48;
	v48 =	vld [tilespmem:s28+$0x5EE0];
	_ =	sdelay $0x4  }
0x30f: {  	[tilespmem:$0x1E2F0] =	vst v48;
	v48 =	vld [tilespmem:s28+$0xAEE0];
	_ =	sdelay $0x4  }
0x310: {  	[tilespmem:$0x1E300] =	vst v48;
	v48 =	vld [tilespmem:s28+$0x5EF0];
	_ =	sdelay $0x4  }
0x311: {  	[tilespmem:$0x1E310] =	vst v48;
	v48 =	vld [tilespmem:s28+$0xAEF0];
	_ =	sdelay $0x4  }
0x312: {  	[tilespmem:$0x1E320] =	vst v48;
	v48 =	vld [tilespmem:s28+$0x5F00];
	_ =	sdelay $0x4  }
0x313: {  	[tilespmem:$0x1E330] =	vst v48;
	v48 =	vld [tilespmem:s28+$0xAF00];
	_ =	sdelay $0x4  }
0x314: {  	[tilespmem:$0x1E340] =	vst v48;
	v48 =	vld [tilespmem:s28+$0x5F10];
	_ =	sdelay $0x4  }
0x315: {  	[tilespmem:$0x1E350] =	vst v48;
	v48 =	vld [tilespmem:s28+$0xAF10];
	_ =	sdelay $0x4  }
0x316: {  	[tilespmem:$0x1E360] =	vst v48;
	v48 =	vld [tilespmem:s28+$0x5F20];
	_ =	sdelay $0x4  }
0x317: {  	[tilespmem:$0x1E370] =	vst v48;
	v48 =	vld [tilespmem:s28+$0xAF20];
	_ =	sdelay $0x3  }
0x318: {  	v54 =	vld [tilespmem:s28+$0x5CF0]  }
0x319: {  	[tilespmem:$0x1E380] =	vst v48;
	v48 =	vld [tilespmem:s28+$0x5F30]  }
0x31a: {  	v53 =	vld [tilespmem:s28+$0xACF0]  }
0x31b: {  	v43 =	vld [tilespmem:s28+$0x5D00]  }
0x31c: {  	v62 =	vld [tilespmem:s28+$0xAD00]  }
0x31d: {  	v60 =	vld [tilespmem:s28+$0x5D10]  }
0x31e: {  	[tilespmem:$0x1E390] =	vst v48;
	v48 =	vld [tilespmem:s28+$0xAF30]  }
0x31f: {  	v55 =	vld [tilespmem:s28+$0xAD10]  }
0x320: {  	v58 =	vld [tilespmem:s28+$0x5D20]  }
0x321: {  	v61 =	vld [tilespmem:s28+$0xAD20]  }
0x322: {  	v59 =	vld [tilespmem:s28+$0x5D30]  }
0x323: {  	[tilespmem:$0x1E3A0] =	vst v48;
	v48 =	vld [tilespmem:s28+$0x5F40]  }
0x324: {  	v6 =	vmul.f32 v6, v12;
	v13 =	vmul.f32 v11, v13;
	v12 =	vld [tilespmem:s28+$0x60D0]  }
0x325: {  	v0 =	vmul.f32 v0, v2;
	v2 =	vmul.f32 v7, v10;
	v10 =	vld [tilespmem:s28+$0x60E0]  }
0x326: {  	v15 =	vmul.f32 v14, v15;
	v11 =	vld [tilespmem:s28+$0xB0F0]  }
0x327: {  	v1 =	vmul.f32 v1, v3;
	v3 =	vmul.f32 v13, v20;
	v13 =	vld [tilespmem:s28+$0x6100]  }
0x328: {  	[tilespmem:$0x1E3B0] =	vst v48;
	v48 =	vld [tilespmem:s28+$0xAF40]  }
0x329: {  	v4 =	vmul.f32 v4, v5;
	v5 =	vmul.f32 v15, v22;
	v15 =	vld [tilespmem:s28+$0xB160]  }
0x32a: {  	v14 =	vmul.f32 v18, v47;
	v47 =	vld [tilespmem:s28+$0xB170]  }
0x32b: {  	[tilespmem:$0x1DFA0] =	vst v59;
	v59 =	vld [tilespmem:s28+$0xAD30]  }
0x32c: {  	[tilespmem:$0x1E750] =	vst v12;
	v12 =	vld [tilespmem:s28+$0xB0D0]  }
0x32d: {  	[tilespmem:$0x1E3C0] =	vst v48;
	v48 =	vld [tilespmem:s28+$0x5F50]  }
0x32e: {  	[tilespmem:$0x1E770] =	vst v10;
	v10 =	vld [tilespmem:s28+$0x60F0]  }
0x32f: {  	[tilespmem:$0x1E7A0] =	vst v11;
	v11 =	vmul.f32 v26, v29;
	v29 =	vld [tilespmem:s28+$0x6120]  }
0x330: {  	[tilespmem:$0x1E7B0] =	vst v13;
	v13 =	vmul.f32 v28, v30;
	v30 =	vld [tilespmem:s28+$0xB120]  }
0x331: {  	v28 =	vld [tilespmem:s28+$0xB130]  }
0x332: {  	[tilespmem:$0x1E3D0] =	vst v48;
	v48 =	vld [tilespmem:s28+$0xAF50]  }
0x333: {  	[tilespmem:$0x1E760] =	vst v12;
	v12 =	vld [tilespmem:s28+$0xB0E0]  }
0x334: {  	v26 =	vmul.f32 v34, v42;
	v42 =	vld [tilespmem:s28+$0x6140]  }
0x335: {  	v34 =	vmul.f32 v39, v40;
	v39 =	vld [tilespmem:s28+$0x6170]  }
0x336: {  	v40 =	vld [tilespmem:s28+$0xB190];
	[tilespmem:$0x1E790] =	vst v10  }
0x337: {  	[tilespmem:$0x1E3E0] =	vst v48;
	v48 =	vld [tilespmem:s28+$0x5F60]  }
0x338: {  	v0 =	vmul.f32 v0, v22;
	v10 =	vld [tilespmem:s28+$0xB110];
	[tilespmem:$0x1E780] =	vst v12;
	v12 =	vmul.f32 v16, v33  }
0x339: {  	v1 =	vmul.f32 v1, v21;
	v16 =	vmul.f32 v8, v9;
	v33 =	vld [tilespmem:s28+$0xB100]  }
0x33a: {  	v0 =	vadd.f32 $0.0e+00, v0;
	v9 =	vmul.f32 v12, v24;
	v12 =	vmul.f32 v25, v27;
	v27 =	vld [tilespmem:s28+$0x6130]  }
0x33b: {  	v25 =	vmul.f32 v32, v36;
	v32 =	vld [tilespmem:s28+$0xB140]  }
0x33c: {  	v0 =	vadd.f32 v1, v0;
	v1 =	vmul.f32 v16, v56;
	[tilespmem:$0x1E480] =	vst v48;
	v48 =	vld [tilespmem:s28+$0xAF60]  }
0x33d: {  	v16 =	vmul.f32 v31, v35;
	v31 =	vmul.f32 v37, v17;
	v37 =	vld [tilespmem:s28+$0x6150]  }
0x33e: {  	v6 =	vmul.f32 v6, v23;
	v35 =	vmul.f32 v41, v38;
	v41 =	vld [tilespmem:s28+$0x6160]  }
0x33f: {  	v36 =	vld [tilespmem:s28+$0xB180]  }
0x340: {  	v6 =	vadd.f32 $0.0e+00, v6;
	v2 =	vmul.f32 v2, v45;
	v38 =	vmul.f32 v55, v60;
	v55 =	vld [tilespmem:$0x1DFC0]  }
0x341: {  	v4 =	vmul.f32 v4, v19;
	[tilespmem:$0x1E490] =	vst v48;
	v48 =	vld [tilespmem:s28+$0x5F70]  }
0x342: {  	v2 =	vadd.f32 v2, v6;
	v17 =	vmul.f32 v49, v51;
	v51 =	vld [tilespmem:s28+$0x61C0]  }
0x343: {  	v0 =	vadd.f32 v4, v0;
	v4 =	vmul.f32 v12, v45;
	v12 =	vld [tilespmem:s28+$0xB150]  }
0x344: {  	v2 =	vadd.f32 v3, v2;
	v3 =	vmul.f32 v11, v23;
	v8 =	vmul.f32 v31, v56;
	v31 =	vld [tilespmem:s28+$0x6180]  }
0x345: {  	v0 =	vadd.f32 v1, v0;
	v1 =	vmul.f32 v13, v20;
	v13 =	vmul.f32 v44, v57;
	v57 =	vld [tilespmem:$0x1DFD0]  }
0x346: {  	v2 =	vadd.f32 v9, v2;
	[tilespmem:$0x1E4A0] =	vst v48;
	v48 =	vld [tilespmem:s28+$0xAF70]  }
0x347: {  	v3 =	vadd.f32 $0.0e+00, v3;
	v6 =	vmul.f32 v16, v24;
	v16 =	vmul.f32 v46, v50;
	v46 =	vld [tilespmem:s28+$0xB1B0]  }
0x348: {  	v5 =	vadd.f32 $0.0e+00, v5;
	[tilespmem:$0x1E7C0] =	vst v33;
	v33 =	vld [tilespmem:s28+$0x6110];
	v0 =	vadd.f32 v0, v2;
	v2 =	vmul.f32 v25, v21  }
0x349: {  	v3 =	vadd.f32 v4, v3;
	v4 =	vmul.f32 v34, v23;
	v25 =	vmul.f32 v53, v54;
	v53 =	vld [tilespmem:$0x1DFA0]  }
0x34a: {  	v7 =	vmul.f32 v26, v19;
	v54 =	vld [tilespmem:$0x1DFB0];
	v2 =	vadd.f32 v2, v5  }
0x34b: {  	v1 =	vadd.f32 v1, v3;
	v4 =	vadd.f32 $0.0e+00, v4;
	v5 =	vmul.f32 v35, v45;
	[tilespmem:$0x1E4B0] =	vst v48;
	v48 =	vld [tilespmem:s28+$0x5F80]  }
0x34c: {  	v18 =	vmul.f32 v52, v63;
	v34 =	vld [tilespmem:s28+$0x61B0];
	v2 =	vadd.f32 v7, v2;
	v7 =	vmul.f32 v14, v22  }
0x34d: {  	[tilespmem:$0x1E7D0] =	vst v32;
	v32 =	vld [tilespmem:s28+$0x6190];
	v3 =	vmul.f32 v13, v20;
	v1 =	vadd.f32 v6, v1;
	v4 =	vadd.f32 v5, v4  }
0x34e: {  	v35 =	vld [tilespmem:s28+$0x61A0];
	v2 =	vadd.f32 v8, v2;
	v7 =	vadd.f32 $0.0e+00, v7;
	v8 =	vmul.f32 v17, v21  }
0x34f: {  	v6 =	vmul.f32 v16, v24;
	v3 =	vadd.f32 v3, v4;
	v4 =	vmul.f32 v61, v58;
	v58 =	vld [tilespmem:$0x1DFE0]  }
0x350: {  	v9 =	vmul.f32 v18, v19;
	v7 =	vadd.f32 v8, v7;
	[tilespmem:$0x1E4C0] =	vst v48;
	v48 =	vld [tilespmem:s28+$0xAF80]  }
0x351: {  	v3 =	vadd.f32 v6, v3;
	v6 =	vmul.f32 v55, v54;
	v54 =	vld [tilespmem:s28+$0x61D0]  }
0x352: {  	v7 =	vadd.f32 v9, v7;
	v9 =	vmul.f32 v59, v53;
	v59 =	vld [tilespmem:$0x1DFF0]  }
0x353: {  	v60 =	vld [tilespmem:$0x1E000]  }
0x354: {  	v53 =	vld [tilespmem:s28+$0xB1A0]  }
0x355: {  	[tilespmem:$0x1E4D0] =	vst v48;
	v48 =	vld [tilespmem:s28+$0x5F90]  }
0x356: {  	[tilespmem:$0x1E7E0] =	vst v10;
	v10 =	vmul.f32 v25, v56;
	v11 =	vmul.f32 v58, v57;
	v58 =	vld [tilespmem:s28+$0x61E0]  }
0x357: {  	v61 =	vld [tilespmem:$0x1E010]  }
0x358: {  	v7 =	vadd.f32 v10, v7;
	v10 =	vmul.f32 v60, v59;
	v59 =	vld [tilespmem:s28+$0xB1C0]  }
0x359: {  	v60 =	vld [tilespmem:s28+$0xB1D0]  }
0x35a: {  	[tilespmem:$0x1E4E0] =	vst v48;
	v48 =	vld [tilespmem:s28+$0xAF90]  }
0x35b: {  	v26 =	vmul.f32 v62, v43;
	v62 =	vld [tilespmem:$0x1E020]  }
0x35c: {  	v63 =	vld [tilespmem:$0x1E030]  }
0x35d: {  	v16 =	vld [tilespmem:$0x1E040]  }
0x35e: {  	v8 =	vmul.f32 v38, v45;
	v38 =	vld [tilespmem:$0x1E090]  }
0x35f: {  	[tilespmem:$0x1E4F0] =	vst v48;
	v48 =	vld [tilespmem:s28+$0x5FA0]  }
0x360: {  	v43 =	vld [tilespmem:$0x1E0A0]  }
0x361: {  	v17 =	vld [tilespmem:$0x1E050]  }
0x362: {  	v13 =	vmul.f32 v16, v63;
	v63 =	vld [tilespmem:s28+$0xB1E0]  }
0x363: {  	v18 =	vld [tilespmem:$0x1E060]  }
0x364: {  	[tilespmem:$0x1E500] =	vst v48;
	v48 =	vld [tilespmem:s28+$0xAFA0]  }
0x365: {  	v14 =	vmul.f32 v43, v38;
	v43 =	vld [tilespmem:s28+$0xB200]  }
0x366: {  	v25 =	vld [tilespmem:$0x1E070]  }
0x367: {  	v5 =	vmul.f32 v26, v23;
	v26 =	vld [tilespmem:$0x1E080]  }
0x368: {  	v44 =	vld [tilespmem:$0x1E0B0]  }
0x369: {  	[tilespmem:$0x1E510] =	vst v48;
	v48 =	vld [tilespmem:s28+$0x5FB0]  }
0x36a: {  	[tilespmem:$0x1E810] =	vst v43;
	v43 =	vld [tilespmem:s28+$0x6220]  }
0x36b: {  	v50 =	vld [tilespmem:$0x1E0D0]  }
0x36c: {  	v52 =	vld [tilespmem:$0x1E0E0]  }
0x36d: {  	v6 =	vmul.f32 v6, v22;
	v49 =	vld [tilespmem:$0x1E0C0]  }
0x36e: {  	[tilespmem:$0x1E520] =	vst v48;
	v48 =	vld [tilespmem:s28+$0xAFB0]  }
0x36f: {  	v6 =	vadd.f32 $0.0e+00, v6;
	v11 =	vmul.f32 v11, v21;
	[tilespmem:$0x1E840] =	vst v43;
	v43 =	vld [tilespmem:s28+$0xB230]  }
0x370: {  	v55 =	vld [tilespmem:$0x1E0F0]  }
0x371: {  	v6 =	vadd.f32 v11, v6;
	v11 =	vmul.f32 v52, v50;
	v50 =	vld [tilespmem:s28+$0x6210]  }
0x372: {  	v57 =	vld [tilespmem:$0x1E100]  }
0x373: {  	v5 =	vadd.f32 $0.0e+00, v5;
	[tilespmem:$0x1E530] =	vst v48;
	v48 =	vld [tilespmem:s28+$0x5FC0]  }
0x374: {  	v2 =	vadd.f32 v2, v1;
	v1 =	vadd.f32 v7, v3;
	v3 =	vmul.f32 v18, v17;
	v18 =	vld [tilespmem:$0x1E130]  }
0x375: {  	v4 =	vmul.f32 v4, v20;
	v5 =	vadd.f32 v8, v5;
	v7 =	vmul.f32 v26, v25;
	v25 =	vld [tilespmem:$0x1E140]  }
0x376: {  	[tilespmem:$0x1E820] =	vst v50;
	v50 =	vld [tilespmem:s28+$0xB220]  }
0x377: {  	v4 =	vadd.f32 v4, v5;
	v5 =	vmul.f32 v57, v55;
	v55 =	vld [tilespmem:s28+$0x61F0]  }
0x378: {  	v9 =	vmul.f32 v9, v24;
	[tilespmem:$0x1E540] =	vst v48;
	v48 =	vld [tilespmem:s28+$0xAFC0]  }
0x379: {  	[tilespmem:$0x1E7F0] =	vst v12;
	v12 =	vmul.f32 v62, v61;
	v61 =	vld [tilespmem:$0x1E110]  }
0x37a: {  	v4 =	vadd.f32 v9, v4;
	v9 =	vmul.f32 v25, v18;
	v25 =	vld [tilespmem:s28+$0xB210]  }
0x37b: {  	v62 =	vld [tilespmem:$0x1E120]  }
0x37c: {  	v26 =	vld [tilespmem:$0x1E150]  }
0x37d: {  	[tilespmem:$0x1E550] =	vst v48;
	v48 =	vld [tilespmem:s28+$0x5FD0]  }
0x37e: {  	v38 =	vld [tilespmem:$0x1E160]  }
0x37f: {  	[tilespmem:$0x1E830] =	vst v25;
	v25 =	vld [tilespmem:s28+$0x6230]  }
0x380: {  	v8 =	vmul.f32 v49, v44;
	v44 =	vld [tilespmem:$0x1E170]  }
0x381: {  	v10 =	vmul.f32 v10, v19;
	v52 =	vld [tilespmem:$0x1E190]  }
0x382: {  	[tilespmem:$0x1E560] =	vst v48;
	v48 =	vld [tilespmem:s28+$0xAFD0]  }
0x383: {  	v6 =	vadd.f32 v10, v6;
	v12 =	vmul.f32 v12, v56;
	v57 =	vld [tilespmem:$0x1E1A0]  }
0x384: {  	v49 =	vld [tilespmem:$0x1E180]  }
0x385: {  	v6 =	vadd.f32 v12, v6;
	v12 =	vmul.f32 v38, v26;
	v26 =	vld [tilespmem:$0x1E1B0]  }
0x386: {  	v38 =	vld [tilespmem:$0x1E1C0]  }
0x387: {  	[tilespmem:$0x1E570] =	vst v48;
	v48 =	vld [tilespmem:s28+$0x5FE0]  }
0x388: {  	v13 =	vmul.f32 v13, v23;
	v16 =	vmul.f32 v57, v52;
	v52 =	vld [tilespmem:$0x1E1F0]  }
0x389: {  	v57 =	vld [tilespmem:$0x1E200]  }
0x38a: {  	[tilespmem:$0x1E800] =	vst v15;
	v13 =	vadd.f32 $0.0e+00, v13;
	v3 =	vmul.f32 v3, v45;
	v15 =	vmul.f32 v49, v44;
	v44 =	vld [tilespmem:$0x1E1D0]  }
0x38b: {  	v49 =	vld [tilespmem:$0x1E1E0]  }
0x38c: {  	v3 =	vadd.f32 v3, v13;
	v7 =	vmul.f32 v7, v20;
	[tilespmem:$0x1E580] =	vst v48;
	v48 =	vld [tilespmem:s28+$0xAFE0]  }
0x38d: {  	v13 =	vmul.f32 v38, v26;
	v26 =	vld [tilespmem:$0x1E210]  }
0x38e: {  	v3 =	vadd.f32 v7, v3;
	v8 =	vmul.f32 v8, v22;
	v7 =	vmul.f32 v57, v52;
	v57 =	vld [tilespmem:s28+$0x6240]  }
0x38f: {  	v38 =	vld [tilespmem:$0x1E220]  }
0x390: {  	v8 =	vadd.f32 $0.0e+00, v8;
	v11 =	vmul.f32 v11, v21;
	[tilespmem:$0x1E850] =	vst v50;
	v50 =	vld [tilespmem:$0x1E250]  }
0x391: {  	[tilespmem:$0x1E590] =	vst v48;
	v48 =	vld [tilespmem:s28+$0x5FF0]  }
0x392: {  	v8 =	vadd.f32 v11, v8;
	v5 =	vmul.f32 v5, v19;
	v52 =	vld [tilespmem:$0x1E260]  }
0x393: {  	[tilespmem:$0x1E860] =	vst v25;
	v25 =	vld [tilespmem:$0x1E270]  }
0x394: {  	v5 =	vadd.f32 v5, v8;
	v8 =	vmul.f32 v38, v26;
	v26 =	vld [tilespmem:$0x1E280]  }
0x395: {  	v38 =	vld [tilespmem:$0x1E290]  }
0x396: {  	[tilespmem:$0x1E5A0] =	vst v48;
	v48 =	vld [tilespmem:s28+$0xAFF0]  }
0x397: {  	[tilespmem:$0x1E870] =	vst v43;
	v10 =	vmul.f32 v62, v61;
	v43 =	vld [tilespmem:$0x1E2A0]  }
0x398: {  	v14 =	vmul.f32 v14, v24;
	v11 =	vmul.f32 v49, v44;
	v44 =	vld [tilespmem:$0x1E230]  }
0x399: {  	v10 =	vmul.f32 v10, v56;
	v49 =	vld [tilespmem:$0x1E240]  }
0x39a: {  	v3 =	vadd.f32 v14, v3;
	v61 =	vld [tilespmem:s28+$0xB1F0];
	v17 =	vmul.f32 v52, v50  }
0x39b: {  	v5 =	vadd.f32 v10, v5;
	v52 =	vmul.f32 v9, v23;
	v10 =	vmul.f32 v26, v25;
	[tilespmem:$0x1E5B0] =	vst v48;
	v48 =	vld [tilespmem:s28+$0x6000]  }
0x39c: {  	v4 =	vadd.f32 v6, v4;
	v62 =	vld [tilespmem:s28+$0x6200];
	v25 =	vmul.f32 v43, v38;
	v38 =	vmul.f32 v13, v22  }
0x39d: {  	v3 =	vadd.f32 v5, v3;
	v12 =	vmul.f32 v12, v45;
	v11 =	vmul.f32 v11, v21;
	[tilespmem:$0x1E880] =	vst v57;
	v57 =	vld [tilespmem:s28+$0x6250]  }
0x39e: {  	v14 =	vmul.f32 v49, v44;
	v6 =	vadd.f32 $0.0e+00, v52;
	v49 =	vld [tilespmem:$0x1E2B0];
	v5 =	vadd.f32 $0.0e+00, v38  }
0x39f: {  	v15 =	vmul.f32 v15, v20;
	v50 =	vld [tilespmem:$0x1E2C0]  }
0x3a0: {  	v7 =	vmul.f32 v7, v19;
	v6 =	vadd.f32 v12, v6;
	v5 =	vadd.f32 v11, v5;
	[tilespmem:$0x1E5C0] =	vst v48;
	v48 =	vld [tilespmem:s28+$0xB000]  }
0x3a1: {  	v16 =	vmul.f32 v16, v24;
	v44 =	vld [tilespmem:s28+$0xB240]  }
0x3a2: {  	v8 =	vmul.f32 v8, v56;
	v6 =	vadd.f32 v15, v6;
	v43 =	vld [tilespmem:s28+$0xB250];
	v5 =	vadd.f32 v7, v5  }
0x3a3: {  	(xrf2) =	vadd.scan.msk.f32 $0xffff, v0;
	v18 =	vld [tilespmem:$0x1E2D0]  }
0x3a4: {  	[tilespmem:$0x1EB00] =	vst v4;
	v6 =	vadd.f32 v16, v6;
	v0 =	vadd.f32 v8, v5;
	v4 =	vmul.f32 v50, v49;
	v50 =	vld [tilespmem:s28+$0x6260]  }
0x3a5: {  	[tilespmem:$0x1E5D0] =	vst v48;
	v48 =	vld [tilespmem:s28+$0x6010]  }
0x3a6: {  	v0 =	vadd.f32 v0, v6;
	v6 =	vld [tilespmem:$0x1FF40]  }
0x3a7: {  	v26 =	vld [tilespmem:$0x1E2E0]  }
0x3a8: {  	[tilespmem:$0x1E890] =	vst v44;
	v44 =	vld [tilespmem:$0x1E2F0]  }
0x3a9: {  	v49 =	vld [tilespmem:$0x1E300]  }
0x3aa: {  	[tilespmem:$0x1E5E0] =	vst v48;
	v48 =	vld [tilespmem:s28+$0xB010]  }
0x3ab: {  	v52 =	vld [tilespmem:$0x1E310]  }
0x3ac: {  	[tilespmem:$0x1E8A0] =	vst v57;
	v57 =	vld [tilespmem:$0x1E320]  }
0x3ad: {  	[tilespmem:$0x1EB90] =	vst v3;
	v3 =	vmul.f32 v26, v18;
	v26 =	vld [tilespmem:s28+$0xB260]  }
0x3ae: {  	v9 =	vmul.f32 v49, v44;
	v44 =	vld [tilespmem:s28+$0x6270]  }
0x3af: {  	[tilespmem:$0x1E5F0] =	vst v48;
	v48 =	vld [tilespmem:s28+$0x6020]  }
0x3b0: {  	v38 =	vld [tilespmem:$0x1E330]  }
0x3b1: {  	v13 =	vmul.f32 v57, v52;
	v52 =	vld [tilespmem:s28+$0xB270]  }
0x3b2: {  	[tilespmem:$0x1E8B0] =	vst v43;
	v43 =	vld [tilespmem:$0x1E340]  }
0x3b3: {  	v49 =	vld [tilespmem:$0x1E350]  }
0x3b4: {  	[tilespmem:$0x1E600] =	vst v48;
	v48 =	vld [tilespmem:s28+$0xB020]  }
0x3b5: {  	[tilespmem:$0x1E8C0] =	vst v50;
	v50 =	vld [tilespmem:$0x1E360]  }
0x3b6: {  	v57 =	vld [tilespmem:$0x1E370]  }
0x3b7: {  	[tilespmem:$0x1E8D0] =	vst v26;
	v26 =	vld [tilespmem:$0x1E380]  }
0x3b8: {  	v12 =	vmul.f32 v43, v38;
	v38 =	vld [tilespmem:s28+$0x6280]  }
0x3b9: {  	[tilespmem:$0x1E610] =	vst v48;
	v48 =	vld [tilespmem:s28+$0x6030]  }
0x3ba: {  	v11 =	vmul.f32 v50, v49;
	v49 =	vld [tilespmem:s28+$0xB280]  }
0x3bb: {  	v43 =	vld [tilespmem:$0x1E390]  }
0x3bc: {  	v15 =	vmul.f32 v26, v57;
	v57 =	vld [tilespmem:s28+$0x6290]  }
0x3bd: {  	[tilespmem:$0x1E8E0] =	vst v44;
	v44 =	vld [tilespmem:$0x1E3A0]  }
0x3be: {  	[tilespmem:$0x1E640] =	vst v48;
	v48 =	vld [tilespmem:s28+$0xB030]  }
0x3bf: {  	[tilespmem:$0x1E900] =	vst v38;
	v38 =	vld [tilespmem:s28+$0xB290]  }
0x3c0: {  	[tilespmem:$0x1E910] =	vst v49;
	v49 =	vld [tilespmem:$0x1E400]  }
0x3c1: {  	[tilespmem:$0x1E920] =	vst v57;
	v57 =	vld [tilespmem:$0x1FF00]  }
0x3c2: {  	v7 =	vmul.f32 v44, v43;
	v43 =	vld [tilespmem:$0x1E3F0]  }
0x3c3: {  	[tilespmem:$0x1E650] =	vst v48;
	v48 =	vld [tilespmem:s28+$0x6040]  }
0x3c4: {  	v44 =	vld [tilespmem:s28+$0x62A0]  }
0x3c5: {  	v50 =	vld [tilespmem:$0x1E3B0]  }
0x3c6: {  	v14 =	vmul.f32 v14, v23;
	[tilespmem:$0x1E8F0] =	vst v52;
	v52 =	vld [tilespmem:$0x1E3C0]  }
0x3c7: {  	v5 =	vbroadcast v43, $0xF;
	v43 =	vld [tilespmem:s28+$0x62B0]  }
0x3c8: {  	v14 =	vadd.f32 $0.0e+00, v14;
	v17 =	vmul.f32 v17, v45;
	[tilespmem:$0x1E620] =	vst v48;
	v48 =	vld [tilespmem:s28+$0xB040]  }
0x3c9: {  	[tilespmem:$0x1E950] =	vst v44;
	v44 =	vld [tilespmem:$0x1FF10]  }
0x3ca: {  	v14 =	vadd.f32 v17, v14;
	v17 =	vmul.f32 v57, v5;
	v57 =	vld [tilespmem:$0x1E420]  }
0x3cb: {  	v18 =	vld [tilespmem:$0x1E3D0]  }
0x3cc: {  	v4 =	vmul.f32 v4, v22;
	v16 =	vmul.f32 v52, v50;
	v52 =	vld [tilespmem:s28+$0xB2A0]  }
0x3cd: {  	[tilespmem:$0x1E630] =	vst v48;
	v48 =	vld [tilespmem:s28+$0x6050]  }
0x3ce: {  	v4 =	vadd.f32 $0.0e+00, v4;
	v3 =	vmul.f32 v3, v21;
	v50 =	vbroadcast v49, $0xF;
	v49 =	vld [tilespmem:$0x1E410]  }
0x3cf: {  	[tilespmem:$0x1E990] =	vst v43;
	v43 =	vld [tilespmem:s28+$0x62D0]  }
0x3d0: {  	v3 =	vadd.f32 v3, v4;
	[tilespmem:$0x1E930] =	vst v38;
	v38 =	vmul.f32 v10, v20;
	v4 =	vmul.f32 v44, v50;
	v44 =	vld [tilespmem:s28+$0xB2C0]  }
0x3d1: {  	v9 =	vmul.f32 v9, v19;
	v50 =	vmul.f32 v25, v24;
	v25 =	vld [tilespmem:$0x1E440]  }
0x3d2: {  	v5 =	vadd.f32 v38, v14;
	[tilespmem:$0x1E660] =	vst v48;
	v48 =	vld [tilespmem:s28+$0xB050]  }
0x3d3: {  	v3 =	vadd.f32 v9, v3;
	v9 =	vbroadcast v57, $0xF;
	v57 =	vld [tilespmem:s28+$0xB2D0]  }
0x3d4: {  	v5 =	vadd.f32 v50, v5;
	v50 =	vld [tilespmem:$0x1FF20]  }
0x3d5: {  	v4 =	vadd.f32 v4, v17;
	v17 =	vld [tilespmem:s28+$0x62F0]  }
0x3d6: {  	v26 =	vld [tilespmem:$0x1E3E0]  }
0x3d7: {  	v13 =	vmul.f32 v13, v56;
	[tilespmem:$0x1E670] =	vst v48;
	v48 =	vld [tilespmem:s28+$0x6060]  }
0x3d8: {  	[tilespmem:$0x1E960] =	vst v52;
	v52 =	vld [tilespmem:s28+$0x62C0]  }
0x3d9: {  	v10 =	vbroadcast v49, $0xF;
	v49 =	vadd.f32 v13, v3;
	v13 =	vld [tilespmem:s28+$0x62E0]  }
0x3da: {  	[tilespmem:$0x1E970] =	vst v43;
	v43 =	vld [tilespmem:$0x1E470]  }
0x3db: {  	(xrf2) =	vadd.scan.msk.f32 $0xffff, v2;
	v2 =	vadd.f32 v49, v5;
	v49 =	vld [tilespmem:$0x1FF60]  }
0x3dc: {  	[tilespmem:$0x1E680] =	vst v48;
	v48 =	vld [tilespmem:s28+$0xB060]  }
0x3dd: {  	[tilespmem:$0x1E980] =	vst v57;
	v57 =	vld [tilespmem:s28+$0xB2F0]  }
0x3de: {  	v5 =	vld [tilespmem:$0x1FF80]  }
0x3df: {  	v3 =	vmul.f32 v50, v10;
	v10 =	vld [tilespmem:$0x1FF50]  }
0x3e0: {  	v50 =	vld [tilespmem:s28+$0xB2E0]  }
0x3e1: {  	[tilespmem:$0x1E690] =	vst v48;
	v48 =	vld [tilespmem:s28+$0x6070]  }
0x3e2: {  	v8 =	vmul.f32 v26, v18;
	v18 =	vld [tilespmem:$0x1E430]  }
0x3e3: {  	[tilespmem:$0x1E940] =	vst v52;
	v52 =	vld [tilespmem:$0x1FF30]  }
0x3e4: {  	v26 =	vld [tilespmem:s28+$0xB2B0]  }
0x3e5: {  	[tilespmem:$0x1EC80] =	vst v4;
	v38 =	vbroadcast v25, $0xF;
	v4 =	vbroadcast v43, $0xF;
	v43 =	vld [tilespmem:s28+$0x6310]  }
0x3e6: {  	[tilespmem:$0x1E6A0] =	vst v48;
	v48 =	vld [tilespmem:s28+$0xB070]  }
0x3e7: {  	v14 =	vbroadcast v18, $0xF;
	v18 =	vld [tilespmem:$0x1E460]  }
0x3e8: {  	v9 =	vmul.f32 v52, v9;
	v52 =	vld [tilespmem:$0x1FF70]  }
0x3e9: {  	(xrf2) =	vadd.scan.msk.f32 $0xffff, v1;
	[tilespmem:$0x1E9A0] =	vst v13;
	v1 =	vmul.f32 v10, v38;
	v38, _, _ =	vpop (xrf2);
	v13 =	vld [tilespmem:$0x1E490]  }
0x3ea: {  	v10 =	vbroadcast v38, $0xF;
	v38 =	vmul.f32 v16, v22;
	v16 =	vld [tilespmem:s28+$0x6320]  }
0x3eb: {  	[tilespmem:$0x1E6B0] =	vst v48;
	v48 =	vld [tilespmem:s28+$0x6080]  }
0x3ec: {  	[tilespmem:$0x1EBD0] =	vst v0;
	v0 =	vmul.f32 v6, v14;
	v14 =	vld [tilespmem:$0x1E450]  }
0x3ed: {  	v6 =	vld [tilespmem:$0x1FF90]  }
0x3ee: {  	v3 =	vadd.f32 v9, v3;
	v9 =	vld [tilespmem:s28+$0x6300]  }
0x3ef: {  	v0 =	vadd.f32 v1, v0;
	v25 =	vbroadcast v18, $0xF;
	v18 =	vld [tilespmem:$0x1E4A0]  }
0x3f0: {  	[tilespmem:$0x1E6C0] =	vst v48;
	v48 =	vld [tilespmem:s28+$0xB080]  }
0x3f1: {  	[tilespmem:$0x1ECA0] =	vst v0;
	v0 =	vmul.f32 v5, v4;
	v5 =	vld [tilespmem:s28+$0xB300]  }
0x3f2: {  	v8 =	vmul.f32 v8, v21;
	v1 =	vmul.f32 v6, v10;
	v10 =	vld [tilespmem:$0x1E480]  }
0x3f3: {  	[tilespmem:$0x1EBF0] =	vst v2;
	v2 =	vbroadcast v14, $0xF;
	v14 =	vmul.f32 v12, v23;
	v12 =	vld [tilespmem:s28+$0xB310]  }
0x3f4: {  	[tilespmem:$0x1E9D0] =	vst v43;
	v0 =	vadd.f32 v1, v0;
	v1 =	vadd.f32 $0.0e+00, v38;
	v38 =	vmul.f32 v15, v20;
	v15 =	vld [tilespmem:s28+$0x6350]  }
0x3f5: {  	v43, _, _ =	vpop (xrf2);
	[tilespmem:$0x1E6D0] =	vst v48;
	v48 =	vld [tilespmem:s28+$0x6090]  }
0x3f6: {  	v1 =	vadd.f32 v8, v1;
	v8 =	vbroadcast v43, $0xF;
	v43 =	vld [tilespmem:s28+$0x6340]  }
0x3f7: {  	[tilespmem:$0x1EC90] =	vst v3;
	v3 =	vmul.f32 v52, v25;
	v2 =	vmul.f32 v49, v2;
	v49 =	vld [tilespmem:$0x1E4C0]  }
0x3f8: {  	v52 =	vld [tilespmem:$0x1E4D0]  }
0x3f9: {  	[tilespmem:$0x1E9B0] =	vst v57;
	v57 =	vmul.f32 v11, v45;
	v25 =	vld [tilespmem:$0x1E4B0];
	v2 =	vadd.f32 v3, v2;
	v3 =	vadd.f32 $0.0e+00, v14  }
0x3fa: {  	[tilespmem:$0x1E6E0] =	vst v48;
	v48 =	vld [tilespmem:s28+$0xB090]  }
0x3fb: {  	v3 =	vadd.f32 v57, v3;
	v57 =	vld [tilespmem:s28+$0x6330]  }
0x3fc: {  	[tilespmem:$0x1EA30] =	vst v43;
	v43 =	vld [tilespmem:s28+$0xB350]  }
0x3fd: {  	v4 =	vmul.f32 v52, v49;
	v49 =	vld [tilespmem:s28+$0xB320]  }
0x3fe: {  	[tilespmem:$0x1ECC0] =	vst v0;
	v0 =	vmul.f32 v25, v18;
	v18 =	vld [tilespmem:$0x1E500]  }
0x3ff: {  	[tilespmem:$0x1E6F0] =	vst v48;
	v48 =	vld [tilespmem:s28+$0x60A0]  }
0x400: {  	v25 =	vld [tilespmem:$0x1E510]  }
0x401: {  	[tilespmem:$0x1ECB0] =	vst v2;
	v2 =	vmul.f32 v13, v10;
	v13 =	vld [tilespmem:$0x1E4E0];
	v52, _, _ =	vpop (xrf2)  }
0x402: {  	[tilespmem:$0x1E9F0] =	vst v16;
	v16 =	vbroadcast v52, $0xF;
	v52 =	vld [tilespmem:$0x1FFB0]  }
0x403: {  	[tilespmem:$0x1EA00] =	vst v49;
	v49 =	vld [tilespmem:$0x1FFA0]  }
0x404: {  	[tilespmem:$0x1E700] =	vst v48;
	v48 =	vld [tilespmem:s28+$0xB0A0]  }
0x405: {  	v6 =	vmul.f32 v25, v18;
	v25 =	vld [tilespmem:$0x1E520]  }
0x406: {  	v7 =	vmul.f32 v7, v24;
	v3 =	vadd.f32 v38, v3;
	v38 =	vld [tilespmem:$0x1E530]  }
0x407: {  	v14 =	vld [tilespmem:$0x1E4F0]  }
0x408: {  	v3 =	vadd.f32 v7, v3;
	v7 =	vmul.f32 v49, v8;
	v8 =	vmul.f32 v52, v16;
	v52 =	vld [tilespmem:s28+$0x6360]  }
0x409: {  	v2 =	vmul.f32 v2, v19;
	[tilespmem:$0x1E710] =	vst v48;
	v48 =	vld [tilespmem:s28+$0x60B0]  }
0x40a: {  	v18 =	vld [tilespmem:s28+$0xB330]  }
0x40b: {  	v1 =	vadd.f32 v2, v1;
	v2 =	vmul.f32 v38, v25;
	v38 =	vld [tilespmem:s28+$0xB340]  }
0x40c: {  	[tilespmem:$0x1EA10] =	vst v57;
	v57 =	vld [tilespmem:$0x1E540]  }
0x40d: {  	[tilespmem:$0x1E9E0] =	vst v12;
	v12 =	vld [tilespmem:$0x1E550]  }
0x40e: {  	[tilespmem:$0x1E730] =	vst v48;
	v48 =	vld [tilespmem:s28+$0xB0B0]  }
0x40f: {  	[tilespmem:$0x1E9C0] =	vst v9;
	v0 =	vmul.f32 v0, v56;
	v9 =	vmul.f32 v14, v13;
	v13 =	vld [tilespmem:$0x1E560]  }
0x410: {  	v14 =	vld [tilespmem:$0x1E570]  }
0x411: {  	v0 =	vadd.f32 v0, v1;
	v16 =	vld [tilespmem:$0x1E580]  }
0x412: {  	[tilespmem:$0x1EA20] =	vst v18;
	v18 =	vld [tilespmem:$0x1E590]  }
0x413: {  	v0 =	vadd.f32 v0, v3;
	[tilespmem:$0x1E740] =	vst v48;
	v48 =	vld [tilespmem:s28+$0x60C0]  }
0x414: {  	[tilespmem:$0x1EA40] =	vst v15;
	v7 =	vadd.f32 v8, v7;
	v25 =	vld [tilespmem:$0x1E5A0]  }
0x415: {  	[tilespmem:$0x1EC00] =	vst v0;
	v49 =	vld [tilespmem:$0x1E5B0]  }
0x416: {  	[tilespmem:$0x1ECD0] =	vst v7;
	v1 =	vmul.f32 v12, v57;
	v57 =	vld [tilespmem:$0x1E5C0]  }
0x417: {  	[tilespmem:$0x1EA50] =	vst v52;
	v12 =	vld [tilespmem:$0x1E5D0]  }
0x418: {  	[tilespmem:$0x1E720] =	vst v48;
	v48 =	vld [tilespmem:s28+$0xB0C0]  }
0x419: {  	v7 =	vmul.f32 v18, v16;
	v18 =	vld [tilespmem:s28+$0xB360]  }
0x41a: {  	v10 =	vmul.f32 v14, v13;
	v14 =	vld [tilespmem:$0x1E5E0]  }
0x41b: {  	v15 =	vld [tilespmem:$0x1E5F0]  }
0x41c: {  	v16 =	vld [tilespmem:s28+$0x6370]  }
0x41d: {  	v0 =	vmul.f32 v49, v25;
	v25 =	vld [tilespmem:$0x1E600]  }
0x41e: {  	v4 =	vmul.f32 v4, v23;
	v49 =	vld [tilespmem:$0x1E610]  }
0x41f: {  	v52 =	vld [tilespmem:s28+$0xB370]  }
0x420: {  	v4 =	vadd.f32 $0.0e+00, v4;
	v13 =	vmul.f32 v9, v45;
	v3 =	vmul.f32 v12, v57;
	v57 =	vld [tilespmem:$0x1E620]  }
0x421: {  	v12 =	vld [tilespmem:$0x1E630]  }
0x422: {  	v4 =	vadd.f32 v13, v4;
	v13 =	vld [tilespmem:s28+$0x6380]  }
0x423: {  	v29 =	vmul.f32 v30, v29;
	v30 =	vld [tilespmem:s28+$0xB410]  }
0x424: {  	v9 =	vmul.f32 v15, v14;
	v14 =	vld [tilespmem:$0x1E640]  }
0x425: {  	v15 =	vld [tilespmem:$0x1E650]  }
0x426: {  	v1 =	vmul.f32 v1, v22;
	[tilespmem:$0x1EA60] =	vst v16;
	v16 =	vld [tilespmem:s28+$0xB380]  }
0x427: {  	v8 =	vmul.f32 v49, v25;
	v25 =	vld [tilespmem:$0x1E660]  }
0x428: {  	v1 =	vadd.f32 $0.0e+00, v1;
	v10 =	vmul.f32 v10, v21;
	v49 =	vld [tilespmem:$0x1E670]  }
0x429: {  	v3 =	vmul.f32 v3, v23;
	[tilespmem:$0x1EA70] =	vst v52;
	v52 =	vld [tilespmem:s28+$0x6390]  }
0x42a: {  	v1 =	vadd.f32 v10, v1;
	v10 =	vmul.f32 v12, v57;
	v57 =	vld [tilespmem:$0x1E680]  }
0x42b: {  	v3 =	vadd.f32 $0.0e+00, v3;
	[tilespmem:$0x1EA80] =	vst v13;
	v13 =	vld [tilespmem:$0x1E6F0];
	v9 =	vmul.f32 v9, v45  }
0x42c: {  	[tilespmem:$0x1EBB0] =	vst v30;
	v30 =	vld [tilespmem:$0x1E810]  }
0x42d: {  	v7 =	vmul.f32 v7, v19;
	v3 =	vadd.f32 v9, v3;
	v9 =	vld [tilespmem:s28+$0x63C0]  }
0x42e: {  	[tilespmem:$0x1EA90] =	vst v16;
	v16 =	vld [tilespmem:$0x1E690]  }
0x42f: {  	v1 =	vadd.f32 v7, v1;
	v10 =	vmul.f32 v10, v22;
	v7 =	vmul.f32 v49, v25;
	v25 =	vld [tilespmem:s28+$0xB390]  }
0x430: {  	v6 =	vmul.f32 v6, v20;
	v49 =	vld [tilespmem:$0x1E6A0]  }
0x431: {  	v10 =	vadd.f32 $0.0e+00, v10;
	[tilespmem:$0x1EAA0] =	vst v52;
	v52 =	vld [tilespmem:$0x1E6B0];
	v7 =	vmul.f32 v7, v21  }
0x432: {  	v4 =	vadd.f32 v6, v4;
	v6 =	vmul.f32 v15, v14;
	v14 =	vld [tilespmem:s28+$0xB3A0]  }
0x433: {  	v7 =	vadd.f32 v7, v10;
	v10 =	vld [tilespmem:$0x1E6C0]  }
0x434: {  	[tilespmem:$0x1EB10] =	vst v9;
	v9 =	vmul.f32 v29, v20;
	v29 =	vmul.f32 v61, v55;
	v55 =	vld [tilespmem:$0x1E880]  }
0x435: {  	v61 =	vld [tilespmem:$0x1E8B0]  }
0x436: {  	v11 =	vmul.f32 v16, v57;
	v57 =	vld [tilespmem:s28+$0x63A0]  }
0x437: {  	v8 =	vmul.f32 v8, v20;
	v16 =	vld [tilespmem:s28+$0x63B0]  }
0x438: {  	[tilespmem:$0x1EAB0] =	vst v25;
	v12 =	vmul.f32 v52, v49;
	v49 =	vld [tilespmem:s28+$0xB3B0]  }
0x439: {  	v3 =	vadd.f32 v8, v3;
	[tilespmem:$0x1EAD0] =	vst v14;
	v25 =	vmul.f32 v6, v24;
	v14 =	vld [tilespmem:s28+$0xB3C0]  }
0x43a: {  	v15 =	vmul.f32 v11, v19;
	v11 =	vld [tilespmem:$0x1E6D0]  }
0x43b: {  	v3 =	vadd.f32 v25, v3;
	v25 =	vld [tilespmem:$0x1E720]  }
0x43c: {  	v52 =	vadd.f32 v15, v7;
	v15 =	vld [tilespmem:$0x1E700]  }
0x43d: {  	[tilespmem:$0x1EAC0] =	vst v57;
	v57 =	vmul.f32 v12, v56;
	v12 =	vld [tilespmem:$0x1E6E0]  }
0x43e: {  	[tilespmem:$0x1EAE0] =	vst v16;
	v16 =	vld [tilespmem:$0x1E710]  }
0x43f: {  	[tilespmem:$0x1EAF0] =	vst v49;
	v49 =	vld [tilespmem:$0x1E730]  }
0x440: {  	v0 =	vmul.f32 v0, v56;
	[tilespmem:$0x1EB20] =	vst v14;
	v14 =	vld [tilespmem:s28+$0x63E0]  }
0x441: {  	v2 =	vmul.f32 v2, v24;
	v8 =	vmul.f32 v48, v25;
	v48 =	vld [tilespmem:s28+$0x63D0]  }
0x442: {  	v0 =	vadd.f32 v0, v1;
	v1 =	vadd.f32 v57, v52;
	v52 =	vld [tilespmem:$0x1E740]  }
0x443: {  	v2 =	vadd.f32 v2, v4;
	v4 =	vmul.f32 v11, v10;
	v10 =	vld [tilespmem:s28+$0xB3D0]  }
0x444: {  	v11 =	vld [tilespmem:$0x1E750]  }
0x445: {  	v25 =	vld [tilespmem:s28+$0xB3E0]  }
0x446: {  	v7 =	vmul.f32 v13, v12;
	v12 =	vld [tilespmem:$0x1E760]  }
0x447: {  	v6 =	vmul.f32 v16, v15;
	v15 =	vld [tilespmem:$0x1E770]  }
0x448: {  	v57 =	vmul.f32 v4, v23;
	v16 =	vld [tilespmem:$0x1E780]  }
0x449: {  	[tilespmem:$0x1EB50] =	vst v14;
	v14 =	vld [tilespmem:s28+$0x6400]  }
0x44a: {  	v0 =	vadd.f32 v0, v2;
	v2 =	vadd.f32 $0.0e+00, v57;
	v57 =	vld [tilespmem:$0x1E7B0]  }
0x44b: {  	[tilespmem:$0x1EB30] =	vst v48;
	v48 =	vld [tilespmem:$0x1E790]  }
0x44c: {  	[tilespmem:$0x1EC10] =	vst v0;
	v13 =	vmul.f32 v8, v22;
	v0 =	vmul.f32 v52, v49;
	v49 =	vld [tilespmem:$0x1E7A0]  }
0x44d: {  	v52 =	vld [tilespmem:s28+$0x63F0]  }
0x44e: {  	v1 =	vadd.f32 v1, v3;
	v3 =	vadd.f32 $0.0e+00, v13;
	v13 =	vld [tilespmem:$0x1E7D0]  }
0x44f: {  	[tilespmem:$0x1EB60] =	vst v25;
	v25 =	vld [tilespmem:s28+$0x6410]  }
0x450: {  	[tilespmem:$0x1EC20] =	vst v1;
	v1 =	vmul.f32 v12, v11;
	v12 =	vld [tilespmem:$0x1E7C0]  }
0x451: {  	v4 =	vmul.f32 v16, v15;
	v15 =	vld [tilespmem:$0x1E7E0]  }
0x452: {  	v16 =	vld [tilespmem:$0x1E7F0]  }
0x453: {  	v11 =	vmul.f32 v59, v51;
	v51 =	vld [tilespmem:$0x1E850]  }
0x454: {  	[tilespmem:$0x1EB70] =	vst v52;
	v52 =	vld [tilespmem:s28+$0xB400]  }
0x455: {  	v8 =	vmul.f32 v49, v48;
	v49 =	vld [tilespmem:s28+$0xB420]  }
0x456: {  	v48 =	vld [tilespmem:s28+$0x6430]  }
0x457: {  	v1 =	vmul.f32 v1, v21;
	[tilespmem:$0x1EBA0] =	vst v25;
	v25 =	vmul.f32 v53, v35;
	v35 =	vld [tilespmem:$0x1E830]  }
0x458: {  	v7 =	vmul.f32 v7, v45;
	v53 =	vld [tilespmem:$0x1E860]  }
0x459: {  	v1 =	vadd.f32 v1, v3;
	v3 =	vmul.f32 v13, v42;
	v42 =	vmul.f32 v47, v39;
	v47 =	vld [tilespmem:s28+$0xB430]  }
0x45a: {  	v6 =	vmul.f32 v6, v20;
	v2 =	vadd.f32 v7, v2;
	v39 =	vld [tilespmem:s28+$0x6460]  }
0x45b: {  	v7 =	vmul.f32 v12, v57;
	v57 =	vld [tilespmem:s28+$0xB3F0]  }
0x45c: {  	v2 =	vadd.f32 v6, v2;
	v6 =	vmul.f32 v15, v33;
	v33 =	vld [tilespmem:$0x1E800]  }
0x45d: {  	v12 =	vmul.f32 v40, v32;
	v40 =	vld [tilespmem:s28+$0xB450]  }
0x45e: {  	v32 =	vld [tilespmem:$0x1E820]  }
0x45f: {  	v4 =	vmul.f32 v4, v19;
	v15 =	vmul.f32 v60, v54;
	v54 =	vld [tilespmem:$0x1E870]  }
0x460: {  	v0 =	vmul.f32 v0, v24;
	v60 =	vld [tilespmem:$0x1E8A0]  }
0x461: {  	v1 =	vadd.f32 v4, v1;
	v4 =	vmul.f32 v16, v37;
	v3 =	vmul.f32 v3, v22;
	v37 =	vld [tilespmem:s28+$0x6420]  }
0x462: {  	v0 =	vadd.f32 v0, v2;
	v8 =	vmul.f32 v8, v56;
	[tilespmem:$0x1EBE0] =	vst v48;
	v48 =	vld [tilespmem:s28+$0x6440]  }
0x463: {  	v2 =	vmul.f32 v15, v21;
	v15 =	vld [tilespmem:s28+$0xB4C0];
	v3 =	vadd.f32 $0.0e+00, v3;
	v4 =	vmul.f32 v4, v21  }
0x464: {  	v1 =	vadd.f32 v8, v1;
	v8 =	vld [tilespmem:$0x1E980]  }
0x465: {  	[tilespmem:$0x1EB40] =	vst v10;
	v10 =	vmul.f32 v33, v41;
	v3 =	vadd.f32 v4, v3;
	v4 =	vmul.f32 v42, v56;
	v42 =	vld [tilespmem:s28+$0x6450]  }
0x466: {  	v41 =	vmul.f32 v28, v27;
	v28 =	vmul.f32 v46, v34;
	v34 =	vld [tilespmem:s28+$0xB470]  }
0x467: {  	v33 =	vld [tilespmem:s28+$0x6480]  }
0x468: {  	v46 =	vld [tilespmem:$0x1E840]  }
0x469: {  	v7 =	vmul.f32 v7, v23;
	v27 =	vmul.f32 v63, v58;
	v58 =	vld [tilespmem:$0x1E890]  }
0x46a: {  	v16 =	vmul.f32 v11, v22;
	v63 =	vld [tilespmem:$0x1E8C0]  }
0x46b: {  	v6 =	vmul.f32 v6, v45;
	v7 =	vadd.f32 $0.0e+00, v7;
	v11 =	vmul.f32 v54, v53;
	v54 =	vld [tilespmem:$0x1E920]  }
0x46c: {  	v0 =	vadd.f32 v1, v0;
	[tilespmem:$0x1EBC0] =	vst v37;
	v37 =	vld [tilespmem:s28+$0xB460]  }
0x46d: {  	v6 =	vadd.f32 v6, v7;
	v10 =	vmul.f32 v10, v19;
	v7 =	vmul.f32 v41, v24;
	v41 =	vld [tilespmem:s28+$0xB440]  }
0x46e: {  	[tilespmem:$0x1EC30] =	vst v0;
	v0 =	vmul.f32 v12, v45;
	v12 =	vld [tilespmem:s28+$0xB4B0]  }
0x46f: {  	v3 =	vadd.f32 v10, v3;
	v10 =	vmul.f32 v36, v31;
	v36 =	vld [tilespmem:s28+$0x6470]  }
0x470: {  	v31 =	vmul.f32 v30, v62;
	v30 =	vld [tilespmem:s28+$0x64A0]  }
0x471: {  	v62 =	vmul.f32 v61, v60;
	v60 =	vld [tilespmem:$0x1E950]  }
0x472: {  	v61 =	vld [tilespmem:$0x1E960]  }
0x473: {  	v59 =	vmul.f32 v58, v55;
	v55 =	vld [tilespmem:$0x1E930]  }
0x474: {  	v6 =	vadd.f32 v9, v6;
	v58 =	vld [tilespmem:$0x1E940]  }
0x475: {  	v3 =	vadd.f32 v4, v3;
	v4 =	vmul.f32 v25, v20;
	v25 =	vld [tilespmem:s28+$0x64B0]  }
0x476: {  	v6 =	vadd.f32 v7, v6;
	v7 =	vmul.f32 v31, v23;
	v31 =	vld [tilespmem:$0x1E8F0]  }
0x477: {  	v53 =	vmul.f32 v62, v21;
	v62 =	vld [tilespmem:$0x1E970]  }
0x478: {  	v37 =	vmul.f32 v37, v39;
	v39 =	vld [tilespmem:s28+$0xB5A0]  }
0x479: {  	v41 =	vmul.f32 v41, v48;
	v48 =	vld [tilespmem:$0x1EBF0]  }
0x47a: {  	[tilespmem:$0x1EB80] =	vst v14;
	v13 =	vmul.f32 v10, v23;
	v14 =	vadd.f32 v3, v6;
	v3 =	vadd.f32 $0.0e+00, v16;
	v16 =	vld [tilespmem:s28+$0xB480]  }
0x47b: {  	v6 =	vmul.f32 v27, v19;
	v27 =	vld [tilespmem:$0x1E990]  }
0x47c: {  	v1 =	vadd.f32 $0.0e+00, v13;
	v2 =	vadd.f32 v2, v3;
	v3 =	vmul.f32 v29, v56;
	v29 =	vld [tilespmem:s28+$0xB490]  }
0x47d: {  	[tilespmem:$0x1EC40] =	vst v14;
	v14 =	vld [tilespmem:s28+$0xB4A0]  }
0x47e: {  	v9 =	vmul.f32 v59, v22;
	v0 =	vadd.f32 v0, v1;
	v1 =	vmul.f32 v28, v24;
	v28 =	vld [tilespmem:$0x1E8E0]  }
0x47f: {  	v59 =	vmul.f32 v44, v58;
	v44 =	vld [tilespmem:s28+$0x64D0]  }
0x480: {  	v13 =	vadd.f32 $0.0e+00, v9;
	v9 =	vmul.f32 v8, v62;
	v62 =	vld [tilespmem:$0x1E9A0]  }
0x481: {  	v8 =	vld [tilespmem:$0x1E9C0]  }
0x482: {  	v2 =	vadd.f32 v6, v2;
	v6 =	vmul.f32 v35, v32;
	v35 =	vld [tilespmem:s28+$0x6490]  }
0x483: {  	v0 =	vadd.f32 v4, v0;
	v4 =	vld [tilespmem:$0x1E8D0]  }
0x484: {  	v32 =	vld [tilespmem:$0x1E900]  }
0x485: {  	v7 =	vadd.f32 $0.0e+00, v7;
	v10 =	vmul.f32 v59, v22;
	v59 =	vld [tilespmem:$0x1EA10]  }
0x486: {  	v0 =	vadd.f32 v1, v0;
	v1 =	vmul.f32 v51, v46;
	v6 =	vmul.f32 v6, v45;
	v46 =	vld [tilespmem:$0x1E910]  }
0x487: {  	v2 =	vadd.f32 v3, v2;
	v3 =	vmul.f32 v9, v21;
	v9 =	vld [tilespmem:$0x1E9B0]  }
0x488: {  	v6 =	vadd.f32 v6, v7;
	v7 =	vmul.f32 v31, v28;
	v31 =	vld [tilespmem:s28+$0x64C0]  }
0x489: {  	v28 =	vmul.f32 v26, v27;
	v26 =	vld [tilespmem:s28+$0xB4F0]  }
0x48a: {  	v27 =	vld [tilespmem:s28+$0xB500]  }
0x48b: {  	v50 =	vmul.f32 v50, v62;
	v62 =	vld [tilespmem:s28+$0x6510]  }
0x48c: {  	v0 =	vadd.f32 v2, v0;
	v2 =	vmul.f32 v4, v63;
	v63 =	vld [tilespmem:s28+$0x64E0]  }
0x48d: {  	v4 =	vld [tilespmem:$0x1EA30]  }
0x48e: {  	v29 =	vmul.f32 v29, v35;
	v35 =	vld [tilespmem:s28+$0x65C0]  }
0x48f: {  	v1 =	vmul.f32 v1, v20;
	[tilespmem:$0x1EC50] =	vst v0;
	v0 =	vadd.f32 v53, v13;
	v13 =	vld [tilespmem:s28+$0xB4E0]  }
0x490: {  	v11 =	vmul.f32 v11, v24;
	v53 =	vld [tilespmem:s28+$0x64F0]  }
0x491: {  	v6 =	vadd.f32 v1, v6;
	v1 =	vmul.f32 v55, v54;
	v51 =	vmul.f32 v46, v32;
	v32 =	vld [tilespmem:s28+$0xB4D0]  }
0x492: {  	v54 =	vadd.f32 $0.0e+00, v10;
	v10 =	vmul.f32 v9, v17;
	v17 =	vmul.f32 v50, v19;
	v50 =	vld [tilespmem:s28+$0x6500]  }
0x493: {  	v9 =	vmul.f32 v5, v8;
	v8 =	vld [tilespmem:$0x1EA90]  }
0x494: {  	v11 =	vadd.f32 v11, v6;
	v6 =	vmul.f32 v61, v60;
	v60 =	vld [tilespmem:$0x1EA20]  }
0x495: {  	v2 =	vmul.f32 v2, v19;
	v54 =	vadd.f32 v3, v54;
	v3 =	vld [tilespmem:s28+$0xB570]  }
0x496: {  	v58 =	vmul.f32 v10, v56;
	v10 =	vld [tilespmem:$0x1E9D0]  }
0x497: {  	v0 =	vadd.f32 v2, v0;
	v2 =	vld [tilespmem:$0x1EBA0]  }
0x498: {  	v46 =	vmul.f32 v51, v23;
	v54 =	vadd.f32 v17, v54;
	v17 =	vld [tilespmem:$0x1E9E0]  }
0x499: {  	v7 =	vmul.f32 v7, v56;
	v5 =	vmul.f32 v38, v4;
	v38 =	vld [tilespmem:s28+$0x6520]  }
0x49a: {  	v1 =	vmul.f32 v1, v45;
	v4 =	vld [tilespmem:$0x1EB80];
	v46 =	vadd.f32 $0.0e+00, v46  }
0x49b: {  	v6 =	vmul.f32 v6, v20;
	v0 =	vadd.f32 v7, v0;
	v7 =	vmul.f32 v9, v23;
	v9 =	vld [tilespmem:$0x1EAA0]  }
0x49c: {  	v54 =	vadd.f32 v58, v54;
	v46 =	vadd.f32 v1, v46;
	v58 =	vmul.f32 v60, v59;
	v59 =	vld [tilespmem:$0x1EA60]  }
0x49d: {  	v60 =	vld [tilespmem:$0x1EA70]  }
0x49e: {  	v0 =	vadd.f32 v0, v11;
	v11 =	vld [tilespmem:s28+$0x6540];
	v51 =	vadd.f32 v6, v46;
	v6 =	vmul.f32 v28, v24  }
0x49f: {  	v28 =	vld [tilespmem:$0x1E9F0]  }
0x4a0: {  	v46 =	vadd.f32 v6, v51;
	v6 =	vld [tilespmem:$0x1EA40]  }
0x4a1: {  	v51 =	vld [tilespmem:$0x1EA00]  }
0x4a2: {  	v61 =	vmul.f32 v17, v10;
	v17 =	vld [tilespmem:s28+$0xB510]  }
0x4a3: {  	v10 =	vld [tilespmem:$0x1EAB0]  }
0x4a4: {  	v52 =	vmul.f32 v52, v4;
	v4 =	vld [tilespmem:s28+$0x6580]  }
0x4a5: {  	[tilespmem:$0x1EC60] =	vst v0;
	v0 =	vmul.f32 v43, v6;
	v43 =	vld [tilespmem:s28+$0xB520]  }
0x4a6: {  	v1 =	vmul.f32 v51, v28;
	v28 =	vadd.f32 v54, v46;
	v46 =	vld [tilespmem:$0x1EA50]  }
0x4a7: {  	v6 =	vadd.f32 $0.0e+00, v7;
	v7 =	vld [tilespmem:$0x1EA80]  }
0x4a8: {  	v61 =	vmul.f32 v61, v45;
	v51 =	vmul.f32 v5, v22;
	v5 =	vld [tilespmem:s28+$0xB560]  }
0x4a9: {  	[tilespmem:$0x1EC70] =	vst v28;
	v28 =	vld [tilespmem:s28+$0xB530]  }
0x4aa: {  	v55 =	vmul.f32 v60, v59;
	v60 =	vadd.f32 v61, v6;
	v6 =	vld [tilespmem:s28+$0xB540]  }
0x4ab: {  	v54 =	vadd.f32 $0.0e+00, v51;
	v51 =	vld [tilespmem:$0x1EAC0]  }
0x4ac: {  	v0 =	vmul.f32 v0, v21;
	v61 =	vmul.f32 v10, v9;
	v10 =	vld [tilespmem:s28+$0x6550]  }
0x4ad: {  	v9 =	vld [tilespmem:$0x1EB00]  }
0x4ae: {  	v0 =	vadd.f32 v0, v54;
	v54 =	vld [tilespmem:$0x1EAD0];
	v46 =	vmul.f32 v18, v46  }
0x4af: {  	v18 =	vld [tilespmem:s28+$0x6530]  }
0x4b0: {  	v59 =	vmul.f32 v8, v7;
	v7 =	vld [tilespmem:$0x1EAE0];
	v46 =	vmul.f32 v46, v19  }
0x4b1: {  	v8 =	vld [tilespmem:$0x1EAF0]  }
0x4b2: {  	v0 =	vadd.f32 v46, v0;
	v46 =	vld [tilespmem:$0x1EB10]  }
0x4b3: {  	v54 =	vmul.f32 v54, v51;
	v51 =	vld [tilespmem:$0x1EB20]  }
0x4b4: {  	v27 =	vmul.f32 v27, v50;
	v50 =	vmul.f32 v43, v38;
	v38 =	vld [tilespmem:s28+$0xB640]  }
0x4b5: {  	v1 =	vmul.f32 v1, v20;
	(xrf2) =	vadd.scan.msk.f32 $0xffff, v9;
	v9 =	vld [tilespmem:s28+$0x6560]  }
0x4b6: {  	v6 =	vmul.f32 v6, v11;
	v11 =	vld [tilespmem:s28+$0x6630]  }
0x4b7: {  	v1 =	vadd.f32 v1, v60;
	v60 =	vmul.f32 v8, v7;
	v8 =	vld [tilespmem:$0x1EB30]  }
0x4b8: {  	v59 =	vmul.f32 v59, v23;
	v46 =	vmul.f32 v51, v46;
	v51 =	vld [tilespmem:$0x1EB40]  }
0x4b9: {  	v55 =	vmul.f32 v55, v56;
	v17 =	vmul.f32 v17, v62;
	v7 =	vld [tilespmem:s28+$0xB550]  }
0x4ba: {  	v61 =	vmul.f32 v61, v45;
	v59 =	vadd.f32 $0.0e+00, v59;
	v62 =	vmul.f32 v28, v18;
	v28 =	vld [tilespmem:s28+$0xB650]  }
0x4bb: {  	v58 =	vmul.f32 v58, v24;
	v0 =	vadd.f32 v55, v0;
	v55 =	vld [tilespmem:$0x1EB50]  }
0x4bc: {  	v59 =	vadd.f32 v61, v59;
	v61 =	vld [tilespmem:$0x1EBB0]  }
0x4bd: {  	v1 =	vadd.f32 v58, v1;
	v54 =	vmul.f32 v54, v20;
	v58 =	vmul.f32 v51, v8;
	v51 =	vld [tilespmem:$0x1EB70]  }
0x4be: {  	v5 =	vmul.f32 v5, v9;
	v9 =	vld [tilespmem:s28+$0x6650]  }
0x4bf: {  	v54 =	vadd.f32 v54, v59;
	v59 =	vld [tilespmem:$0x1EBE0];
	v46 =	vmul.f32 v46, v22  }
0x4c0: {  	v8 =	vld [tilespmem:$0x1EB60]  }
0x4c1: {  	v7 =	vmul.f32 v7, v10;
	v10 =	vld [tilespmem:s28+$0x6640];
	v46 =	vadd.f32 $0.0e+00, v46;
	v58 =	vmul.f32 v58, v21  }
0x4c2: {  	v6 =	vmul.f32 v6, v22;
	v57 =	vmul.f32 v57, v51;
	v51 =	vld [tilespmem:$0x1EB90]  }
0x4c3: {  	v46 =	vadd.f32 v58, v46;
	v58 =	vld [tilespmem:$0x1EBC0]  }
0x4c4: {  	v6 =	vadd.f32 $0.0e+00, v6;
	v61 =	vmul.f32 v61, v2;
	v2 =	vld [tilespmem:s28+$0xB580];
	v7 =	vmul.f32 v7, v21  }
0x4c5: {  	v47 =	vmul.f32 v47, v59;
	v59 =	vld [tilespmem:s28+$0xB590];
	v55 =	vmul.f32 v8, v55  }
0x4c6: {  	v6 =	vadd.f32 v7, v6;
	v7 =	vld [tilespmem:s28+$0x6660]  }
0x4c7: {  	v55 =	vmul.f32 v55, v19;
	(xrf2) =	vadd.scan.msk.f32 $0xffff, v51;
	v51 =	vld [tilespmem:$0x1EBD0]  }
0x4c8: {  	v49 =	vmul.f32 v49, v58;
	v58 =	vld [tilespmem:s28+$0x6590]  }
0x4c9: {  	v46 =	vadd.f32 v55, v46;
	v55 =	vld [tilespmem:s28+$0x65A0]  }
0x4ca: {  	v10 =	vmul.f32 v38, v10;
	v38 =	vld [tilespmem:$0x1EC20]  }
0x4cb: {  	v2 =	vmul.f32 v2, v4;
	v4 =	vld [tilespmem:s28+$0xB660]  }
0x4cc: {  	v8 =	vld [tilespmem:s28+$0x6570];
	(xrf2) =	vadd.scan.msk.f32 $0xffff, v51;
	v51 =	vmul.f32 v60, v24;
	v60 =	vmul.f32 v57, v56  }
0x4cd: {  	v40 =	vmul.f32 v40, v42;
	v43 =	vmul.f32 v59, v58;
	v59 =	vld [tilespmem:s28+$0xB680]  }
0x4ce: {  	v55 =	vmul.f32 v39, v55;
	v39 =	vld [tilespmem:s28+$0x6690];
	v51 =	vadd.f32 v51, v54;
	v57 =	vadd.f32 v60, v46  }
0x4cf: {  	v36 =	vmul.f32 v34, v36;
	v2 =	vmul.f32 v2, v23;
	(xrf2) =	vadd.scan.msk.f32 $0xffff, v48;
	v48 =	vld [tilespmem:s28+$0xB5B0]  }
0x4d0: {  	v26 =	vmul.f32 v26, v53;
	v34 =	vadd.f32 v57, v51;
	v57 =	vmul.f32 v61, v45;
	v61 =	vld [tilespmem:$0x1FFC0]  }
0x4d1: {  	v53 =	vmul.f32 v50, v20;
	v2 =	vadd.f32 $0.0e+00, v2;
	v50 =	vmul.f32 v43, v45;
	v46 =	vld [tilespmem:s28+$0x65B0]  }
0x4d2: {  	v41 =	vmul.f32 v41, v22;
	v54 =	vmul.f32 v52, v23;
	v52 =	vld [tilespmem:s28+$0xB5C0];
	v60, _, _ =	vpop (xrf2)  }
0x4d3: {  	v1 =	vadd.f32 v0, v1;
	v2 =	vadd.f32 v50, v2;
	v50 =	vld [tilespmem:s28+$0x66D0];
	v0 =	vbroadcast v60, $0xF  }
0x4d4: {  	v36 =	vmul.f32 v36, v56;
	v42 =	vadd.f32 $0.0e+00, v54;
	v54 =	vmul.f32 v40, v21;
	v40 =	vld [tilespmem:s28+$0x65D0]  }
0x4d5: {  	v33 =	vmul.f32 v16, v33;
	v51 =	vld [tilespmem:s28+$0x65F0];
	v16 =	vmul.f32 v61, v0;
	v0 =	vadd.f32 $0.0e+00, v41  }
0x4d6: {  	v60 =	vmul.f32 v49, v20;
	v49 =	vld [tilespmem:s28+$0xB5D0];
	v41 =	vadd.f32 v57, v42;
	v42 =	vmul.f32 v12, v25;
	v57, _, _ =	vpop (xrf2)  }
0x4d7: {  	v12 =	vbroadcast v57, $0xF;
	v57, _, _ =	vpop (xrf2);
	v0 =	vadd.f32 v54, v0;
	v54 =	vmul.f32 v37, v19;
	v37 =	vld [tilespmem:s28+$0x65E0]  }
0x4d8: {  	v15 =	vmul.f32 v15, v31;
	v31 =	vbroadcast v57, $0xF;
	v57 =	vld [tilespmem:$0x1FFD0]  }
0x4d9: {  	v25 =	vadd.f32 v60, v41;
	v60 =	vmul.f32 v47, v24;
	v47 =	vld [tilespmem:s28+$0xB5E0]  }
0x4da: {  	v0 =	vadd.f32 v54, v0;
	v54 =	vmul.f32 v33, v23;
	v33 =	vld [tilespmem:s28+$0xB5F0]  }
0x4db: {  	v30 =	vmul.f32 v14, v30;
	v41 =	vadd.f32 v60, v25;
	v60 =	vld [tilespmem:$0x1FFE0]  }
0x4dc: {  	v13 =	vmul.f32 v13, v63;
	v0 =	vadd.f32 v36, v0;
	v36, _, _ =	vpop (xrf2);
	v63 =	vadd.f32 $0.0e+00, v54;
	v54 =	vld [tilespmem:s28+$0xB600]  }
0x4dd: {  	v14 =	vmul.f32 v57, v12;
	v12 =	vbroadcast v36, $0xF;
	v36 =	vld [tilespmem:s28+$0x6610]  }
0x4de: {  	v37 =	vmul.f32 v47, v37;
	v47 =	vld [tilespmem:s28+$0x66C0]  }
0x4df: {  	v29 =	vmul.f32 v29, v45;
	v0 =	vadd.f32 v0, v41;
	v41 =	vld [tilespmem:s28+$0xB610]  }
0x4e0: {  	v25 =	vmul.f32 v60, v31;
	v31 =	vmul.f32 v32, v44;
	v32 =	vld [tilespmem:s28+$0x6600]  }
0x4e1: {  	v30 =	vmul.f32 v30, v20;
	v29 =	vadd.f32 v29, v63;
	v44 =	vld [tilespmem:s28+$0x6620]  }
0x4e2: {  	v15 =	vmul.f32 v15, v22;
	v33 =	vmul.f32 v33, v51;
	v51 =	vld [tilespmem:s28+$0xB6D0]  }
0x4e3: {  	v27 =	vmul.f32 v27, v23;
	v42 =	vmul.f32 v42, v24;
	v29 =	vadd.f32 v30, v29;
	v30 =	vld [tilespmem:s28+$0xB620]  }
0x4e4: {  	v15 =	vadd.f32 $0.0e+00, v15;
	v31 =	vmul.f32 v31, v21;
	v43 =	vmul.f32 v33, v56;
	v33 =	vld [tilespmem:s28+$0xB6B0]  }
0x4e5: {  	v29 =	vadd.f32 v42, v29;
	v42 =	vadd.f32 $0.0e+00, v27;
	v27 =	vmul.f32 v55, v20;
	v55 =	vld [tilespmem:$0x1EC00]  }
0x4e6: {  	v15 =	vadd.f32 v31, v15;
	v31 =	vld [tilespmem:s28+$0xB630]  }
0x4e7: {  	v13 =	vmul.f32 v13, v19;
	v41 =	vmul.f32 v41, v36;
	v36 =	vld [tilespmem:s28+$0x66B0]  }
0x4e8: {  	v17 =	vmul.f32 v17, v45;
	v18 =	vmul.f32 v54, v32;
	v54 =	vld [tilespmem:s28+$0x66E0]  }
0x4e9: {  	v4 =	vmul.f32 v4, v7;
	v7 =	vmul.f32 v51, v50;
	v50 =	vld [tilespmem:$0x1EC50]  }
0x4ea: {  	v5 =	vmul.f32 v5, v19;
	v13 =	vadd.f32 v13, v15;
	v15 =	vadd.f32 v17, v42;
	v17 =	vld [tilespmem:s28+$0x6670]  }
0x4eb: {  	v42 =	vmul.f32 v62, v24;
	v62 =	vmul.f32 v49, v40;
	v40 =	vld [tilespmem:s28+$0xB690]  }
0x4ec: {  	v26 =	vmul.f32 v26, v56;
	v3 =	vmul.f32 v3, v8;
	v49 =	vld [tilespmem:s28+$0xB6C0]  }
0x4ed: {  	v5 =	vadd.f32 v5, v6;
	v30 =	vmul.f32 v30, v44;
	v44 =	vmul.f32 v18, v23;
	v18 =	vld [tilespmem:s28+$0x6820]  }
0x4ee: {  	v3 =	vmul.f32 v3, v56;
	v63 =	vadd.f32 v53, v15;
	v15 =	vld [tilespmem:s28+$0xB670];
	v53 =	vmul.f32 v52, v35  }
0x4ef: {  	v13 =	vadd.f32 v26, v13;
	v26 =	vld [tilespmem:s28+$0x6680]  }
0x4f0: {  	v3 =	vadd.f32 v3, v5;
	v35 =	vld [tilespmem:s28+$0x66F0];
	v8 =	vadd.f32 v42, v63;
	v6 =	vmul.f32 v53, v22  }
0x4f1: {  	v58 =	vmul.f32 v48, v46;
	v42 =	vld [tilespmem:s28+$0x66A0];
	v63 =	vmul.f32 v37, v19  }
0x4f2: {  	v37 =	vld [tilespmem:s28+$0xB6A0];
	v3 =	vadd.f32 v3, v8;
	v6 =	vadd.f32 $0.0e+00, v6;
	v8 =	vmul.f32 v62, v21  }
0x4f3: {  	(xrf2) =	vadd.scan.msk.f32 $0xffff, v55;
	v55 =	vld [tilespmem:$0x1EC70];
	v13 =	vadd.f32 v13, v29  }
0x4f4: {  	v29 =	vmul.f32 v58, v24;
	v58 =	vmul.f32 v59, v26;
	v59 =	vld [tilespmem:s28+$0xB6E0];
	v6 =	vadd.f32 v8, v6  }
0x4f5: {  	v9 =	vmul.f32 v28, v9;
	v46 =	vmul.f32 v41, v45;
	v62 =	vld [tilespmem:$0x1EC10]  }
0x4f6: {  	v48 =	vmul.f32 v30, v20;
	v5 =	vadd.f32 v63, v6;
	v6 =	vadd.f32 $0.0e+00, v44;
	v44 =	vld [tilespmem:s28+$0xB6F0]  }
0x4f7: {  	v2 =	vadd.f32 v27, v2;
	v63 =	vmul.f32 v49, v47;
	v49 =	vmul.f32 v37, v42;
	v42 =	vld [tilespmem:$0x1EC90]  }
0x4f8: {  	v52 =	vmul.f32 v10, v22;
	v53 =	vmul.f32 v9, v21;
	v6 =	vadd.f32 v46, v6;
	v46 =	vld [tilespmem:$0x1EC30]  }
0x4f9: {  	v9 =	vmul.f32 v59, v54;
	v54 =	vmul.f32 v33, v36;
	v36 =	vld [tilespmem:$0x1FF00]  }
0x4fa: {  	v2 =	vadd.f32 v29, v2;
	v5 =	vadd.f32 v43, v5;
	v43 =	vmul.f32 v40, v39;
	v39 =	vld [tilespmem:$0x1FF10]  }
0x4fb: {  	v29 =	vadd.f32 v48, v6;
	v48 =	vld [tilespmem:$0x1EC40]  }
0x4fc: {  	v41 =	vmul.f32 v58, v23;
	v28 =	vadd.f32 v5, v2;
	v2 =	vadd.f32 $0.0e+00, v52;
	v52 =	vld [tilespmem:$0x1EC60]  }
0x4fd: {  	v47 =	vmul.f32 v63, v22;
	v5 =	vld [tilespmem:s28+$0x6700]  }
0x4fe: {  	v6 =	vadd.f32 $0.0e+00, v41;
	v41 =	vld [tilespmem:$0x1EC80]  }
0x4ff: {  	v7 =	vmul.f32 v7, v21;
	v8 =	vmul.f32 v43, v45;
	v51 =	vadd.f32 $0.0e+00, v47;
	v43 =	vld [tilespmem:$0x1FF20]  }
0x500: {  	v47 =	vld [tilespmem:$0x1ECA0]  }
0x501: {  	v58 =	vadd.f32 v7, v51;
	v7 =	vld [tilespmem:s28+$0xB700]  }
0x502: {  	v6 =	vadd.f32 v8, v6;
	v8 =	vld [tilespmem:s28+$0xB710]  }
0x503: {  	(xrf2) =	vadd.scan.msk.f32 $0xffff, v62;
	v2 =	vadd.f32 v53, v2;
	v53 =	vmul.f32 v49, v20;
	v49 =	vld [tilespmem:$0x1FF30]  }
0x504: {  	(xrf2) =	vadd.scan.msk.f32 $0xffff, v38;
	v51 =	vld [tilespmem:$0x1ECC0]  }
0x505: {  	(xrf2) =	vadd.scan.msk.f32 $0xffff, v46;
	v46 =	vld [tilespmem:$0x1FFF0]  }
0x506: {  	v9 =	vmul.f32 v9, v19;
	v26 =	vmul.f32 v44, v35;
	v63 =	vadd.f32 v53, v6;
	v6 =	vld [tilespmem:s28+$0x6710]  }
0x507: {  	v4 =	vmul.f32 v4, v19;
	v53 =	vld [tilespmem:$0x1FF40]  }
0x508: {  	v15 =	vmul.f32 v15, v17;
	v26 =	vmul.f32 v26, v56;
	v9 =	vadd.f32 v9, v58;
	(xrf2) =	vadd.scan.msk.f32 $0xffff, v48;
	v48 =	vld [tilespmem:$0x1ECB0]  }
0x509: {  	v10 =	vmul.f32 v54, v24;
	v17 =	vadd.f32 v42, v41;
	v42 =	vld [tilespmem:$0x1FF70]  }
0x50a: {  	v62 =	vmul.f32 v15, v56;
	v59 =	vadd.f32 v4, v2;
	v32 =	vadd.f32 v26, v9;
	v9 =	vld [tilespmem:s28+$0xB720]  }
0x50b: {  	v4 =	vadd.f32 v10, v63;
	v10 =	vld [tilespmem:s28+$0xB730]  }
0x50c: {  	(xrf2) =	vadd.scan.msk.f32 $0xffff, v50;
	v2 =	vadd.f32 v62, v59;
	v62 =	vld [tilespmem:$0x1FF60]  }
0x50d: {  	(xrf2) =	vadd.scan.msk.f32 $0xffff, v52;
	v52 =	vld [tilespmem:$0x1ECD0]  }
0x50e: {  	v11 =	vmul.f32 v31, v11;
	v5 =	vmul.f32 v7, v5;
	v7 =	vld [tilespmem:s28+$0xB820]  }
0x50f: {  	(xrf2) =	vadd.scan.msk.f32 $0xffff, v55;
	v55 =	vld [tilespmem:$0x1FF50]  }
0x510: {  	v11 =	vmul.f32 v11, v24;
	v27, _, _ =	vpop (xrf2);
	v4 =	vadd.f32 v32, v4;
	v32 =	vld [tilespmem:s28+$0x6760]  }
0x511: {  	v31, _, _ =	vpop (xrf2);
	(xrf2) =	vadd.scan.msk.f32 $0xffff, v1;
	v1 =	vld [tilespmem:s28+$0x6720]  }
0x512: {  	v29 =	vadd.f32 v11, v29;
	v12 =	vmul.f32 v46, v12;
	v35, _, _ =	vpop (xrf2);
	(xrf2) =	vadd.scan.msk.f32 $0xffff, v34;
	v34 =	vbroadcast v31, $0xF;
	v31 =	vld [tilespmem:s28+$0xB750]  }
0x513: {  	v33 =	vadd.f32 v14, v16;
	v37 =	vbroadcast v35, $0xF;
	v26 =	vadd.f32 v48, v47;
	v47 =	vld [tilespmem:$0x1FF80]  }
0x514: {  	v12 =	vadd.f32 v12, v25;
	(xrf2) =	vadd.scan.msk.f32 $0xffff, v0;
	v0 =	vadd.f32 v2, v29;
	v2 =	vld [tilespmem:s28+$0x6730]  }
0x515: {  	v11 =	vmul.f32 v43, v37;
	v37 =	vld [tilespmem:s28+$0x6780]  }
0x516: {  	v12 =	vadd.f32 v12, v33;
	v33 =	vld [tilespmem:s28+$0xB760]  }
0x517: {  	v14 =	vmul.f32 v39, v34;
	v34 =	vld [tilespmem:s28+$0x6770]  }
0x518: {  	v29 =	vadd.f32 v52, v51;
	v52 =	vld [tilespmem:$0x1FFA0]  }
0x519: {  	v39 =	vld [tilespmem:s28+$0xB780]  }
0x51a: {  	v30 =	vbroadcast v27, $0xF;
	v17 =	vadd.f32 v26, v17;
	v26 =	vld [tilespmem:s28+$0x6910]  }
0x51b: {  	(xrf2) =	vadd.scan.msk.f32 $0xffff, v13;
	v7 =	vmul.f32 v7, v18;
	v18 =	vld [tilespmem:s28+$0xBA00]  }
0x51c: {  	(xrf2) =	vadd.scan.msk.f32 $0xffff, v3;
	v3 =	vmul.f32 v36, v30;
	v36 =	vld [tilespmem:s28+$0xB770]  }
0x51d: {  	v38, _, _ =	vpop (xrf2);
	(xrf2) =	vadd.scan.msk.f32 $0xffff, v28;
	v28 =	vld [tilespmem:s28+$0x6750]  }
0x51e: {  	v1 =	vmul.f32 v9, v1;
	v9 =	vld [tilespmem:s28+$0xB840]  }
0x51f: {  	v15 =	vbroadcast v38, $0xF;
	v40, _, _ =	vpop (xrf2);
	(xrf2) =	vadd.scan.msk.f32 $0xffff, v0;
	v0 =	vld [tilespmem:s28+$0x6740]  }
0x520: {  	v3 =	vadd.f32 v14, v3;
	v14 =	vld [tilespmem:s28+$0xB7A0];
	v44, _, _ =	vpop (xrf2)  }
0x521: {  	(xrf2) =	vadd.scan.msk.f32 $0xffff, v4;
	v4 =	vld [tilespmem:s28+$0xB740];
	v15 =	vmul.f32 v49, v15;
	v50, _, _ =	vpop (xrf2)  }
0x522: {  	v49 =	vld [tilespmem:$0x1FF90];
	v25 =	vbroadcast v44, $0xF;
	v54, _, _ =	vpop (xrf2)  }
0x523: {  	v16 =	vbroadcast v40, $0xF;
	v11 =	vadd.f32 v15, v11;
	v58 =	vbroadcast v54, $0xF;
	v54 =	vld [tilespmem:$0x1FE70]  }
0x524: {  	v13 =	vmul.f32 v55, v25;
	v59, _, _ =	vpop (xrf2);
	v55 =	vld [tilespmem:$0x1FFB0]  }
0x525: {  	v16 =	vmul.f32 v53, v16;
	v41, _, _ =	vpop (xrf2);
	v3 =	vadd.f32 v11, v3;
	v11 =	vld [tilespmem:s28+$0x67F0]  }
0x526: {  	v27 =	vbroadcast v50, $0xF;
	v43 =	vbroadcast v41, $0xF;
	v41 =	vld [tilespmem:s28+$0x6790]  }
0x527: {  	v2 =	vmul.f32 v10, v2;
	v40 =	vbroadcast v59, $0xF;
	v44, _, _ =	vpop (xrf2);
	v13 =	vadd.f32 v13, v16;
	v16 =	vld [tilespmem:s28+$0x67D0]  }
0x528: {  	v12 =	vadd.f32 v12, v29;
	v63 =	vmul.f32 v62, v27;
	v30 =	vbroadcast v44, $0xF;
	v44 =	vld [tilespmem:s28+$0x67A0]  }
0x529: {  	v25 =	vmul.f32 v42, v58;
	v27 =	vmul.f32 v47, v40;
	v47 =	vld [tilespmem:s28+$0x67E0]  }
0x52a: {  	v12 =	vadd.f32 v12, v17;
	v17 =	vmul.f32 v49, v43;
	v43 =	vld [tilespmem:s28+$0xB790]  }
0x52b: {  	v1 =	vmul.f32 v1, v20;
	v2 =	vmul.f32 v2, v24;
	v48, _, _ =	vpop (xrf2);
	v62 =	vadd.f32 v25, v63;
	v25 =	vld [tilespmem:s28+$0x67B0]  }
0x52c: {  	v0 =	vmul.f32 v4, v0;
	v50 =	vbroadcast v48, $0xF;
	v51, _, _ =	vpop (xrf2);
	v48 =	vld [tilespmem:s28+$0xB7E0]  }
0x52d: {  	v49 =	vld [tilespmem:s28+$0xB7F0];
	v30 =	vmul.f32 v52, v30;
	v35 =	vbroadcast v51, $0xF  }
0x52e: {  	v53, _, _ =	vpop (xrf2);
	v12 =	vadd.f32 v12, v54;
	v51 =	vmul.f32 v5, v23;
	v52 =	vmul.f32 v8, v6;
	v6 =	vld [tilespmem:s28+$0xB830]  }
0x52f: {  	v29 =	vmul.f32 v55, v50;
	v38 =	vbroadcast v53, $0xF;
	v17 =	vadd.f32 v17, v27;
	v27 =	vld [tilespmem:s28+$0xB7B0]  }
0x530: {  	v58, _, _ =	vpop (xrf2);
	v53 =	vmul.f32 v31, v28;
	v28 =	vld [tilespmem:s28+$0x6840];
	v35 =	vmul.f32 v61, v35  }
0x531: {  	v31 =	vld [tilespmem:s28+$0x6860];
	v40 =	vbroadcast v58, $0xF;
	v12 =	vsub.f32 $0.0e+00, v12;
	v5 =	vmul.f32 v52, v45  }
0x532: {  	v59, _, _ =	vpop (xrf2);
	v4 =	vadd.f32 $0.0e+00, v51;
	v58 =	vmul.f32 v39, v37;
	v52 =	vld [tilespmem:s28+$0x68B0];
	v38 =	vmul.f32 v57, v38  }
0x533: {  	v42 =	vbroadcast v59, $0xF;
	v63 =	vadd.f32 v29, v30;
	v30 =	vld [tilespmem:s28+$0x67C0];
	v8 =	vmul.f32 v53, v21  }
0x534: {  	v29 =	vld [tilespmem:s28+$0x6800];
	v57 =	vmul.f32 v36, v34;
	v14 =	vmul.f32 v14, v44  }
0x535: {  	v34 =	vld [tilespmem:s28+$0x6870];
	v40 =	vmul.f32 v60, v40;
	v12 =	vmul.f32 $1.442695020e+00, v12;
	v4 =	vadd.f32 v5, v4  }
0x536: {  	v60 =	vmul.f32 v43, v41;
	v61 =	vmul.f32 v46, v42;
	v42 =	vadd.f32 v63, v17;
	v17 =	vld [tilespmem:s28+$0xB7D0]  }
0x537: {  	v44 =	vld [tilespmem:s28+$0xB890];
	v11 =	vmul.f32 v49, v11;
	v38 =	vadd.f32 v38, v35;
	v1 =	vadd.f32 v1, v4  }
0x538: {  	v43 =	vld [tilespmem:s28+$0x6890];
	v59 =	vmul.f32 v57, v56;
	v15 =	vadd.f32 v61, v40;
	v61 =	vmul.f32 v58, v23  }
0x539: {  	v53 =	vld [tilespmem:s28+$0xB8B0];
	v14 =	vmul.f32 v14, v20;
	v40 =	vadd.f32 v62, v13;
	v1 =	vadd.f32 v2, v1  }
0x53a: {  	v5 =	vld [tilespmem:s28+$0xB850];
	v63 =	vmul.f32 v60, v45;
	v15 =	vadd.f32 v15, v38;
	v2 =	vadd.f32 $0.0e+00, v61  }
0x53b: {  	v49 =	vld [tilespmem:s28+$0xB8A0];
	(erf) = vpow2.f32 v12;
	v3 =	vadd.f32 v40, v3;
	v41 =	vmul.f32 v17, v16  }
0x53c: {  	v35 =	vld [tilespmem:s28+$0xB800];
	v25 =	vmul.f32 v27, v25;
	v46 =	vadd.f32 v15, v42;
	v2 =	vadd.f32 v63, v2  }
0x53d: {  	v57 =	vld [tilespmem:s28+$0x68C0];
	v10 =	vmul.f32 v41, v21;
	v41 =	vmul.f32 v44, v43  }
0x53e: {  	v12 =	vld [tilespmem:s28+$0xB7C0];
	v3 =	vadd.f32 v46, v3;
	v46 =	vmul.f32 v25, v24;
	v2 =	vadd.f32 v14, v2  }
0x53f: {  	v4 =	vld [tilespmem:s28+$0xB870]  }
0x540: {  	v2 =	vadd.f32 v46, v2;
	v46 =	vmul.f32 v41, v45;
	v41 =	vld [tilespmem:s28+$0x6AE0]  }
0x541: {  	v9 =	vmul.f32 v9, v28;
	v28 =	vld [tilespmem:s28+$0xB900]  }
0x542: {  	v27 =	vld [tilespmem:s28+$0x6930]  }
0x543: {  	v13 =	vmul.f32 v48, v47;
	v47 =	vld [tilespmem:s28+$0x68A0]  }
0x544: {  	v58 =	vld [tilespmem:s28+$0xB8C0]  }
0x545: {  	[tilespmem:$0x1ED10] =	vst v41;
	v41 =	vld [tilespmem:s28+$0xBAE0]  }
0x546: {  	v40 =	vld [tilespmem:s28+$0x6810]  }
0x547: {  	v61 =	vld [tilespmem:s28+$0xB8D0]  }
0x548: {  	v48 =	vmul.f32 v13, v19;
	v13 =	vld [tilespmem:s28+$0xB920]  }
0x549: {  	v16 =	vld [tilespmem:s28+$0xB930]  }
0x54a: {  	[tilespmem:$0x1ED20] =	vst v41;
	v41 =	vld [tilespmem:s28+$0x6AF0]  }
0x54b: {  	v17 =	vld [tilespmem:s28+$0x69B0]  }
0x54c: {  	v42 =	vld [tilespmem:s28+$0xB810]  }
0x54d: {  	v30 =	vmul.f32 v12, v30;
	v12 =	vld [tilespmem:s28+$0x6880]  }
0x54e: {  	v63 =	vld [tilespmem:s28+$0x68E0]  }
0x54f: {  	[tilespmem:$0x1ED50] =	vst v41;
	v41 =	vld [tilespmem:s28+$0xBAF0]  }
0x550: {  	v15 =	vld [tilespmem:s28+$0x6920]  }
0x551: {  	v47 =	vmul.f32 v49, v47;
	v49 =	vmul.f32 v53, v52;
	v25 =	vld [tilespmem:s28+$0x69D0]  }
0x552: {  	v14 =	vld [tilespmem:s28+$0xB9D0]  }
0x553: {  	v52 =	vmul.f32 v49, v24;
	v49 =	vld [tilespmem:s28+$0x6A60]  }
0x554: {  	[tilespmem:$0x1ED60] =	vst v41;
	v41 =	vld [tilespmem:s28+$0x6B00]  }
0x555: {  	v3 =	vadd.f32 v3, v54;
	v54 =	vmul.f32 v33, v32;
	v32 =	vld [tilespmem:s28+$0x6850]  }
0x556: {  	v33 =	vld [tilespmem:s28+$0xB860]  }
0x557: {  	v0 =	vmul.f32 v0, v22;
	v50 =	vpop (erf);
	v51 =	vmul.f32 v42, v40;
	v42 =	vld [tilespmem:s28+$0xB8F0]  }
0x558: {  	v38 =	vadd.f32 $1.000000000e+00, v50;
	v50 =	vmul.f32 v35, v29;
	v29 =	vld [tilespmem:s28+$0xB990]  }
0x559: {  	v0 =	vadd.f32 $0.0e+00, v0;
	v3 =	vsub.f32 $0.0e+00, v3;
	[tilespmem:$0x1ED70] =	vst v41;
	v41 =	vld [tilespmem:s28+$0xBB00]  }
0x55a: {  	v35 =	vld [tilespmem:s28+$0x69A0];
	v55 =	vmul.f32 v54, v19  }
0x55b: {  	v0 =	vadd.f32 v8, v0;
	(erf) = vrcp.f32 v38;
	v38 =	vld [tilespmem:s28+$0xB880];
	v3 =	vmul.f32 $1.442695020e+00, v3  }
0x55c: {  	v5 =	vmul.f32 v5, v32;
	v32 =	vld [tilespmem:s28+$0x6900]  }
0x55d: {  	v0 =	vadd.f32 v55, v0;
	(erf) = vpow2.f32 v3;
	v3 =	vld [tilespmem:s28+$0x6830]  }
0x55e: {  	[tilespmem:$0x1ED80] =	vst v41;
	v41 =	vld [tilespmem:s28+$0x6B10]  }
0x55f: {  	v39 =	vmul.f32 v30, v22;
	v0 =	vadd.f32 v59, v0;
	v59 =	vld [tilespmem:s28+$0x68D0]  }
0x560: {  	v12 =	vmul.f32 v38, v12;
	v38 =	vld [tilespmem:s28+$0xB8E0]  }
0x561: {  	v54 =	vmul.f32 v50, v23;
	v0 =	vadd.f32 v0, v1;
	v1 =	vadd.f32 $0.0e+00, v39;
	v39 =	vld [tilespmem:s28+$0x68F0]  }
0x562: {  	v40 =	vmul.f32 v12, v23;
	v12 =	vld [tilespmem:s28+$0xB910]  }
0x563: {  	v55 =	vmul.f32 v51, v45;
	v8 =	vadd.f32 $0.0e+00, v54;
	[tilespmem:$0x1ED90] =	vst v41;
	v41 =	vld [tilespmem:s28+$0xBB10]  }
0x564: {  	v1 =	vadd.f32 v10, v1;
	v10 =	vld [tilespmem:s28+$0x6950]  }
0x565: {  	v7 =	vmul.f32 v7, v20;
	v8 =	vadd.f32 v55, v8;
	(xrf2) =	vadd.scan.msk.f32 $0xffff, v0;
	v0 =	vld [tilespmem:s28+$0xB960]  }
0x566: {  	v30 =	vmov v20;
	v1 =	vadd.f32 v48, v1;
	v48 =	vmul.f32 v47, v20;
	v20 =	vld [tilespmem:s28+$0x6990]  }
0x567: {  	v7 =	vadd.f32 v7, v8;
	v3 =	vmul.f32 v6, v3;
	v8 =	vadd.f32 $0.0e+00, v40;
	v40 =	vld [tilespmem:s28+$0x6A40]  }
0x568: {  	v6 =	vmul.f32 v58, v57;
	v44 =	vmul.f32 v61, v59;
	[tilespmem:$0x1EDA0] =	vst v41;
	v41 =	vld [tilespmem:s28+$0x6B20]  }
0x569: {  	v4 =	vmul.f32 v4, v34;
	v5 =	vmul.f32 v5, v21;
	v47 =	vld [tilespmem:s28+$0xBA60]  }
0x56a: {  	v34 =	vmov v21;
	v43 =	vmul.f32 v6, v22;
	v6 =	vmul.f32 v44, v21;
	v21 =	vld [tilespmem:s28+$0x69E0]  }
0x56b: {  	v36 =	vpop (erf);
	v51 =	vmul.f32 v42, v39;
	v42 =	vld [tilespmem:s28+$0x69F0]  }
0x56c: {  	[tilespmem:s24+$0xFFFFFFF0] =	vst v36;
	v36 =	vld [tilespmem:s28+$0xB9F0]  }
0x56d: {  	[tilespmem:$0x1EDB0] =	vst v41;
	v41 =	vld [tilespmem:s28+$0xBB20]  }
0x56e: {  	v11 =	vmul.f32 v11, v56;
	v44 =	vld [tilespmem:s28+$0x6A00]  }
0x56f: {  	v39 =	vld [tilespmem:s28+$0xBA40]  }
0x570: {  	v1 =	vadd.f32 v11, v1;
	v11 =	vld [tilespmem:s28+$0x6980]  }
0x571: {  	v3 =	vmul.f32 v3, v24;
	v8 =	vadd.f32 v46, v8;
	v46 =	vld [tilespmem:s28+$0x6A10]  }
0x572: {  	[tilespmem:$0x1EDC0] =	vst v41;
	v41 =	vld [tilespmem:s28+$0x6B30]  }
0x573: {  	v3 =	vadd.f32 v3, v7;
	v7 =	vld [tilespmem:s28+$0x6960]  }
0x574: {  	v62 =	vpop (erf);
	v53 =	vmul.f32 v51, v56;
	v51 =	vld [tilespmem:s28+$0x6AA0]  }
0x575: {  	v60 =	vmul.f32 v33, v31;
	v33 =	vmovc v22;
	v37 =	vadd.f32 $1.000000000e+00, v62;
	v62 =	vmul.f32 v9, v22;
	v22 =	vld [tilespmem:s28+$0xB9A0]  }
0x576: {  	v9 =	vmul.f32 v38, v63;
	v38 =	vld [tilespmem:s28+$0xBA50]  }
0x577: {  	[tilespmem:$0x1EDD0] =	vst v41;
	v41 =	vld [tilespmem:s28+$0xBB30]  }
0x578: {  	v8 =	vadd.f32 v48, v8;
	v48 =	vld [tilespmem:s28+$0x6A80]  }
0x579: {  	v63 =	vld [tilespmem:s28+$0x6A90]  }
0x57a: {  	v54 =	vadd.f32 v52, v8;
	v8 =	vld [tilespmem:s28+$0x6940]  }
0x57b: {  	v50 =	vmul.f32 v9, v19;
	v9 =	vld [tilespmem:s28+$0xB980]  }
0x57c: {  	v1 =	vadd.f32 v1, v2;
	[tilespmem:$0x1EDE0] =	vst v41;
	v41 =	vld [tilespmem:s28+$0x6B40]  }
0x57d: {  	(erf) = vrcp.f32 v37;
	v37 =	vld [tilespmem:s28+$0xB9B0]  }
0x57e: {  	v2 =	vadd.f32 $0.0e+00, v62;
	(xrf2) =	vadd.scan.msk.f32 $0xffff, v1;
	v1 =	vld [tilespmem:s28+$0xB9C0]  }
0x57f: {  	v52 =	vld [tilespmem:s28+$0x6A20]  }
0x580: {  	v2 =	vadd.f32 v5, v2;
	v5 =	vadd.f32 $0.0e+00, v43;
	v43 =	vld [tilespmem:s28+$0x6A50]  }
0x581: {  	[tilespmem:$0x1EDF0] =	vst v41;
	v41 =	vld [tilespmem:s28+$0xBB40]  }
0x582: {  	v59, _, _ =	vpop (xrf2);
	[tilespmem:$0x1ECF0] =	vst v51;
	v51 =	vld [tilespmem:s28+$0xBAC0]  }
0x583: {  	[tilespmem:$0x1F650] =	vst v59;
	v59 =	vld [tilespmem:s28+$0xBA90]  }
0x584: {  	v31 =	vmul.f32 v60, v19;
	[tilespmem:$0x1ECE0] =	vst v63;
	v63 =	vld [tilespmem:s28+$0xBAB0]  }
0x585: {  	v5 =	vadd.f32 v6, v5;
	v6 =	vld [tilespmem:s28+$0xB950]  }
0x586: {  	v4 =	vmul.f32 v4, v56;
	v2 =	vadd.f32 v31, v2;
	[tilespmem:$0x1EE00] =	vst v41;
	v41 =	vld [tilespmem:s28+$0x6B50]  }
0x587: {  	v31 =	vld [tilespmem:s28+$0xB9E0]  }
0x588: {  	v5 =	vadd.f32 v50, v5;
	v2 =	vadd.f32 v4, v2;
	v4 =	vld [tilespmem:s28+$0xB970]  }
0x589: {  	v50 =	vld [tilespmem:s28+$0xBA20]  }
0x58a: {  	v5 =	vadd.f32 v53, v5;
	v55 =	vadd.f32 v2, v3;
	v3 =	vld [tilespmem:s28+$0xB940]  }
0x58b: {  	[tilespmem:$0x1EE10] =	vst v41;
	v41 =	vld [tilespmem:s28+$0xBB50]  }
0x58c: {  	v2 =	vld [tilespmem:s28+$0x69C0];
	v57 =	vadd.f32 v5, v54  }
0x58d: {  	v53 =	vld [tilespmem:s28+$0xBA70];
	(xrf2) =	vadd.scan.msk.f32 $0xffff, v55  }
0x58e: {  	[tilespmem:$0x1ED40] =	vst v63;
	v63 =	vld [tilespmem:s28+$0x6AC0];
	(xrf2) =	vadd.scan.msk.f32 $0xffff, v57  }
0x58f: {  	v5 =	vld [tilespmem:s28+$0x6970]  }
0x590: {  	v58 =	vpop (erf);
	[tilespmem:$0x1EE20] =	vst v41;
	v41 =	vld [tilespmem:s28+$0x6B60]  }
0x591: {  	v60, _, _ =	vpop (xrf2);
	[tilespmem:s24+$0x0] =	vst v58;
	v58 =	vld [tilespmem:s28+$0xBAA0]  }
0x592: {  	[tilespmem:$0x1F660] =	vst v60;
	v60 =	vld [tilespmem:s28+$0x6AB0]  }
0x593: {  	v55 =	vld [tilespmem:s28+$0xBA30]  }
0x594: {  	v54 =	vld [tilespmem:s28+$0x6A70]  }
0x595: {  	[tilespmem:$0x1EE30] =	vst v41;
	v41 =	vld [tilespmem:s28+$0xBB60]  }
0x596: {  	v57 =	vld [tilespmem:s28+$0xBA10];
	[tilespmem:$0x1ED00] =	vst v58  }
0x597: {  	v58 =	vld [tilespmem:s28+$0x6AD0];
	[tilespmem:$0x1ED30] =	vst v60;
	v61, _, _ =	vpop (xrf2)  }
0x598: {  	v60 =	vld [tilespmem:s28+$0xBAD0];
	[tilespmem:$0x1F670] =	vst v61;
	v62, _, _ =	vpop (xrf2)  }
0x599: {  	v61 =	vld [tilespmem:s28+$0x6A30];
	[tilespmem:$0x1F680] =	vst v62  }
0x59a: {  	v62 =	vld [tilespmem:s28+$0xBA80];
	[tilespmem:$0x1EE40] =	vst v41  }
0x59b: {  	v41 =	vld [tilespmem:s28+$0x6B70];
	_ =	sdelay $0x4  }
0x59c: {  	[tilespmem:$0x1EE50] =	vst v41;
	v41 =	vld [tilespmem:s28+$0xBB70];
	_ =	sdelay $0x4  }
0x59d: {  	[tilespmem:$0x1EE60] =	vst v41;
	v41 =	vld [tilespmem:s28+$0x6B80];
	_ =	sdelay $0x4  }
0x59e: {  	[tilespmem:$0x1EE70] =	vst v41;
	v41 =	vld [tilespmem:s28+$0xBB80];
	_ =	sdelay $0x4  }
0x59f: {  	[tilespmem:$0x1EE80] =	vst v41;
	v41 =	vld [tilespmem:s28+$0x6B90];
	_ =	sdelay $0x4  }
0x5a0: {  	[tilespmem:$0x1EE90] =	vst v41;
	v41 =	vld [tilespmem:s28+$0xBB90];
	_ =	sdelay $0x4  }
0x5a1: {  	[tilespmem:$0x1EEA0] =	vst v41;
	v41 =	vld [tilespmem:s28+$0x6BA0];
	_ =	sdelay $0x4  }
0x5a2: {  	[tilespmem:$0x1EEB0] =	vst v41;
	v41 =	vld [tilespmem:s28+$0xBBA0];
	_ =	sdelay $0x4  }
0x5a3: {  	[tilespmem:$0x1EEC0] =	vst v41;
	v41 =	vld [tilespmem:s28+$0x6BB0];
	_ =	sdelay $0x4  }
0x5a4: {  	[tilespmem:$0x1EEF0] =	vst v41;
	v41 =	vld [tilespmem:s28+$0xBBB0];
	_ =	sdelay $0x4  }
0x5a5: {  	[tilespmem:$0x1EF00] =	vst v41;
	v41 =	vld [tilespmem:s28+$0x6BC0];
	_ =	sdelay $0x4  }
0x5a6: {  	[tilespmem:$0x1EED0] =	vst v41;
	v41 =	vld [tilespmem:s28+$0xBBC0];
	_ =	sdelay $0x4  }
0x5a7: {  	[tilespmem:$0x1EEE0] =	vst v41;
	v41 =	vld [tilespmem:s28+$0x6BD0];
	_ =	sdelay $0x4  }
0x5a8: {  	[tilespmem:$0x1EF10] =	vst v41;
	v41 =	vld [tilespmem:s28+$0xBBD0];
	_ =	sdelay $0x4  }
0x5a9: {  	[tilespmem:$0x1EF20] =	vst v41;
	v41 =	vld [tilespmem:s28+$0x6BE0];
	_ =	sdelay $0x4  }
0x5aa: {  	[tilespmem:$0x1EF30] =	vst v41;
	v41 =	vld [tilespmem:s28+$0xBBE0];
	_ =	sdelay $0x4  }
0x5ab: {  	[tilespmem:$0x1EF40] =	vst v41;
	v41 =	vld [tilespmem:s28+$0x6BF0];
	_ =	sdelay $0x4  }
0x5ac: {  	[tilespmem:$0x1EF50] =	vst v41;
	v41 =	vld [tilespmem:s28+$0xBBF0];
	_ =	sdelay $0x4  }
0x5ad: {  	[tilespmem:$0x1EF60] =	vst v41;
	v41 =	vld [tilespmem:s28+$0x6C00];
	_ =	sdelay $0x4  }
0x5ae: {  	[tilespmem:$0x1EF70] =	vst v41;
	v41 =	vld [tilespmem:s28+$0xBC00];
	_ =	sdelay $0x4  }
0x5af: {  	[tilespmem:$0x1EF80] =	vst v41;
	v41 =	vld [tilespmem:s28+$0x6C10];
	_ =	sdelay $0x4  }
0x5b0: {  	[tilespmem:$0x1EF90] =	vst v41;
	v41 =	vld [tilespmem:s28+$0xBC10];
	_ =	sdelay $0x4  }
0x5b1: {  	[tilespmem:$0x1EFA0] =	vst v41;
	v41 =	vld [tilespmem:s28+$0x6C20];
	_ =	sdelay $0x4  }
0x5b2: {  	[tilespmem:$0x1EFB0] =	vst v41;
	v41 =	vld [tilespmem:s28+$0xBC20];
	_ =	sdelay $0x4  }
0x5b3: {  	[tilespmem:$0x1EFC0] =	vst v41;
	v41 =	vld [tilespmem:s28+$0x6C30];
	_ =	sdelay $0x4  }
0x5b4: {  	[tilespmem:$0x1EFF0] =	vst v41;
	v41 =	vld [tilespmem:s28+$0xBC30];
	_ =	sdelay $0x4  }
0x5b5: {  	[tilespmem:$0x1F000] =	vst v41;
	v41 =	vld [tilespmem:s28+$0x6C40];
	_ =	sdelay $0x4  }
0x5b6: {  	[tilespmem:$0x1EFD0] =	vst v41;
	v41 =	vld [tilespmem:s28+$0xBC40];
	_ =	sdelay $0x4  }
0x5b7: {  	[tilespmem:$0x1EFE0] =	vst v41;
	v41 =	vld [tilespmem:s28+$0x6C50];
	_ =	sdelay $0x4  }
0x5b8: {  	[tilespmem:$0x1F010] =	vst v41;
	v41 =	vld [tilespmem:s28+$0xBC50];
	_ =	sdelay $0x4  }
0x5b9: {  	[tilespmem:$0x1F020] =	vst v41;
	v41 =	vld [tilespmem:s28+$0x6C60];
	_ =	sdelay $0x4  }
0x5ba: {  	[tilespmem:$0x1F030] =	vst v41;
	v41 =	vld [tilespmem:s28+$0xBC60];
	_ =	sdelay $0x4  }
0x5bb: {  	[tilespmem:$0x1F040] =	vst v41;
	v41 =	vld [tilespmem:s28+$0x6C70];
	_ =	sdelay $0x4  }
0x5bc: {  	[tilespmem:$0x1F050] =	vst v41;
	v41 =	vld [tilespmem:s28+$0xBC70];
	_ =	sdelay $0x4  }
0x5bd: {  	[tilespmem:$0x1F060] =	vst v41;
	v41 =	vld [tilespmem:s28+$0x6C80];
	_ =	sdelay $0x4  }
0x5be: {  	[tilespmem:$0x1F070] =	vst v41;
	v41 =	vld [tilespmem:s28+$0xBC80];
	_ =	sdelay $0x4  }
0x5bf: {  	[tilespmem:$0x1F080] =	vst v41;
	v41 =	vld [tilespmem:s28+$0x6C90];
	_ =	sdelay $0x4  }
0x5c0: {  	[tilespmem:$0x1F090] =	vst v41;
	v41 =	vld [tilespmem:s28+$0xBC90];
	_ =	sdelay $0x4  }
0x5c1: {  	[tilespmem:$0x1F0A0] =	vst v41;
	v41 =	vld [tilespmem:s28+$0x6CA0];
	_ =	sdelay $0x4  }
0x5c2: {  	[tilespmem:$0x1F0B0] =	vst v41;
	v41 =	vld [tilespmem:s28+$0xBCA0];
	_ =	sdelay $0x4  }
0x5c3: {  	[tilespmem:$0x1F0C0] =	vst v41;
	v41 =	vld [tilespmem:s28+$0x6CB0];
	_ =	sdelay $0x4  }
0x5c4: {  	[tilespmem:$0x1F0F0] =	vst v41;
	v41 =	vld [tilespmem:s28+$0xBCB0];
	_ =	sdelay $0x4  }
0x5c5: {  	[tilespmem:$0x1F100] =	vst v41;
	v41 =	vld [tilespmem:s28+$0x6CC0];
	_ =	sdelay $0x4  }
0x5c6: {  	[tilespmem:$0x1F0D0] =	vst v41;
	v41 =	vld [tilespmem:s28+$0xBCC0];
	_ =	sdelay $0x4  }
0x5c7: {  	[tilespmem:$0x1F0E0] =	vst v41;
	v41 =	vld [tilespmem:s28+$0x6CD0];
	_ =	sdelay $0x4  }
0x5c8: {  	[tilespmem:$0x1F110] =	vst v41;
	v41 =	vld [tilespmem:s28+$0xBCD0];
	_ =	sdelay $0x4  }
0x5c9: {  	[tilespmem:$0x1F120] =	vst v41;
	v41 =	vld [tilespmem:s28+$0x6CE0];
	_ =	sdelay $0x4  }
0x5ca: {  	[tilespmem:$0x1F130] =	vst v41;
	v41 =	vld [tilespmem:s28+$0xBCE0];
	_ =	sdelay $0x4  }
0x5cb: {  	[tilespmem:$0x1F140] =	vst v41;
	v41 =	vld [tilespmem:s28+$0x6CF0];
	_ =	sdelay $0x4  }
0x5cc: {  	[tilespmem:$0x1F150] =	vst v41;
	v41 =	vld [tilespmem:s28+$0xBCF0];
	_ =	sdelay $0x4  }
0x5cd: {  	[tilespmem:$0x1F160] =	vst v41;
	v41 =	vld [tilespmem:s28+$0x6D00];
	_ =	sdelay $0x4  }
0x5ce: {  	[tilespmem:$0x1F170] =	vst v41;
	v41 =	vld [tilespmem:s28+$0xBD00];
	_ =	sdelay $0x4  }
0x5cf: {  	[tilespmem:$0x1F180] =	vst v41;
	v41 =	vld [tilespmem:s28+$0x6D10];
	_ =	sdelay $0x4  }
0x5d0: {  	[tilespmem:$0x1F190] =	vst v41;
	v41 =	vld [tilespmem:s28+$0xBD10];
	_ =	sdelay $0x4  }
0x5d1: {  	[tilespmem:$0x1F1A0] =	vst v41;
	v41 =	vld [tilespmem:s28+$0x6D20];
	_ =	sdelay $0x4  }
0x5d2: {  	[tilespmem:$0x1F1B0] =	vst v41;
	v41 =	vld [tilespmem:s28+$0xBD20];
	_ =	sdelay $0x4  }
0x5d3: {  	[tilespmem:$0x1F1C0] =	vst v41;
	v41 =	vld [tilespmem:s28+$0x6D30];
	_ =	sdelay $0x4  }
0x5d4: {  	[tilespmem:$0x1F1D0] =	vst v41;
	v41 =	vld [tilespmem:s28+$0xBD30];
	_ =	sdelay $0x4  }
0x5d5: {  	[tilespmem:$0x1F1E0] =	vst v41;
	v41 =	vld [tilespmem:s28+$0x6D40];
	_ =	sdelay $0x4  }
0x5d6: {  	[tilespmem:$0x1F1F0] =	vst v41;
	v41 =	vld [tilespmem:s28+$0xBD40];
	_ =	sdelay $0x4  }
0x5d7: {  	[tilespmem:$0x1F200] =	vst v41;
	v41 =	vld [tilespmem:s28+$0x6D50];
	_ =	sdelay $0x4  }
0x5d8: {  	[tilespmem:$0x1F210] =	vst v41;
	v41 =	vld [tilespmem:s28+$0xBD50];
	_ =	sdelay $0x4  }
0x5d9: {  	[tilespmem:$0x1F220] =	vst v41;
	v41 =	vld [tilespmem:s28+$0x6D60];
	_ =	sdelay $0x4  }
0x5da: {  	[tilespmem:$0x1F230] =	vst v41;
	v41 =	vld [tilespmem:s28+$0xBD60];
	_ =	sdelay $0x4  }
0x5db: {  	[tilespmem:$0x1F240] =	vst v41;
	v41 =	vld [tilespmem:s28+$0x6D70];
	_ =	sdelay $0x4  }
0x5dc: {  	[tilespmem:$0x1F250] =	vst v41;
	v41 =	vld [tilespmem:s28+$0xBD70];
	_ =	sdelay $0x4  }
0x5dd: {  	[tilespmem:$0x1F260] =	vst v41;
	v41 =	vld [tilespmem:s28+$0x6D80];
	_ =	sdelay $0x4  }
0x5de: {  	[tilespmem:$0x1F270] =	vst v41;
	v41 =	vld [tilespmem:s28+$0xBD80];
	_ =	sdelay $0x4  }
0x5df: {  	[tilespmem:$0x1F280] =	vst v41;
	v41 =	vld [tilespmem:s28+$0x6D90];
	_ =	sdelay $0x4  }
0x5e0: {  	[tilespmem:$0x1F290] =	vst v41;
	v41 =	vld [tilespmem:s28+$0xBD90];
	_ =	sdelay $0x4  }
0x5e1: {  	[tilespmem:$0x1F2A0] =	vst v41;
	v41 =	vld [tilespmem:s28+$0x6DA0];
	_ =	sdelay $0x4  }
0x5e2: {  	[tilespmem:$0x1F2B0] =	vst v41;
	v41 =	vld [tilespmem:s28+$0xBDA0];
	_ =	sdelay $0x4  }
0x5e3: {  	[tilespmem:$0x1F2C0] =	vst v41;
	v41 =	vld [tilespmem:s28+$0x6DB0];
	_ =	sdelay $0x4  }
0x5e4: {  	[tilespmem:$0x1F2D0] =	vst v41;
	v41 =	vld [tilespmem:s28+$0xBDB0];
	_ =	sdelay $0x4  }
0x5e5: {  	[tilespmem:$0x1F2E0] =	vst v41;
	v41 =	vld [tilespmem:s28+$0x6DC0];
	_ =	sdelay $0x4  }
0x5e6: {  	[tilespmem:$0x1F2F0] =	vst v41;
	v41 =	vld [tilespmem:s28+$0xBDC0];
	_ =	sdelay $0x4  }
0x5e7: {  	[tilespmem:$0x1F300] =	vst v41;
	v41 =	vld [tilespmem:s28+$0x6DD0];
	_ =	sdelay $0x4  }
0x5e8: {  	[tilespmem:$0x1F310] =	vst v41;
	v41 =	vld [tilespmem:s28+$0xBDD0];
	_ =	sdelay $0x4  }
0x5e9: {  	[tilespmem:$0x1F320] =	vst v41;
	v41 =	vld [tilespmem:s28+$0x6DE0];
	_ =	sdelay $0x4  }
0x5ea: {  	[tilespmem:$0x1F330] =	vst v41;
	v41 =	vld [tilespmem:s28+$0xBDE0];
	_ =	sdelay $0x4  }
0x5eb: {  	[tilespmem:$0x1F340] =	vst v41;
	v41 =	vld [tilespmem:s28+$0x6DF0];
	_ =	sdelay $0x4  }
0x5ec: {  	[tilespmem:$0x1F350] =	vst v41;
	v41 =	vld [tilespmem:s28+$0xBDF0];
	_ =	sdelay $0x4  }
0x5ed: {  	[tilespmem:$0x1F360] =	vst v41;
	v41 =	vld [tilespmem:s28+$0x6E00];
	_ =	sdelay $0x4  }
0x5ee: {  	[tilespmem:$0x1F370] =	vst v41;
	v41 =	vld [tilespmem:s28+$0xBE00];
	_ =	sdelay $0x4  }
0x5ef: {  	[tilespmem:$0x1F380] =	vst v41;
	v41 =	vld [tilespmem:s28+$0x6E10];
	_ =	sdelay $0x4  }
0x5f0: {  	[tilespmem:$0x1F390] =	vst v41;
	v41 =	vld [tilespmem:s28+$0xBE10];
	_ =	sdelay $0x4  }
0x5f1: {  	[tilespmem:$0x1F3A0] =	vst v41;
	v41 =	vld [tilespmem:s28+$0x6E20];
	_ =	sdelay $0x4  }
0x5f2: {  	[tilespmem:$0x1F3B0] =	vst v41;
	v41 =	vld [tilespmem:s28+$0xBE20];
	_ =	sdelay $0x4  }
0x5f3: {  	[tilespmem:$0x1F3C0] =	vst v41;
	v41 =	vld [tilespmem:s28+$0x6E30];
	_ =	sdelay $0x4  }
0x5f4: {  	[tilespmem:$0x1F3D0] =	vst v41;
	v41 =	vld [tilespmem:s28+$0xBE30];
	_ =	sdelay $0x4  }
0x5f5: {  	[tilespmem:$0x1F3E0] =	vst v41;
	v41 =	vld [tilespmem:s28+$0x6E40];
	_ =	sdelay $0x4  }
0x5f6: {  	[tilespmem:$0x1F3F0] =	vst v41;
	v41 =	vld [tilespmem:s28+$0xBE40];
	_ =	sdelay $0x4  }
0x5f7: {  	[tilespmem:$0x1F400] =	vst v41;
	v41 =	vld [tilespmem:s28+$0x6E50];
	_ =	sdelay $0x4  }
0x5f8: {  	[tilespmem:$0x1F410] =	vst v41;
	v41 =	vld [tilespmem:s28+$0xBE50];
	_ =	sdelay $0x4  }
0x5f9: {  	[tilespmem:$0x1F420] =	vst v41;
	v41 =	vld [tilespmem:s28+$0x6E60];
	_ =	sdelay $0x4  }
0x5fa: {  	[tilespmem:$0x1F430] =	vst v41;
	v41 =	vld [tilespmem:s28+$0xBE60];
	_ =	sdelay $0x4  }
0x5fb: {  	[tilespmem:$0x1F440] =	vst v41;
	v41 =	vld [tilespmem:s28+$0x6E70];
	_ =	sdelay $0x4  }
0x5fc: {  	[tilespmem:$0x1F450] =	vst v41;
	v41 =	vld [tilespmem:s28+$0xBE70];
	_ =	sdelay $0x4  }
0x5fd: {  	[tilespmem:$0x1F460] =	vst v41;
	v41 =	vld [tilespmem:s28+$0x6E80];
	_ =	sdelay $0x4  }
0x5fe: {  	[tilespmem:$0x1F470] =	vst v41;
	v41 =	vld [tilespmem:s28+$0xBE80];
	_ =	sdelay $0x4  }
0x5ff: {  	[tilespmem:$0x1F480] =	vst v41;
	v41 =	vld [tilespmem:s28+$0x6E90];
	_ =	sdelay $0x4  }
0x600: {  	[tilespmem:$0x1F490] =	vst v41;
	v41 =	vld [tilespmem:s28+$0xBE90];
	_ =	sdelay $0x4  }
0x601: {  	[tilespmem:$0x1F4A0] =	vst v41;
	v41 =	vld [tilespmem:s28+$0x6EA0];
	_ =	sdelay $0x4  }
0x602: {  	[tilespmem:$0x1F4B0] =	vst v41;
	v41 =	vld [tilespmem:s28+$0xBEA0];
	_ =	sdelay $0x4  }
0x603: {  	[tilespmem:$0x1F4C0] =	vst v41;
	v41 =	vld [tilespmem:s28+$0x6EB0];
	_ =	sdelay $0x4  }
0x604: {  	[tilespmem:$0x1F4D0] =	vst v41;
	v41 =	vld [tilespmem:s28+$0xBEB0];
	_ =	sdelay $0x4  }
0x605: {  	[tilespmem:$0x1F4E0] =	vst v41;
	v41 =	vld [tilespmem:s28+$0x6EC0];
	_ =	sdelay $0x4  }
0x606: {  	[tilespmem:$0x1F4F0] =	vst v41;
	v41 =	vld [tilespmem:s28+$0xBEC0];
	_ =	sdelay $0x4  }
0x607: {  	[tilespmem:$0x1F500] =	vst v41;
	v41 =	vld [tilespmem:s28+$0x6ED0];
	_ =	sdelay $0x4  }
0x608: {  	[tilespmem:$0x1F510] =	vst v41;
	v41 =	vld [tilespmem:s28+$0xBED0];
	_ =	sdelay $0x4  }
0x609: {  	[tilespmem:$0x1F520] =	vst v41;
	v41 =	vld [tilespmem:s28+$0x6EE0];
	_ =	sdelay $0x4  }
0x60a: {  	[tilespmem:$0x1F530] =	vst v41;
	v41 =	vld [tilespmem:s28+$0xBEE0];
	_ =	sdelay $0x4  }
0x60b: {  	[tilespmem:$0x1F540] =	vst v41;
	v41 =	vld [tilespmem:s28+$0x6EF0];
	_ =	sdelay $0x4  }
0x60c: {  	[tilespmem:$0x1F550] =	vst v41;
	v41 =	vld [tilespmem:s28+$0xBEF0];
	_ =	sdelay $0x4  }
0x60d: {  	[tilespmem:$0x1F560] =	vst v41;
	v41 =	vld [tilespmem:s28+$0x6F00];
	_ =	sdelay $0x4  }
0x60e: {  	[tilespmem:$0x1F580] =	vst v41;
	v41 =	vld [tilespmem:s28+$0xBF00];
	_ =	sdelay $0x4  }
0x60f: {  	[tilespmem:$0x1F590] =	vst v41;
	v41 =	vld [tilespmem:s28+$0x6F10];
	_ =	sdelay $0x4  }
0x610: {  	[tilespmem:$0x1F5B0] =	vst v41;
	v41 =	vld [tilespmem:s28+$0xBF10];
	_ =	sdelay $0x4  }
0x611: {  	[tilespmem:$0x1F5C0] =	vst v41;
	v41 =	vld [tilespmem:s28+$0x6F20];
	_ =	sdelay $0x4  }
0x612: {  	[tilespmem:$0x1F5D0] =	vst v41;
	v41 =	vld [tilespmem:s28+$0xBF20];
	_ =	sdelay $0x4  }
0x613: {  	[tilespmem:$0x1F5E0] =	vst v41;
	v41 =	vld [tilespmem:s28+$0x6F30];
	_ =	sdelay $0x1  }
0x614: {  	v12 =	vmul.f32 v12, v26;
	v26 =	vld [tilespmem:s28+$0xBF90]  }
0x615: {  	v28 =	vmul.f32 v28, v32;
	v32 =	vld [tilespmem:s28+$0x6FA0];
	_ =	sdelay $0x1  }
0x616: {  	v28 =	vmul.f32 v28, v23;
	[tilespmem:$0x1F5F0] =	vst v41;
	v41 =	vld [tilespmem:s28+$0xBF30]  }
0x617: {  	v6 =	vmul.f32 v6, v10;
	v10 =	vmul.f32 v57, v46;
	v46 =	vld [tilespmem:s28+$0x7040]  }
0x618: {  	v3 =	vmul.f32 v3, v8;
	v57 =	vld [tilespmem:$0x1ED50];
	[tilespmem:$0x1F700] =	vst v26  }
0x619: {  	v8 =	vmul.f32 v16, v27;
	v16 =	vadd.f32 $0.0e+00, v28;
	[tilespmem:$0x1F710] =	vst v32;
	v26 =	vmul.f32 v12, v45;
	v32 =	vld [tilespmem:s28+$0x6FB0]  }
0x61a: {  	v12 =	vld [tilespmem:s28+$0xBFB0]  }
0x61b: {  	v13 =	vmul.f32 v13, v15;
	v15 =	vadd.f32 v26, v16;
	v16 =	vmul.f32 v9, v11;
	[tilespmem:$0x1F600] =	vst v41;
	v41 =	vld [tilespmem:s28+$0x6F40]  }
0x61c: {  	v11 =	vld [tilespmem:s28+$0xBFC0]  }
0x61d: {  	v27 =	vmov v23;
	v26 =	vmul.f32 v13, v30;
	v13 =	vmul.f32 v16, v23;
	v23 =	vld [tilespmem:s28+$0xBFD0]  }
0x61e: {  	v1 =	vmul.f32 v1, v2;
	v16 =	vmul.f32 v22, v35;
	v22 =	vld [tilespmem:s28+$0x6FE0]  }
0x61f: {  	v2 =	vadd.f32 v26, v15;
	v15 =	vmul.f32 v14, v25;
	v25 =	vmul.f32 v31, v21;
	v21 =	vld [tilespmem:s28+$0xBFE0]  }
0x620: {  	[tilespmem:$0x1F610] =	vst v41;
	v41 =	vld [tilespmem:s28+$0xBF40]  }
0x621: {  	v31 =	vld [tilespmem:s28+$0xBFF0]  }
0x622: {  	v35 =	vld [tilespmem:s28+$0x7000]  }
0x623: {  	v14 =	vmul.f32 v47, v49;
	v47 =	vld [tilespmem:s28+$0x7050]  }
0x624: {  	v26 =	vmul.f32 v37, v17;
	v17 =	vmul.f32 v62, v48;
	v62 =	vld [tilespmem:s28+$0xC060]  }
0x625: {  	[tilespmem:$0x1F620] =	vst v41;
	v41 =	vld [tilespmem:s28+$0x6F50]  }
0x626: {  	v37 =	vmul.f32 v8, v24;
	v8 =	vmul.f32 v18, v44;
	v44 =	vld [tilespmem:$0x1ECF0]  }
0x627: {  	v48 =	vld [tilespmem:$0x1ED00]  }
0x628: {  	v18 =	vmul.f32 v51, v63;
	v63 =	vld [tilespmem:s28+$0x7070]  }
0x629: {  	v49 =	vld [tilespmem:$0x1ED10]  }
0x62a: {  	[tilespmem:$0x1F630] =	vst v41;
	v41 =	vld [tilespmem:s28+$0xBF50]  }
0x62b: {  	v3 =	vmul.f32 v3, v33;
	v51 =	vld [tilespmem:s28+$0xC070]  }
0x62c: {  	[tilespmem:$0x1F730] =	vst v12;
	v12 =	vmul.f32 v29, v20;
	v20 =	vld [tilespmem:s28+$0x6FD0]  }
0x62d: {  	v0 =	vmul.f32 v0, v7;
	v28 =	vmul.f32 v6, v34;
	v3 =	vadd.f32 $0.0e+00, v3;
	v29 =	vld [tilespmem:s28+$0x6FF0]  }
0x62e: {  	v2 =	vadd.f32 v37, v2;
	v37 =	vld [tilespmem:s28+$0x7020]  }
0x62f: {  	v0 =	vmul.f32 v0, v19;
	v3 =	vadd.f32 v28, v3;
	[tilespmem:$0x1F640] =	vst v41;
	v41 =	vld [tilespmem:s28+$0x6F60]  }
0x630: {  	v1 =	vmul.f32 v1, v33;
	v6 =	vadd.f32 $0.0e+00, v13;
	v13 =	vmul.f32 v50, v52;
	v52 =	vld [tilespmem:s28+$0xC040]  }
0x631: {  	v0 =	vadd.f32 v0, v3;
	v3 =	vmul.f32 v15, v34;
	v15 =	vmul.f32 v55, v61;
	v55 =	vld [tilespmem:s28+$0xC050]  }
0x632: {  	v9 =	vmul.f32 v25, v19;
	v25 =	vld [tilespmem:$0x1ECE0]  }
0x633: {  	v4 =	vmul.f32 v4, v5;
	v1 =	vadd.f32 $0.0e+00, v1;
	v50 =	vld [tilespmem:$0x1ED20];
	v5 =	vmul.f32 v12, v45  }
0x634: {  	v36 =	vmul.f32 v36, v42;
	v7 =	vmul.f32 v16, v30;
	[tilespmem:$0x1F690] =	vst v41;
	v41 =	vld [tilespmem:s28+$0xBF60]  }
0x635: {  	v16 =	vmul.f32 v53, v54;
	v53 =	vld [tilespmem:$0x1ED30];
	v1 =	vadd.f32 v3, v1;
	v5 =	vadd.f32 v5, v6  }
0x636: {  	v54 =	vld [tilespmem:$0x1ED40];
	v3 =	vmul.f32 v36, v56  }
0x637: {  	v61 =	vld [tilespmem:$0x1ED90];
	v6 =	vmul.f32 v26, v24;
	v1 =	vadd.f32 v9, v1;
	v5 =	vadd.f32 v7, v5  }
0x638: {  	v12 =	vmul.f32 v38, v43;
	v38 =	vld [tilespmem:s28+$0x7030]  }
0x639: {  	v4 =	vmul.f32 v4, v56;
	v1 =	vadd.f32 v3, v1;
	v5 =	vadd.f32 v6, v5;
	[tilespmem:$0x1F6A0] =	vst v41;
	v41 =	vld [tilespmem:s28+$0x6F70]  }
0x63a: {  	v43 =	vld [tilespmem:s28+$0xC030];
	v9 =	vmul.f32 v39, v40  }
0x63b: {  	v0 =	vadd.f32 v4, v0;
	v36 =	vld [tilespmem:s28+$0x7010];
	v1 =	vadd.f32 v1, v5  }
0x63c: {  	[tilespmem:$0x1F750] =	vst v11;
	v4 =	vmul.f32 v13, v30;
	v13 =	vld [tilespmem:$0x1EDB0];
	v3 =	vmul.f32 v9, v33  }
0x63d: {  	v11 =	vmul.f32 v8, v27;
	v0 =	vadd.f32 v0, v2;
	v26 =	vmul.f32 v60, v58;
	v58 =	vld [tilespmem:$0x1ED60];
	[tilespmem:$0x1F5A0] =	vst v1  }
0x63e: {  	v3 =	vadd.f32 $0.0e+00, v3;
	v1 =	vmul.f32 v12, v34;
	[tilespmem:$0x1F6B0] =	vst v41;
	v41 =	vld [tilespmem:s28+$0xBF70]  }
0x63f: {  	v2 =	vadd.f32 $0.0e+00, v11;
	v60 =	vld [tilespmem:$0x1ED80];
	[tilespmem:$0x1F570] =	vst v0;
	v0 =	vmul.f32 v10, v45  }
0x640: {  	[tilespmem:$0x1F760] =	vst v51;
	v51 =	vld [tilespmem:$0x1EE30];
	v5 =	vmul.f32 v14, v19;
	v1 =	vadd.f32 v1, v3  }
0x641: {  	v39 =	vld [tilespmem:s28+$0xC010];
	v0 =	vadd.f32 v0, v2  }
0x642: {  	v40 =	vld [tilespmem:s28+$0xC020];
	v3 =	vmul.f32 v16, v56;
	v1 =	vadd.f32 v5, v1;
	v5 =	vmul.f32 v18, v33  }
0x643: {  	v7 =	vmul.f32 v50, v49;
	v0 =	vadd.f32 v4, v0;
	v4 =	vmul.f32 v17, v27;
	[tilespmem:$0x1F6C0] =	vst v41;
	v41 =	vld [tilespmem:s28+$0x6F80]  }
0x644: {  	v17 =	vld [tilespmem:$0x1EDF0];
	v1 =	vadd.f32 v3, v1;
	v5 =	vadd.f32 $0.0e+00, v5;
	v3 =	vmul.f32 v26, v34  }
0x645: {  	v18 =	vld [tilespmem:$0x1EE00]  }
0x646: {  	v49 =	vld [tilespmem:s28+$0xC080];
	v7 =	vmul.f32 v7, v19;
	v3 =	vadd.f32 v3, v5;
	v5 =	vmul.f32 v58, v57  }
0x647: {  	v42 =	vmov v56;
	v50 =	vld [tilespmem:s28+$0x7090]  }
0x648: {  	v3 =	vadd.f32 v7, v3;
	v5 =	vmul.f32 v5, v42;
	[tilespmem:$0x1F6D0] =	vst v41;
	v41 =	vld [tilespmem:s28+$0xBF80]  }
0x649: {  	v6 =	vmul.f32 v48, v44;
	v44 =	vld [tilespmem:s28+$0x7080]  }
0x64a: {  	v3 =	vadd.f32 v5, v3;
	v5 =	vmul.f32 v18, v17;
	v18 =	vld [tilespmem:s28+$0x70C0]  }
0x64b: {  	v48 =	vld [tilespmem:s28+$0xC0A0]  }
0x64c: {  	v14 =	vld [tilespmem:$0x1EDC0]  }
0x64d: {  	[tilespmem:$0x1F6E0] =	vst v41;
	v41 =	vld [tilespmem:s28+$0x6F90]  }
0x64e: {  	v12 =	vld [tilespmem:$0x1EDA0]  }
0x64f: {  	[tilespmem:$0x1F780] =	vst v18;
	v18 =	vld [tilespmem:s28+$0x70E0]  }
0x650: {  	[tilespmem:$0x1F770] =	vst v48;
	v48 =	vld [tilespmem:s28+$0xC0C0]  }
0x651: {  	v56 =	vld [tilespmem:s28+$0x7060]  }
0x652: {  	[tilespmem:$0x1F6F0] =	vst v41;
	v41 =	vld [tilespmem:s28+$0xBFA0]  }
0x653: {  	v16 =	vld [tilespmem:$0x1EDE0]  }
0x654: {  	[tilespmem:$0x1F7E0] =	vst v18;
	v18 =	vld [tilespmem:s28+$0x7110]  }
0x655: {  	v26 =	vld [tilespmem:$0x1EE20]  }
0x656: {  	[tilespmem:$0x1F790] =	vst v48;
	v48 =	vld [tilespmem:s28+$0xC0E0]  }
0x657: {  	[tilespmem:$0x1F720] =	vst v41;
	v41 =	vld [tilespmem:s28+$0x6FC0]  }
0x658: {  	v57 =	vld [tilespmem:s28+$0xC090]  }
0x659: {  	[tilespmem:$0x1F860] =	vst v18;
	v18 =	vld [tilespmem:s28+$0x7130]  }
0x65a: {  	v58 =	vld [tilespmem:s28+$0x70A0]  }
0x65b: {  	[tilespmem:$0x1F7F0] =	vst v48;
	v48 =	vld [tilespmem:s28+$0xC110]  }
0x65c: {  	v17 =	vld [tilespmem:$0x1EE80];
	[tilespmem:$0x1F740] =	vst v41;
	v41 =	vmov v24  }
0x65d: {  	v2 =	vmul.f32 v15, v41;
	v15 =	vld [tilespmem:$0x1EDD0]  }
0x65e: {  	[tilespmem:$0x1F8E0] =	vst v18;
	v18 =	vld [tilespmem:$0x1F080]  }
0x65f: {  	v24 =	vld [tilespmem:s28+$0xC000]  }
0x660: {  	v0 =	vadd.f32 v2, v0;
	v2 =	vmul.f32 v59, v25;
	v59 =	vld [tilespmem:$0x1ED70]  }
0x661: {  	v25 =	vld [tilespmem:$0x1EE10]  }
0x662: {  	v4 =	vadd.f32 $0.0e+00, v4;
	v2 =	vmul.f32 v2, v45;
	v8 =	vmul.f32 v16, v15;
	v15 =	vld [tilespmem:s28+$0xC0B0]  }
0x663: {  	v16 =	vld [tilespmem:$0x1EE70]  }
0x664: {  	v2 =	vadd.f32 v2, v4;
	v4 =	vmul.f32 v54, v53;
	v53 =	vld [tilespmem:$0x1EE40]  }
0x665: {  	v54 =	vld [tilespmem:s28+$0x70B0]  }
0x666: {  	v6 =	vmul.f32 v6, v30;
	v9 =	vmul.f32 v26, v25;
	v25 =	vld [tilespmem:$0x1EE90]  }
0x667: {  	v26 =	vld [tilespmem:$0x1EEA0]  }
0x668: {  	v2 =	vadd.f32 v6, v2;
	v6 =	vmul.f32 v60, v59;
	v59 =	vld [tilespmem:$0x1EE50]  }
0x669: {  	v7 =	vmul.f32 v12, v61;
	v60 =	vld [tilespmem:$0x1EE60]  }
0x66a: {  	v61 =	vmul.f32 v5, v33;
	v5 =	vmul.f32 v17, v16;
	v16 =	vld [tilespmem:$0x1EEF0]  }
0x66b: {  	v4 =	vmul.f32 v4, v41;
	v17 =	vld [tilespmem:$0x1EF00]  }
0x66c: {  	[tilespmem:$0x1F7B0] =	vst v15;
	v15 =	vld [tilespmem:s28+$0x7100]  }
0x66d: {  	v2 =	vadd.f32 v4, v2;
	v4 =	vmul.f32 v14, v13;
	v14 =	vld [tilespmem:$0x1EFE0]  }
0x66e: {  	v10 =	vmul.f32 v53, v51;
	v51 =	vld [tilespmem:$0x1EEB0]  }
0x66f: {  	v53 =	vld [tilespmem:$0x1EEC0]  }
0x670: {  	v1 =	vadd.f32 v1, v0;
	[tilespmem:$0x1F7A0] =	vst v54;
	v54 =	vld [tilespmem:s28+$0x70D0]  }
0x671: {  	v0 =	vadd.f32 v3, v2;
	v3 =	vadd.f32 $0.0e+00, v61;
	v61 =	vld [tilespmem:s28+$0xC0D0]  }
0x672: {  	v11 =	vmul.f32 v26, v25;
	v25 =	vld [tilespmem:$0x1EF10]  }
0x673: {  	v6 =	vmul.f32 v6, v27;
	v26 =	vld [tilespmem:$0x1EF20]  }
0x674: {  	v2 =	vmul.f32 v60, v59;
	v59 =	vld [tilespmem:$0x1EED0]  }
0x675: {  	v7 =	vmul.f32 v7, v45;
	v6 =	vadd.f32 $0.0e+00, v6;
	v60 =	vld [tilespmem:$0x1EEE0]  }
0x676: {  	[tilespmem:$0x1F820] =	vst v15;
	v15 =	vld [tilespmem:s28+$0xC120]  }
0x677: {  	v6 =	vadd.f32 v7, v6;
	v7 =	vmul.f32 v53, v51;
	v51 =	vld [tilespmem:$0x1EF30]  }
0x678: {  	v4 =	vmul.f32 v4, v30;
	v53 =	vld [tilespmem:$0x1EF40]  }
0x679: {  	[tilespmem:$0x1F7C0] =	vst v54;
	v54 =	vld [tilespmem:s28+$0x70F0]  }
0x67a: {  	v9 =	vmul.f32 v9, v34;
	v4 =	vadd.f32 v4, v6;
	v6 =	vmul.f32 v17, v16;
	v17 =	vld [tilespmem:s28+$0xC100]  }
0x67b: {  	[tilespmem:$0x1F7D0] =	vst v61;
	v61 =	vld [tilespmem:s28+$0xC0F0]  }
0x67c: {  	v3 =	vadd.f32 v9, v3;
	v9 =	vmul.f32 v60, v59;
	v59 =	vld [tilespmem:$0x1EF50]  }
0x67d: {  	v60 =	vld [tilespmem:$0x1EF60]  }
0x67e: {  	v12 =	vmul.f32 v53, v51;
	v51 =	vld [tilespmem:$0x1EF70]  }
0x67f: {  	v10 =	vmul.f32 v10, v19;
	v53 =	vld [tilespmem:$0x1EF80]  }
0x680: {  	v5 =	vmul.f32 v5, v27;
	[tilespmem:$0x1F800] =	vst v54;
	v54 =	vld [tilespmem:$0x1EF90]  }
0x681: {  	v3 =	vadd.f32 v10, v3;
	v10 =	vmul.f32 v26, v25;
	v9 =	vmul.f32 v9, v33;
	[tilespmem:$0x1F830] =	vst v17;
	v17 =	vld [tilespmem:$0x1F000]  }
0x682: {  	v5 =	vadd.f32 $0.0e+00, v5;
	v11 =	vmul.f32 v11, v45;
	[tilespmem:$0x1F810] =	vst v61;
	v61 =	vld [tilespmem:$0x1EFB0]  }
0x683: {  	v10 =	vmul.f32 v10, v34;
	v9 =	vadd.f32 $0.0e+00, v9;
	v13 =	vmul.f32 v60, v59;
	v59 =	vld [tilespmem:$0x1EFA0]  }
0x684: {  	v5 =	vadd.f32 v11, v5;
	v7 =	vmul.f32 v7, v30;
	v60 =	vld [tilespmem:s28+$0x7120]  }
0x685: {  	v16 =	vmul.f32 v12, v19;
	v12 =	vld [tilespmem:$0x1EFC0];
	v9 =	vadd.f32 v10, v9  }
0x686: {  	v6 =	vmul.f32 v6, v41;
	v5 =	vadd.f32 v7, v5;
	v26 =	vmul.f32 v13, v42;
	v13 =	vld [tilespmem:$0x1EFD0]  }
0x687: {  	v25 =	vadd.f32 v16, v9;
	v16 =	vld [tilespmem:$0x1EFF0]  }
0x688: {  	v5 =	vadd.f32 v6, v5;
	v6 =	vmul.f32 v53, v51;
	v51 =	vld [tilespmem:s28+$0xC130]  }
0x689: {  	v53 =	vld [tilespmem:$0x1F030]  }
0x68a: {  	v8 =	vmul.f32 v8, v41;
	v7 =	vadd.f32 v26, v25;
	v25 =	vld [tilespmem:$0x1F010]  }
0x68b: {  	v26 =	vld [tilespmem:$0x1F020]  }
0x68c: {  	v2 =	vmul.f32 v2, v42;
	v4 =	vadd.f32 v8, v4;
	v8 =	vmul.f32 v59, v54;
	v54 =	vld [tilespmem:$0x1F040]  }
0x68d: {  	v59 =	vld [tilespmem:s28+$0x7140]  }
0x68e: {  	v2 =	vadd.f32 v2, v3;
	[tilespmem:$0x1F8A0] =	vst v60;
	v60 =	vld [tilespmem:$0x1F050]  }
0x68f: {  	v9 =	vmul.f32 v12, v61;
	v61 =	vld [tilespmem:$0x1F060]  }
0x690: {  	v3 =	vadd.f32 v2, v4;
	v4 =	vmul.f32 v17, v16;
	v16 =	vld [tilespmem:s28+$0xC140]  }
0x691: {  	v17 =	vld [tilespmem:$0x1F070]  }
0x692: {  	[tilespmem:$0x1F8F0] =	vst v51;
	v51 =	vld [tilespmem:s28+$0xC150]  }
0x693: {  	v10 =	vmul.f32 v14, v13;
	v2 =	vadd.f32 v7, v5;
	v5 =	vmul.f32 v26, v25;
	v25 =	vld [tilespmem:s28+$0x7150]  }
0x694: {  	v26 =	vld [tilespmem:$0x1F090]  }
0x695: {  	[tilespmem:$0x1F870] =	vst v48;
	v48 =	vmul.f32 v10, v33;
	v10 =	vmul.f32 v54, v53;
	v53 =	vld [tilespmem:$0x1F0B0]  }
0x696: {  	v54 =	vld [tilespmem:$0x1F0C0]  }
0x697: {  	[tilespmem:$0x1F840] =	vst v59;
	v59 =	vld [tilespmem:s28+$0x7160]  }
0x698: {  	v6 =	vmul.f32 v6, v27;
	v11 =	vmul.f32 v61, v60;
	v60 =	vld [tilespmem:$0x1F0D0]  }
0x699: {  	v61 =	vld [tilespmem:$0x1F0E0]  }
0x69a: {  	v6 =	vadd.f32 $0.0e+00, v6;
	v8 =	vmul.f32 v8, v45;
	v7 =	vadd.f32 $0.0e+00, v48;
	v48 =	vld [tilespmem:$0x1F0A0]  }
0x69b: {  	[tilespmem:$0x1F850] =	vst v16;
	v16 =	vld [tilespmem:s28+$0xC160]  }
0x69c: {  	v6 =	vadd.f32 v8, v6;
	v8 =	vmul.f32 v18, v17;
	v17 =	vld [tilespmem:$0x1F0F0]  }
0x69d: {  	v18 =	vld [tilespmem:$0x1F100]  }
0x69e: {  	v9 =	vmul.f32 v9, v30;
	[tilespmem:$0x1F890] =	vst v51;
	v51 =	vld [tilespmem:s28+$0xC170]  }
0x69f: {  	[tilespmem:$0x1F880] =	vst v25;
	v25 =	vld [tilespmem:s28+$0x7170]  }
0x6a0: {  	v6 =	vadd.f32 v9, v6;
	v9 =	vmul.f32 v54, v53;
	v53 =	vld [tilespmem:$0x1F130]  }
0x6a1: {  	v5 =	vmul.f32 v5, v34;
	v54 =	vld [tilespmem:$0x1F140]  }
0x6a2: {  	[tilespmem:$0x1F8C0] =	vst v59;
	v59 =	vld [tilespmem:s28+$0x7180]  }
0x6a3: {  	v10 =	vmul.f32 v10, v19;
	v5 =	vadd.f32 v5, v7;
	v7 =	vmul.f32 v48, v26;
	v26 =	vld [tilespmem:$0x1F110]  }
0x6a4: {  	v48 =	vld [tilespmem:$0x1F120]  }
0x6a5: {  	v5 =	vadd.f32 v10, v5;
	v10 =	vmul.f32 v61, v60;
	v60 =	vld [tilespmem:$0x1F150]  }
0x6a6: {  	v4 =	vmul.f32 v4, v41;
	v61 =	vld [tilespmem:$0x1F160]  }
0x6a7: {  	[tilespmem:$0x1F8D0] =	vst v16;
	v16 =	vld [tilespmem:s28+$0xC180]  }
0x6a8: {  	v4 =	vadd.f32 v4, v6;
	v6 =	vmul.f32 v18, v17;
	v17 =	vld [tilespmem:$0x1F170]  }
0x6a9: {  	v18 =	vld [tilespmem:$0x1F180]  }
0x6aa: {  	[tilespmem:$0x1F910] =	vst v51;
	v51 =	vld [tilespmem:s28+$0xC190]  }
0x6ab: {  	[tilespmem:$0x1F900] =	vst v25;
	v25 =	vld [tilespmem:s28+$0x7190]  }
0x6ac: {  	v12 =	vmul.f32 v54, v53;
	v53 =	vld [tilespmem:$0x1F1B0]  }
0x6ad: {  	v11 =	vmul.f32 v11, v42;
	v54 =	vld [tilespmem:$0x1F1C0]  }
0x6ae: {  	[tilespmem:$0x1F920] =	vst v59;
	v59 =	vld [tilespmem:s28+$0x71A0]  }
0x6af: {  	v5 =	vadd.f32 v11, v5;
	v11 =	vmul.f32 v48, v26;
	v26 =	vld [tilespmem:$0x1F190]  }
0x6b0: {  	v8 =	vmul.f32 v8, v27;
	v48 =	vld [tilespmem:$0x1F1A0]  }
0x6b1: {  	v13 =	vmul.f32 v61, v60;
	v60 =	vld [tilespmem:$0x1F1D0]  }
0x6b2: {  	v8 =	vadd.f32 $0.0e+00, v8;
	v7 =	vmul.f32 v7, v45;
	v61 =	vld [tilespmem:$0x1F1E0]  }
0x6b3: {  	[tilespmem:$0x1F930] =	vst v16;
	v16 =	vld [tilespmem:s28+$0xC1A0]  }
0x6b4: {  	v7 =	vadd.f32 v7, v8;
	v8 =	vmul.f32 v18, v17;
	v17 =	vld [tilespmem:$0x1F1F0]  }
0x6b5: {  	v18 =	vld [tilespmem:$0x1F200]  }
0x6b6: {  	v9 =	vmul.f32 v9, v30;
	[tilespmem:$0x1F970] =	vst v51;
	v51 =	vld [tilespmem:$0x1F230]  }
0x6b7: {  	v10 =	vmul.f32 v10, v33;
	[tilespmem:$0x1F960] =	vst v25;
	v25 =	vld [tilespmem:$0x1F210]  }
0x6b8: {  	v7 =	vadd.f32 v9, v7;
	v9 =	vmul.f32 v54, v53;
	v53 =	vld [tilespmem:$0x1F240]  }
0x6b9: {  	v10 =	vadd.f32 $0.0e+00, v10;
	v11 =	vmul.f32 v11, v34;
	v54 =	vld [tilespmem:$0x1F250]  }
0x6ba: {  	[tilespmem:$0x1F9A0] =	vst v59;
	v59 =	vld [tilespmem:$0x1F260]  }
0x6bb: {  	v12 =	vmul.f32 v12, v19;
	v10 =	vadd.f32 v11, v10;
	v11 =	vmul.f32 v48, v26;
	v26 =	vld [tilespmem:$0x1F220]  }
0x6bc: {  	v48 =	vld [tilespmem:s28+$0x71B0]  }
0x6bd: {  	v13 =	vmul.f32 v13, v42;
	v10 =	vadd.f32 v12, v10;
	v12 =	vmul.f32 v61, v60;
	v60 =	vld [tilespmem:s28+$0xC1B0]  }
0x6be: {  	v61 =	vld [tilespmem:$0x1F270]  }
0x6bf: {  	v10 =	vadd.f32 v13, v10;
	v13 =	vmul.f32 v53, v51;
	v51 =	vld [tilespmem:$0x1F2A0]  }
0x6c0: {  	v53 =	vld [tilespmem:s28+$0xC1C0]  }
0x6c1: {  	[tilespmem:$0x1F8B0] =	vst v15;
	v15 =	vmul.f32 v59, v54;
	v54 =	vld [tilespmem:$0x1F2B0]  }
0x6c2: {  	v59 =	vld [tilespmem:$0x1F2C0]  }
0x6c3: {  	v14 =	vmul.f32 v26, v25;
	v25 =	vld [tilespmem:$0x1F280]  }
0x6c4: {  	v6 =	vmul.f32 v6, v41;
	v26 =	vld [tilespmem:s28+$0x71C0]  }
0x6c5: {  	[tilespmem:$0x1F9E0] =	vst v48;
	v48 =	vld [tilespmem:$0x1F290]  }
0x6c6: {  	v6 =	vadd.f32 v6, v7;
	[tilespmem:$0x1F9F0] =	vst v60;
	v60 =	vld [tilespmem:s28+$0x71D0]  }
0x6c7: {  	[tilespmem:$0x1F950] =	vst v53;
	v53 =	vld [tilespmem:s28+$0x71E0]  }
0x6c8: {  	v5 =	vadd.f32 v5, v4;
	v4 =	vadd.f32 v10, v6;
	v10 =	vmul.f32 v59, v54;
	v54 =	vld [tilespmem:$0x1F310]  }
0x6c9: {  	[tilespmem:$0x1F9B0] =	vst v16;
	v16 =	vmul.f32 v25, v61;
	v61 =	vld [tilespmem:$0x1F2D0]  }
0x6ca: {  	v25 =	vld [tilespmem:$0x1F2E0]  }
0x6cb: {  	[tilespmem:$0x1F940] =	vst v26;
	v26 =	vld [tilespmem:s28+$0xC1D0]  }
0x6cc: {  	v6 =	vmul.f32 v51, v48;
	v48 =	vld [tilespmem:$0x1F2F0]  }
0x6cd: {  	v51 =	vld [tilespmem:$0x1F300]  }
0x6ce: {  	[tilespmem:$0x1F980] =	vst v60;
	v60 =	vld [tilespmem:s28+$0xC1E0]  }
0x6cf: {  	v8 =	vmul.f32 v8, v27;
	[tilespmem:$0x1F9C0] =	vst v53;
	v53 =	vld [tilespmem:s28+$0xC1F0]  }
0x6d0: {  	v7 =	vmul.f32 v18, v17;
	[tilespmem:$0x1F990] =	vst v26;
	v26 =	vld [tilespmem:s28+$0x71F0]  }
0x6d1: {  	v8 =	vadd.f32 $0.0e+00, v8;
	v11 =	vmul.f32 v11, v45;
	v59 =	vld [tilespmem:$0x1F320]  }
0x6d2: {  	v7 =	vmul.f32 v7, v33;
	v17 =	vmul.f32 v25, v61;
	v61 =	vld [tilespmem:$0x1F330]  }
0x6d3: {  	v8 =	vadd.f32 v11, v8;
	v25 =	vld [tilespmem:$0x1F340];
	[tilespmem:$0x1F9D0] =	vst v60  }
0x6d4: {  	v7 =	vadd.f32 $0.0e+00, v7;
	v14 =	vmul.f32 v14, v34;
	v11 =	vmul.f32 v51, v48;
	v48 =	vld [tilespmem:$0x1F350];
	[tilespmem:$0x1FA10] =	vst v53  }
0x6d5: {  	v51 =	vld [tilespmem:$0x1F360];
	[tilespmem:$0x1FA00] =	vst v26  }
0x6d6: {  	v7 =	vadd.f32 v14, v7;
	v14 =	vmul.f32 v59, v54;
	v54 =	vld [tilespmem:$0x1F370]  }
0x6d7: {  	v9 =	vmul.f32 v9, v30;
	v59 =	vld [tilespmem:$0x1F380]  }
0x6d8: {  	v60 =	vld [tilespmem:s28+$0x7200]  }
0x6d9: {  	v8 =	vadd.f32 v9, v8;
	v9 =	vmul.f32 v25, v61;
	v61 =	vld [tilespmem:$0x1F390]  }
0x6da: {  	v13 =	vmul.f32 v13, v19;
	v25 =	vld [tilespmem:$0x1F3A0]  }
0x6db: {  	v26 =	vld [tilespmem:s28+$0xC200]  }
0x6dc: {  	v7 =	vadd.f32 v13, v7;
	v13 =	vmul.f32 v51, v48;
	v48 =	vld [tilespmem:$0x1F3B0]  }
0x6dd: {  	v51 =	vld [tilespmem:$0x1F3C0]  }
0x6de: {  	v53 =	vld [tilespmem:s28+$0x7210]  }
0x6df: {  	v35 =	vmul.f32 v24, v35;
	v24 =	vld [tilespmem:$0x1F760]  }
0x6e0: {  	v23 =	vmul.f32 v23, v20;
	v39 =	vmul.f32 v39, v36;
	v36 =	vld [tilespmem:s28+$0xC3B0]  }
0x6e1: {  	v20 =	vmul.f32 v55, v47;
	v12 =	vmul.f32 v12, v41;
	v47 =	vld [tilespmem:$0x1F770]  }
0x6e2: {  	v55 =	vld [tilespmem:$0x1F7A0]  }
0x6e3: {  	v8 =	vadd.f32 v12, v8;
	v12 =	vmul.f32 v59, v54;
	v54 =	vld [tilespmem:$0x1F3D0]  }
0x6e4: {  	v15 =	vmul.f32 v15, v42;
	v59 =	vld [tilespmem:$0x1F3E0]  }
0x6e5: {  	[tilespmem:$0x1FA20] =	vst v60;
	v60 =	vld [tilespmem:s28+$0xC210]  }
0x6e6: {  	v7 =	vadd.f32 v15, v7;
	v15 =	vmul.f32 v25, v61;
	v61 =	vld [tilespmem:$0x1F3F0]  }
0x6e7: {  	v25 =	vmul.f32 v51, v48;
	v48 =	vld [tilespmem:$0x1F400]  }
0x6e8: {  	v51 =	vld [tilespmem:s28+$0x7220]  }
0x6e9: {  	[tilespmem:$0x1FA60] =	vst v53;
	v53 =	vld [tilespmem:$0x1F410]  }
0x6ea: {  	v16 =	vmul.f32 v16, v27;
	[tilespmem:$0x1FD10] =	vst v36;
	v36 =	vld [tilespmem:s28+$0xC410]  }
0x6eb: {  	[tilespmem:$0x1FA30] =	vst v26;
	v26 =	vmul.f32 v59, v54;
	v54 =	vld [tilespmem:$0x1F420]  }
0x6ec: {  	v6 =	vmul.f32 v6, v45;
	v16 =	vadd.f32 $0.0e+00, v16;
	v59 =	vld [tilespmem:s28+$0xC220]  }
0x6ed: {  	v11 =	vmul.f32 v11, v33;
	[tilespmem:$0x1FA70] =	vst v60;
	v60 =	vld [tilespmem:$0x1F430]  }
0x6ee: {  	v6 =	vadd.f32 v6, v16;
	v16 =	vmul.f32 v48, v61;
	v61 =	vld [tilespmem:$0x1F440]  }
0x6ef: {  	v14 =	vmul.f32 v14, v34;
	v11 =	vadd.f32 $0.0e+00, v11;
	v48 =	vld [tilespmem:s28+$0x7230]  }
0x6f0: {  	[tilespmem:$0x1FAA0] =	vst v51;
	v51 =	vld [tilespmem:$0x1F450]  }
0x6f1: {  	v11 =	vadd.f32 v14, v11;
	v14 =	vmul.f32 v54, v53;
	v53 =	vld [tilespmem:$0x1F460]  }
0x6f2: {  	v10 =	vmul.f32 v10, v30;
	v54 =	vld [tilespmem:s28+$0xC230]  }
0x6f3: {  	[tilespmem:$0x1FAB0] =	vst v59;
	v59 =	vld [tilespmem:$0x1F470]  }
0x6f4: {  	v28 =	vmov v19;
	v6 =	vadd.f32 v10, v6;
	v10 =	vmul.f32 v61, v60;
	v60 =	vld [tilespmem:$0x1F480]  }
0x6f5: {  	v9 =	vmul.f32 v9, v28;
	v61 =	vld [tilespmem:$0x1F490]  }
0x6f6: {  	[tilespmem:$0x1FAE0] =	vst v48;
	v48 =	vld [tilespmem:$0x1F4A0]  }
0x6f7: {  	v9 =	vadd.f32 v9, v11;
	v11 =	vmul.f32 v53, v51;
	v51 =	vld [tilespmem:s28+$0x7240]  }
0x6f8: {  	v17 =	vmul.f32 v17, v41;
	v53 =	vld [tilespmem:$0x1F4B0]  }
0x6f9: {  	[tilespmem:$0x1FAF0] =	vst v54;
	v54 =	vld [tilespmem:$0x1F4C0]  }
0x6fa: {  	v6 =	vadd.f32 v17, v6;
	v17 =	vmul.f32 v60, v59;
	v59 =	vld [tilespmem:$0x1F4D0]  }
0x6fb: {  	v60 =	vld [tilespmem:$0x1F4E0]  }
0x6fc: {  	v13 =	vmul.f32 v13, v42;
	v18 =	vmul.f32 v48, v61;
	v61 =	vld [tilespmem:s28+$0xC240]  }
0x6fd: {  	[tilespmem:$0x1FA40] =	vst v51;
	v51 =	vld [tilespmem:$0x1F4F0]  }
0x6fe: {  	v9 =	vadd.f32 v13, v9;
	v13 =	vmul.f32 v54, v53;
	v53 =	vld [tilespmem:$0x1F500]  }
0x6ff: {  	v54 =	vld [tilespmem:s28+$0x7250]  }
0x700: {  	v19 =	vmul.f32 v60, v59;
	v59 =	vld [tilespmem:$0x1F510]  }
0x701: {  	v7 =	vadd.f32 v7, v8;
	v60 =	vld [tilespmem:$0x1F520]  }
0x702: {  	v6 =	vadd.f32 v9, v6;
	v48 =	vld [tilespmem:s28+$0xC250]  }
0x703: {  	[tilespmem:$0x1FD50] =	vst v7;
	v7 =	vmul.f32 v53, v51;
	v51 =	vld [tilespmem:$0x1F530]  }
0x704: {  	[tilespmem:$0x1FD60] =	vst v6;
	v53 =	vld [tilespmem:$0x1F540]  }
0x705: {  	[tilespmem:$0x1FA80] =	vst v54;
	v54 =	vld [tilespmem:s28+$0x7260]  }
0x706: {  	[tilespmem:$0x1FA50] =	vst v61;
	v61 =	vmul.f32 v16, v33;
	v6 =	vmul.f32 v60, v59;
	v59 =	vld [tilespmem:$0x1F550]  }
0x707: {  	v60 =	vld [tilespmem:$0x1F560]  }
0x708: {  	v9 =	vadd.f32 $0.0e+00, v61;
	v61 =	vld [tilespmem:s28+$0xC260]  }
0x709: {  	[tilespmem:$0x1FA90] =	vst v48;
	v48 =	vmul.f32 v26, v41;
	v26 =	vld [tilespmem:$0x1F620]  }
0x70a: {  	v8 =	vmul.f32 v12, v27;
	v12 =	vmul.f32 v53, v51;
	v53 =	vld [tilespmem:$0x1F570]  }
0x70b: {  	[tilespmem:$0x1FAC0] =	vst v54;
	v54 =	vld [tilespmem:$0x1F580]  }
0x70c: {  	v16 =	vmul.f32 v60, v59;
	v59 =	vld [tilespmem:$0x1F590]  }
0x70d: {  	[tilespmem:$0x1FAD0] =	vst v61;
	v61 =	vld [tilespmem:$0x1F5A0]  }
0x70e: {  	v60 =	vld [tilespmem:s28+$0x7270]  }
0x70f: {  	v15 =	vmul.f32 v15, v45;
	v8 =	vadd.f32 $0.0e+00, v8;
	v51 =	vld [tilespmem:s28+$0x7280]  }
0x710: {  	(xrf2) =	vadd.scan.msk.f32 $0xffff, v53;
	v53 =	vld [tilespmem:$0x1F5B0]  }
0x711: {  	v8 =	vadd.f32 v15, v8;
	v15 =	vmul.f32 v59, v54;
	v54 =	vld [tilespmem:$0x1F5C0]  }
0x712: {  	v59 =	vld [tilespmem:s28+$0xC270]  }
0x713: {  	[tilespmem:$0x1FB00] =	vst v60;
	v60 =	vld [tilespmem:$0x1F5D0]  }
0x714: {  	v25 =	vmul.f32 v25, v30;
	[tilespmem:$0x1FB20] =	vst v51;
	v51 =	vld [tilespmem:s28+$0x7290]  }
0x715: {  	v14 =	vmul.f32 v14, v34;
	(xrf2) =	vadd.scan.msk.f32 $0xffff, v61;
	v61 =	vld [tilespmem:$0x1F5E0]  }
0x716: {  	(xrf2) =	vadd.scan.msk.f32 $0xffff, v1;
	v1 =	vadd.f32 v25, v8;
	v25 =	vld [tilespmem:$0x1F610]  }
0x717: {  	v9 =	vadd.f32 v14, v9;
	v14 =	vmul.f32 v54, v53;
	v54 =	vld [tilespmem:$0x1F5F0]  }
0x718: {  	[tilespmem:$0x1FB10] =	vst v59;
	v59 =	vld [tilespmem:$0x1F600]  }
0x719: {  	v10 =	vmul.f32 v10, v28;
	[tilespmem:$0x1FB40] =	vst v51;
	v51 =	vld [tilespmem:$0x1FF00]  }
0x71a: {  	(xrf2) =	vadd.scan.msk.f32 $0xffff, v0;
	v8 =	vmul.f32 v61, v60;
	v61 =	vld [tilespmem:s28+$0xC280]  }
0x71b: {  	(xrf2) =	vadd.scan.msk.f32 $0xffff, v3;
	v53 =	vadd.f32 v10, v9;
	v60 =	vmul.f32 v11, v42;
	v3 =	vmul.f32 v26, v25;
	v25 =	vld [tilespmem:s28+$0x72A0]  }
0x71c: {  	v26 =	vld [tilespmem:$0x1F660]  }
0x71d: {  	v0 =	vadd.f32 v60, v53;
	v60 =	vld [tilespmem:$0x1F650]  }
0x71e: {  	v53 =	vld [tilespmem:$0x1F630]  }
0x71f: {  	v1 =	vadd.f32 v48, v1;
	v48 =	vmul.f32 v17, v27;
	v9 =	vmul.f32 v59, v54;
	v54 =	vld [tilespmem:$0x1F640]  }
0x720: {  	v59 =	vld [tilespmem:s28+$0xC290]  }
0x721: {  	v11 =	vadd.f32 $0.0e+00, v48;
	[tilespmem:$0x1FB30] =	vst v61;
	v61 =	vmul.f32 v18, v45;
	v18 =	vld [tilespmem:s28+$0xC2A0]  }
0x722: {  	v7 =	vmul.f32 v7, v33;
	v10 =	vbroadcast v60, $0xF;
	v60 =	vld [tilespmem:$0x1F670]  }
0x723: {  	v13 =	vmul.f32 v13, v30;
	v11 =	vadd.f32 v61, v11;
	v61 =	vmul.f32 v19, v41;
	v19 =	vld [tilespmem:s28+$0x72C0]  }
0x724: {  	v6 =	vmul.f32 v6, v34;
	v7 =	vadd.f32 $0.0e+00, v7;
	(xrf2) =	vadd.scan.msk.f32 $0xffff, v2;
	v2 =	vmul.f32 v54, v53;
	v54 =	vld [tilespmem:$0x1FF10]  }
0x725: {  	v53 =	vld [tilespmem:s28+$0x72B0];
	v11 =	vadd.f32 v13, v11  }
0x726: {  	v6 =	vadd.f32 v6, v7;
	[tilespmem:$0x1FB50] =	vst v59;
	v59 =	vld [tilespmem:s28+$0xC2B0]  }
0x727: {  	v12 =	vmul.f32 v12, v28;
	v48 =	vbroadcast v26, $0xF;
	v11 =	vadd.f32 v61, v11;
	v61 =	vld [tilespmem:s28+$0x72D0]  }
0x728: {  	v13 =	vbroadcast v60, $0xF;
	v60 =	vld [tilespmem:s28+$0xC2C0]  }
0x729: {  	v16 =	vmul.f32 v16, v42;
	v6 =	vadd.f32 v12, v6;
	v7 =	vmul.f32 v54, v48;
	v54 =	vld [tilespmem:$0x1F680]  }
0x72a: {  	[tilespmem:$0x1FB70] =	vst v53;
	v53, _, _ =	vpop (xrf2);
	v48 =	vld [tilespmem:s28+$0x72E0]  }
0x72b: {  	[tilespmem:$0x1FB80] =	vst v59;
	v59, _, _ =	vpop (xrf2);
	v17 =	vbroadcast v53, $0xF;
	v53 =	vadd.f32 v16, v6;
	v16 =	vld [tilespmem:$0x1FF40]  }
0x72c: {  	[tilespmem:$0x1FB60] =	vst v25;
	v10 =	vmul.f32 v51, v10;
	v25 =	vbroadcast v59, $0xF;
	v59 =	vld [tilespmem:$0x1FF30]  }
0x72d: {  	[tilespmem:$0x1FBA0] =	vst v61;
	v61 =	vld [tilespmem:s28+$0xC2D0]  }
0x72e: {  	v7 =	vadd.f32 v7, v10;
	v10 =	vld [tilespmem:$0x1FF60]  }
0x72f: {  	v26, _, _ =	vpop (xrf2);
	(xrf2) =	vadd.scan.msk.f32 $0xffff, v5;
	v5 =	vadd.f32 v53, v11;
	v11 =	vld [tilespmem:s28+$0x7310]  }
0x730: {  	v0 =	vadd.f32 v0, v1;
	v12 =	vbroadcast v54, $0xF;
	v54 =	vld [tilespmem:$0x1FF20]  }
0x731: {  	[tilespmem:$0x1FBC0] =	vst v48;
	v48 =	vld [tilespmem:$0x1F690]  }
0x732: {  	[tilespmem:$0x1FD70] =	vst v0;
	v0 =	vmul.f32 v16, v17;
	v17 =	vld [tilespmem:$0x1FF50]  }
0x733: {  	v16 =	vld [tilespmem:$0x1FF80]  }
0x734: {  	v51 =	vbroadcast v26, $0xF;
	v12 =	vmul.f32 v59, v12;
	v59 =	vld [tilespmem:s28+$0xC2E0]  }
0x735: {  	[tilespmem:$0x1FBB0] =	vst v61;
	v61 =	vld [tilespmem:s28+$0x72F0]  }
0x736: {  	[tilespmem:$0x1FD80] =	vst v5;
	v5 =	vmul.f32 v10, v51;
	v51 =	vld [tilespmem:$0x1F6A0]  }
0x737: {  	v10 =	vld [tilespmem:$0x1F7E0]  }
0x738: {  	[tilespmem:$0x1FC20] =	vst v11;
	v11 =	vmul.f32 v24, v63;
	v24 =	vld [tilespmem:s28+$0x7410]  }
0x739: {  	v6 =	vmul.f32 v54, v13;
	v13 =	vld [tilespmem:s28+$0xC2F0]  }
0x73a: {  	[tilespmem:$0x1FB90] =	vst v60;
	v60, _, _ =	vpop (xrf2);
	v1 =	vmul.f32 v17, v25;
	v17 =	vld [tilespmem:$0x1FF90]  }
0x73b: {  	v25, _, _ =	vpop (xrf2);
	v6 =	vadd.f32 v12, v6;
	v12 =	vld [tilespmem:$0x1FF70]  }
0x73c: {  	(xrf2) =	vadd.scan.msk.f32 $0xffff, v4;
	v4 =	vbroadcast v25, $0xF;
	v25 =	vld [tilespmem:s28+$0x7300]  }
0x73d: {  	v54, _, _ =	vpop (xrf2);
	[tilespmem:$0x1FBD0] =	vst v59;
	v59 =	vld [tilespmem:$0x1F6B0]  }
0x73e: {  	v53 =	vbroadcast v60, $0xF;
	v60 =	vbroadcast v54, $0xF;
	v54 =	vld [tilespmem:s28+$0xC300]  }
0x73f: {  	v0 =	vadd.f32 v1, v0;
	[tilespmem:$0x1FD30] =	vst v24;
	v24 =	vld [tilespmem:$0x1F9B0]  }
0x740: {  	[tilespmem:$0x1FBF0] =	vst v13;
	v13 =	vld [tilespmem:$0x1F6E0]  }
0x741: {  	[tilespmem:$0x1FE30] =	vst v0;
	v0 =	vmul.f32 v16, v4;
	v16 =	vld [tilespmem:$0x1F6F0]  }
0x742: {  	v4 =	vmul.f32 v51, v48;
	v48 =	vld [tilespmem:$0x1F720]  }
0x743: {  	v1 =	vmul.f32 v17, v60;
	v60 =	vld [tilespmem:$0x1F6C0]  }
0x744: {  	v17 =	vld [tilespmem:$0x1F700]  }
0x745: {  	[tilespmem:$0x1FE20] =	vst v6;
	v6 =	vmul.f32 v12, v53;
	v12 =	vld [tilespmem:$0x1F6D0]  }
0x746: {  	v53 =	vmul.f32 v15, v27;
	v15 =	vld [tilespmem:s28+$0xC310]  }
0x747: {  	v51, _, _ =	vpop (xrf2);
	[tilespmem:$0x1FC00] =	vst v25;
	v25 =	vld [tilespmem:s28+$0x7320]  }
0x748: {  	[tilespmem:$0x1FC10] =	vst v54;
	v54 =	vbroadcast v51, $0xF;
	v51 =	vld [tilespmem:s28+$0xC370];
	v26 =	vadd.f32 v6, v5  }
0x749: {  	v0 =	vadd.f32 v1, v0;
	v5 =	vadd.f32 $0.0e+00, v53;
	v53 =	vld [tilespmem:s28+$0xC320]  }
0x74a: {  	v14 =	vmul.f32 v14, v45;
	[tilespmem:$0x1FE40] =	vst v26;
	v26 =	vld [tilespmem:$0x1F710]  }
0x74b: {  	[tilespmem:$0x1FE50] =	vst v0;
	v0 =	vmul.f32 v60, v59;
	v60 =	vld [tilespmem:s28+$0x7330]  }
0x74c: {  	v5 =	vadd.f32 v14, v5;
	v14 =	vld [tilespmem:$0x1FFA0]  }
0x74d: {  	[tilespmem:$0x1FE10] =	vst v7;
	v7 =	vmul.f32 v17, v16;
	v16 =	vld [tilespmem:$0x1F740]  }
0x74e: {  	v17 =	vld [tilespmem:$0x1F750]  }
0x74f: {  	[tilespmem:$0x1FBE0] =	vst v61;
	v61 =	vmul.f32 v3, v33;
	v3 =	vmul.f32 v13, v12;
	v12 =	vld [tilespmem:s28+$0xC330]  }
0x750: {  	v59, _, _ =	vpop (xrf2);
	v13 =	vld [tilespmem:$0x1F730]  }
0x751: {  	v8 =	vmul.f32 v8, v30;
	v1 =	vadd.f32 $0.0e+00, v61;
	v61 =	vbroadcast v59, $0xF;
	v59 =	vld [tilespmem:s28+$0x7340]  }
0x752: {  	[tilespmem:$0x1FC30] =	vst v15;
	v15 =	vld [tilespmem:$0x1FFB0]  }
0x753: {  	v9 =	vmul.f32 v9, v41;
	v2 =	vmul.f32 v2, v34;
	[tilespmem:$0x1FC40] =	vst v25;
	v25 =	vld [tilespmem:s28+$0x7350];
	v5 =	vadd.f32 v8, v5  }
0x754: {  	v4 =	vmul.f32 v4, v28;
	[tilespmem:$0x1FC50] =	vst v53;
	v53 =	vld [tilespmem:s28+$0xC360]  }
0x755: {  	v1 =	vadd.f32 v2, v1;
	v5 =	vadd.f32 v9, v5;
	v9 =	vmul.f32 v23, v34;
	v23 =	vld [tilespmem:s28+$0xC390]  }
0x756: {  	v6 =	vmul.f32 v48, v26;
	v48 =	vld [tilespmem:s28+$0xC350]  }
0x757: {  	v1 =	vadd.f32 v4, v1;
	v0 =	vmul.f32 v0, v42;
	[tilespmem:$0x1FC60] =	vst v60;
	v60 =	vld [tilespmem:s28+$0x7360]  }
0x758: {  	v2 =	vmul.f32 v14, v54;
	v54 =	vld [tilespmem:s28+$0x7370]  }
0x759: {  	v0 =	vadd.f32 v0, v1;
	v1 =	vmul.f32 v17, v16;
	v17 =	vld [tilespmem:s28+$0xC380]  }
0x75a: {  	v26 =	vmul.f32 v21, v22;
	v21 =	vld [tilespmem:s28+$0x7390]  }
0x75b: {  	v14 =	vmul.f32 v52, v46;
	v46 =	vld [tilespmem:s28+$0xC3C0]  }
0x75c: {  	v16 =	vmul.f32 v43, v38;
	v43 =	vmul.f32 v57, v50;
	v50 =	vld [tilespmem:$0x1F790]  }
0x75d: {  	v52 =	vld [tilespmem:s28+$0x73D0]  }
0x75e: {  	v22 =	vmul.f32 v62, v56;
	v56 =	vld [tilespmem:$0x1F7B0]  }
0x75f: {  	v62 =	vld [tilespmem:$0x1F7D0]  }
0x760: {  	v38 =	vmul.f32 v11, v42;
	v11 =	vld [tilespmem:$0x1F7F0]  }
0x761: {  	v8 =	vmul.f32 v15, v61;
	v61 =	vld [tilespmem:s28+$0xC340]  }
0x762: {  	v15 =	vld [tilespmem:s28+$0x7380]  }
0x763: {  	v3 =	vmul.f32 v3, v27;
	[tilespmem:$0x1FC80] =	vst v25;
	v25 =	vld [tilespmem:s28+$0x73A0]  }
0x764: {  	v4 =	vmul.f32 v13, v32;
	v32 =	vmul.f32 v31, v29;
	v31 =	vld [tilespmem:s28+$0x73B0]  }
0x765: {  	v40 =	vmul.f32 v40, v37;
	v7 =	vmul.f32 v7, v45;
	v3 =	vadd.f32 $0.0e+00, v3;
	[tilespmem:$0x1FC70] =	vst v12;
	v12 =	vld [tilespmem:$0x1F800]  }
0x766: {  	v13 =	vld [tilespmem:$0x1F810]  }
0x767: {  	v3 =	vadd.f32 v7, v3;
	v7 =	vmul.f32 v40, v30;
	v40 =	vmul.f32 v49, v44;
	v49 =	vld [tilespmem:$0x1F780]  }
0x768: {  	v44 =	vld [tilespmem:s28+$0xC3E0]  }
0x769: {  	v0 =	vadd.f32 v0, v5;
	v5 =	vmul.f32 v35, v27;
	v35 =	vmul.f32 v16, v41;
	v16 =	vld [tilespmem:$0x1F840]  }
0x76a: {  	v6 =	vmul.f32 v6, v30;
	v29 =	vmul.f32 v22, v28;
	v22 =	vld [tilespmem:$0x1F880]  }
0x76b: {  	v2 =	vadd.f32 v8, v2;
	v8 =	vmul.f32 v39, v45;
	v39 =	vld [tilespmem:s28+$0x73C0]  }
0x76c: {  	v3 =	vadd.f32 v6, v3;
	v6 =	vmul.f32 v43, v45;
	v43 =	vld [tilespmem:s28+$0x73F0]  }
0x76d: {  	v57 =	vmul.f32 v40, v27;
	v40 =	vld [tilespmem:s28+$0x7400]  }
0x76e: {  	[tilespmem:$0x1FCC0] =	vst v23;
	v23 =	vld [tilespmem:$0x1F890]  }
0x76f: {  	[tilespmem:$0x1FE60] =	vst v2;
	v2 =	vmul.f32 v26, v28;
	v26 =	vld [tilespmem:s28+$0xC3A0]  }
0x770: {  	[tilespmem:$0x1FCA0] =	vst v17;
	v17 =	vld [tilespmem:$0x1F850]  }
0x771: {  	v1 =	vmul.f32 v1, v33;
	[tilespmem:$0x1FCB0] =	vst v21;
	v21 =	vld [tilespmem:$0x1F870]  }
0x772: {  	[tilespmem:$0x1FD20] =	vst v52;
	v52 =	vld [tilespmem:s28+$0x7430]  }
0x773: {  	v1 =	vadd.f32 $0.0e+00, v1;
	v53 =	vmul.f32 v53, v60;
	v60 =	vld [tilespmem:s28+$0xC520]  }
0x774: {  	v54 =	vmul.f32 v51, v54;
	v51 =	vld [tilespmem:s28+$0x7530]  }
0x775: {  	v5 =	vadd.f32 $0.0e+00, v5;
	v1 =	vadd.f32 v9, v1;
	v9 =	vmul.f32 v14, v33;
	v14 =	vld [tilespmem:$0x1F820]  }
0x776: {  	[tilespmem:$0x1FC90] =	vst v15;
	v15 =	vld [tilespmem:$0x1F830]  }
0x777: {  	v5 =	vadd.f32 v8, v5;
	[tilespmem:$0x1FCD0] =	vst v25;
	v25 =	vld [tilespmem:$0x1F8A0]  }
0x778: {  	[tilespmem:$0x1FD00] =	vst v31;
	v31 =	vld [tilespmem:$0x1F8D0]  }
0x779: {  	[tilespmem:$0x1FD90] =	vst v0;
	v0 =	vmul.f32 v32, v42;
	v32 =	vadd.f32 v7, v5;
	v7 =	vmul.f32 v50, v49;
	v49 =	vld [tilespmem:s28+$0xC3D0]  }
0x77a: {  	v50 =	vld [tilespmem:$0x1F910]  }
0x77b: {  	v5 =	vmul.f32 v11, v10;
	v10 =	vld [tilespmem:$0x1F970]  }
0x77c: {  	v4 =	vmul.f32 v4, v41;
	v1 =	vadd.f32 v2, v1;
	v2 =	vmul.f32 v20, v34;
	v20 =	vld [tilespmem:$0x1F860]  }
0x77d: {  	[tilespmem:$0x1FCF0] =	vst v39;
	v39 =	vld [tilespmem:$0x1F900]  }
0x77e: {  	v3 =	vadd.f32 v4, v3;
	v4 =	vadd.f32 v35, v32;
	v35 =	vld [tilespmem:s28+$0xC400]  }
0x77f: {  	v32 =	vld [tilespmem:$0x1F8E0]  }
0x780: {  	v9 =	vadd.f32 $0.0e+00, v9;
	v63 =	vmul.f32 v7, v33;
	v7 =	vmul.f32 v13, v12;
	v12 =	vld [tilespmem:s28+$0xC440]  }
0x781: {  	v13 =	vld [tilespmem:s28+$0xC450]  }
0x782: {  	[tilespmem:$0x1FCE0] =	vst v26;
	v2 =	vadd.f32 v2, v9;
	v26 =	vld [tilespmem:$0x1F8B0]  }
0x783: {  	[tilespmem:$0x1FD40] =	vst v52;
	v52 =	vld [tilespmem:$0x1FA20]  }
0x784: {  	v37 =	vadd.f32 v29, v2;
	v2 =	vmul.f32 v47, v58;
	v58 =	vld [tilespmem:$0x1F7C0]  }
0x785: {  	v0 =	vadd.f32 v0, v1;
	v47 =	vld [tilespmem:s28+$0x73E0]  }
0x786: {  	v29 =	vld [tilespmem:$0x1F8C0]  }
0x787: {  	v0 =	vadd.f32 v0, v3;
	v3 =	vadd.f32 $0.0e+00, v57;
	v57 =	vld [tilespmem:$0x1F940]  }
0x788: {  	v1 =	vadd.f32 v38, v37;
	v37 =	vld [tilespmem:s28+$0xC3F0]  }
0x789: {  	v38 =	vld [tilespmem:$0x1F8F0]  }
0x78a: {  	[tilespmem:$0x1FDA0] =	vst v0;
	v0 =	vmul.f32 v56, v55;
	v55 =	vld [tilespmem:$0x1F920]  }
0x78b: {  	v56 =	vld [tilespmem:$0x1F930]  }
0x78c: {  	v3 =	vadd.f32 v6, v3;
	v6 =	vmul.f32 v15, v14;
	v15 =	vld [tilespmem:s28+$0x7460]  }
0x78d: {  	v14 =	vld [tilespmem:s28+$0xC470]  }
0x78e: {  	v8 =	vmul.f32 v26, v25;
	v25 =	vld [tilespmem:s28+$0x7450]  }
0x78f: {  	v2 =	vmul.f32 v2, v30;
	v26 =	vld [tilespmem:$0x1F9C0]  }
0x790: {  	v1 =	vadd.f32 v1, v4;
	v4 =	vadd.f32 $0.0e+00, v63;
	v63 =	vld [tilespmem:s28+$0x7420]  }
0x791: {  	v2 =	vadd.f32 v2, v3;
	v3 =	vmul.f32 v21, v20;
	v20 =	vld [tilespmem:$0x1F980]  }
0x792: {  	v21 =	vld [tilespmem:$0x1F990]  }
0x793: {  	v9 =	vmul.f32 v31, v29;
	v29 =	vld [tilespmem:$0x1F9D0]  }
0x794: {  	v6 =	vmul.f32 v6, v27;
	v31 =	vld [tilespmem:$0x1F9E0];
	[tilespmem:$0x1FDB0] =	vst v1;
	v1 =	vmul.f32 v62, v58  }
0x795: {  	v0 =	vmul.f32 v0, v41;
	v44 =	vmul.f32 v44, v47;
	v47 =	vld [tilespmem:s28+$0xC570]  }
0x796: {  	v5 =	vmul.f32 v5, v28;
	v58 =	vld [tilespmem:s28+$0xC430];
	v1 =	vmul.f32 v1, v34  }
0x797: {  	v6 =	vadd.f32 $0.0e+00, v6;
	v3 =	vmul.f32 v3, v45;
	v0 =	vadd.f32 v0, v2;
	v62 =	vld [tilespmem:$0x1F950]  }
0x798: {  	v2 =	vmul.f32 v56, v55;
	v55 =	vld [tilespmem:$0x1FA30];
	v1 =	vadd.f32 v1, v4;
	v4 =	vmul.f32 v17, v16  }
0x799: {  	v56 =	vld [tilespmem:$0x1FA40];
	v3 =	vadd.f32 v3, v6;
	v6 =	vmul.f32 v38, v32  }
0x79a: {  	v38 =	vld [tilespmem:s28+$0xC420];
	v1 =	vadd.f32 v5, v1;
	v5 =	vmul.f32 v23, v22;
	v4 =	vmul.f32 v4, v33  }
0x79b: {  	v32 =	vld [tilespmem:$0x1F9F0];
	v11 =	vmul.f32 v2, v27  }
0x79c: {  	v2 =	vmul.f32 v21, v20;
	v20 =	vld [tilespmem:$0x1FA90];
	v4 =	vadd.f32 $0.0e+00, v4;
	v5 =	vmul.f32 v5, v34  }
0x79d: {  	v8 =	vmul.f32 v8, v30;
	v21 =	vld [tilespmem:$0x1FAA0]  }
0x79e: {  	v9 =	vmul.f32 v9, v28;
	v16 =	vld [tilespmem:s28+$0x7440];
	v4 =	vadd.f32 v5, v4;
	v5 =	vmul.f32 v50, v39  }
0x79f: {  	v7 =	vmul.f32 v7, v42;
	v3 =	vadd.f32 v8, v3;
	v23 =	vld [tilespmem:$0x1F9A0]  }
0x7a0: {  	v6 =	vmul.f32 v6, v41;
	v4 =	vadd.f32 v9, v4;
	v5 =	vmul.f32 v5, v42;
	v9 =	vld [tilespmem:$0x1F960]  }
0x7a1: {  	v1 =	vadd.f32 v7, v1;
	v39 =	vld [tilespmem:$0x1FA00]  }
0x7a2: {  	v3 =	vadd.f32 v6, v3;
	v50 =	vld [tilespmem:$0x1FA10];
	v4 =	vadd.f32 v5, v4;
	v5 =	vmul.f32 v62, v57  }
0x7a3: {  	v0 =	vadd.f32 v1, v0;
	v57 =	vld [tilespmem:$0x1FA50]  }
0x7a4: {  	v17 =	vadd.f32 v4, v3;
	v22 =	vmul.f32 v5, v33;
	v4 =	vmul.f32 v24, v23;
	v23 =	vld [tilespmem:$0x1FAC0]  }
0x7a5: {  	[tilespmem:$0x1FDC0] =	vst v0;
	v24 =	vld [tilespmem:$0x1FAD0];
	v0 =	vmul.f32 v10, v9  }
0x7a6: {  	v2 =	vmul.f32 v2, v34;
	v62 =	vld [tilespmem:$0x1FA60];
	v5 =	vmul.f32 v29, v26;
	v3 =	vadd.f32 $0.0e+00, v22  }
0x7a7: {  	v1 =	vadd.f32 $0.0e+00, v11;
	v10 =	vld [tilespmem:$0x1FA80];
	v0 =	vmul.f32 v0, v45  }
0x7a8: {  	v9 =	vld [tilespmem:$0x1FA70];
	v5 =	vmul.f32 v5, v28;
	v2 =	vadd.f32 v2, v3;
	v3 =	vmul.f32 v50, v39  }
0x7a9: {  	v4 =	vmul.f32 v4, v30;
	v22 =	vld [tilespmem:$0x1FAB0];
	v0 =	vadd.f32 v0, v1;
	v1 =	vmul.f32 v32, v31  }
0x7aa: {  	v7 =	vmul.f32 v24, v23;
	v32 =	vld [tilespmem:$0x1FAE0];
	v2 =	vadd.f32 v5, v2;
	v3 =	vmul.f32 v3, v42  }
0x7ab: {  	v23 =	vld [tilespmem:$0x1FB40];
	v5 =	vmul.f32 v57, v56;
	v0 =	vadd.f32 v4, v0;
	v1 =	vmul.f32 v1, v41  }
0x7ac: {  	v56 =	vld [tilespmem:$0x1FB00];
	v2 =	vadd.f32 v3, v2;
	v3 =	vmul.f32 v20, v10  }
0x7ad: {  	v5 =	vmul.f32 v5, v33;
	v0 =	vadd.f32 v1, v0;
	v1 =	vmul.f32 v9, v62;
	v62 =	vld [tilespmem:$0x1FB10]  }
0x7ae: {  	v24 =	vld [tilespmem:$0x1FB50];
	v4 =	vmul.f32 v55, v52  }
0x7af: {  	v12 =	vmul.f32 v12, v16;
	v52 =	vld [tilespmem:$0x1FAF0];
	v5 =	vadd.f32 $0.0e+00, v5;
	v3 =	vmul.f32 v3, v34  }
0x7b0: {  	v8 =	vld [tilespmem:s28+$0xC4D0];
	v16 =	vmul.f32 v44, v28;
	v4 =	vmul.f32 v4, v27  }
0x7b1: {  	v44 =	vld [tilespmem:$0x1FD30];
	v6 =	vmul.f32 v22, v21;
	v7 =	vmul.f32 v7, v28;
	v3 =	vadd.f32 v3, v5  }
0x7b2: {  	v21 =	vld [tilespmem:$0x1FB20];
	v4 =	vadd.f32 $0.0e+00, v4;
	v1 =	vmul.f32 v1, v45;
	v20 =	vmul.f32 v62, v56  }
0x7b3: {  	v3 =	vadd.f32 v7, v3;
	v7 =	vmul.f32 v24, v23;
	v23 =	vld [tilespmem:$0x1FB90]  }
0x7b4: {  	v1 =	vadd.f32 v1, v4;
	v4 =	vmul.f32 v52, v32;
	v24 =	vld [tilespmem:$0x1FBA0];
	v52 =	vmul.f32 v20, v42  }
0x7b5: {  	v20 =	vld [tilespmem:$0x1FB60]  }
0x7b6: {  	v38 =	vmul.f32 v38, v63;
	v3 =	vadd.f32 v52, v3;
	v52 =	vld [tilespmem:$0x1FBB0]  }
0x7b7: {  	v13 =	vmul.f32 v13, v25;
	v22 =	vld [tilespmem:$0x1FB30]  }
0x7b8: {  	v25 =	vmul.f32 v38, v30;
	v38 =	vld [tilespmem:s28+$0xC5B0];
	v6 =	vmul.f32 v6, v30  }
0x7b9: {  	v11 =	vld [tilespmem:s28+$0xC460];
	v4 =	vmul.f32 v4, v41  }
0x7ba: {  	v1 =	vadd.f32 v6, v1;
	v56 =	vmul.f32 v18, v20;
	v18 =	vmul.f32 v23, v19;
	v23 =	vld [tilespmem:$0x1FBE0]  }
0x7bb: {  	v19 =	vmul.f32 v52, v24;
	v24 =	vld [tilespmem:$0x1FBF0]  }
0x7bc: {  	v62 =	vmul.f32 v22, v21;
	v21 =	vld [tilespmem:$0x1FB70];
	v4 =	vadd.f32 v4, v1  }
0x7bd: {  	v22 =	vld [tilespmem:$0x1FB80]  }
0x7be: {  	v11 =	vmul.f32 v11, v15;
	v15 =	vld [tilespmem:s28+$0x75B0];
	v3 =	vadd.f32 v3, v4  }
0x7bf: {  	v52 =	vld [tilespmem:$0x1FC00]  }
0x7c0: {  	[tilespmem:$0x1FDF0] =	vst v3;
	v3 =	vmul.f32 v24, v23;
	v24 =	vld [tilespmem:$0x1FC10]  }
0x7c1: {  	v26 =	vld [tilespmem:s28+$0x7470]  }
0x7c2: {  	v1 =	vmul.f32 v22, v21;
	v21 =	vld [tilespmem:$0x1FBC0]  }
0x7c3: {  	v22 =	vld [tilespmem:$0x1FBD0]  }
0x7c4: {  	v29 =	vld [tilespmem:s28+$0xC480]  }
0x7c5: {  	v4 =	vmul.f32 v18, v33;
	v18 =	vmul.f32 v24, v52;
	v52 =	vld [tilespmem:$0x1FC20]  }
0x7c6: {  	v0 =	vadd.f32 v2, v0;
	v20 =	vmul.f32 v62, v27;
	v24 =	vld [tilespmem:$0x1FC30]  }
0x7c7: {  	[tilespmem:$0x1FDD0] =	vst v17;
	v17 =	vld [tilespmem:s28+$0xC490]  }
0x7c8: {  	v50 =	vld [tilespmem:s28+$0x7480];
	[tilespmem:$0x1FDE0] =	vst v0;
	v7 =	vmul.f32 v7, v45;
	v0 =	vmul.f32 v22, v21;
	v21 =	vadd.f32 $0.0e+00, v20  }
0x7c9: {  	v39 =	vld [tilespmem:s28+$0x7490]  }
0x7ca: {  	v7 =	vadd.f32 v7, v21;
	v21 =	vld [tilespmem:$0x1FC40]  }
0x7cb: {  	v22 =	vmul.f32 v24, v52;
	v52 =	vld [tilespmem:$0x1FC50]  }
0x7cc: {  	v15 =	vmul.f32 v38, v15;
	v38 =	vld [tilespmem:s28+$0xC6A0]  }
0x7cd: {  	v31 =	vld [tilespmem:s28+$0xC4A0]  }
0x7ce: {  	v57 =	vld [tilespmem:s28+$0x74B0]  }
0x7cf: {  	v55 =	vld [tilespmem:s28+$0x74A0]  }
0x7d0: {  	v10 =	vld [tilespmem:s28+$0x74D0];
	v21 =	vmul.f32 v52, v21;
	v52 =	vmul.f32 v56, v30  }
0x7d1: {  	v24 =	vld [tilespmem:$0x1FC60]  }
0x7d2: {  	v7 =	vadd.f32 v52, v7;
	v52 =	vld [tilespmem:$0x1FC70]  }
0x7d3: {  	v2 =	vld [tilespmem:s28+$0xC4E0]  }
0x7d4: {  	v6 =	vld [tilespmem:s28+$0x74E0]  }
0x7d5: {  	v9 =	vld [tilespmem:s28+$0x74C0]  }
0x7d6: {  	v5 =	vld [tilespmem:s28+$0xC4C0]  }
0x7d7: {  	v24 =	vmul.f32 v52, v24;
	v52 =	vld [tilespmem:$0x1FC80]  }
0x7d8: {  	v32 =	vld [tilespmem:s28+$0xC4B0];
	v8 =	vmul.f32 v8, v10;
	v19 =	vmul.f32 v19, v34;
	v23 =	vadd.f32 $0.0e+00, v4  }
0x7d9: {  	v10 =	vld [tilespmem:s28+$0x75F0];
	v2 =	vmul.f32 v2, v6;
	v18 =	vmul.f32 v18, v27  }
0x7da: {  	v6 =	vld [tilespmem:s28+$0x7600];
	v0 =	vmul.f32 v0, v28;
	v19 =	vadd.f32 v19, v23;
	v23 =	vmul.f32 v61, v59  }
0x7db: {  	v62 =	vld [tilespmem:s28+$0x74F0];
	v18 =	vadd.f32 $0.0e+00, v18;
	v22 =	vmul.f32 v22, v45  }
0x7dc: {  	v20 =	vld [tilespmem:s28+$0xC4F0];
	v0 =	vadd.f32 v0, v19;
	v23 =	vmul.f32 v23, v33;
	v19 =	vmul.f32 v48, v52  }
0x7dd: {  	v4 =	vld [tilespmem:s28+$0x7500];
	v18 =	vadd.f32 v22, v18;
	v21 =	vmul.f32 v21, v30  }
0x7de: {  	v61 =	vld [tilespmem:s28+$0x7510];
	v3 =	vmul.f32 v3, v42;
	v23 =	vadd.f32 $0.0e+00, v23;
	v19 =	vmul.f32 v19, v34  }
0x7df: {  	v1 =	vmul.f32 v1, v41;
	v59 =	vld [tilespmem:s28+$0xC510];
	v24 =	vmul.f32 v24, v41;
	v52 =	vadd.f32 v21, v18  }
0x7e0: {  	v0 =	vadd.f32 v3, v0;
	v22 =	vld [tilespmem:s28+$0xC530];
	v19 =	vadd.f32 v19, v23;
	v23 =	vmul.f32 v53, v28  }
0x7e1: {  	v1 =	vadd.f32 v1, v7;
	v7 =	vadd.f32 v24, v52;
	v52 =	vld [tilespmem:$0x1FC90]  }
0x7e2: {  	v3 =	vadd.f32 v23, v19;
	v19 =	vmul.f32 v54, v42;
	v54 =	vld [tilespmem:$0x1FCA0]  }
0x7e3: {  	v56 =	vld [tilespmem:s28+$0xC500];
	v0 =	vadd.f32 v0, v1  }
0x7e4: {  	v1 =	vld [tilespmem:$0x1FD10]  }
0x7e5: {  	[tilespmem:$0x1FE00] =	vst v0;
	v0 =	vld [tilespmem:$0x1FD00]  }
0x7e6: {  	v3 =	vadd.f32 v19, v3;
	v19 =	vld [tilespmem:$0x1FCD0]  }
0x7e7: {  	v18 =	vmul.f32 v54, v52;
	v52 =	vld [tilespmem:$0x1FCE0]  }
0x7e8: {  	v24 =	vld [tilespmem:$0x1FCB0]  }
0x7e9: {  	v54 =	vld [tilespmem:$0x1FCC0]  }
0x7ea: {  	v48 =	vld [tilespmem:s28+$0x7520]  }
0x7eb: {  	v7 =	vadd.f32 v3, v7;
	v3 =	vld [tilespmem:$0x1FD20]  }
0x7ec: {  	v19 =	vmul.f32 v52, v19;
	v52 =	vld [tilespmem:$0x1FCF0]  }
0x7ed: {  	v21 =	vld [tilespmem:s28+$0xC540];
	v0 =	vmul.f32 v1, v0  }
0x7ee: {  	v53 =	vld [tilespmem:s28+$0x7540];
	v1 =	vmul.f32 v18, v27;
	v24 =	vmul.f32 v54, v24  }
0x7ef: {  	v23 =	vld [tilespmem:s28+$0x7550]  }
0x7f0: {  	v18 =	vld [tilespmem:s28+$0xC560];
	v1 =	vadd.f32 $0.0e+00, v1;
	v24 =	vmul.f32 v24, v45  }
0x7f1: {  	v3 =	vmul.f32 v49, v3;
	v49 =	vld [tilespmem:s28+$0x7570];
	v46 =	vmul.f32 v46, v52  }
0x7f2: {  	v54 =	vld [tilespmem:s28+$0xC550];
	v19 =	vmul.f32 v19, v30;
	v1 =	vadd.f32 v24, v1;
	v24 =	vmul.f32 v35, v40  }
0x7f3: {  	v35 =	vld [tilespmem:s28+$0xC580];
	v46 =	vmul.f32 v46, v33  }
0x7f4: {  	v40 =	vld [tilespmem:s28+$0x7590];
	v1 =	vadd.f32 v19, v1;
	v19 =	vmul.f32 v36, v44;
	v24 =	vmul.f32 v24, v27  }
0x7f5: {  	v37 =	vmul.f32 v37, v43;
	v3 =	vmul.f32 v3, v34;
	v52 =	vld [tilespmem:s28+$0x7560];
	v43 =	vadd.f32 $0.0e+00, v46  }
0x7f6: {  	v36 =	vld [tilespmem:s28+$0xC590];
	v24 =	vadd.f32 $0.0e+00, v24;
	v19 =	vmul.f32 v19, v45  }
0x7f7: {  	v3 =	vadd.f32 v3, v43;
	v43 =	vld [tilespmem:$0x1FD40]  }
0x7f8: {  	v12 =	vmul.f32 v12, v33;
	v44 =	vld [tilespmem:s28+$0xC5A0];
	v19 =	vadd.f32 v19, v24  }
0x7f9: {  	v46 =	vld [tilespmem:s28+$0x7580]  }
0x7fa: {  	v13 =	vmul.f32 v13, v34;
	v12 =	vadd.f32 $0.0e+00, v12;
	v19 =	vadd.f32 v25, v19;
	v25 =	vld [tilespmem:s28+$0xC5D0]  }
0x7fb: {  	v11 =	vmul.f32 v11, v28;
	v4 =	vmul.f32 v56, v4;
	v3 =	vadd.f32 v16, v3;
	v16 =	vld [tilespmem:s28+$0x75A0]  }
0x7fc: {  	v12 =	vadd.f32 v13, v12;
	v24 =	vmul.f32 v58, v43;
	v58 =	vmul.f32 v14, v26;
	v14 =	vld [tilespmem:s28+$0x75C0]  }
0x7fd: {  	v63 =	vmul.f32 v37, v42;
	v2 =	vmul.f32 v2, v28;
	v26 =	vld [tilespmem:s28+$0xC5C0]  }
0x7fe: {  	v11 =	vadd.f32 v11, v12;
	v56 =	vmul.f32 v4, v27;
	v43 =	vmovc v28;
	v28 =	vld [tilespmem:s28+$0xC620];
	v12 =	vmul.f32 v24, v41  }
0x7ff: {  	v13 =	vmul.f32 v58, v42;
	v24 =	vld [tilespmem:s28+$0x75D0];
	v58 =	vadd.f32 v63, v3;
	v63 =	vmul.f32 v29, v50  }
0x800: {  	v50 =	vmul.f32 v17, v39;
	v3 =	vld [tilespmem:s28+$0xC5E0];
	v17 =	vmul.f32 v31, v55  }
0x801: {  	v31 =	vmul.f32 v32, v57;
	v32 =	vmul.f32 v20, v62;
	v20 =	vld [tilespmem:s28+$0x7610]  }
0x802: {  	v55 =	vmul.f32 v59, v61;
	v59 =	vmul.f32 v21, v53;
	v21 =	vld [tilespmem:s28+$0x7630]  }
0x803: {  	v0 =	vmul.f32 v0, v41;
	v62 =	vmul.f32 v54, v23;
	v23 =	vld [tilespmem:s28+$0xC640]  }
0x804: {  	v53 =	vld [tilespmem:s28+$0xC660]  }
0x805: {  	v0 =	vadd.f32 v0, v1;
	v57 =	vmul.f32 v60, v48;
	v60 =	vadd.f32 $0.0e+00, v56;
	v56 =	vld [tilespmem:s28+$0x7670]  }
0x806: {  	v29 =	vmul.f32 v5, v9;
	v12 =	vadd.f32 v12, v19;
	v19 =	vld [tilespmem:s28+$0x75E0]  }
0x807: {  	v11 =	vadd.f32 v13, v11;
	v5 =	vadd.f32 v58, v0;
	v58 =	vmul.f32 v63, v27;
	v13 =	vld [tilespmem:s28+$0xC5F0]  }
0x808: {  	v63 =	vmul.f32 v29, v33;
	v29 =	vmul.f32 v17, v30;
	v17 =	vld [tilespmem:s28+$0xC600]  }
0x809: {  	v37 =	vmovc v41;
	v41 =	vmov v42;
	v0 =	vmul.f32 v50, v45;
	v50 =	vmul.f32 v32, v42;
	v42 =	vld [tilespmem:s28+$0x7620]  }
0x80a: {  	v39 =	vmul.f32 v31, v37;
	v31 =	vld [tilespmem:s28+$0x7650]  }
0x80b: {  	v4 =	vmul.f32 v57, v30;
	v57 =	vld [tilespmem:s28+$0xC670]  }
0x80c: {  	v32 =	vld [tilespmem:s28+$0xC6F0]  }
0x80d: {  	v14 =	vmul.f32 v26, v14;
	v26 =	vld [tilespmem:s28+$0x7660]  }
0x80e: {  	v9 =	vadd.f32 v11, v12;
	v12 =	vld [tilespmem:s28+$0xC610]  }
0x80f: {  	v8 =	vmul.f32 v8, v34;
	v11 =	vadd.f32 $0.0e+00, v63;
	v63 =	vmul.f32 v47, v49;
	v47 =	vld [tilespmem:$0x1FD50]  }
0x810: {  	v1 =	vadd.f32 $0.0e+00, v58;
	v58 =	vmul.f32 v55, v45;
	v55 =	vmul.f32 v25, v24;
	v25 =	vld [tilespmem:$0x1FF20]  }
0x811: {  	v8 =	vadd.f32 v8, v11;
	v11 =	vld [tilespmem:s28+$0x7640]  }
0x812: {  	v22 =	vmul.f32 v22, v51;
	v51 =	vmul.f32 v63, v41;
	v63 =	vld [tilespmem:s28+$0x76A0]  }
0x813: {  	v3 =	vmul.f32 v3, v19;
	v19 =	vld [tilespmem:s28+$0x7680]  }
0x814: {  	v18 =	vmul.f32 v18, v52;
	v10 =	vmul.f32 v13, v10;
	v13 =	vld [tilespmem:s28+$0x7690]  }
0x815: {  	v52 =	vmul.f32 v36, v40;
	v36 =	vmul.f32 v28, v42;
	v42 =	vld [tilespmem:s28+$0x76B0]  }
0x816: {  	v54 =	vmul.f32 v14, v33;
	v14 =	vmul.f32 v55, v34;
	v55 =	vld [tilespmem:s28+$0x76D0]  }
0x817: {  	v0 =	vadd.f32 v0, v1;
	v24 =	vmul.f32 v57, v56;
	v56 =	vld [tilespmem:$0x1FD80]  }
0x818: {  	v2 =	vadd.f32 v2, v8;
	v8 =	vadd.f32 v58, v60;
	v58 =	vld [tilespmem:s28+$0xC680]  }
0x819: {  	v0 =	vadd.f32 v29, v0;
	v29 =	vld [tilespmem:s28+$0x76F0]  }
0x81a: {  	(xrf2) =	vadd.scan.msk.f32 $0xffff, v47;
	v47 =	vld [tilespmem:s28+$0xC6B0]  }
0x81b: {  	v22 =	vmul.f32 v22, v37;
	v0 =	vadd.f32 v39, v0;
	v39 =	vmov v30;
	v30 =	vld [tilespmem:s28+$0xC630]  }
0x81c: {  	v48 =	vmul.f32 v18, v43;
	v49 =	vmul.f32 v35, v46;
	v2 =	vadd.f32 v50, v2;
	v50 =	vld [tilespmem:s28+$0xC650]  }
0x81d: {  	v61 =	vmul.f32 v59, v33;
	v4 =	vadd.f32 v4, v8;
	v8 =	vadd.f32 $0.0e+00, v54;
	v54 =	vld [tilespmem:$0x1FD70]  }
0x81e: {  	v18 =	vmul.f32 v49, v27;
	v11 =	vmul.f32 v23, v11;
	v23 =	vld [tilespmem:$0x1FE10]  }
0x81f: {  	v1 =	vadd.f32 v2, v0;
	v0 =	vadd.f32 $0.0e+00, v61;
	v2 =	vmul.f32 v62, v34;
	v61 =	vld [tilespmem:s28+$0xC690]  }
0x820: {  	v4 =	vadd.f32 v22, v4;
	v22 =	vmul.f32 v52, v45;
	v52 =	vmul.f32 v53, v26;
	v53 =	vld [tilespmem:s28+$0xC6C0]  }
0x821: {  	v62 =	vmul.f32 v10, v41;
	v10 =	vmul.f32 v38, v63;
	v63 =	vld [tilespmem:s28+$0xC6E0]  }
0x822: {  	v16 =	vmul.f32 v44, v16;
	v18 =	vadd.f32 $0.0e+00, v18;
	v38 =	vld [tilespmem:$0x1FDD0]  }
0x823: {  	v6 =	vmul.f32 v17, v6;
	v8 =	vadd.f32 v14, v8;
	v26 =	vmul.f32 v24, v41;
	v24 =	vld [tilespmem:$0x1FE20]  }
0x824: {  	v3 =	vmul.f32 v3, v43;
	v0 =	vadd.f32 v2, v0;
	v18 =	vadd.f32 v22, v18;
	v22 =	vld [tilespmem:$0x1FDA0]  }
0x825: {  	v14 =	vmul.f32 v47, v42;
	v47 =	vmul.f32 v32, v29;
	v29 =	vld [tilespmem:$0x1FE40]  }
0x826: {  	v12 =	vmul.f32 v12, v20;
	v3 =	vadd.f32 v3, v8;
	v0 =	vadd.f32 v48, v0;
	v48 =	vld [tilespmem:$0x1FD60]  }
0x827: {  	v16 =	vmul.f32 v16, v39;
	v46 =	vmul.f32 v30, v21;
	v30 =	vld [tilespmem:$0x1FDB0]  }
0x828: {  	v60 =	vmul.f32 v15, v37;
	v3 =	vadd.f32 v62, v3;
	v62 =	vld [tilespmem:$0x1FD90]  }
0x829: {  	v44 =	vmul.f32 v6, v27;
	v12 =	vmul.f32 v12, v45;
	v59 =	vadd.f32 v16, v18;
	v18 =	vld [tilespmem:$0x1FFC0]  }
0x82a: {  	v57 =	vmul.f32 v36, v39;
	v49 =	vmul.f32 v11, v33;
	v0 =	vadd.f32 v51, v0;
	v51 =	vld [tilespmem:s28+$0x76C0]  }
0x82b: {  	v58 =	vmul.f32 v58, v19;
	v50 =	vmul.f32 v50, v31;
	v2 =	vadd.f32 v60, v59;
	v59 =	vld [tilespmem:s28+$0xC6D0];
	v35, _, _ =	vpop (xrf2);
	(xrf2) =	vadd.scan.msk.f32 $0xffff, v48  }
0x82c: {  	v40 =	vbroadcast v35, $0xF;
	v0 =	vadd.f32 v0, v4;
	v4 =	vadd.f32 $0.0e+00, v44;
	v35 =	vld [tilespmem:$0x1FDC0];
	(xrf2) =	vadd.scan.msk.f32 $0xffff, v54  }
0x82d: {  	v10 =	vmul.f32 v10, v39;
	v13 =	vmul.f32 v61, v13;
	v61 =	vld [tilespmem:s28+$0x76E0];
	(xrf2) =	vadd.scan.msk.f32 $0xffff, v56  }
0x82e: {  	v11 =	vmul.f32 v50, v34;
	v4 =	vadd.f32 v12, v4;
	v8 =	vmul.f32 v18, v40;
	v40 =	vld [tilespmem:$0x1FDE0];
	(xrf2) =	vadd.scan.msk.f32 $0xffff, v62  }
0x82f: {  	v2 =	vadd.f32 v3, v2;
	v3 =	vadd.f32 $0.0e+00, v49;
	v44 =	vld [tilespmem:$0x1FDF0];
	v28 =	vmul.f32 v53, v51;
	(xrf2) =	vadd.scan.msk.f32 $0xffff, v22  }
0x830: {  	v31 =	vmul.f32 v58, v27;
	v6 =	vmul.f32 v46, v37;
	v46 =	vld [tilespmem:$0x1FE00];
	v4 =	vadd.f32 v57, v4;
	(xrf2) =	vadd.scan.msk.f32 $0xffff, v30  }
0x831: {  	v32 =	vld [tilespmem:$0x1FE50];
	v3 =	vadd.f32 v11, v3;
	v36 =	vmul.f32 v59, v55;
	v17 =	vmul.f32 v28, v33;
	(xrf2) =	vadd.scan.msk.f32 $0xffff, v35  }
0x832: {  	v39 =	vld [tilespmem:$0x1FF60];
	v13 =	vmul.f32 v13, v45;
	v4 =	vadd.f32 v6, v4;
	v6 =	vadd.f32 $0.0e+00, v31;
	(xrf2) =	vadd.scan.msk.f32 $0xffff, v38  }
0x833: {  	v12 =	vmul.f32 v63, v61;
	v55 =	vld [tilespmem:$0x1FFD0];
	v11 =	vmul.f32 v36, v34;
	v17 =	vadd.f32 $0.0e+00, v17;
	(xrf2) =	vadd.scan.msk.f32 $0xffff, v40  }
0x834: {  	v60 =	vmul.f32 v52, v43;
	v59 =	vld [tilespmem:$0x1FFF0];
	v6 =	vadd.f32 v13, v6;
	(xrf2) =	vadd.scan.msk.f32 $0xffff, v44  }
0x835: {  	v12 =	vmul.f32 v12, v43;
	v57 =	vld [tilespmem:$0x1FFE0];
	v11 =	vadd.f32 v11, v17;
	v42, _, _ =	vpop (xrf2);
	(xrf2) =	vadd.scan.msk.f32 $0xffff, v46  }
0x836: {  	v14 =	vmul.f32 v14, v37;
	v3 =	vadd.f32 v60, v3;
	v28 =	vld [tilespmem:$0x1FE30];
	v6 =	vadd.f32 v10, v6;
	v48, _, _ =	vpop (xrf2);
	(xrf2) =	vadd.scan.msk.f32 $0xffff, v7  }
0x837: {  	v53 =	vmul.f32 v47, v41;
	v13 =	vld [tilespmem:$0x1FF00];
	v52 =	vadd.f32 v12, v11;
	v45 =	vbroadcast v42, $0xF;
	v50, _, _ =	vpop (xrf2);
	(xrf2) =	vadd.scan.msk.f32 $0xffff, v5  }
0x838: {  	v21 =	vld [tilespmem:$0x1FF10];
	v3 =	vadd.f32 v26, v3;
	v6 =	vadd.f32 v14, v6;
	v49 =	vbroadcast v48, $0xF;
	v54, _, _ =	vpop (xrf2);
	(xrf2) =	vadd.scan.msk.f32 $0xffff, v9  }
0x839: {  	v33 =	vld [tilespmem:$0x1FE60];
	v10 =	vadd.f32 v53, v52;
	v51 =	vbroadcast v50, $0xF;
	v56 =	vmul.f32 v55, v45;
	v58, _, _ =	vpop (xrf2);
	(xrf2) =	vadd.scan.msk.f32 $0xffff, v1  }
0x83a: {  	v30 =	vld [tilespmem:$0x1FF30];
	v12 =	vadd.f32 v3, v4;
	v7 =	vmul.f32 v57, v49;
	v61 =	vbroadcast v54, $0xF;
	v63, _, _ =	vpop (xrf2);
	(xrf2) =	vadd.scan.msk.f32 $0xffff, v0  }
0x83b: {  	v34 =	vld [tilespmem:$0x1FF40];
	v16 =	vadd.f32 v10, v6;
	v60 =	vmul.f32 v59, v51;
	v62 =	vbroadcast v58, $0xF;
	v15, _, _ =	vpop (xrf2);
	(xrf2) =	vadd.scan.msk.f32 $0xffff, v2  }
0x83c: {  	v36 =	vld [tilespmem:$0x1FF50];
	v10 =	vadd.f32 v29, v28;
	v3 =	vmul.f32 v13, v61;
	v14 =	vbroadcast v63, $0xF;
	v22, _, _ =	vpop (xrf2);
	(xrf2) =	vadd.scan.msk.f32 $0xffff, v12  }
0x83d: {  	v44 =	vld [tilespmem:$0x1FF80];
	v8 =	vadd.f32 v56, v8;
	v6 =	vmul.f32 v21, v62;
	v5 =	vbroadcast v15, $0xF;
	v26, _, _ =	vpop (xrf2);
	(xrf2) =	vadd.scan.msk.f32 $0xffff, v16  }
0x83e: {  	v42 =	vld [tilespmem:$0x1FF70];
	v1 =	vadd.f32 v60, v7;
	v4 =	vmul.f32 v25, v14;
	v7 =	vbroadcast v22, $0xF;
	v27, _, _ =	vpop (xrf2)  }
0x83f: {  	v46 =	vld [tilespmem:$0x1FF90];
	v0 =	vadd.f32 v24, v23;
	v5 =	vmul.f32 v30, v5;
	v9 =	vbroadcast v26, $0xF;
	v31, _, _ =	vpop (xrf2)  }
0x840: {  	v52 =	vld [tilespmem:$0x1FFB0];
	v12 =	vadd.f32 v33, v32;
	v7 =	vmul.f32 v34, v7;
	v2 =	vbroadcast v27, $0xF;
	v35, _, _ =	vpop (xrf2)  }
0x841: {  	v49 =	vld [tilespmem:$0x1FFA0];
	v1 =	vadd.f32 v1, v8;
	v8 =	vmul.f32 v36, v9;
	v37 =	vbroadcast v31, $0xF;
	v38, _, _ =	vpop (xrf2)  }
0x842: {  	v51 =	vld [tilespmem:$0x1FE70];
	v0 =	vadd.f32 v10, v0;
	v2 =	vmul.f32 v39, v2;
	v40 =	vbroadcast v35, $0xF;
	v41, _, _ =	vpop (xrf2)  }
0x843: {  	v1 =	vadd.f32 v1, v12;
	v9 =	vmul.f32 v42, v37;
	v11 =	vbroadcast v38, $0xF;
	v43, _, _ =	vpop (xrf2)  }
0x844: {  	v3 =	vadd.f32 v6, v3;
	v10 =	vmul.f32 v44, v40;
	v13 =	vbroadcast v41, $0xF;
	v45, _, _ =	vpop (xrf2)  }
0x845: {  	v0 =	vadd.f32 v1, v0;
	v1 =	vmul.f32 v46, v11;
	v47 =	vbroadcast v43, $0xF;
	v48, _, _ =	vpop (xrf2)  }
0x846: {  	v4 =	vadd.f32 v5, v4;
	v13 =	vmul.f32 v49, v13;
	v14 =	vbroadcast v45, $0xF;
	v50, _, _ =	vpop (xrf2)  }
0x847: {  	v0 =	vadd.f32 v0, v51;
	v11 =	vmul.f32 v52, v47;
	v12 =	vbroadcast v48, $0xF;
	v53, _, _ =	vpop (xrf2)  }
0x848: {  	v2 =	vadd.f32 v9, v2;
	v15 =	vbroadcast v50, $0xF;
	v16 =	vbroadcast v53, $0xF  }
0x849: {  	v0 =	vsub.f32 $0.0e+00, v0;
	v14 =	vmul.f32 v18, v14;
	v12 =	vmul.f32 v55, v12  }
0x84a: {  	v1 =	vadd.f32 v1, v10;
	v15 =	vmul.f32 v57, v15;
	v54 =	vmul.f32 v59, v16  }
0x84b: {  	v55 =	vadd.f32 v8, v7;
	v0 =	vmul.f32 $1.442695020e+00, v0;
	v56 =	vadd.f32 v11, v13  }
0x84c: {  	v57 =	vadd.f32 v12, v14;
	v5 =	vadd.f32 v54, v15  }
0x84d: {  	v58 =	vadd.f32 v4, v3;
	(erf) = vpow2.f32 v0;
	v2 =	vadd.f32 v2, v55  }
0x84e: {  	v1 =	vadd.f32 v56, v1;
	v59 =	vadd.f32 v5, v57;
	_ =	sdelay $0x1  }
0x84f: {  	v0 =	vadd.f32 v2, v58;
	v1 =	vadd.f32 v59, v1;
	_ =	sdelay $0x1  }
0x850: {  	v0 =	vadd.f32 v1, v0;
	_ =	sdelay $0x1  }
0x851: {  	v0 =	vadd.f32 v0, v51;
	_ =	sdelay $0x1  }
0x852: {  	v60 =	vpop (erf);
	v0 =	vsub.f32 $0.0e+00, v0  }
0x853: {  	v1 =	vadd.f32 $1.000000000e+00, v60  }
0x854: {  	v0 =	vmul.f32 $1.442695020e+00, v0  }
0x855: {  	(erf) = vrcp.f32 v1  }
0x856: {  	(erf) = vpow2.f32 v0;
	_ =	sdelay $0x7  }
0x857: {  	v61 =	vpop (erf)  }
0x858: {  	v62 =	vpop (erf)  }
0x859: {  	v1 =	vadd.f32 $1.000000000e+00, v62;
	_ =	sdelay $0x1  }
0x85a: {  	(erf) = vrcp.f32 v1;
	_ =	sdelay $0x3  }
0x85b: {  	s26 =	sadd.s32 $0x1, s26  }
0x85c: {  	p0 =	sne.s32 s26, $0x7D  }
.Ltmp3:
0x85d: {  	_ = 	snop;
	(pc) =	sbr.rel @!p0 .LBB2_8-.Ltmp3, $3  }
0x85e: {  	_ =	sdelay $0x1  }
0x85f: {  	[tilespmem:s24+$0x10] =	vst v61;
	v63 =	vpop (erf)  }
0x860: {  	s23 =	sadd.s32 $0x50, s23;
	s25 =	sadd.s32 $0x50, s25;
	[tilespmem:s24+$0x20] =	vst v63;
	s24 =	sadd.s32 $0x50, s24  }
.LBB2_2:
0x861: {  	p0 =	seq.s32 s26, $0x7C  }
.Ltmp4:
0x862: {  	_ = 	snop;
	(pc) =	sbr.rel @p0 .LBB2_5-.Ltmp4, $2  }
0x863: {  	_ =	sdelay $0x2  }
0x864: {  	s28 =	sand.u32 $0x1, s26  }
0x865: {  	p0 =	seq.s32 s28, $0x1  }
.Ltmp5:
0x866: {  	_ = 	snop;
	(pc) =	sbr.rel @p0 .LBB2_10-.Ltmp5, $1  }
0x867: {  	_ =	sdelay $0x3  }
0x868: {  	[tilespmem:s20], [sflag:$0x2] =	stream.indirect.gather [hbm4b:s1+s19], $0x80, s25, s19, $0xb8;
	[tilespmem:$0x11780] =	vst v63  }
0x869: {  	_ = 	snop  }
0x86a: {  	[tilespmem:s21], [sflag:$0x2] =	stream.indirect.gather [hbm4b:s1+s19], $0x80, s23, s19, $0xb8;
	[tilespmem:$0x11780] =	vst v63  }
.LBB2_5:
0x86b: {  	_ =	swait.ge [sflag:s16], $0x2800;
	p0 =	seq.s32 s28, $0x0  }
.Ltmp6:
0x86c: {  	[sflag:s16] =	ssyncset.done $0x0;
	(pc) =	sbr.rel @p0 .LBB2_7-.Ltmp6, $4  }
.Ltmp7:
0x86d: {  	[sflag:s16] =	ssyncadd.s32 $0xFFFFD800;
	(pc) =	sbr.rel @!p0 .LBB2_6-.Ltmp7, $4  }
0x86e: {  	_ =	swait.ge [sflag:s16], $0x2800  }
0x86f: {  	[sflag:s16] =	ssyncset.done $0x0  }
0x870: {  	[sflag:s16] =	ssyncadd.s32 $0xFFFFD800  }
0x871: {  	_ = 	snop  }
.LBB2_9:
0x872: {  	_ =	sfence.sel $0x180000  }
0x873: {  	[bflag:$0x0] =	sbarrier.arrive $0xFFFF  }
0x874: {  	p0 =	sne.s32 s0, $0x0;
	_ =	strace $0x90000047  }
0x875: {  	s0 =	sadd.s32 @!p0 $0x100000, s2;
	[bflag:$0x2] =	sbarrier.arrive $0xFFFF  }
0x876: {  	[sflag:s0] =	ssyncadd.tile.s32 @!p0 $0x1;
	_ =	shalt  }
.Lfunc_end2:
_tile_overlayer_lowered:
.L_overlay_start_2:
0x877: {  	(tag) =	ssettag $0x2  }
0x878: {  	s0 =	rddreg [dreg:$0x0];
	s2 =	stileid.u32  }
0x879: {  	s1 =	rddreg [dreg:$0x1];
	p0 =	sne.s32 s2, $0x0  }
0x87a: {  	s3 =	rddreg [dreg:$0x2];
	[bflag:$0x3] =	sbarrier.arrive $0xFFFF;
	s2 =	simm.s32 @!p0 $0x1C03  }
0x87b: {  	[timem:s3], [sflag:s2] =	dma.local @!p0 [hbm:s0], s1  }
0x87c: {  	s0 =	simm.s32 @!p0 $0x3  }
0x87d: {  	_ =	swait.ge @!p0 [sflag:s0], s1  }
0x87e: {  	s1 =	ssub.s32 @!p0 $0x0, s1;
	[sflag:s0] =	ssyncset.done @!p0 $0x0  }
0x87f: {  	[sflag:s0] =	ssyncadd.s32 @!p0 s1  }
0x880: {  	[bflag:$0x3] =	sbarrier.arrive $0xFFFF  }
0x881: {  	_ =	shalt  }

</sc_bundles>
